<compile_context>
chip_gen: v7x
topology: tpu7x:2x2x1
jax: 0.10.2.dev20260603
libtpu: 0.0.44.dev20260713+nightly
codegen_flags: <defaults>
</compile_context>

<pallas_src>
import functools

import jax
import jax.numpy as jnp
from jax.experimental import pallas as pl
from jax.experimental.pallas import tpu as pltpu
from jax.experimental.pallas import tpu_sc as plsc

NUM_EXPERTS = 8
TOP_K = 2
HIDDEN = 768
INTER = 512
TOKENS = 2048
PAIRS = TOKENS * TOP_K
BM = 256
NUM_BLOCKS = PAIRS // BM + NUM_EXPERTS - 1
PAD_ROWS = NUM_BLOCKS * BM
NW = 32
TPW = TOKENS // NW

def _sc_mesh():
    return plsc.VectorSubcoreMesh(core_axis_name="c", subcore_axis_name="s")


def _routing_body(lt_ref, d0_ref, d1_ref, w0_ref, w1_ref, bmap_ref):
    lt = lt_ref[...]
    iota_e = jax.lax.broadcasted_iota(jnp.int32, (NUM_EXPERTS, TOKENS), 0)
    m0 = jnp.max(lt, axis=0, keepdims=True)
    e0 = jnp.min(jnp.where(lt >= m0, iota_e, NUM_EXPERTS), axis=0, keepdims=True)
    sel0 = iota_e == e0
    lt2 = jnp.where(sel0, -jnp.inf, lt)
    m1 = jnp.max(lt2, axis=0, keepdims=True)
    e1 = jnp.min(jnp.where(lt2 >= m1, iota_e, NUM_EXPERTS), axis=0, keepdims=True)
    sel1 = iota_e == e1

    t = jnp.exp(m1 - m0)
    w0 = 1.0 / (1.0 + t)
    w1 = 1.0 - w0

    mi = sel0.astype(jnp.int32) + sel1.astype(jnp.int32)
    c = mi
    sh = 1
    while sh < TOKENS:
        z = jnp.zeros((NUM_EXPERTS, sh), jnp.int32)
        c = c + jnp.concatenate([z, c[:, : TOKENS - sh]], axis=1)
        sh *= 2
    counts = c[:, TOKENS - 1 : TOKENS]
    cex = c - mi
    pc = ((counts + (BM - 1)) // BM) * BM
    seg = pc
    sh = 1
    while sh < NUM_EXPERTS:
        z = jnp.zeros((sh, 1), jnp.int32)
        seg = seg + jnp.concatenate([z, seg[: NUM_EXPERTS - sh]], axis=0)
        sh *= 2
    seg = seg - pc
    slot = jnp.broadcast_to(seg, (NUM_EXPERTS, TOKENS)) + cex
    dest0 = jnp.sum(jnp.where(sel0, slot, 0), axis=0, keepdims=True)
    dest1 = jnp.sum(jnp.where(sel1, slot, 0), axis=0, keepdims=True)

    endblk = (seg + pc) // BM
    biota = jax.lax.broadcasted_iota(jnp.int32, (1, 128), 1)
    be = jnp.zeros((1, 128), jnp.int32)
    for e in range(NUM_EXPERTS):
        be = be + (biota >= endblk[e : e + 1, :]).astype(jnp.int32)
    d0_ref[...] = dest0
    d1_ref[...] = dest1
    w0_ref[...] = jnp.broadcast_to(w0.T, (TOKENS, 16))
    w1_ref[...] = jnp.broadcast_to(w1.T, (TOKENS, 16))
    bmap_ref[...] = be


def _routing(router_logits):
    return pl.pallas_call(
        _routing_body,
        out_shape=(
            jax.ShapeDtypeStruct((1, TOKENS), jnp.int32),
            jax.ShapeDtypeStruct((1, TOKENS), jnp.int32),
            jax.ShapeDtypeStruct((TOKENS, 16), jnp.float32),
            jax.ShapeDtypeStruct((TOKENS, 16), jnp.float32),
            jax.ShapeDtypeStruct((1, 128), jnp.int32),
        ),
    )(router_logits.T)


def _sc_scatter_rows(hid, d0, d1):
    @functools.partial(
        pl.kernel,
        out_type=jax.ShapeDtypeStruct((PAD_ROWS, HIDDEN), jnp.float32),
        mesh=_sc_mesh(),
        scratch_types=[
            pltpu.VMEM((1, TPW), jnp.int32),
            pltpu.VMEM((1, TPW), jnp.int32),
            pltpu.VMEM((TPW, HIDDEN), jnp.float32),
            pltpu.SemaphoreType.DMA,
            pltpu.SemaphoreType.DMA,
            pltpu.SemaphoreType.DMA,
        ],
    )
    def body(hid_hbm, d0_hbm, d1_hbm, xpad_hbm, i0_v, i1_v, rows_v, s0, s1, s2):
        wid = jax.lax.axis_index("s") * 2 + jax.lax.axis_index("c")
        base = wid * TPW
        c0 = pltpu.async_copy(d0_hbm.at[pl.ds(base, TPW)], i0_v.at[0], s0)
        c1 = pltpu.async_copy(d1_hbm.at[pl.ds(base, TPW)], i1_v.at[0], s1)
        c2 = pltpu.async_copy(hid_hbm.at[pl.ds(base, TPW)], rows_v, s2)
        c0.wait()
        c1.wait()
        c2.wait()
        c3 = pltpu.async_copy(rows_v, xpad_hbm.at[i0_v.at[0]], s0)
        c4 = pltpu.async_copy(rows_v, xpad_hbm.at[i1_v.at[0]], s1)
        c3.wait()
        c4.wait()

    return body(hid, d0, d1)


def _wmap(i, m):
    return (jnp.minimum(m[i], NUM_EXPERTS - 1), 0, 0)


def _gmm_body(bmap_ref, x_ref, gw_ref, uw_ref, dw_ref, o_ref):
    @pl.when(bmap_ref[pl.program_id(0)] < NUM_EXPERTS)
    def _():
        x = x_ref[...]
        g = jnp.dot(x, gw_ref[0], preferred_element_type=jnp.float32)
        u = jnp.dot(x, uw_ref[0], preferred_element_type=jnp.float32)
        a = (g / (1.0 + jnp.exp(-g))) * u
        o_ref[...] = jnp.dot(a, dw_ref[0], preferred_element_type=jnp.float32)


def _grouped_ffn(bmap, x_pad, gate_w, up_w, down_w):
    grid_spec = pltpu.PrefetchScalarGridSpec(
        num_scalar_prefetch=1,
        grid=(NUM_BLOCKS,),
        in_specs=[
            pl.BlockSpec((BM, HIDDEN), lambda i, m: (i, 0)),
            pl.BlockSpec((1, HIDDEN, INTER), _wmap),
            pl.BlockSpec((1, HIDDEN, INTER), _wmap),
            pl.BlockSpec((1, INTER, HIDDEN), _wmap),
        ],
        out_specs=pl.BlockSpec((BM, HIDDEN), lambda i, m: (i, 0)),
    )
    return pl.pallas_call(
        _gmm_body,
        grid_spec=grid_spec,
        out_shape=jax.ShapeDtypeStruct((PAD_ROWS, HIDDEN), jnp.float32),
    )(bmap, x_pad, gate_w, up_w, down_w)


def _sc_gather_combine(ypad, d0, d1, w0r, w1r):
    @functools.partial(
        pl.kernel,
        out_type=jax.ShapeDtypeStruct((TOKENS, HIDDEN), jnp.float32),
        mesh=_sc_mesh(),
        scratch_types=[
            pltpu.VMEM((1, TPW), jnp.int32),
            pltpu.VMEM((1, TPW), jnp.int32),
            pltpu.VMEM((TPW, 16), jnp.float32),
            pltpu.VMEM((TPW, 16), jnp.float32),
            pltpu.VMEM((TPW, HIDDEN), jnp.float32),
            pltpu.VMEM((TPW, HIDDEN), jnp.float32),
            pltpu.SemaphoreType.DMA,
            pltpu.SemaphoreType.DMA,
            pltpu.SemaphoreType.DMA,
            pltpu.SemaphoreType.DMA,
        ],
    )
    def body(ypad_hbm, d0_hbm, d1_hbm, w0_hbm, w1_hbm, out_hbm,
             i0_v, i1_v, w0_v, w1_v, r0_v, r1_v, s0, s1, s2, s3):
        wid = jax.lax.axis_index("s") * 2 + jax.lax.axis_index("c")
        base = wid * TPW
        c0 = pltpu.async_copy(d0_hbm.at[pl.ds(base, TPW)], i0_v.at[0], s0)
        c1 = pltpu.async_copy(d1_hbm.at[pl.ds(base, TPW)], i1_v.at[0], s1)
        c2 = pltpu.async_copy(w0_hbm.at[pl.ds(base, TPW)], w0_v, s2)
        c3 = pltpu.async_copy(w1_hbm.at[pl.ds(base, TPW)], w1_v, s3)
        c0.wait()
        c1.wait()
        hw = TPW // 2
        g0a = pltpu.async_copy(ypad_hbm.at[i0_v.at[0, pl.ds(0, hw)]],
                               r0_v.at[pl.ds(0, hw)], s0)
        g1a = pltpu.async_copy(ypad_hbm.at[i1_v.at[0, pl.ds(0, hw)]],
                               r1_v.at[pl.ds(0, hw)], s1)
        g0b = pltpu.async_copy(ypad_hbm.at[i0_v.at[0, pl.ds(hw, hw)]],
                               r0_v.at[pl.ds(hw, hw)], s2)
        g1b = pltpu.async_copy(ypad_hbm.at[i1_v.at[0, pl.ds(hw, hw)]],
                               r1_v.at[pl.ds(hw, hw)], s3)
        c2.wait()
        c3.wait()
        g0a.wait()
        g1a.wait()

        @pl.loop(0, hw)
        def _row_a(j):
            wv0 = w0_v[j]
            wv1 = w1_v[j]
            for c in range(0, HIDDEN, 16):
                s = (j, pl.ds(c, 16))
                r0_v[s] = r0_v[s] * wv0 + r1_v[s] * wv1

        st_a = pltpu.async_copy(r0_v.at[pl.ds(0, hw)],
                                out_hbm.at[pl.ds(base, hw)], s0)
        g0b.wait()
        g1b.wait()

        @pl.loop(hw, TPW)
        def _row_b(j):
            wv0 = w0_v[j]
            wv1 = w1_v[j]
            for c in range(0, HIDDEN, 16):
                s = (j, pl.ds(c, 16))
                r0_v[s] = r0_v[s] * wv0 + r1_v[s] * wv1

        st_a.wait()
        pltpu.sync_copy(r0_v.at[pl.ds(hw, hw)], out_hbm.at[pl.ds(base + hw, hw)])

    return body(ypad, d0, d1, w0r, w1r)


def kernel(hidden_states, router_logits, gate_w, up_w, down_w):
    d0, d1, w0r, w1r, bmap = _routing(router_logits)
    x_pad = _sc_scatter_rows(hidden_states, d0[0], d1[0])
    y_pad = _grouped_ffn(bmap[0], x_pad, gate_w, up_w, down_w)
    return _sc_gather_combine(y_pad, d0[0], d1[0], w0r, w1r)

# --- scband reference (transcript-rebuilt; emitter-appended) ---
"""Pipeline reference for scband-qwen3-experts-17849884082535 (READ-ONLY COPY).

The authoritative reference and input builder live on the scoring server;
editing this copy changes nothing except your own understanding.
"""

import jax, jax.numpy as jnp
import numpy as np

NUM_EXPERTS = 8
TOP_K = 2
HIDDEN = 768
INTERMEDIATE = 512
TOKENS = 2048


def setup_inputs(seed: int = 0) -> dict:
    key = jax.random.key(seed)
    k1, k2, k3, k4, k5 = jax.random.split(key, 5)
    hidden_states = jax.random.normal(k1, (TOKENS, HIDDEN), dtype=jnp.float32)
    router_logits = jax.random.normal(k2, (TOKENS, NUM_EXPERTS), dtype=jnp.float32)
    # LoRAExpert base kernels (lecun_normal-ish scaling), max_lora_adapters=0 so no LoRA terms
    gate_w = jax.random.normal(k3, (NUM_EXPERTS, HIDDEN, INTERMEDIATE), dtype=jnp.float32) * (1.0 / np.sqrt(HIDDEN))
    up_w = jax.random.normal(k4, (NUM_EXPERTS, HIDDEN, INTERMEDIATE), dtype=jnp.float32) * (1.0 / np.sqrt(HIDDEN))
    down_w = jax.random.normal(k5, (NUM_EXPERTS, INTERMEDIATE, HIDDEN), dtype=jnp.float32) * (1.0 / np.sqrt(INTERMEDIATE))
    return {
        "hidden_states": hidden_states,
        "router_logits": router_logits,
        "gate_w": gate_w,
        "up_w": up_w,
        "down_w": down_w,
    }


def _grouped_matmul(x, w, expert_ids):
    # grouped (ragged) matmul over expert-sorted rows; equivalent to the
    # group_sizes-based grouped GEMM inside LoRAExpert (base path, no LoRA).
    out = jnp.zeros((x.shape[0], w.shape[2]), dtype=x.dtype)
    for e in range(w.shape[0]):
        mask = (expert_ids == e).astype(x.dtype)[:, None]
        out = out + (x * mask) @ w[e]
    return out


def reference(hidden_states, router_logits, gate_w, up_w, down_w):
    routing_weights, selected_experts = jax.lax.top_k(router_logits, k=TOP_K)
    routing_weights = jax.nn.softmax(routing_weights, axis=-1)
    selected_experts_flat = selected_experts.ravel()
    hidden_states_expanded = jnp.repeat(hidden_states, TOP_K, axis=0)
    # prepare_routing: sort tokens by expert id
    sort_idx = jnp.argsort(selected_experts_flat)
    hidden_states_sorted = hidden_states_expanded[sort_idx]
    expert_ids_sorted = selected_experts_flat[sort_idx]
    unsort_indices = jnp.argsort(sort_idx)
    gate_out = _grouped_matmul(hidden_states_sorted, gate_w, expert_ids_sorted)
    up_out = _grouped_matmul(hidden_states_sorted, up_w, expert_ids_sorted)
    down_out = _grouped_matmul(jax.nn.silu(gate_out) * up_out, down_w, expert_ids_sorted)
    unsorted_out = down_out[unsort_indices]
    reshaped_out = unsorted_out.reshape(-1, TOP_K, HIDDEN)
    return jnp.sum(reshaped_out * routing_weights[..., None], axis=1)

if __name__ == "__main__":
    import jax
    _d = setup_inputs()
    print(jax.jit(kernel)(*tuple(_d.values())))

</pallas_src>

<mosaic_0001>
#map = affine_map<(d0, d1) -> (0, 0)>
#map1 = affine_map<(d0, d1) -> (0)>
module attributes {stable_mosaic.version = 14 : i64} {
  func.func @body(%arg0: i32, %arg1: i32, %arg2: memref<5888x768xf32, #tpu.memory_space<hbm>>, %arg3: memref<2048xi32, #tpu.memory_space<hbm>>, %arg4: memref<2048xi32, #tpu.memory_space<hbm>>, %arg5: memref<2048x16xf32, #tpu.memory_space<hbm>>, %arg6: memref<2048x16xf32, #tpu.memory_space<hbm>>, %arg7: memref<2048x768xf32, #tpu.memory_space<hbm>>, %arg8: memref<1x64xi32, #tpu.memory_space<vmem>>, %arg9: memref<1x64xi32, #tpu.memory_space<vmem>>, %arg10: memref<64x16xf32, #tpu.memory_space<vmem>>, %arg11: memref<64x16xf32, #tpu.memory_space<vmem>>, %arg12: memref<64x768xf32, #tpu.memory_space<vmem>>, %arg13: memref<64x768xf32, #tpu.memory_space<vmem>>, %arg14: memref<!tpu.dma_semaphore, #tpu.memory_space<semaphore_mem>>, %arg15: memref<!tpu.dma_semaphore, #tpu.memory_space<semaphore_mem>>, %arg16: memref<!tpu.dma_semaphore, #tpu.memory_space<semaphore_mem>>, %arg17: memref<!tpu.dma_semaphore, #tpu.memory_space<semaphore_mem>>) attributes {dimension_semantics = [#tpu.dimension_semantics<core_parallel>, #tpu.dimension_semantics<subcore_parallel>], iteration_bounds = array<i64: 2, 16>, scalar_prefetch = 0 : i64, scratch_operands = 10 : i64, tpu.core_type = #tpu.core_type<sc_vector_subcore>, window_params = [{transform_indices = #map}, {transform_indices = #map1}, {transform_indices = #map1}, {transform_indices = #map}, {transform_indices = #map}, {transform_indices = #map}]} {
    %mul3A = arith.constant 2 : i32
    %mul3A_0 = arith.muli %arg1, %mul3A : i32
    %add3A = arith.addi %mul3A_0, %arg0 : i32
    %mul3A_1 = arith.constant 64 : i32
    %mul3A_2 = arith.muli %add3A, %mul3A_1 : i32
    %dma_start3A = arith.constant 0 : i32
    %dma_start3A_3 = arith.constant 0 : i32
    %dma_start3A_4 = tpu.memref_slice %arg8[%dma_start3A, %dma_start3A_3] : memref<1x64xi32, #tpu.memory_space<vmem>> -> memref<1x64xi32, #tpu.memory_space<vmem>>
    %dma_start3A_5 = tpu.memref_squeeze %dma_start3A_4 : memref<1x64xi32, #tpu.memory_space<vmem>> -> memref<64xi32, #tpu.memory_space<vmem>>
    %dma_start3A_6 = tpu.memref_slice %arg3[%mul3A_2] : memref<2048xi32, #tpu.memory_space<hbm>> -> memref<64xi32, #tpu.memory_space<hbm>>
    %dma_start3A_7 = arith.constant 0 : i32
    %dma_start3A_8 = tpu.memref_slice %arg8[%dma_start3A, %dma_start3A_7] : memref<1x64xi32, #tpu.memory_space<vmem>> -> memref<1x64xi32, #tpu.memory_space<vmem>>
    %dma_start3A_9 = tpu.memref_squeeze %dma_start3A_8 : memref<1x64xi32, #tpu.memory_space<vmem>> -> memref<64xi32, #tpu.memory_space<vmem>>
    %dma_start3A_10 = tpu.memref_slice %arg3[%mul3A_2] : memref<2048xi32, #tpu.memory_space<hbm>> -> memref<64xi32, #tpu.memory_space<hbm>>
    tpu.enqueue_dma source(%dma_start3A_10 : memref<64xi32, #tpu.memory_space<hbm>>) target(%dma_start3A_9 : memref<64xi32, #tpu.memory_space<vmem>>) target_semaphore(%arg14 : memref<!tpu.dma_semaphore, #tpu.memory_space<semaphore_mem>>)
    %dma_start3A_11 = arith.constant 0 : i32
    %dma_start3A_12 = arith.constant 0 : i32
    %dma_start3A_13 = tpu.memref_slice %arg9[%dma_start3A_11, %dma_start3A_12] : memref<1x64xi32, #tpu.memory_space<vmem>> -> memref<1x64xi32, #tpu.memory_space<vmem>>
    %dma_start3A_14 = tpu.memref_squeeze %dma_start3A_13 : memref<1x64xi32, #tpu.memory_space<vmem>> -> memref<64xi32, #tpu.memory_space<vmem>>
    %dma_start3A_15 = tpu.memref_slice %arg4[%mul3A_2] : memref<2048xi32, #tpu.memory_space<hbm>> -> memref<64xi32, #tpu.memory_space<hbm>>
    %dma_start3A_16 = arith.constant 0 : i32
    %dma_start3A_17 = tpu.memref_slice %arg9[%dma_start3A_11, %dma_start3A_16] : memref<1x64xi32, #tpu.memory_space<vmem>> -> memref<1x64xi32, #tpu.memory_space<vmem>>
    %dma_start3A_18 = tpu.memref_squeeze %dma_start3A_17 : memref<1x64xi32, #tpu.memory_space<vmem>> -> memref<64xi32, #tpu.memory_space<vmem>>
    %dma_start3A_19 = tpu.memref_slice %arg4[%mul3A_2] : memref<2048xi32, #tpu.memory_space<hbm>> -> memref<64xi32, #tpu.memory_space<hbm>>
    tpu.enqueue_dma source(%dma_start3A_19 : memref<64xi32, #tpu.memory_space<hbm>>) target(%dma_start3A_18 : memref<64xi32, #tpu.memory_space<vmem>>) target_semaphore(%arg15 : memref<!tpu.dma_semaphore, #tpu.memory_space<semaphore_mem>>)
    %dma_start3A_20 = arith.constant 0 : i32
    %dma_start3A_21 = tpu.memref_slice %arg5[%mul3A_2, %dma_start3A_20] : memref<2048x16xf32, #tpu.memory_space<hbm>> -> memref<64x16xf32, #tpu.memory_space<hbm>>
    %dma_start3A_22 = arith.constant 0 : i32
    %dma_start3A_23 = tpu.memref_slice %arg5[%mul3A_2, %dma_start3A_22] : memref<2048x16xf32, #tpu.memory_space<hbm>> -> memref<64x16xf32, #tpu.memory_space<hbm>>
    tpu.enqueue_dma source(%dma_start3A_23 : memref<64x16xf32, #tpu.memory_space<hbm>>) target(%arg10 : memref<64x16xf32, #tpu.memory_space<vmem>>) target_semaphore(%arg16 : memref<!tpu.dma_semaphore, #tpu.memory_space<semaphore_mem>>)
    %dma_start3A_24 = arith.constant 0 : i32
    %dma_start3A_25 = tpu.memref_slice %arg6[%mul3A_2, %dma_start3A_24] : memref<2048x16xf32, #tpu.memory_space<hbm>> -> memref<64x16xf32, #tpu.memory_space<hbm>>
    %dma_start3A_26 = arith.constant 0 : i32
    %dma_start3A_27 = tpu.memref_slice %arg6[%mul3A_2, %dma_start3A_26] : memref<2048x16xf32, #tpu.memory_space<hbm>> -> memref<64x16xf32, #tpu.memory_space<hbm>>
    tpu.enqueue_dma source(%dma_start3A_27 : memref<64x16xf32, #tpu.memory_space<hbm>>) target(%arg11 : memref<64x16xf32, #tpu.memory_space<vmem>>) target_semaphore(%arg17 : memref<!tpu.dma_semaphore, #tpu.memory_space<semaphore_mem>>)
    %dma_wait3A = arith.constant 0 : i32
    %dma_wait3A_28 = arith.constant 0 : i32
    %dma_wait3A_29 = tpu.memref_slice %arg8[%dma_wait3A, %dma_wait3A_28] : memref<1x64xi32, #tpu.memory_space<vmem>> -> memref<1x64xi32, #tpu.memory_space<vmem>>
    %dma_wait3A_30 = tpu.memref_squeeze %dma_wait3A_29 : memref<1x64xi32, #tpu.memory_space<vmem>> -> memref<64xi32, #tpu.memory_space<vmem>>
    %dma_wait3A_31 = tpu.memref_slice %arg3[%mul3A_2] : memref<2048xi32, #tpu.memory_space<hbm>> -> memref<64xi32, #tpu.memory_space<hbm>>
    %dma_wait3A_32 = arith.constant 0 : i32
    %dma_wait3A_33 = tpu.memref_slice %arg8[%dma_wait3A, %dma_wait3A_32] : memref<1x64xi32, #tpu.memory_space<vmem>> -> memref<1x64xi32, #tpu.memory_space<vmem>>
    %dma_wait3A_34 = tpu.memref_squeeze %dma_wait3A_33 : memref<1x64xi32, #tpu.memory_space<vmem>> -> memref<64xi32, #tpu.memory_space<vmem>>
    %dma_wait3A_35 = tpu.memref_slice %arg3[%mul3A_2] : memref<2048xi32, #tpu.memory_space<hbm>> -> memref<64xi32, #tpu.memory_space<hbm>>
    tpu.wait_dma2 semaphore(%arg14 : memref<!tpu.dma_semaphore, #tpu.memory_space<semaphore_mem>>) src(%dma_wait3A_35 : memref<64xi32, #tpu.memory_space<hbm>>) dst(%dma_wait3A_34 : memref<64xi32, #tpu.memory_space<vmem>>)
    %dma_wait3A_36 = arith.constant 0 : i32
    %dma_wait3A_37 = arith.constant 0 : i32
    %dma_wait3A_38 = tpu.memref_slice %arg9[%dma_wait3A_36, %dma_wait3A_37] : memref<1x64xi32, #tpu.memory_space<vmem>> -> memref<1x64xi32, #tpu.memory_space<vmem>>
    %dma_wait3A_39 = tpu.memref_squeeze %dma_wait3A_38 : memref<1x64xi32, #tpu.memory_space<vmem>> -> memref<64xi32, #tpu.memory_space<vmem>>
    %dma_wait3A_40 = tpu.memref_slice %arg4[%mul3A_2] : memref<2048xi32, #tpu.memory_space<hbm>> -> memref<64xi32, #tpu.memory_space<hbm>>
    %dma_wait3A_41 = arith.constant 0 : i32
    %dma_wait3A_42 = tpu.memref_slice %arg9[%dma_wait3A_36, %dma_wait3A_41] : memref<1x64xi32, #tpu.memory_space<vmem>> -> memref<1x64xi32, #tpu.memory_space<vmem>>
    %dma_wait3A_43 = tpu.memref_squeeze %dma_wait3A_42 : memref<1x64xi32, #tpu.memory_space<vmem>> -> memref<64xi32, #tpu.memory_space<vmem>>
    %dma_wait3A_44 = tpu.memref_slice %arg4[%mul3A_2] : memref<2048xi32, #tpu.memory_space<hbm>> -> memref<64xi32, #tpu.memory_space<hbm>>
    tpu.wait_dma2 semaphore(%arg15 : memref<!tpu.dma_semaphore, #tpu.memory_space<semaphore_mem>>) src(%dma_wait3A_44 : memref<64xi32, #tpu.memory_space<hbm>>) dst(%dma_wait3A_43 : memref<64xi32, #tpu.memory_space<vmem>>)
    %dma_start3A_45 = arith.constant 0 : i32
    %dma_start3A_46 = arith.constant 0 : i32
    %dma_start3A_47 = arith.constant 0 : i32
    %dma_start3A_48 = tpu.memref_slice %arg12[%dma_start3A_46, %dma_start3A_47] : memref<64x768xf32, #tpu.memory_space<vmem>> -> memref<32x768xf32, #tpu.memory_space<vmem>>
    %dma_start3A_49 = arith.constant 0 : i32
    %dma_start3A_50 = tpu.memref_slice %arg8[%dma_start3A_45, %dma_start3A_49] : memref<1x64xi32, #tpu.memory_space<vmem>> -> memref<1x32xi32, #tpu.memory_space<vmem>>
    %dma_start3A_51 = tpu.memref_squeeze %dma_start3A_50 : memref<1x32xi32, #tpu.memory_space<vmem>> -> memref<32xi32, #tpu.memory_space<vmem>>
    %dma_start3A_52 = arith.constant 0 : i32
    %dma_start3A_53 = arith.constant 0 : i32
    %dma_start3A_54 = tpu.memref_slice %arg2[%dma_start3A_52, %dma_start3A_53] : memref<5888x768xf32, #tpu.memory_space<hbm>> -> memref<5888x768xf32, #tpu.memory_space<hbm>>
    tpu.enqueue_indirect_dma source(%dma_start3A_54 : memref<5888x768xf32, #tpu.memory_space<hbm>>) target(%dma_start3A_48 : memref<32x768xf32, #tpu.memory_space<vmem>>) offsets(%dma_start3A_51 : memref<32xi32, #tpu.memory_space<vmem>>) semaphore(%arg14 : memref<!tpu.dma_semaphore, #tpu.memory_space<semaphore_mem>>)
    %dma_start3A_55 = arith.constant 0 : i32
    %dma_start3A_56 = arith.constant 0 : i32
    %dma_start3A_57 = arith.constant 0 : i32
    %dma_start3A_58 = tpu.memref_slice %arg13[%dma_start3A_56, %dma_start3A_57] : memref<64x768xf32, #tpu.memory_space<vmem>> -> memref<32x768xf32, #tpu.memory_space<vmem>>
    %dma_start3A_59 = arith.constant 0 : i32
    %dma_start3A_60 = tpu.memref_slice %arg9[%dma_start3A_55, %dma_start3A_59] : memref<1x64xi32, #tpu.memory_space<vmem>> -> memref<1x32xi32, #tpu.memory_space<vmem>>
    %dma_start3A_61 = tpu.memref_squeeze %dma_start3A_60 : memref<1x32xi32, #tpu.memory_space<vmem>> -> memref<32xi32, #tpu.memory_space<vmem>>
    %dma_start3A_62 = arith.constant 0 : i32
    %dma_start3A_63 = arith.constant 0 : i32
    %dma_start3A_64 = tpu.memref_slice %arg2[%dma_start3A_62, %dma_start3A_63] : memref<5888x768xf32, #tpu.memory_space<hbm>> -> memref<5888x768xf32, #tpu.memory_space<hbm>>
    tpu.enqueue_indirect_dma source(%dma_start3A_64 : memref<5888x768xf32, #tpu.memory_space<hbm>>) target(%dma_start3A_58 : memref<32x768xf32, #tpu.memory_space<vmem>>) offsets(%dma_start3A_61 : memref<32xi32, #tpu.memory_space<vmem>>) semaphore(%arg15 : memref<!tpu.dma_semaphore, #tpu.memory_space<semaphore_mem>>)
    %dma_start3A_65 = arith.constant 0 : i32
    %dma_start3A_66 = arith.constant 32 : i32
    %dma_start3A_67 = arith.constant 0 : i32
    %dma_start3A_68 = tpu.memref_slice %arg12[%dma_start3A_66, %dma_start3A_67] : memref<64x768xf32, #tpu.memory_space<vmem>> -> memref<32x768xf32, #tpu.memory_space<vmem>>
    %dma_start3A_69 = arith.constant 32 : i32
    %dma_start3A_70 = tpu.memref_slice %arg8[%dma_start3A_65, %dma_start3A_69] : memref<1x64xi32, #tpu.memory_space<vmem>> -> memref<1x32xi32, #tpu.memory_space<vmem>>
    %dma_start3A_71 = tpu.memref_squeeze %dma_start3A_70 : memref<1x32xi32, #tpu.memory_space<vmem>> -> memref<32xi32, #tpu.memory_space<vmem>>
    %dma_start3A_72 = arith.constant 0 : i32
    %dma_start3A_73 = arith.constant 0 : i32
    %dma_start3A_74 = tpu.memref_slice %arg2[%dma_start3A_72, %dma_start3A_73] : memref<5888x768xf32, #tpu.memory_space<hbm>> -> memref<5888x768xf32, #tpu.memory_space<hbm>>
    tpu.enqueue_indirect_dma source(%dma_start3A_74 : memref<5888x768xf32, #tpu.memory_space<hbm>>) target(%dma_start3A_68 : memref<32x768xf32, #tpu.memory_space<vmem>>) offsets(%dma_start3A_71 : memref<32xi32, #tpu.memory_space<vmem>>) semaphore(%arg16 : memref<!tpu.dma_semaphore, #tpu.memory_space<semaphore_mem>>)
    %dma_start3A_75 = arith.constant 0 : i32
    %dma_start3A_76 = arith.constant 32 : i32
    %dma_start3A_77 = arith.constant 0 : i32
    %dma_start3A_78 = tpu.memref_slice %arg13[%dma_start3A_76, %dma_start3A_77] : memref<64x768xf32, #tpu.memory_space<vmem>> -> memref<32x768xf32, #tpu.memory_space<vmem>>
    %dma_start3A_79 = arith.constant 32 : i32
    %dma_start3A_80 = tpu.memref_slice %arg9[%dma_start3A_75, %dma_start3A_79] : memref<1x64xi32, #tpu.memory_space<vmem>> -> memref<1x32xi32, #tpu.memory_space<vmem>>
    %dma_start3A_81 = tpu.memref_squeeze %dma_start3A_80 : memref<1x32xi32, #tpu.memory_space<vmem>> -> memref<32xi32, #tpu.memory_space<vmem>>
    %dma_start3A_82 = arith.constant 0 : i32
    %dma_start3A_83 = arith.constant 0 : i32
    %dma_start3A_84 = tpu.memref_slice %arg2[%dma_start3A_82, %dma_start3A_83] : memref<5888x768xf32, #tpu.memory_space<hbm>> -> memref<5888x768xf32, #tpu.memory_space<hbm>>
    tpu.enqueue_indirect_dma source(%dma_start3A_84 : memref<5888x768xf32, #tpu.memory_space<hbm>>) target(%dma_start3A_78 : memref<32x768xf32, #tpu.memory_space<vmem>>) offsets(%dma_start3A_81 : memref<32xi32, #tpu.memory_space<vmem>>) semaphore(%arg17 : memref<!tpu.dma_semaphore, #tpu.memory_space<semaphore_mem>>)
    %dma_wait3A_85 = arith.constant 0 : i32
    %dma_wait3A_86 = tpu.memref_slice %arg5[%mul3A_2, %dma_wait3A_85] : memref<2048x16xf32, #tpu.memory_space<hbm>> -> memref<64x16xf32, #tpu.memory_space<hbm>>
    %dma_wait3A_87 = arith.constant 0 : i32
    %dma_wait3A_88 = tpu.memref_slice %arg5[%mul3A_2, %dma_wait3A_87] : memref<2048x16xf32, #tpu.memory_space<hbm>> -> memref<64x16xf32, #tpu.memory_space<hbm>>
    tpu.wait_dma2 semaphore(%arg16 : memref<!tpu.dma_semaphore, #tpu.memory_space<semaphore_mem>>) src(%dma_wait3A_88 : memref<64x16xf32, #tpu.memory_space<hbm>>) dst(%arg10 : memref<64x16xf32, #tpu.memory_space<vmem>>)
    %dma_wait3A_89 = arith.constant 0 : i32
    %dma_wait3A_90 = tpu.memref_slice %arg6[%mul3A_2, %dma_wait3A_89] : memref<2048x16xf32, #tpu.memory_space<hbm>> -> memref<64x16xf32, #tpu.memory_space<hbm>>
    %dma_wait3A_91 = arith.constant 0 : i32
    %dma_wait3A_92 = tpu.memref_slice %arg6[%mul3A_2, %dma_wait3A_91] : memref<2048x16xf32, #tpu.memory_space<hbm>> -> memref<64x16xf32, #tpu.memory_space<hbm>>
    tpu.wait_dma2 semaphore(%arg17 : memref<!tpu.dma_semaphore, #tpu.memory_space<semaphore_mem>>) src(%dma_wait3A_92 : memref<64x16xf32, #tpu.memory_space<hbm>>) dst(%arg11 : memref<64x16xf32, #tpu.memory_space<vmem>>)
    %dma_wait3A_93 = arith.constant 0 : i32
    %dma_wait3A_94 = arith.constant 0 : i32
    %dma_wait3A_95 = arith.constant 0 : i32
    %dma_wait3A_96 = tpu.memref_slice %arg12[%dma_wait3A_94, %dma_wait3A_95] : memref<64x768xf32, #tpu.memory_space<vmem>> -> memref<32x768xf32, #tpu.memory_space<vmem>>
    %dma_wait3A_97 = arith.constant 0 : i32
    %dma_wait3A_98 = tpu.memref_slice %arg8[%dma_wait3A_93, %dma_wait3A_97] : memref<1x64xi32, #tpu.memory_space<vmem>> -> memref<1x32xi32, #tpu.memory_space<vmem>>
    %dma_wait3A_99 = tpu.memref_squeeze %dma_wait3A_98 : memref<1x32xi32, #tpu.memory_space<vmem>> -> memref<32xi32, #tpu.memory_space<vmem>>
    %dma_wait3A_100 = arith.constant 0 : i32
    %dma_wait3A_101 = arith.constant 0 : i32
    %dma_wait3A_102 = tpu.memref_slice %arg2[%dma_wait3A_100, %dma_wait3A_101] : memref<5888x768xf32, #tpu.memory_space<hbm>> -> memref<5888x768xf32, #tpu.memory_space<hbm>>
    tpu.wait_indirect_dma semaphore(%arg14 : memref<!tpu.dma_semaphore, #tpu.memory_space<semaphore_mem>>) src(%dma_wait3A_102 : memref<5888x768xf32, #tpu.memory_space<hbm>>) dst(%dma_wait3A_96 : memref<32x768xf32, #tpu.memory_space<vmem>>)
    %dma_wait3A_103 = arith.constant 0 : i32
    %dma_wait3A_104 = arith.constant 0 : i32
    %dma_wait3A_105 = arith.constant 0 : i32
    %dma_wait3A_106 = tpu.memref_slice %arg13[%dma_wait3A_104, %dma_wait3A_105] : memref<64x768xf32, #tpu.memory_space<vmem>> -> memref<32x768xf32, #tpu.memory_space<vmem>>
    %dma_wait3A_107 = arith.constant 0 : i32
    %dma_wait3A_108 = tpu.memref_slice %arg9[%dma_wait3A_103, %dma_wait3A_107] : memref<1x64xi32, #tpu.memory_space<vmem>> -> memref<1x32xi32, #tpu.memory_space<vmem>>
    %dma_wait3A_109 = tpu.memref_squeeze %dma_wait3A_108 : memref<1x32xi32, #tpu.memory_space<vmem>> -> memref<32xi32, #tpu.memory_space<vmem>>
    %dma_wait3A_110 = arith.constant 0 : i32
    %dma_wait3A_111 = arith.constant 0 : i32
    %dma_wait3A_112 = tpu.memref_slice %arg2[%dma_wait3A_110, %dma_wait3A_111] : memref<5888x768xf32, #tpu.memory_space<hbm>> -> memref<5888x768xf32, #tpu.memory_space<hbm>>
    tpu.wait_indirect_dma semaphore(%arg15 : memref<!tpu.dma_semaphore, #tpu.memory_space<semaphore_mem>>) src(%dma_wait3A_112 : memref<5888x768xf32, #tpu.memory_space<hbm>>) dst(%dma_wait3A_106 : memref<32x768xf32, #tpu.memory_space<vmem>>)
    %scan3A = arith.constant 0 : i32
    %scan3A_113 = arith.constant 32 : i32
    %scan3A_114 = arith.addi %scan3A, %scan3A_113 : i32
    %scan3A_115 = arith.constant 1 : i32
    scf.for %scan3A_164 = %scan3A to %scan3A_114 step %scan3A_115  : i32 {
      %mul3A_165 = arith.constant 1 : i32
      %mul3A_166 = arith.muli %scan3A_164, %mul3A_165 : i32
      %add3A_167 = arith.constant 0 : i32
      %add3A_168 = arith.addi %add3A_167, %mul3A_166 : i32
      %get3A = arith.index_cast %add3A_168 : i32 to index
      %get3A_169 = arith.constant 0 : index
      %get3A_170 = tpu.vector_load %arg10[%get3A, %get3A_169] {strides = array<i32>} : memref<64x16xf32, #tpu.memory_space<vmem>>, vector<1x16xf32>,
      %get3A_171 = vector.shape_cast %get3A_170 : vector<1x16xf32> to vector<16xf32>
      %get3A_172 = arith.index_cast %add3A_168 : i32 to index
      %get3A_173 = arith.constant 0 : index
      %get3A_174 = tpu.vector_load %arg11[%get3A_172, %get3A_173] {strides = array<i32>} : memref<64x16xf32, #tpu.memory_space<vmem>>, vector<1x16xf32>,
      %get3A_175 = vector.shape_cast %get3A_174 : vector<1x16xf32> to vector<16xf32>
      %get3A_176 = arith.index_cast %add3A_168 : i32 to index
      %get3A_177 = arith.constant 0 : index
      %get3A_178 = tpu.vector_load %arg12[%get3A_176, %get3A_177] {strides = array<i32>} : memref<64x768xf32, #tpu.memory_space<vmem>>, vector<1x16xf32>,
      %get3A_179 = vector.shape_cast %get3A_178 : vector<1x16xf32> to vector<16xf32>
      %mul3A_180 = arith.mulf %get3A_179, %get3A_171 : vector<16xf32>
      %get3A_181 = arith.index_cast %add3A_168 : i32 to index
      %get3A_182 = arith.constant 0 : index
      %get3A_183 = tpu.vector_load %arg13[%get3A_181, %get3A_182] {strides = array<i32>} : memref<64x768xf32, #tpu.memory_space<vmem>>, vector<1x16xf32>,
      %get3A_184 = vector.shape_cast %get3A_183 : vector<1x16xf32> to vector<16xf32>
      %mul3A_185 = arith.mulf %get3A_184, %get3A_175 : vector<16xf32>
      %add3A_186 = arith.addf %mul3A_180, %mul3A_185 : vector<16xf32>
      %swap3A = arith.index_cast %add3A_168 : i32 to index
      %swap3A_187 = arith.constant 0 : index
      %swap3A_188 = tpu.vector_load %arg12[%swap3A, %swap3A_187] {strides = array<i32>} : memref<64x768xf32, #tpu.memory_space<vmem>>, vector<1x16xf32>,
      %swap3A_189 = vector.shape_cast %swap3A_188 : vector<1x16xf32> to vector<16xf32>
      %swap3A_190 = vector.shape_cast %add3A_186 : vector<16xf32> to vector<1x16xf32>
      tpu.vector_store %arg12[%swap3A, %swap3A_187], %swap3A_190 {strides = array<i32>} : memref<64x768xf32, #tpu.memory_space<vmem>>, vector<1x16xf32>,
      %get3A_191 = arith.index_cast %add3A_168 : i32 to index
      %get3A_192 = arith.constant 16 : index
      %get3A_193 = tpu.vector_load %arg12[%get3A_191, %get3A_192] {strides = array<i32>} : memref<64x768xf32, #tpu.memory_space<vmem>>, vector<1x16xf32>,
      %get3A_194 = vector.shape_cast %get3A_193 : vector<1x16xf32> to vector<16xf32>
      %mul3A_195 = arith.mulf %get3A_194, %get3A_171 : vector<16xf32>
      %get3A_196 = arith.index_cast %add3A_168 : i32 to index
      %get3A_197 = arith.constant 16 : index
      %get3A_198 = tpu.vector_load %arg13[%get3A_196, %get3A_197] {strides = array<i32>} : memref<64x768xf32, #tpu.memory_space<vmem>>, vector<1x16xf32>,
      %get3A_199 = vector.shape_cast %get3A_198 : vector<1x16xf32> to vector<16xf32>
      %mul3A_200 = arith.mulf %get3A_199, %get3A_175 : vector<16xf32>
      %add3A_201 = arith.addf %mul3A_195, %mul3A_200 : vector<16xf32>
      %swap3A_202 = arith.index_cast %add3A_168 : i32 to index
      %swap3A_203 = arith.constant 16 : index
      %swap3A_204 = tpu.vector_load %arg12[%swap3A_202, %swap3A_203] {strides = array<i32>} : memref<64x768xf32, #tpu.memory_space<vmem>>, vector<1x16xf32>,
      %swap3A_205 = vector.shape_cast %swap3A_204 : vector<1x16xf32> to vector<16xf32>
      %swap3A_206 = vector.shape_cast %add3A_201 : vector<16xf32> to vector<1x16xf32>
      tpu.vector_store %arg12[%swap3A_202, %swap3A_203], %swap3A_206 {strides = array<i32>} : memref<64x768xf32, #tpu.memory_space<vmem>>, vector<1x16xf32>,
      %get3A_207 = arith.index_cast %add3A_168 : i32 to index
      %get3A_208 = arith.constant 32 : index
      %get3A_209 = tpu.vector_load %arg12[%get3A_207, %get3A_208] {strides = array<i32>} : memref<64x768xf32, #tpu.memory_space<vmem>>, vector<1x16xf32>,
      %get3A_210 = vector.shape_cast %get3A_209 : vector<1x16xf32> to vector<16xf32>
      %mul3A_211 = arith.mulf %get3A_210, %get3A_171 : vector<16xf32>
      %get3A_212 = arith.index_cast %add3A_168 : i32 to index
      %get3A_213 = arith.constant 32 : index
      %get3A_214 = tpu.vector_load %arg13[%get3A_212, %get3A_213] {strides = array<i32>} : memref<64x768xf32, #tpu.memory_space<vmem>>, vector<1x16xf32>,
      %get3A_215 = vector.shape_cast %get3A_214 : vector<1x16xf32> to vector<16xf32>
      %mul3A_216 = arith.mulf %get3A_215, %get3A_175 : vector<16xf32>
      %add3A_217 = arith.addf %mul3A_211, %mul3A_216 : vector<16xf32>
      %swap3A_218 = arith.index_cast %add3A_168 : i32 to index
      %swap3A_219 = arith.constant 32 : index
      %swap3A_220 = tpu.vector_load %arg12[%swap3A_218, %swap3A_219] {strides = array<i32>} : memref<64x768xf32, #tpu.memory_space<vmem>>, vector<1x16xf32>,
      %swap3A_221 = vector.shape_cast %swap3A_220 : vector<1x16xf32> to vector<16xf32>
      %swap3A_222 = vector.shape_cast %add3A_217 : vector<16xf32> to vector<1x16xf32>
      tpu.vector_store %arg12[%swap3A_218, %swap3A_219], %swap3A_222 {strides = array<i32>} : memref<64x768xf32, #tpu.memory_space<vmem>>, vector<1x16xf32>,
      %get3A_223 = arith.index_cast %add3A_168 : i32 to index
      %get3A_224 = arith.constant 48 : index
      %get3A_225 = tpu.vector_load %arg12[%get3A_223, %get3A_224] {strides = array<i32>} : memref<64x768xf32, #tpu.memory_space<vmem>>, vector<1x16xf32>,
      %get3A_226 = vector.shape_cast %get3A_225 : vector<1x16xf32> to vector<16xf32>
      %mul3A_227 = arith.mulf %get3A_226, %get3A_171 : vector<16xf32>
      %get3A_228 = arith.index_cast %add3A_168 : i32 to index
      %get3A_229 = arith.constant 48 : index
      %get3A_230 = tpu.vector_load %arg13[%get3A_228, %get3A_229] {strides = array<i32>} : memref<64x768xf32, #tpu.memory_space<vmem>>, vector<1x16xf32>,
      %get3A_231 = vector.shape_cast %get3A_230 : vector<1x16xf32> to vector<16xf32>
      %mul3A_232 = arith.mulf %get3A_231, %get3A_175 : vector<16xf32>
      %add3A_233 = arith.addf %mul3A_227, %mul3A_232 : vector<16xf32>
      %swap3A_234 = arith.index_cast %add3A_168 : i32 to index
      %swap3A_235 = arith.constant 48 : index
      %swap3A_236 = tpu.vector_load %arg12[%swap3A_234, %swap3A_235] {strides = array<i32>} : memref<64x768xf32, #tpu.memory_space<vmem>>, vector<1x16xf32>,
      %swap3A_237 = vector.shape_cast %swap3A_236 : vector<1x16xf32> to vector<16xf32>
      %swap3A_238 = vector.shape_cast %add3A_233 : vector<16xf32> to vector<1x16xf32>
      tpu.vector_store %arg12[%swap3A_234, %swap3A_235], %swap3A_238 {strides = array<i32>} : memref<64x768xf32, #tpu.memory_space<vmem>>, vector<1x16xf32>,
      %get3A_239 = arith.index_cast %add3A_168 : i32 to index
      %get3A_240 = arith.constant 64 : index
      %get3A_241 = tpu.vector_load %arg12[%get3A_239, %get3A_240] {strides = array<i32>} : memref<64x768xf32, #tpu.memory_space<vmem>>, vector<1x16xf32>,
      %get3A_242 = vector.shape_cast %get3A_241 : vector<1x16xf32> to vector<16xf32>
      %mul3A_243 = arith.mulf %get3A_242, %get3A_171 : vector<16xf32>
      %get3A_244 = arith.index_cast %add3A_168 : i32 to index
      %get3A_245 = arith.constant 64 : index
      %get3A_246 = tpu.vector_load %arg13[%get3A_244, %get3A_245] {strides = array<i32>} : memref<64x768xf32, #tpu.memory_space<vmem>>, vector<1x16xf32>,
      %get3A_247 = vector.shape_cast %get3A_246 : vector<1x16xf32> to vector<16xf32>
      %mul3A_248 = arith.mulf %get3A_247, %get3A_175 : vector<16xf32>
      %add3A_249 = arith.addf %mul3A_243, %mul3A_248 : vector<16xf32>
      %swap3A_250 = arith.index_cast %add3A_168 : i32 to index
      %swap3A_251 = arith.constant 64 : index
      %swap3A_252 = tpu.vector_load %arg12[%swap3A_250, %swap3A_251] {strides = array<i32>} : memref<64x768xf32, #tpu.memory_space<vmem>>, vector<1x16xf32>,
      %swap3A_253 = vector.shape_cast %swap3A_252 : vector<1x16xf32> to vector<16xf32>
      %swap3A_254 = vector.shape_cast %add3A_249 : vector<16xf32> to vector<1x16xf32>
      tpu.vector_store %arg12[%swap3A_250, %swap3A_251], %swap3A_254 {strides = array<i32>} : memref<64x768xf32, #tpu.memory_space<vmem>>, vector<1x16xf32>,
      %get3A_255 = arith.index_cast %add3A_168 : i32 to index
      %get3A_256 = arith.constant 80 : index
      %get3A_257 = tpu.vector_load %arg12[%get3A_255, %get3A_256] {strides = array<i32>} : memref<64x768xf32, #tpu.memory_space<vmem>>, vector<1x16xf32>,
      %get3A_258 = vector.shape_cast %get3A_257 : vector<1x16xf32> to vector<16xf32>
      %mul3A_259 = arith.mulf %get3A_258, %get3A_171 : vector<16xf32>
      %get3A_260 = arith.index_cast %add3A_168 : i32 to index
      %get3A_261 = arith.constant 80 : index
      %get3A_262 = tpu.vector_load %arg13[%get3A_260, %get3A_261] {strides = array<i32>} : memref<64x768xf32, #tpu.memory_space<vmem>>, vector<1x16xf32>,
      %get3A_263 = vector.shape_cast %get3A_262 : vector<1x16xf32> to vector<16xf32>
      %mul3A_264 = arith.mulf %get3A_263, %get3A_175 : vector<16xf32>
      %add3A_265 = arith.addf %mul3A_259, %mul3A_264 : vector<16xf32>
      %swap3A_266 = arith.index_cast %add3A_168 : i32 to index
      %swap3A_267 = arith.constant 80 : index
      %swap3A_268 = tpu.vector_load %arg12[%swap3A_266, %swap3A_267] {strides = array<i32>} : memref<64x768xf32, #tpu.memory_space<vmem>>, vector<1x16xf32>,
      %swap3A_269 = vector.shape_cast %swap3A_268 : vector<1x16xf32> to vector<16xf32>
      %swap3A_270 = vector.shape_cast %add3A_265 : vector<16xf32> to vector<1x16xf32>
      tpu.vector_store %arg12[%swap3A_266, %swap3A_267], %swap3A_270 {strides = array<i32>} : memref<64x768xf32, #tpu.memory_space<vmem>>, vector<1x16xf32>,
      %get3A_271 = arith.index_cast %add3A_168 : i32 to index
      %get3A_272 = arith.constant 96 : index
      %get3A_273 = tpu.vector_load %arg12[%get3A_271, %get3A_272] {strides = array<i32>} : memref<64x768xf32, #tpu.memory_space<vmem>>, vector<1x16xf32>,
      %get3A_274 = vector.shape_cast %get3A_273 : vector<1x16xf32> to vector<16xf32>
      %mul3A_275 = arith.mulf %get3A_274, %get3A_171 : vector<16xf32>
      %get3A_276 = arith.index_cast %add3A_168 : i32 to index
      %get3A_277 = arith.constant 96 : index
      %get3A_278 = tpu.vector_load %arg13[%get3A_276, %get3A_277] {strides = array<i32>} : memref<64x768xf32, #tpu.memory_space<vmem>>, vector<1x16xf32>,
      %get3A_279 = vector.shape_cast %get3A_278 : vector<1x16xf32> to vector<16xf32>
      %mul3A_280 = arith.mulf %get3A_279, %get3A_175 : vector<16xf32>
      %add3A_281 = arith.addf %mul3A_275, %mul3A_280 : vector<16xf32>
      %swap3A_282 = arith.index_cast %add3A_168 : i32 to index
      %swap3A_283 = arith.constant 96 : index
      %swap3A_284 = tpu.vector_load %arg12[%swap3A_282, %swap3A_283] {strides = array<i32>} : memref<64x768xf32, #tpu.memory_space<vmem>>, vector<1x16xf32>,
      %swap3A_285 = vector.shape_cast %swap3A_284 : vector<1x16xf32> to vector<16xf32>
      %swap3A_286 = vector.shape_cast %add3A_281 : vector<16xf32> to vector<1x16xf32>
      tpu.vector_store %arg12[%swap3A_282, %swap3A_283], %swap3A_286 {strides = array<i32>} : memref<64x768xf32, #tpu.memory_space<vmem>>, vector<1x16xf32>,
      %get3A_287 = arith.index_cast %add3A_168 : i32 to index
      %get3A_288 = arith.constant 112 : index
      %get3A_289 = tpu.vector_load %arg12[%get3A_287, %get3A_288] {strides = array<i32>} : memref<64x768xf32, #tpu.memory_space<vmem>>, vector<1x16xf32>,
      %get3A_290 = vector.shape_cast %get3A_289 : vector<1x16xf32> to vector<16xf32>
      %mul3A_291 = arith.mulf %get3A_290, %get3A_171 : vector<16xf32>
      %get3A_292 = arith.index_cast %add3A_168 : i32 to index
      %get3A_293 = arith.constant 112 : index
      %get3A_294 = tpu.vector_load %arg13[%get3A_292, %get3A_293] {strides = array<i32>} : memref<64x768xf32, #tpu.memory_space<vmem>>, vector<1x16xf32>,
      %get3A_295 = vector.shape_cast %get3A_294 : vector<1x16xf32> to vector<16xf32>
      %mul3A_296 = arith.mulf %get3A_295, %get3A_175 : vector<16xf32>
      %add3A_297 = arith.addf %mul3A_291, %mul3A_296 : vector<16xf32>
      %swap3A_298 = arith.index_cast %add3A_168 : i32 to index
      %swap3A_299 = arith.constant 112 : index
      %swap3A_300 = tpu.vector_load %arg12[%swap3A_298, %swap3A_299] {strides = array<i32>} : memref<64x768xf32, #tpu.memory_space<vmem>>, vector<1x16xf32>,
      %swap3A_301 = vector.shape_cast %swap3A_300 : vector<1x16xf32> to vector<16xf32>
      %swap3A_302 = vector.shape_cast %add3A_297 : vector<16xf32> to vector<1x16xf32>
      tpu.vector_store %arg12[%swap3A_298, %swap3A_299], %swap3A_302 {strides = array<i32>} : memref<64x768xf32, #tpu.memory_space<vmem>>, vector<1x16xf32>,
      %get3A_303 = arith.index_cast %add3A_168 : i32 to index
      %get3A_304 = arith.constant 128 : index
      %get3A_305 = tpu.vector_load %arg12[%get3A_303, %get3A_304] {strides = array<i32>} : memref<64x768xf32, #tpu.memory_space<vmem>>, vector<1x16xf32>,
      %get3A_306 = vector.shape_cast %get3A_305 : vector<1x16xf32> to vector<16xf32>
      %mul3A_307 = arith.mulf %get3A_306, %get3A_171 : vector<16xf32>
      %get3A_308 = arith.index_cast %add3A_168 : i32 to index
      %get3A_309 = arith.constant 128 : index
      %get3A_310 = tpu.vector_load %arg13[%get3A_308, %get3A_309] {strides = array<i32>} : memref<64x768xf32, #tpu.memory_space<vmem>>, vector<1x16xf32>,
      %get3A_311 = vector.shape_cast %get3A_310 : vector<1x16xf32> to vector<16xf32>
      %mul3A_312 = arith.mulf %get3A_311, %get3A_175 : vector<16xf32>
      %add3A_313 = arith.addf %mul3A_307, %mul3A_312 : vector<16xf32>
      %swap3A_314 = arith.index_cast %add3A_168 : i32 to index
      %swap3A_315 = arith.constant 128 : index
      %swap3A_316 = tpu.vector_load %arg12[%swap3A_314, %swap3A_315] {strides = array<i32>} : memref<64x768xf32, #tpu.memory_space<vmem>>, vector<1x16xf32>,
      %swap3A_317 = vector.shape_cast %swap3A_316 : vector<1x16xf32> to vector<16xf32>
      %swap3A_318 = vector.shape_cast %add3A_313 : vector<16xf32> to vector<1x16xf32>
      tpu.vector_store %arg12[%swap3A_314, %swap3A_315], %swap3A_318 {strides = array<i32>} : memref<64x768xf32, #tpu.memory_space<vmem>>, vector<1x16xf32>,
      %get3A_319 = arith.index_cast %add3A_168 : i32 to index
      %get3A_320 = arith.constant 144 : index
      %get3A_321 = tpu.vector_load %arg12[%get3A_319, %get3A_320] {strides = array<i32>} : memref<64x768xf32, #tpu.memory_space<vmem>>, vector<1x16xf32>,
      %get3A_322 = vector.shape_cast %get3A_321 : vector<1x16xf32> to vector<16xf32>
      %mul3A_323 = arith.mulf %get3A_322, %get3A_171 : vector<16xf32>
      %get3A_324 = arith.index_cast %add3A_168 : i32 to index
      %get3A_325 = arith.constant 144 : index
      %get3A_326 = tpu.vector_load %arg13[%get3A_324, %get3A_325] {strides = array<i32>} : memref<64x768xf32, #tpu.memory_space<vmem>>, vector<1x16xf32>,
      %get3A_327 = vector.shape_cast %get3A_326 : vector<1x16xf32> to vector<16xf32>
      %mul3A_328 = arith.mulf %get3A_327, %get3A_175 : vector<16xf32>
      %add3A_329 = arith.addf %mul3A_323, %mul3A_328 : vector<16xf32>
      %swap3A_330 = arith.index_cast %add3A_168 : i32 to index
      %swap3A_331 = arith.constant 144 : index
      %swap3A_332 = tpu.vector_load %arg12[%swap3A_330, %swap3A_331] {strides = array<i32>} : memref<64x768xf32, #tpu.memory_space<vmem>>, vector<1x16xf32>,
      %swap3A_333 = vector.shape_cast %swap3A_332 : vector<1x16xf32> to vector<16xf32>
      %swap3A_334 = vector.shape_cast %add3A_329 : vector<16xf32> to vector<1x16xf32>
      tpu.vector_store %arg12[%swap3A_330, %swap3A_331], %swap3A_334 {strides = array<i32>} : memref<64x768xf32, #tpu.memory_space<vmem>>, vector<1x16xf32>,
      %get3A_335 = arith.index_cast %add3A_168 : i32 to index
      %get3A_336 = arith.constant 160 : index
      %get3A_337 = tpu.vector_load %arg12[%get3A_335, %get3A_336] {strides = array<i32>} : memref<64x768xf32, #tpu.memory_space<vmem>>, vector<1x16xf32>,
      %get3A_338 = vector.shape_cast %get3A_337 : vector<1x16xf32> to vector<16xf32>
      %mul3A_339 = arith.mulf %get3A_338, %get3A_171 : vector<16xf32>
      %get3A_340 = arith.index_cast %add3A_168 : i32 to index
      %get3A_341 = arith.constant 160 : index
      %get3A_342 = tpu.vector_load %arg13[%get3A_340, %get3A_341] {strides = array<i32>} : memref<64x768xf32, #tpu.memory_space<vmem>>, vector<1x16xf32>,
      %get3A_343 = vector.shape_cast %get3A_342 : vector<1x16xf32> to vector<16xf32>
      %mul3A_344 = arith.mulf %get3A_343, %get3A_175 : vector<16xf32>
      %add3A_345 = arith.addf %mul3A_339, %mul3A_344 : vector<16xf32>
      %swap3A_346 = arith.index_cast %add3A_168 : i32 to index
      %swap3A_347 = arith.constant 160 : index
      %swap3A_348 = tpu.vector_load %arg12[%swap3A_346, %swap3A_347] {strides = array<i32>} : memref<64x768xf32, #tpu.memory_space<vmem>>, vector<1x16xf32>,
      %swap3A_349 = vector.shape_cast %swap3A_348 : vector<1x16xf32> to vector<16xf32>
      %swap3A_350 = vector.shape_cast %add3A_345 : vector<16xf32> to vector<1x16xf32>
      tpu.vector_store %arg12[%swap3A_346, %swap3A_347], %swap3A_350 {strides = array<i32>} : memref<64x768xf32, #tpu.memory_space<vmem>>, vector<1x16xf32>,
      %get3A_351 = arith.index_cast %add3A_168 : i32 to index
      %get3A_352 = arith.constant 176 : index
      %get3A_353 = tpu.vector_load %arg12[%get3A_351, %get3A_352] {strides = array<i32>} : memref<64x768xf32, #tpu.memory_space<vmem>>, vector<1x16xf32>,
      %get3A_354 = vector.shape_cast %get3A_353 : vector<1x16xf32> to vector<16xf32>
      %mul3A_355 = arith.mulf %get3A_354, %get3A_171 : vector<16xf32>
      %get3A_356 = arith.index_cast %add3A_168 : i32 to index
      %get3A_357 = arith.constant 176 : index
      %get3A_358 = tpu.vector_load %arg13[%get3A_356, %get3A_357] {strides = array<i32>} : memref<64x768xf32, #tpu.memory_space<vmem>>, vector<1x16xf32>,
      %get3A_359 = vector.shape_cast %get3A_358 : vector<1x16xf32> to vector<16xf32>
      %mul3A_360 = arith.mulf %get3A_359, %get3A_175 : vector<16xf32>
      %add3A_361 = arith.addf %mul3A_355, %mul3A_360 : vector<16xf32>
      %swap3A_362 = arith.index_cast %add3A_168 : i32 to index
      %swap3A_363 = arith.constant 176 : index
      %swap3A_364 = tpu.vector_load %arg12[%swap3A_362, %swap3A_363] {strides = array<i32>} : memref<64x768xf32, #tpu.memory_space<vmem>>, vector<1x16xf32>,
      %swap3A_365 = vector.shape_cast %swap3A_364 : vector<1x16xf32> to vector<16xf32>
      %swap3A_366 = vector.shape_cast %add3A_361 : vector<16xf32> to vector<1x16xf32>
      tpu.vector_store %arg12[%swap3A_362, %swap3A_363], %swap3A_366 {strides = array<i32>} : memref<64x768xf32, #tpu.memory_space<vmem>>, vector<1x16xf32>,
      %get3A_367 = arith.index_cast %add3A_168 : i32 to index
      %get3A_368 = arith.constant 192 : index
      %get3A_369 = tpu.vector_load %arg12[%get3A_367, %get3A_368] {strides = array<i32>} : memref<64x768xf32, #tpu.memory_space<vmem>>, vector<1x16xf32>,
      %get3A_370 = vector.shape_cast %get3A_369 : vector<1x16xf32> to vector<16xf32>
      %mul3A_371 = arith.mulf %get3A_370, %get3A_171 : vector<16xf32>
      %get3A_372 = arith.index_cast %add3A_168 : i32 to index
      %get3A_373 = arith.constant 192 : index
      %get3A_374 = tpu.vector_load %arg13[%get3A_372, %get3A_373] {strides = array<i32>} : memref<64x768xf32, #tpu.memory_space<vmem>>, vector<1x16xf32>,
      %get3A_375 = vector.shape_cast %get3A_374 : vector<1x16xf32> to vector<16xf32>
      %mul3A_376 = arith.mulf %get3A_375, %get3A_175 : vector<16xf32>
      %add3A_377 = arith.addf %mul3A_371, %mul3A_376 : vector<16xf32>
      %swap3A_378 = arith.index_cast %add3A_168 : i32 to index
      %swap3A_379 = arith.constant 192 : index
      %swap3A_380 = tpu.vector_load %arg12[%swap3A_378, %swap3A_379] {strides = array<i32>} : memref<64x768xf32, #tpu.memory_space<vmem>>, vector<1x16xf32>,
      %swap3A_381 = vector.shape_cast %swap3A_380 : vector<1x16xf32> to vector<16xf32>
      %swap3A_382 = vector.shape_cast %add3A_377 : vector<16xf32> to vector<1x16xf32>
      tpu.vector_store %arg12[%swap3A_378, %swap3A_379], %swap3A_382 {strides = array<i32>} : memref<64x768xf32, #tpu.memory_space<vmem>>, vector<1x16xf32>,
      %get3A_383 = arith.index_cast %add3A_168 : i32 to index
      %get3A_384 = arith.constant 208 : index
      %get3A_385 = tpu.vector_load %arg12[%get3A_383, %get3A_384] {strides = array<i32>} : memref<64x768xf32, #tpu.memory_space<vmem>>, vector<1x16xf32>,
      %get3A_386 = vector.shape_cast %get3A_385 : vector<1x16xf32> to vector<16xf32>
      %mul3A_387 = arith.mulf %get3A_386, %get3A_171 : vector<16xf32>
      %get3A_388 = arith.index_cast %add3A_168 : i32 to index
      %get3A_389 = arith.constant 208 : index
      %get3A_390 = tpu.vector_load %arg13[%get3A_388, %get3A_389] {strides = array<i32>} : memref<64x768xf32, #tpu.memory_space<vmem>>, vector<1x16xf32>,
      %get3A_391 = vector.shape_cast %get3A_390 : vector<1x16xf32> to vector<16xf32>
      %mul3A_392 = arith.mulf %get3A_391, %get3A_175 : vector<16xf32>
      %add3A_393 = arith.addf %mul3A_387, %mul3A_392 : vector<16xf32>
      %swap3A_394 = arith.index_cast %add3A_168 : i32 to index
      %swap3A_395 = arith.constant 208 : index
      %swap3A_396 = tpu.vector_load %arg12[%swap3A_394, %swap3A_395] {strides = array<i32>} : memref<64x768xf32, #tpu.memory_space<vmem>>, vector<1x16xf32>,
      %swap3A_397 = vector.shape_cast %swap3A_396 : vector<1x16xf32> to vector<16xf32>
      %swap3A_398 = vector.shape_cast %add3A_393 : vector<16xf32> to vector<1x16xf32>
      tpu.vector_store %arg12[%swap3A_394, %swap3A_395], %swap3A_398 {strides = array<i32>} : memref<64x768xf32, #tpu.memory_space<vmem>>, vector<1x16xf32>,
      %get3A_399 = arith.index_cast %add3A_168 : i32 to index
      %get3A_400 = arith.constant 224 : index
      %get3A_401 = tpu.vector_load %arg12[%get3A_399, %get3A_400] {strides = array<i32>} : memref<64x768xf32, #tpu.memory_space<vmem>>, vector<1x16xf32>,
      %get3A_402 = vector.shape_cast %get3A_401 : vector<1x16xf32> to vector<16xf32>
      %mul3A_403 = arith.mulf %get3A_402, %get3A_171 : vector<16xf32>
      %get3A_404 = arith.index_cast %add3A_168 : i32 to index
      %get3A_405 = arith.constant 224 : index
      %get3A_406 = tpu.vector_load %arg13[%get3A_404, %get3A_405] {strides = array<i32>} : memref<64x768xf32, #tpu.memory_space<vmem>>, vector<1x16xf32>,
      %get3A_407 = vector.shape_cast %get3A_406 : vector<1x16xf32> to vector<16xf32>
      %mul3A_408 = arith.mulf %get3A_407, %get3A_175 : vector<16xf32>
      %add3A_409 = arith.addf %mul3A_403, %mul3A_408 : vector<16xf32>
      %swap3A_410 = arith.index_cast %add3A_168 : i32 to index
      %swap3A_411 = arith.constant 224 : index
      %swap3A_412 = tpu.vector_load %arg12[%swap3A_410, %swap3A_411] {strides = array<i32>} : memref<64x768xf32, #tpu.memory_space<vmem>>, vector<1x16xf32>,
      %swap3A_413 = vector.shape_cast %swap3A_412 : vector<1x16xf32> to vector<16xf32>
      %swap3A_414 = vector.shape_cast %add3A_409 : vector<16xf32> to vector<1x16xf32>
      tpu.vector_store %arg12[%swap3A_410, %swap3A_411], %swap3A_414 {strides = array<i32>} : memref<64x768xf32, #tpu.memory_space<vmem>>, vector<1x16xf32>,
      %get3A_415 = arith.index_cast %add3A_168 : i32 to index
      %get3A_416 = arith.constant 240 : index
      %get3A_417 = tpu.vector_load %arg12[%get3A_415, %get3A_416] {strides = array<i32>} : memref<64x768xf32, #tpu.memory_space<vmem>>, vector<1x16xf32>,
      %get3A_418 = vector.shape_cast %get3A_417 : vector<1x16xf32> to vector<16xf32>
      %mul3A_419 = arith.mulf %get3A_418, %get3A_171 : vector<16xf32>
      %get3A_420 = arith.index_cast %add3A_168 : i32 to index
      %get3A_421 = arith.constant 240 : index
      %get3A_422 = tpu.vector_load %arg13[%get3A_420, %get3A_421] {strides = array<i32>} : memref<64x768xf32, #tpu.memory_space<vmem>>, vector<1x16xf32>,
      %get3A_423 = vector.shape_cast %get3A_422 : vector<1x16xf32> to vector<16xf32>
      %mul3A_424 = arith.mulf %get3A_423, %get3A_175 : vector<16xf32>
      %add3A_425 = arith.addf %mul3A_419, %mul3A_424 : vector<16xf32>
      %swap3A_426 = arith.index_cast %add3A_168 : i32 to index
      %swap3A_427 = arith.constant 240 : index
      %swap3A_428 = tpu.vector_load %arg12[%swap3A_426, %swap3A_427] {strides = array<i32>} : memref<64x768xf32, #tpu.memory_space<vmem>>, vector<1x16xf32>,
      %swap3A_429 = vector.shape_cast %swap3A_428 : vector<1x16xf32> to vector<16xf32>
      %swap3A_430 = vector.shape_cast %add3A_425 : vector<16xf32> to vector<1x16xf32>
      tpu.vector_store %arg12[%swap3A_426, %swap3A_427], %swap3A_430 {strides = array<i32>} : memref<64x768xf32, #tpu.memory_space<vmem>>, vector<1x16xf32>,
      %get3A_431 = arith.index_cast %add3A_168 : i32 to index
      %get3A_432 = arith.constant 256 : index
      %get3A_433 = tpu.vector_load %arg12[%get3A_431, %get3A_432] {strides = array<i32>} : memref<64x768xf32, #tpu.memory_space<vmem>>, vector<1x16xf32>,
      %get3A_434 = vector.shape_cast %get3A_433 : vector<1x16xf32> to vector<16xf32>
      %mul3A_435 = arith.mulf %get3A_434, %get3A_171 : vector<16xf32>
      %get3A_436 = arith.index_cast %add3A_168 : i32 to index
      %get3A_437 = arith.constant 256 : index
      %get3A_438 = tpu.vector_load %arg13[%get3A_436, %get3A_437] {strides = array<i32>} : memref<64x768xf32, #tpu.memory_space<vmem>>, vector<1x16xf32>,
      %get3A_439 = vector.shape_cast %get3A_438 : vector<1x16xf32> to vector<16xf32>
      %mul3A_440 = arith.mulf %get3A_439, %get3A_175 : vector<16xf32>
      %add3A_441 = arith.addf %mul3A_435, %mul3A_440 : vector<16xf32>
      %swap3A_442 = arith.index_cast %add3A_168 : i32 to index
      %swap3A_443 = arith.constant 256 : index
      %swap3A_444 = tpu.vector_load %arg12[%swap3A_442, %swap3A_443] {strides = array<i32>} : memref<64x768xf32, #tpu.memory_space<vmem>>, vector<1x16xf32>,
      %swap3A_445 = vector.shape_cast %swap3A_444 : vector<1x16xf32> to vector<16xf32>
      %swap3A_446 = vector.shape_cast %add3A_441 : vector<16xf32> to vector<1x16xf32>
      tpu.vector_store %arg12[%swap3A_442, %swap3A_443], %swap3A_446 {strides = array<i32>} : memref<64x768xf32, #tpu.memory_space<vmem>>, vector<1x16xf32>,
      %get3A_447 = arith.index_cast %add3A_168 : i32 to index
      %get3A_448 = arith.constant 272 : index
      %get3A_449 = tpu.vector_load %arg12[%get3A_447, %get3A_448] {strides = array<i32>} : memref<64x768xf32, #tpu.memory_space<vmem>>, vector<1x16xf32>,
      %get3A_450 = vector.shape_cast %get3A_449 : vector<1x16xf32> to vector<16xf32>
      %mul3A_451 = arith.mulf %get3A_450, %get3A_171 : vector<16xf32>
      %get3A_452 = arith.index_cast %add3A_168 : i32 to index
      %get3A_453 = arith.constant 272 : index
      %get3A_454 = tpu.vector_load %arg13[%get3A_452, %get3A_453] {strides = array<i32>} : memref<64x768xf32, #tpu.memory_space<vmem>>, vector<1x16xf32>,
      %get3A_455 = vector.shape_cast %get3A_454 : vector<1x16xf32> to vector<16xf32>
      %mul3A_456 = arith.mulf %get3A_455, %get3A_175 : vector<16xf32>
      %add3A_457 = arith.addf %mul3A_451, %mul3A_456 : vector<16xf32>
      %swap3A_458 = arith.index_cast %add3A_168 : i32 to index
      %swap3A_459 = arith.constant 272 : index
      %swap3A_460 = tpu.vector_load %arg12[%swap3A_458, %swap3A_459] {strides = array<i32>} : memref<64x768xf32, #tpu.memory_space<vmem>>, vector<1x16xf32>,
      %swap3A_461 = vector.shape_cast %swap3A_460 : vector<1x16xf32> to vector<16xf32>
      %swap3A_462 = vector.shape_cast %add3A_457 : vector<16xf32> to vector<1x16xf32>
      tpu.vector_store %arg12[%swap3A_458, %swap3A_459], %swap3A_462 {strides = array<i32>} : memref<64x768xf32, #tpu.memory_space<vmem>>, vector<1x16xf32>,
      %get3A_463 = arith.index_cast %add3A_168 : i32 to index
      %get3A_464 = arith.constant 288 : index
      %get3A_465 = tpu.vector_load %arg12[%get3A_463, %get3A_464] {strides = array<i32>} : memref<64x768xf32, #tpu.memory_space<vmem>>, vector<1x16xf32>,
      %get3A_466 = vector.shape_cast %get3A_465 : vector<1x16xf32> to vector<16xf32>
      %mul3A_467 = arith.mulf %get3A_466, %get3A_171 : vector<16xf32>
      %get3A_468 = arith.index_cast %add3A_168 : i32 to index
      %get3A_469 = arith.constant 288 : index
      %get3A_470 = tpu.vector_load %arg13[%get3A_468, %get3A_469] {strides = array<i32>} : memref<64x768xf32, #tpu.memory_space<vmem>>, vector<1x16xf32>,
      %get3A_471 = vector.shape_cast %get3A_470 : vector<1x16xf32> to vector<16xf32>
      %mul3A_472 = arith.mulf %get3A_471, %get3A_175 : vector<16xf32>
      %add3A_473 = arith.addf %mul3A_467, %mul3A_472 : vector<16xf32>
      %swap3A_474 = arith.index_cast %add3A_168 : i32 to index
      %swap3A_475 = arith.constant 288 : index
      %swap3A_476 = tpu.vector_load %arg12[%swap3A_474, %swap3A_475] {strides = array<i32>} : memref<64x768xf32, #tpu.memory_space<vmem>>, vector<1x16xf32>,
      %swap3A_477 = vector.shape_cast %swap3A_476 : vector<1x16xf32> to vector<16xf32>
      %swap3A_478 = vector.shape_cast %add3A_473 : vector<16xf32> to vector<1x16xf32>
      tpu.vector_store %arg12[%swap3A_474, %swap3A_475], %swap3A_478 {strides = array<i32>} : memref<64x768xf32, #tpu.memory_space<vmem>>, vector<1x16xf32>,
      %get3A_479 = arith.index_cast %add3A_168 : i32 to index
      %get3A_480 = arith.constant 304 : index
      %get3A_481 = tpu.vector_load %arg12[%get3A_479, %get3A_480] {strides = array<i32>} : memref<64x768xf32, #tpu.memory_space<vmem>>, vector<1x16xf32>,
      %get3A_482 = vector.shape_cast %get3A_481 : vector<1x16xf32> to vector<16xf32>
      %mul3A_483 = arith.mulf %get3A_482, %get3A_171 : vector<16xf32>
      %get3A_484 = arith.index_cast %add3A_168 : i32 to index
      %get3A_485 = arith.constant 304 : index
      %get3A_486 = tpu.vector_load %arg13[%get3A_484, %get3A_485] {strides = array<i32>} : memref<64x768xf32, #tpu.memory_space<vmem>>, vector<1x16xf32>,
      %get3A_487 = vector.shape_cast %get3A_486 : vector<1x16xf32> to vector<16xf32>
      %mul3A_488 = arith.mulf %get3A_487, %get3A_175 : vector<16xf32>
      %add3A_489 = arith.addf %mul3A_483, %mul3A_488 : vector<16xf32>
      %swap3A_490 = arith.index_cast %add3A_168 : i32 to index
      %swap3A_491 = arith.constant 304 : index
      %swap3A_492 = tpu.vector_load %arg12[%swap3A_490, %swap3A_491] {strides = array<i32>} : memref<64x768xf32, #tpu.memory_space<vmem>>, vector<1x16xf32>,
      %swap3A_493 = vector.shape_cast %swap3A_492 : vector<1x16xf32> to vector<16xf32>
      %swap3A_494 = vector.shape_cast %add3A_489 : vector<16xf32> to vector<1x16xf32>
      tpu.vector_store %arg12[%swap3A_490, %swap3A_491], %swap3A_494 {strides = array<i32>} : memref<64x768xf32, #tpu.memory_space<vmem>>, vector<1x16xf32>,
      %get3A_495 = arith.index_cast %add3A_168 : i32 to index
      %get3A_496 = arith.constant 320 : index
      %get3A_497 = tpu.vector_load %arg12[%get3A_495, %get3A_496] {strides = array<i32>} : memref<64x768xf32, #tpu.memory_space<vmem>>, vector<1x16xf32>,
      %get3A_498 = vector.shape_cast %get3A_497 : vector<1x16xf32> to vector<16xf32>
      %mul3A_499 = arith.mulf %get3A_498, %get3A_171 : vector<16xf32>
      %get3A_500 = arith.index_cast %add3A_168 : i32 to index
      %get3A_501 = arith.constant 320 : index
      %get3A_502 = tpu.vector_load %arg13[%get3A_500, %get3A_501] {strides = array<i32>} : memref<64x768xf32, #tpu.memory_space<vmem>>, vector<1x16xf32>,
      %get3A_503 = vector.shape_cast %get3A_502 : vector<1x16xf32> to vector<16xf32>
      %mul3A_504 = arith.mulf %get3A_503, %get3A_175 : vector<16xf32>
      %add3A_505 = arith.addf %mul3A_499, %mul3A_504 : vector<16xf32>
      %swap3A_506 = arith.index_cast %add3A_168 : i32 to index
      %swap3A_507 = arith.constant 320 : index
      %swap3A_508 = tpu.vector_load %arg12[%swap3A_506, %swap3A_507] {strides = array<i32>} : memref<64x768xf32, #tpu.memory_space<vmem>>, vector<1x16xf32>,
      %swap3A_509 = vector.shape_cast %swap3A_508 : vector<1x16xf32> to vector<16xf32>
      %swap3A_510 = vector.shape_cast %add3A_505 : vector<16xf32> to vector<1x16xf32>
      tpu.vector_store %arg12[%swap3A_506, %swap3A_507], %swap3A_510 {strides = array<i32>} : memref<64x768xf32, #tpu.memory_space<vmem>>, vector<1x16xf32>,
      %get3A_511 = arith.index_cast %add3A_168 : i32 to index
      %get3A_512 = arith.constant 336 : index
      %get3A_513 = tpu.vector_load %arg12[%get3A_511, %get3A_512] {strides = array<i32>} : memref<64x768xf32, #tpu.memory_space<vmem>>, vector<1x16xf32>,
      %get3A_514 = vector.shape_cast %get3A_513 : vector<1x16xf32> to vector<16xf32>
      %mul3A_515 = arith.mulf %get3A_514, %get3A_171 : vector<16xf32>
      %get3A_516 = arith.index_cast %add3A_168 : i32 to index
      %get3A_517 = arith.constant 336 : index
      %get3A_518 = tpu.vector_load %arg13[%get3A_516, %get3A_517] {strides = array<i32>} : memref<64x768xf32, #tpu.memory_space<vmem>>, vector<1x16xf32>,
      %get3A_519 = vector.shape_cast %get3A_518 : vector<1x16xf32> to vector<16xf32>
      %mul3A_520 = arith.mulf %get3A_519, %get3A_175 : vector<16xf32>
      %add3A_521 = arith.addf %mul3A_515, %mul3A_520 : vector<16xf32>
      %swap3A_522 = arith.index_cast %add3A_168 : i32 to index
      %swap3A_523 = arith.constant 336 : index
      %swap3A_524 = tpu.vector_load %arg12[%swap3A_522, %swap3A_523] {strides = array<i32>} : memref<64x768xf32, #tpu.memory_space<vmem>>, vector<1x16xf32>,
      %swap3A_525 = vector.shape_cast %swap3A_524 : vector<1x16xf32> to vector<16xf32>
      %swap3A_526 = vector.shape_cast %add3A_521 : vector<16xf32> to vector<1x16xf32>
      tpu.vector_store %arg12[%swap3A_522, %swap3A_523], %swap3A_526 {strides = array<i32>} : memref<64x768xf32, #tpu.memory_space<vmem>>, vector<1x16xf32>,
      %get3A_527 = arith.index_cast %add3A_168 : i32 to index
      %get3A_528 = arith.constant 352 : index
      %get3A_529 = tpu.vector_load %arg12[%get3A_527, %get3A_528] {strides = array<i32>} : memref<64x768xf32, #tpu.memory_space<vmem>>, vector<1x16xf32>,
      %get3A_530 = vector.shape_cast %get3A_529 : vector<1x16xf32> to vector<16xf32>
      %mul3A_531 = arith.mulf %get3A_530, %get3A_171 : vector<16xf32>
      %get3A_532 = arith.index_cast %add3A_168 : i32 to index
      %get3A_533 = arith.constant 352 : index
      %get3A_534 = tpu.vector_load %arg13[%get3A_532, %get3A_533] {strides = array<i32>} : memref<64x768xf32, #tpu.memory_space<vmem>>, vector<1x16xf32>,
      %get3A_535 = vector.shape_cast %get3A_534 : vector<1x16xf32> to vector<16xf32>
      %mul3A_536 = arith.mulf %get3A_535, %get3A_175 : vector<16xf32>
      %add3A_537 = arith.addf %mul3A_531, %mul3A_536 : vector<16xf32>
      %swap3A_538 = arith.index_cast %add3A_168 : i32 to index
      %swap3A_539 = arith.constant 352 : index
      %swap3A_540 = tpu.vector_load %arg12[%swap3A_538, %swap3A_539] {strides = array<i32>} : memref<64x768xf32, #tpu.memory_space<vmem>>, vector<1x16xf32>,
      %swap3A_541 = vector.shape_cast %swap3A_540 : vector<1x16xf32> to vector<16xf32>
      %swap3A_542 = vector.shape_cast %add3A_537 : vector<16xf32> to vector<1x16xf32>
      tpu.vector_store %arg12[%swap3A_538, %swap3A_539], %swap3A_542 {strides = array<i32>} : memref<64x768xf32, #tpu.memory_space<vmem>>, vector<1x16xf32>,
      %get3A_543 = arith.index_cast %add3A_168 : i32 to index
      %get3A_544 = arith.constant 368 : index
      %get3A_545 = tpu.vector_load %arg12[%get3A_543, %get3A_544] {strides = array<i32>} : memref<64x768xf32, #tpu.memory_space<vmem>>, vector<1x16xf32>,
      %get3A_546 = vector.shape_cast %get3A_545 : vector<1x16xf32> to vector<16xf32>
      %mul3A_547 = arith.mulf %get3A_546, %get3A_171 : vector<16xf32>
      %get3A_548 = arith.index_cast %add3A_168 : i32 to index
      %get3A_549 = arith.constant 368 : index
      %get3A_550 = tpu.vector_load %arg13[%get3A_548, %get3A_549] {strides = array<i32>} : memref<64x768xf32, #tpu.memory_space<vmem>>, vector<1x16xf32>,
      %get3A_551 = vector.shape_cast %get3A_550 : vector<1x16xf32> to vector<16xf32>
      %mul3A_552 = arith.mulf %get3A_551, %get3A_175 : vector<16xf32>
      %add3A_553 = arith.addf %mul3A_547, %mul3A_552 : vector<16xf32>
      %swap3A_554 = arith.index_cast %add3A_168 : i32 to index
      %swap3A_555 = arith.constant 368 : index
      %swap3A_556 = tpu.vector_load %arg12[%swap3A_554, %swap3A_555] {strides = array<i32>} : memref<64x768xf32, #tpu.memory_space<vmem>>, vector<1x16xf32>,
      %swap3A_557 = vector.shape_cast %swap3A_556 : vector<1x16xf32> to vector<16xf32>
      %swap3A_558 = vector.shape_cast %add3A_553 : vector<16xf32> to vector<1x16xf32>
      tpu.vector_store %arg12[%swap3A_554, %swap3A_555], %swap3A_558 {strides = array<i32>} : memref<64x768xf32, #tpu.memory_space<vmem>>, vector<1x16xf32>,
      %get3A_559 = arith.index_cast %add3A_168 : i32 to index
      %get3A_560 = arith.constant 384 : index
      %get3A_561 = tpu.vector_load %arg12[%get3A_559, %get3A_560] {strides = array<i32>} : memref<64x768xf32, #tpu.memory_space<vmem>>, vector<1x16xf32>,
      %get3A_562 = vector.shape_cast %get3A_561 : vector<1x16xf32> to vector<16xf32>
      %mul3A_563 = arith.mulf %get3A_562, %get3A_171 : vector<16xf32>
      %get3A_564 = arith.index_cast %add3A_168 : i32 to index
      %get3A_565 = arith.constant 384 : index
      %get3A_566 = tpu.vector_load %arg13[%get3A_564, %get3A_565] {strides = array<i32>} : memref<64x768xf32, #tpu.memory_space<vmem>>, vector<1x16xf32>,
      %get3A_567 = vector.shape_cast %get3A_566 : vector<1x16xf32> to vector<16xf32>
      %mul3A_568 = arith.mulf %get3A_567, %get3A_175 : vector<16xf32>
      %add3A_569 = arith.addf %mul3A_563, %mul3A_568 : vector<16xf32>
      %swap3A_570 = arith.index_cast %add3A_168 : i32 to index
      %swap3A_571 = arith.constant 384 : index
      %swap3A_572 = tpu.vector_load %arg12[%swap3A_570, %swap3A_571] {strides = array<i32>} : memref<64x768xf32, #tpu.memory_space<vmem>>, vector<1x16xf32>,
      %swap3A_573 = vector.shape_cast %swap3A_572 : vector<1x16xf32> to vector<16xf32>
      %swap3A_574 = vector.shape_cast %add3A_569 : vector<16xf32> to vector<1x16xf32>
      tpu.vector_store %arg12[%swap3A_570, %swap3A_571], %swap3A_574 {strides = array<i32>} : memref<64x768xf32, #tpu.memory_space<vmem>>, vector<1x16xf32>,
      %get3A_575 = arith.index_cast %add3A_168 : i32 to index
      %get3A_576 = arith.constant 400 : index
      %get3A_577 = tpu.vector_load %arg12[%get3A_575, %get3A_576] {strides = array<i32>} : memref<64x768xf32, #tpu.memory_space<vmem>>, vector<1x16xf32>,
      %get3A_578 = vector.shape_cast %get3A_577 : vector<1x16xf32> to vector<16xf32>
      %mul3A_579 = arith.mulf %get3A_578, %get3A_171 : vector<16xf32>
      %get3A_580 = arith.index_cast %add3A_168 : i32 to index
      %get3A_581 = arith.constant 400 : index
      %get3A_582 = tpu.vector_load %arg13[%get3A_580, %get3A_581] {strides = array<i32>} : memref<64x768xf32, #tpu.memory_space<vmem>>, vector<1x16xf32>,
      %get3A_583 = vector.shape_cast %get3A_582 : vector<1x16xf32> to vector<16xf32>
      %mul3A_584 = arith.mulf %get3A_583, %get3A_175 : vector<16xf32>
      %add3A_585 = arith.addf %mul3A_579, %mul3A_584 : vector<16xf32>
      %swap3A_586 = arith.index_cast %add3A_168 : i32 to index
      %swap3A_587 = arith.constant 400 : index
      %swap3A_588 = tpu.vector_load %arg12[%swap3A_586, %swap3A_587] {strides = array<i32>} : memref<64x768xf32, #tpu.memory_space<vmem>>, vector<1x16xf32>,
      %swap3A_589 = vector.shape_cast %swap3A_588 : vector<1x16xf32> to vector<16xf32>
      %swap3A_590 = vector.shape_cast %add3A_585 : vector<16xf32> to vector<1x16xf32>
      tpu.vector_store %arg12[%swap3A_586, %swap3A_587], %swap3A_590 {strides = array<i32>} : memref<64x768xf32, #tpu.memory_space<vmem>>, vector<1x16xf32>,
      %get3A_591 = arith.index_cast %add3A_168 : i32 to index
      %get3A_592 = arith.constant 416 : index
      %get3A_593 = tpu.vector_load %arg12[%get3A_591, %get3A_592] {strides = array<i32>} : memref<64x768xf32, #tpu.memory_space<vmem>>, vector<1x16xf32>,
      %get3A_594 = vector.shape_cast %get3A_593 : vector<1x16xf32> to vector<16xf32>
      %mul3A_595 = arith.mulf %get3A_594, %get3A_171 : vector<16xf32>
      %get3A_596 = arith.index_cast %add3A_168 : i32 to index
      %get3A_597 = arith.constant 416 : index
      %get3A_598 = tpu.vector_load %arg13[%get3A_596, %get3A_597] {strides = array<i32>} : memref<64x768xf32, #tpu.memory_space<vmem>>, vector<1x16xf32>,
      %get3A_599 = vector.shape_cast %get3A_598 : vector<1x16xf32> to vector<16xf32>
      %mul3A_600 = arith.mulf %get3A_599, %get3A_175 : vector<16xf32>
      %add3A_601 = arith.addf %mul3A_595, %mul3A_600 : vector<16xf32>
      %swap3A_602 = arith.index_cast %add3A_168 : i32 to index
      %swap3A_603 = arith.constant 416 : index
      %swap3A_604 = tpu.vector_load %arg12[%swap3A_602, %swap3A_603] {strides = array<i32>} : memref<64x768xf32, #tpu.memory_space<vmem>>, vector<1x16xf32>,
      %swap3A_605 = vector.shape_cast %swap3A_604 : vector<1x16xf32> to vector<16xf32>
      %swap3A_606 = vector.shape_cast %add3A_601 : vector<16xf32> to vector<1x16xf32>
      tpu.vector_store %arg12[%swap3A_602, %swap3A_603], %swap3A_606 {strides = array<i32>} : memref<64x768xf32, #tpu.memory_space<vmem>>, vector<1x16xf32>,
      %get3A_607 = arith.index_cast %add3A_168 : i32 to index
      %get3A_608 = arith.constant 432 : index
      %get3A_609 = tpu.vector_load %arg12[%get3A_607, %get3A_608] {strides = array<i32>} : memref<64x768xf32, #tpu.memory_space<vmem>>, vector<1x16xf32>,
      %get3A_610 = vector.shape_cast %get3A_609 : vector<1x16xf32> to vector<16xf32>
      %mul3A_611 = arith.mulf %get3A_610, %get3A_171 : vector<16xf32>
      %get3A_612 = arith.index_cast %add3A_168 : i32 to index
      %get3A_613 = arith.constant 432 : index
      %get3A_614 = tpu.vector_load %arg13[%get3A_612, %get3A_613] {strides = array<i32>} : memref<64x768xf32, #tpu.memory_space<vmem>>, vector<1x16xf32>,
      %get3A_615 = vector.shape_cast %get3A_614 : vector<1x16xf32> to vector<16xf32>
      %mul3A_616 = arith.mulf %get3A_615, %get3A_175 : vector<16xf32>
      %add3A_617 = arith.addf %mul3A_611, %mul3A_616 : vector<16xf32>
      %swap3A_618 = arith.index_cast %add3A_168 : i32 to index
      %swap3A_619 = arith.constant 432 : index
      %swap3A_620 = tpu.vector_load %arg12[%swap3A_618, %swap3A_619] {strides = array<i32>} : memref<64x768xf32, #tpu.memory_space<vmem>>, vector<1x16xf32>,
      %swap3A_621 = vector.shape_cast %swap3A_620 : vector<1x16xf32> to vector<16xf32>
      %swap3A_622 = vector.shape_cast %add3A_617 : vector<16xf32> to vector<1x16xf32>
      tpu.vector_store %arg12[%swap3A_618, %swap3A_619], %swap3A_622 {strides = array<i32>} : memref<64x768xf32, #tpu.memory_space<vmem>>, vector<1x16xf32>,
      %get3A_623 = arith.index_cast %add3A_168 : i32 to index
      %get3A_624 = arith.constant 448 : index
      %get3A_625 = tpu.vector_load %arg12[%get3A_623, %get3A_624] {strides = array<i32>} : memref<64x768xf32, #tpu.memory_space<vmem>>, vector<1x16xf32>,
      %get3A_626 = vector.shape_cast %get3A_625 : vector<1x16xf32> to vector<16xf32>
      %mul3A_627 = arith.mulf %get3A_626, %get3A_171 : vector<16xf32>
      %get3A_628 = arith.index_cast %add3A_168 : i32 to index
      %get3A_629 = arith.constant 448 : index
      %get3A_630 = tpu.vector_load %arg13[%get3A_628, %get3A_629] {strides = array<i32>} : memref<64x768xf32, #tpu.memory_space<vmem>>, vector<1x16xf32>,
      %get3A_631 = vector.shape_cast %get3A_630 : vector<1x16xf32> to vector<16xf32>
      %mul3A_632 = arith.mulf %get3A_631, %get3A_175 : vector<16xf32>
      %add3A_633 = arith.addf %mul3A_627, %mul3A_632 : vector<16xf32>
      %swap3A_634 = arith.index_cast %add3A_168 : i32 to index
      %swap3A_635 = arith.constant 448 : index
      %swap3A_636 = tpu.vector_load %arg12[%swap3A_634, %swap3A_635] {strides = array<i32>} : memref<64x768xf32, #tpu.memory_space<vmem>>, vector<1x16xf32>,
      %swap3A_637 = vector.shape_cast %swap3A_636 : vector<1x16xf32> to vector<16xf32>
      %swap3A_638 = vector.shape_cast %add3A_633 : vector<16xf32> to vector<1x16xf32>
      tpu.vector_store %arg12[%swap3A_634, %swap3A_635], %swap3A_638 {strides = array<i32>} : memref<64x768xf32, #tpu.memory_space<vmem>>, vector<1x16xf32>,
      %get3A_639 = arith.index_cast %add3A_168 : i32 to index
      %get3A_640 = arith.constant 464 : index
      %get3A_641 = tpu.vector_load %arg12[%get3A_639, %get3A_640] {strides = array<i32>} : memref<64x768xf32, #tpu.memory_space<vmem>>, vector<1x16xf32>,
      %get3A_642 = vector.shape_cast %get3A_641 : vector<1x16xf32> to vector<16xf32>
      %mul3A_643 = arith.mulf %get3A_642, %get3A_171 : vector<16xf32>
      %get3A_644 = arith.index_cast %add3A_168 : i32 to index
      %get3A_645 = arith.constant 464 : index
      %get3A_646 = tpu.vector_load %arg13[%get3A_644, %get3A_645] {strides = array<i32>} : memref<64x768xf32, #tpu.memory_space<vmem>>, vector<1x16xf32>,
      %get3A_647 = vector.shape_cast %get3A_646 : vector<1x16xf32> to vector<16xf32>
      %mul3A_648 = arith.mulf %get3A_647, %get3A_175 : vector<16xf32>
      %add3A_649 = arith.addf %mul3A_643, %mul3A_648 : vector<16xf32>
      %swap3A_650 = arith.index_cast %add3A_168 : i32 to index
      %swap3A_651 = arith.constant 464 : index
      %swap3A_652 = tpu.vector_load %arg12[%swap3A_650, %swap3A_651] {strides = array<i32>} : memref<64x768xf32, #tpu.memory_space<vmem>>, vector<1x16xf32>,
      %swap3A_653 = vector.shape_cast %swap3A_652 : vector<1x16xf32> to vector<16xf32>
      %swap3A_654 = vector.shape_cast %add3A_649 : vector<16xf32> to vector<1x16xf32>
      tpu.vector_store %arg12[%swap3A_650, %swap3A_651], %swap3A_654 {strides = array<i32>} : memref<64x768xf32, #tpu.memory_space<vmem>>, vector<1x16xf32>,
      %get3A_655 = arith.index_cast %add3A_168 : i32 to index
      %get3A_656 = arith.constant 480 : index
      %get3A_657 = tpu.vector_load %arg12[%get3A_655, %get3A_656] {strides = array<i32>} : memref<64x768xf32, #tpu.memory_space<vmem>>, vector<1x16xf32>,
      %get3A_658 = vector.shape_cast %get3A_657 : vector<1x16xf32> to vector<16xf32>
      %mul3A_659 = arith.mulf %get3A_658, %get3A_171 : vector<16xf32>
      %get3A_660 = arith.index_cast %add3A_168 : i32 to index
      %get3A_661 = arith.constant 480 : index
      %get3A_662 = tpu.vector_load %arg13[%get3A_660, %get3A_661] {strides = array<i32>} : memref<64x768xf32, #tpu.memory_space<vmem>>, vector<1x16xf32>,
      %get3A_663 = vector.shape_cast %get3A_662 : vector<1x16xf32> to vector<16xf32>
      %mul3A_664 = arith.mulf %get3A_663, %get3A_175 : vector<16xf32>
      %add3A_665 = arith.addf %mul3A_659, %mul3A_664 : vector<16xf32>
      %swap3A_666 = arith.index_cast %add3A_168 : i32 to index
      %swap3A_667 = arith.constant 480 : index
      %swap3A_668 = tpu.vector_load %arg12[%swap3A_666, %swap3A_667] {strides = array<i32>} : memref<64x768xf32, #tpu.memory_space<vmem>>, vector<1x16xf32>,
      %swap3A_669 = vector.shape_cast %swap3A_668 : vector<1x16xf32> to vector<16xf32>
      %swap3A_670 = vector.shape_cast %add3A_665 : vector<16xf32> to vector<1x16xf32>
      tpu.vector_store %arg12[%swap3A_666, %swap3A_667], %swap3A_670 {strides = array<i32>} : memref<64x768xf32, #tpu.memory_space<vmem>>, vector<1x16xf32>,
      %get3A_671 = arith.index_cast %add3A_168 : i32 to index
      %get3A_672 = arith.constant 496 : index
      %get3A_673 = tpu.vector_load %arg12[%get3A_671, %get3A_672] {strides = array<i32>} : memref<64x768xf32, #tpu.memory_space<vmem>>, vector<1x16xf32>,
      %get3A_674 = vector.shape_cast %get3A_673 : vector<1x16xf32> to vector<16xf32>
      %mul3A_675 = arith.mulf %get3A_674, %get3A_171 : vector<16xf32>
      %get3A_676 = arith.index_cast %add3A_168 : i32 to index
      %get3A_677 = arith.constant 496 : index
      %get3A_678 = tpu.vector_load %arg13[%get3A_676, %get3A_677] {strides = array<i32>} : memref<64x768xf32, #tpu.memory_space<vmem>>, vector<1x16xf32>,
      %get3A_679 = vector.shape_cast %get3A_678 : vector<1x16xf32> to vector<16xf32>
      %mul3A_680 = arith.mulf %get3A_679, %get3A_175 : vector<16xf32>
      %add3A_681 = arith.addf %mul3A_675, %mul3A_680 : vector<16xf32>
      %swap3A_682 = arith.index_cast %add3A_168 : i32 to index
      %swap3A_683 = arith.constant 496 : index
      %swap3A_684 = tpu.vector_load %arg12[%swap3A_682, %swap3A_683] {strides = array<i32>} : memref<64x768xf32, #tpu.memory_space<vmem>>, vector<1x16xf32>,
      %swap3A_685 = vector.shape_cast %swap3A_684 : vector<1x16xf32> to vector<16xf32>
      %swap3A_686 = vector.shape_cast %add3A_681 : vector<16xf32> to vector<1x16xf32>
      tpu.vector_store %arg12[%swap3A_682, %swap3A_683], %swap3A_686 {strides = array<i32>} : memref<64x768xf32, #tpu.memory_space<vmem>>, vector<1x16xf32>,
      %get3A_687 = arith.index_cast %add3A_168 : i32 to index
      %get3A_688 = arith.constant 512 : index
      %get3A_689 = tpu.vector_load %arg12[%get3A_687, %get3A_688] {strides = array<i32>} : memref<64x768xf32, #tpu.memory_space<vmem>>, vector<1x16xf32>,
      %get3A_690 = vector.shape_cast %get3A_689 : vector<1x16xf32> to vector<16xf32>
      %mul3A_691 = arith.mulf %get3A_690, %get3A_171 : vector<16xf32>
      %get3A_692 = arith.index_cast %add3A_168 : i32 to index
      %get3A_693 = arith.constant 512 : index
      %get3A_694 = tpu.vector_load %arg13[%get3A_692, %get3A_693] {strides = array<i32>} : memref<64x768xf32, #tpu.memory_space<vmem>>, vector<1x16xf32>,
      %get3A_695 = vector.shape_cast %get3A_694 : vector<1x16xf32> to vector<16xf32>
      %mul3A_696 = arith.mulf %get3A_695, %get3A_175 : vector<16xf32>
      %add3A_697 = arith.addf %mul3A_691, %mul3A_696 : vector<16xf32>
      %swap3A_698 = arith.index_cast %add3A_168 : i32 to index
      %swap3A_699 = arith.constant 512 : index
      %swap3A_700 = tpu.vector_load %arg12[%swap3A_698, %swap3A_699] {strides = array<i32>} : memref<64x768xf32, #tpu.memory_space<vmem>>, vector<1x16xf32>,
      %swap3A_701 = vector.shape_cast %swap3A_700 : vector<1x16xf32> to vector<16xf32>
      %swap3A_702 = vector.shape_cast %add3A_697 : vector<16xf32> to vector<1x16xf32>
      tpu.vector_store %arg12[%swap3A_698, %swap3A_699], %swap3A_702 {strides = array<i32>} : memref<64x768xf32, #tpu.memory_space<vmem>>, vector<1x16xf32>,
      %get3A_703 = arith.index_cast %add3A_168 : i32 to index
      %get3A_704 = arith.constant 528 : index
      %get3A_705 = tpu.vector_load %arg12[%get3A_703, %get3A_704] {strides = array<i32>} : memref<64x768xf32, #tpu.memory_space<vmem>>, vector<1x16xf32>,
      %get3A_706 = vector.shape_cast %get3A_705 : vector<1x16xf32> to vector<16xf32>
      %mul3A_707 = arith.mulf %get3A_706, %get3A_171 : vector<16xf32>
      %get3A_708 = arith.index_cast %add3A_168 : i32 to index
      %get3A_709 = arith.constant 528 : index
      %get3A_710 = tpu.vector_load %arg13[%get3A_708, %get3A_709] {strides = array<i32>} : memref<64x768xf32, #tpu.memory_space<vmem>>, vector<1x16xf32>,
      %get3A_711 = vector.shape_cast %get3A_710 : vector<1x16xf32> to vector<16xf32>
      %mul3A_712 = arith.mulf %get3A_711, %get3A_175 : vector<16xf32>
      %add3A_713 = arith.addf %mul3A_707, %mul3A_712 : vector<16xf32>
      %swap3A_714 = arith.index_cast %add3A_168 : i32 to index
      %swap3A_715 = arith.constant 528 : index
      %swap3A_716 = tpu.vector_load %arg12[%swap3A_714, %swap3A_715] {strides = array<i32>} : memref<64x768xf32, #tpu.memory_space<vmem>>, vector<1x16xf32>,
      %swap3A_717 = vector.shape_cast %swap3A_716 : vector<1x16xf32> to vector<16xf32>
      %swap3A_718 = vector.shape_cast %add3A_713 : vector<16xf32> to vector<1x16xf32>
      tpu.vector_store %arg12[%swap3A_714, %swap3A_715], %swap3A_718 {strides = array<i32>} : memref<64x768xf32, #tpu.memory_space<vmem>>, vector<1x16xf32>,
      %get3A_719 = arith.index_cast %add3A_168 : i32 to index
      %get3A_720 = arith.constant 544 : index
      %get3A_721 = tpu.vector_load %arg12[%get3A_719, %get3A_720] {strides = array<i32>} : memref<64x768xf32, #tpu.memory_space<vmem>>, vector<1x16xf32>,
      %get3A_722 = vector.shape_cast %get3A_721 : vector<1x16xf32> to vector<16xf32>
      %mul3A_723 = arith.mulf %get3A_722, %get3A_171 : vector<16xf32>
      %get3A_724 = arith.index_cast %add3A_168 : i32 to index
      %get3A_725 = arith.constant 544 : index
      %get3A_726 = tpu.vector_load %arg13[%get3A_724, %get3A_725] {strides = array<i32>} : memref<64x768xf32, #tpu.memory_space<vmem>>, vector<1x16xf32>,
      %get3A_727 = vector.shape_cast %get3A_726 : vector<1x16xf32> to vector<16xf32>
      %mul3A_728 = arith.mulf %get3A_727, %get3A_175 : vector<16xf32>
      %add3A_729 = arith.addf %mul3A_723, %mul3A_728 : vector<16xf32>
      %swap3A_730 = arith.index_cast %add3A_168 : i32 to index
      %swap3A_731 = arith.constant 544 : index
      %swap3A_732 = tpu.vector_load %arg12[%swap3A_730, %swap3A_731] {strides = array<i32>} : memref<64x768xf32, #tpu.memory_space<vmem>>, vector<1x16xf32>,
      %swap3A_733 = vector.shape_cast %swap3A_732 : vector<1x16xf32> to vector<16xf32>
      %swap3A_734 = vector.shape_cast %add3A_729 : vector<16xf32> to vector<1x16xf32>
      tpu.vector_store %arg12[%swap3A_730, %swap3A_731], %swap3A_734 {strides = array<i32>} : memref<64x768xf32, #tpu.memory_space<vmem>>, vector<1x16xf32>,
      %get3A_735 = arith.index_cast %add3A_168 : i32 to index
      %get3A_736 = arith.constant 560 : index
      %get3A_737 = tpu.vector_load %arg12[%get3A_735, %get3A_736] {strides = array<i32>} : memref<64x768xf32, #tpu.memory_space<vmem>>, vector<1x16xf32>,
      %get3A_738 = vector.shape_cast %get3A_737 : vector<1x16xf32> to vector<16xf32>
      %mul3A_739 = arith.mulf %get3A_738, %get3A_171 : vector<16xf32>
      %get3A_740 = arith.index_cast %add3A_168 : i32 to index
      %get3A_741 = arith.constant 560 : index
      %get3A_742 = tpu.vector_load %arg13[%get3A_740, %get3A_741] {strides = array<i32>} : memref<64x768xf32, #tpu.memory_space<vmem>>, vector<1x16xf32>,
      %get3A_743 = vector.shape_cast %get3A_742 : vector<1x16xf32> to vector<16xf32>
      %mul3A_744 = arith.mulf %get3A_743, %get3A_175 : vector<16xf32>
      %add3A_745 = arith.addf %mul3A_739, %mul3A_744 : vector<16xf32>
      %swap3A_746 = arith.index_cast %add3A_168 : i32 to index
      %swap3A_747 = arith.constant 560 : index
      %swap3A_748 = tpu.vector_load %arg12[%swap3A_746, %swap3A_747] {strides = array<i32>} : memref<64x768xf32, #tpu.memory_space<vmem>>, vector<1x16xf32>,
      %swap3A_749 = vector.shape_cast %swap3A_748 : vector<1x16xf32> to vector<16xf32>
      %swap3A_750 = vector.shape_cast %add3A_745 : vector<16xf32> to vector<1x16xf32>
      tpu.vector_store %arg12[%swap3A_746, %swap3A_747], %swap3A_750 {strides = array<i32>} : memref<64x768xf32, #tpu.memory_space<vmem>>, vector<1x16xf32>,
      %get3A_751 = arith.index_cast %add3A_168 : i32 to index
      %get3A_752 = arith.constant 576 : index
      %get3A_753 = tpu.vector_load %arg12[%get3A_751, %get3A_752] {strides = array<i32>} : memref<64x768xf32, #tpu.memory_space<vmem>>, vector<1x16xf32>,
      %get3A_754 = vector.shape_cast %get3A_753 : vector<1x16xf32> to vector<16xf32>
      %mul3A_755 = arith.mulf %get3A_754, %get3A_171 : vector<16xf32>
      %get3A_756 = arith.index_cast %add3A_168 : i32 to index
      %get3A_757 = arith.constant 576 : index
      %get3A_758 = tpu.vector_load %arg13[%get3A_756, %get3A_757] {strides = array<i32>} : memref<64x768xf32, #tpu.memory_space<vmem>>, vector<1x16xf32>,
      %get3A_759 = vector.shape_cast %get3A_758 : vector<1x16xf32> to vector<16xf32>
      %mul3A_760 = arith.mulf %get3A_759, %get3A_175 : vector<16xf32>
      %add3A_761 = arith.addf %mul3A_755, %mul3A_760 : vector<16xf32>
      %swap3A_762 = arith.index_cast %add3A_168 : i32 to index
      %swap3A_763 = arith.constant 576 : index
      %swap3A_764 = tpu.vector_load %arg12[%swap3A_762, %swap3A_763] {strides = array<i32>} : memref<64x768xf32, #tpu.memory_space<vmem>>, vector<1x16xf32>,
      %swap3A_765 = vector.shape_cast %swap3A_764 : vector<1x16xf32> to vector<16xf32>
      %swap3A_766 = vector.shape_cast %add3A_761 : vector<16xf32> to vector<1x16xf32>
      tpu.vector_store %arg12[%swap3A_762, %swap3A_763], %swap3A_766 {strides = array<i32>} : memref<64x768xf32, #tpu.memory_space<vmem>>, vector<1x16xf32>,
      %get3A_767 = arith.index_cast %add3A_168 : i32 to index
      %get3A_768 = arith.constant 592 : index
      %get3A_769 = tpu.vector_load %arg12[%get3A_767, %get3A_768] {strides = array<i32>} : memref<64x768xf32, #tpu.memory_space<vmem>>, vector<1x16xf32>,
      %get3A_770 = vector.shape_cast %get3A_769 : vector<1x16xf32> to vector<16xf32>
      %mul3A_771 = arith.mulf %get3A_770, %get3A_171 : vector<16xf32>
      %get3A_772 = arith.index_cast %add3A_168 : i32 to index
      %get3A_773 = arith.constant 592 : index
      %get3A_774 = tpu.vector_load %arg13[%get3A_772, %get3A_773] {strides = array<i32>} : memref<64x768xf32, #tpu.memory_space<vmem>>, vector<1x16xf32>,
      %get3A_775 = vector.shape_cast %get3A_774 : vector<1x16xf32> to vector<16xf32>
      %mul3A_776 = arith.mulf %get3A_775, %get3A_175 : vector<16xf32>
      %add3A_777 = arith.addf %mul3A_771, %mul3A_776 : vector<16xf32>
      %swap3A_778 = arith.index_cast %add3A_168 : i32 to index
      %swap3A_779 = arith.constant 592 : index
      %swap3A_780 = tpu.vector_load %arg12[%swap3A_778, %swap3A_779] {strides = array<i32>} : memref<64x768xf32, #tpu.memory_space<vmem>>, vector<1x16xf32>,
      %swap3A_781 = vector.shape_cast %swap3A_780 : vector<1x16xf32> to vector<16xf32>
      %swap3A_782 = vector.shape_cast %add3A_777 : vector<16xf32> to vector<1x16xf32>
      tpu.vector_store %arg12[%swap3A_778, %swap3A_779], %swap3A_782 {strides = array<i32>} : memref<64x768xf32, #tpu.memory_space<vmem>>, vector<1x16xf32>,
      %get3A_783 = arith.index_cast %add3A_168 : i32 to index
      %get3A_784 = arith.constant 608 : index
      %get3A_785 = tpu.vector_load %arg12[%get3A_783, %get3A_784] {strides = array<i32>} : memref<64x768xf32, #tpu.memory_space<vmem>>, vector<1x16xf32>,
      %get3A_786 = vector.shape_cast %get3A_785 : vector<1x16xf32> to vector<16xf32>
      %mul3A_787 = arith.mulf %get3A_786, %get3A_171 : vector<16xf32>
      %get3A_788 = arith.index_cast %add3A_168 : i32 to index
      %get3A_789 = arith.constant 608 : index
      %get3A_790 = tpu.vector_load %arg13[%get3A_788, %get3A_789] {strides = array<i32>} : memref<64x768xf32, #tpu.memory_space<vmem>>, vector<1x16xf32>,
      %get3A_791 = vector.shape_cast %get3A_790 : vector<1x16xf32> to vector<16xf32>
      %mul3A_792 = arith.mulf %get3A_791, %get3A_175 : vector<16xf32>
      %add3A_793 = arith.addf %mul3A_787, %mul3A_792 : vector<16xf32>
      %swap3A_794 = arith.index_cast %add3A_168 : i32 to index
      %swap3A_795 = arith.constant 608 : index
      %swap3A_796 = tpu.vector_load %arg12[%swap3A_794, %swap3A_795] {strides = array<i32>} : memref<64x768xf32, #tpu.memory_space<vmem>>, vector<1x16xf32>,
      %swap3A_797 = vector.shape_cast %swap3A_796 : vector<1x16xf32> to vector<16xf32>
      %swap3A_798 = vector.shape_cast %add3A_793 : vector<16xf32> to vector<1x16xf32>
      tpu.vector_store %arg12[%swap3A_794, %swap3A_795], %swap3A_798 {strides = array<i32>} : memref<64x768xf32, #tpu.memory_space<vmem>>, vector<1x16xf32>,
      %get3A_799 = arith.index_cast %add3A_168 : i32 to index
      %get3A_800 = arith.constant 624 : index
      %get3A_801 = tpu.vector_load %arg12[%get3A_799, %get3A_800] {strides = array<i32>} : memref<64x768xf32, #tpu.memory_space<vmem>>, vector<1x16xf32>,
      %get3A_802 = vector.shape_cast %get3A_801 : vector<1x16xf32> to vector<16xf32>
      %mul3A_803 = arith.mulf %get3A_802, %get3A_171 : vector<16xf32>
      %get3A_804 = arith.index_cast %add3A_168 : i32 to index
      %get3A_805 = arith.constant 624 : index
      %get3A_806 = tpu.vector_load %arg13[%get3A_804, %get3A_805] {strides = array<i32>} : memref<64x768xf32, #tpu.memory_space<vmem>>, vector<1x16xf32>,
      %get3A_807 = vector.shape_cast %get3A_806 : vector<1x16xf32> to vector<16xf32>
      %mul3A_808 = arith.mulf %get3A_807, %get3A_175 : vector<16xf32>
      %add3A_809 = arith.addf %mul3A_803, %mul3A_808 : vector<16xf32>
      %swap3A_810 = arith.index_cast %add3A_168 : i32 to index
      %swap3A_811 = arith.constant 624 : index
      %swap3A_812 = tpu.vector_load %arg12[%swap3A_810, %swap3A_811] {strides = array<i32>} : memref<64x768xf32, #tpu.memory_space<vmem>>, vector<1x16xf32>,
      %swap3A_813 = vector.shape_cast %swap3A_812 : vector<1x16xf32> to vector<16xf32>
      %swap3A_814 = vector.shape_cast %add3A_809 : vector<16xf32> to vector<1x16xf32>
      tpu.vector_store %arg12[%swap3A_810, %swap3A_811], %swap3A_814 {strides = array<i32>} : memref<64x768xf32, #tpu.memory_space<vmem>>, vector<1x16xf32>,
      %get3A_815 = arith.index_cast %add3A_168 : i32 to index
      %get3A_816 = arith.constant 640 : index
      %get3A_817 = tpu.vector_load %arg12[%get3A_815, %get3A_816] {strides = array<i32>} : memref<64x768xf32, #tpu.memory_space<vmem>>, vector<1x16xf32>,
      %get3A_818 = vector.shape_cast %get3A_817 : vector<1x16xf32> to vector<16xf32>
      %mul3A_819 = arith.mulf %get3A_818, %get3A_171 : vector<16xf32>
      %get3A_820 = arith.index_cast %add3A_168 : i32 to index
      %get3A_821 = arith.constant 640 : index
      %get3A_822 = tpu.vector_load %arg13[%get3A_820, %get3A_821] {strides = array<i32>} : memref<64x768xf32, #tpu.memory_space<vmem>>, vector<1x16xf32>,
      %get3A_823 = vector.shape_cast %get3A_822 : vector<1x16xf32> to vector<16xf32>
      %mul3A_824 = arith.mulf %get3A_823, %get3A_175 : vector<16xf32>
      %add3A_825 = arith.addf %mul3A_819, %mul3A_824 : vector<16xf32>
      %swap3A_826 = arith.index_cast %add3A_168 : i32 to index
      %swap3A_827 = arith.constant 640 : index
      %swap3A_828 = tpu.vector_load %arg12[%swap3A_826, %swap3A_827] {strides = array<i32>} : memref<64x768xf32, #tpu.memory_space<vmem>>, vector<1x16xf32>,
      %swap3A_829 = vector.shape_cast %swap3A_828 : vector<1x16xf32> to vector<16xf32>
      %swap3A_830 = vector.shape_cast %add3A_825 : vector<16xf32> to vector<1x16xf32>
      tpu.vector_store %arg12[%swap3A_826, %swap3A_827], %swap3A_830 {strides = array<i32>} : memref<64x768xf32, #tpu.memory_space<vmem>>, vector<1x16xf32>,
      %get3A_831 = arith.index_cast %add3A_168 : i32 to index
      %get3A_832 = arith.constant 656 : index
      %get3A_833 = tpu.vector_load %arg12[%get3A_831, %get3A_832] {strides = array<i32>} : memref<64x768xf32, #tpu.memory_space<vmem>>, vector<1x16xf32>,
      %get3A_834 = vector.shape_cast %get3A_833 : vector<1x16xf32> to vector<16xf32>
      %mul3A_835 = arith.mulf %get3A_834, %get3A_171 : vector<16xf32>
      %get3A_836 = arith.index_cast %add3A_168 : i32 to index
      %get3A_837 = arith.constant 656 : index
      %get3A_838 = tpu.vector_load %arg13[%get3A_836, %get3A_837] {strides = array<i32>} : memref<64x768xf32, #tpu.memory_space<vmem>>, vector<1x16xf32>,
      %get3A_839 = vector.shape_cast %get3A_838 : vector<1x16xf32> to vector<16xf32>
      %mul3A_840 = arith.mulf %get3A_839, %get3A_175 : vector<16xf32>
      %add3A_841 = arith.addf %mul3A_835, %mul3A_840 : vector<16xf32>
      %swap3A_842 = arith.index_cast %add3A_168 : i32 to index
      %swap3A_843 = arith.constant 656 : index
      %swap3A_844 = tpu.vector_load %arg12[%swap3A_842, %swap3A_843] {strides = array<i32>} : memref<64x768xf32, #tpu.memory_space<vmem>>, vector<1x16xf32>,
      %swap3A_845 = vector.shape_cast %swap3A_844 : vector<1x16xf32> to vector<16xf32>
      %swap3A_846 = vector.shape_cast %add3A_841 : vector<16xf32> to vector<1x16xf32>
      tpu.vector_store %arg12[%swap3A_842, %swap3A_843], %swap3A_846 {strides = array<i32>} : memref<64x768xf32, #tpu.memory_space<vmem>>, vector<1x16xf32>,
      %get3A_847 = arith.index_cast %add3A_168 : i32 to index
      %get3A_848 = arith.constant 672 : index
      %get3A_849 = tpu.vector_load %arg12[%get3A_847, %get3A_848] {strides = array<i32>} : memref<64x768xf32, #tpu.memory_space<vmem>>, vector<1x16xf32>,
      %get3A_850 = vector.shape_cast %get3A_849 : vector<1x16xf32> to vector<16xf32>
      %mul3A_851 = arith.mulf %get3A_850, %get3A_171 : vector<16xf32>
      %get3A_852 = arith.index_cast %add3A_168 : i32 to index
      %get3A_853 = arith.constant 672 : index
      %get3A_854 = tpu.vector_load %arg13[%get3A_852, %get3A_853] {strides = array<i32>} : memref<64x768xf32, #tpu.memory_space<vmem>>, vector<1x16xf32>,
      %get3A_855 = vector.shape_cast %get3A_854 : vector<1x16xf32> to vector<16xf32>
      %mul3A_856 = arith.mulf %get3A_855, %get3A_175 : vector<16xf32>
      %add3A_857 = arith.addf %mul3A_851, %mul3A_856 : vector<16xf32>
      %swap3A_858 = arith.index_cast %add3A_168 : i32 to index
      %swap3A_859 = arith.constant 672 : index
      %swap3A_860 = tpu.vector_load %arg12[%swap3A_858, %swap3A_859] {strides = array<i32>} : memref<64x768xf32, #tpu.memory_space<vmem>>, vector<1x16xf32>,
      %swap3A_861 = vector.shape_cast %swap3A_860 : vector<1x16xf32> to vector<16xf32>
      %swap3A_862 = vector.shape_cast %add3A_857 : vector<16xf32> to vector<1x16xf32>
      tpu.vector_store %arg12[%swap3A_858, %swap3A_859], %swap3A_862 {strides = array<i32>} : memref<64x768xf32, #tpu.memory_space<vmem>>, vector<1x16xf32>,
      %get3A_863 = arith.index_cast %add3A_168 : i32 to index
      %get3A_864 = arith.constant 688 : index
      %get3A_865 = tpu.vector_load %arg12[%get3A_863, %get3A_864] {strides = array<i32>} : memref<64x768xf32, #tpu.memory_space<vmem>>, vector<1x16xf32>,
      %get3A_866 = vector.shape_cast %get3A_865 : vector<1x16xf32> to vector<16xf32>
      %mul3A_867 = arith.mulf %get3A_866, %get3A_171 : vector<16xf32>
      %get3A_868 = arith.index_cast %add3A_168 : i32 to index
      %get3A_869 = arith.constant 688 : index
      %get3A_870 = tpu.vector_load %arg13[%get3A_868, %get3A_869] {strides = array<i32>} : memref<64x768xf32, #tpu.memory_space<vmem>>, vector<1x16xf32>,
      %get3A_871 = vector.shape_cast %get3A_870 : vector<1x16xf32> to vector<16xf32>
      %mul3A_872 = arith.mulf %get3A_871, %get3A_175 : vector<16xf32>
      %add3A_873 = arith.addf %mul3A_867, %mul3A_872 : vector<16xf32>
      %swap3A_874 = arith.index_cast %add3A_168 : i32 to index
      %swap3A_875 = arith.constant 688 : index
      %swap3A_876 = tpu.vector_load %arg12[%swap3A_874, %swap3A_875] {strides = array<i32>} : memref<64x768xf32, #tpu.memory_space<vmem>>, vector<1x16xf32>,
      %swap3A_877 = vector.shape_cast %swap3A_876 : vector<1x16xf32> to vector<16xf32>
      %swap3A_878 = vector.shape_cast %add3A_873 : vector<16xf32> to vector<1x16xf32>
      tpu.vector_store %arg12[%swap3A_874, %swap3A_875], %swap3A_878 {strides = array<i32>} : memref<64x768xf32, #tpu.memory_space<vmem>>, vector<1x16xf32>,
      %get3A_879 = arith.index_cast %add3A_168 : i32 to index
      %get3A_880 = arith.constant 704 : index
      %get3A_881 = tpu.vector_load %arg12[%get3A_879, %get3A_880] {strides = array<i32>} : memref<64x768xf32, #tpu.memory_space<vmem>>, vector<1x16xf32>,
      %get3A_882 = vector.shape_cast %get3A_881 : vector<1x16xf32> to vector<16xf32>
      %mul3A_883 = arith.mulf %get3A_882, %get3A_171 : vector<16xf32>
      %get3A_884 = arith.index_cast %add3A_168 : i32 to index
      %get3A_885 = arith.constant 704 : index
      %get3A_886 = tpu.vector_load %arg13[%get3A_884, %get3A_885] {strides = array<i32>} : memref<64x768xf32, #tpu.memory_space<vmem>>, vector<1x16xf32>,
      %get3A_887 = vector.shape_cast %get3A_886 : vector<1x16xf32> to vector<16xf32>
      %mul3A_888 = arith.mulf %get3A_887, %get3A_175 : vector<16xf32>
      %add3A_889 = arith.addf %mul3A_883, %mul3A_888 : vector<16xf32>
      %swap3A_890 = arith.index_cast %add3A_168 : i32 to index
      %swap3A_891 = arith.constant 704 : index
      %swap3A_892 = tpu.vector_load %arg12[%swap3A_890, %swap3A_891] {strides = array<i32>} : memref<64x768xf32, #tpu.memory_space<vmem>>, vector<1x16xf32>,
      %swap3A_893 = vector.shape_cast %swap3A_892 : vector<1x16xf32> to vector<16xf32>
      %swap3A_894 = vector.shape_cast %add3A_889 : vector<16xf32> to vector<1x16xf32>
      tpu.vector_store %arg12[%swap3A_890, %swap3A_891], %swap3A_894 {strides = array<i32>} : memref<64x768xf32, #tpu.memory_space<vmem>>, vector<1x16xf32>,
      %get3A_895 = arith.index_cast %add3A_168 : i32 to index
      %get3A_896 = arith.constant 720 : index
      %get3A_897 = tpu.vector_load %arg12[%get3A_895, %get3A_896] {strides = array<i32>} : memref<64x768xf32, #tpu.memory_space<vmem>>, vector<1x16xf32>,
      %get3A_898 = vector.shape_cast %get3A_897 : vector<1x16xf32> to vector<16xf32>
      %mul3A_899 = arith.mulf %get3A_898, %get3A_171 : vector<16xf32>
      %get3A_900 = arith.index_cast %add3A_168 : i32 to index
      %get3A_901 = arith.constant 720 : index
      %get3A_902 = tpu.vector_load %arg13[%get3A_900, %get3A_901] {strides = array<i32>} : memref<64x768xf32, #tpu.memory_space<vmem>>, vector<1x16xf32>,
      %get3A_903 = vector.shape_cast %get3A_902 : vector<1x16xf32> to vector<16xf32>
      %mul3A_904 = arith.mulf %get3A_903, %get3A_175 : vector<16xf32>
      %add3A_905 = arith.addf %mul3A_899, %mul3A_904 : vector<16xf32>
      %swap3A_906 = arith.index_cast %add3A_168 : i32 to index
      %swap3A_907 = arith.constant 720 : index
      %swap3A_908 = tpu.vector_load %arg12[%swap3A_906, %swap3A_907] {strides = array<i32>} : memref<64x768xf32, #tpu.memory_space<vmem>>, vector<1x16xf32>,
      %swap3A_909 = vector.shape_cast %swap3A_908 : vector<1x16xf32> to vector<16xf32>
      %swap3A_910 = vector.shape_cast %add3A_905 : vector<16xf32> to vector<1x16xf32>
      tpu.vector_store %arg12[%swap3A_906, %swap3A_907], %swap3A_910 {strides = array<i32>} : memref<64x768xf32, #tpu.memory_space<vmem>>, vector<1x16xf32>,
      %get3A_911 = arith.index_cast %add3A_168 : i32 to index
      %get3A_912 = arith.constant 736 : index
      %get3A_913 = tpu.vector_load %arg12[%get3A_911, %get3A_912] {strides = array<i32>} : memref<64x768xf32, #tpu.memory_space<vmem>>, vector<1x16xf32>,
      %get3A_914 = vector.shape_cast %get3A_913 : vector<1x16xf32> to vector<16xf32>
      %mul3A_915 = arith.mulf %get3A_914, %get3A_171 : vector<16xf32>
      %get3A_916 = arith.index_cast %add3A_168 : i32 to index
      %get3A_917 = arith.constant 736 : index
      %get3A_918 = tpu.vector_load %arg13[%get3A_916, %get3A_917] {strides = array<i32>} : memref<64x768xf32, #tpu.memory_space<vmem>>, vector<1x16xf32>,
      %get3A_919 = vector.shape_cast %get3A_918 : vector<1x16xf32> to vector<16xf32>
      %mul3A_920 = arith.mulf %get3A_919, %get3A_175 : vector<16xf32>
      %add3A_921 = arith.addf %mul3A_915, %mul3A_920 : vector<16xf32>
      %swap3A_922 = arith.index_cast %add3A_168 : i32 to index
      %swap3A_923 = arith.constant 736 : index
      %swap3A_924 = tpu.vector_load %arg12[%swap3A_922, %swap3A_923] {strides = array<i32>} : memref<64x768xf32, #tpu.memory_space<vmem>>, vector<1x16xf32>,
      %swap3A_925 = vector.shape_cast %swap3A_924 : vector<1x16xf32> to vector<16xf32>
      %swap3A_926 = vector.shape_cast %add3A_921 : vector<16xf32> to vector<1x16xf32>
      tpu.vector_store %arg12[%swap3A_922, %swap3A_923], %swap3A_926 {strides = array<i32>} : memref<64x768xf32, #tpu.memory_space<vmem>>, vector<1x16xf32>,
      %get3A_927 = arith.index_cast %add3A_168 : i32 to index
      %get3A_928 = arith.constant 752 : index
      %get3A_929 = tpu.vector_load %arg12[%get3A_927, %get3A_928] {strides = array<i32>} : memref<64x768xf32, #tpu.memory_space<vmem>>, vector<1x16xf32>,
      %get3A_930 = vector.shape_cast %get3A_929 : vector<1x16xf32> to vector<16xf32>
      %mul3A_931 = arith.mulf %get3A_930, %get3A_171 : vector<16xf32>
      %get3A_932 = arith.index_cast %add3A_168 : i32 to index
      %get3A_933 = arith.constant 752 : index
      %get3A_934 = tpu.vector_load %arg13[%get3A_932, %get3A_933] {strides = array<i32>} : memref<64x768xf32, #tpu.memory_space<vmem>>, vector<1x16xf32>,
      %get3A_935 = vector.shape_cast %get3A_934 : vector<1x16xf32> to vector<16xf32>
      %mul3A_936 = arith.mulf %get3A_935, %get3A_175 : vector<16xf32>
      %add3A_937 = arith.addf %mul3A_931, %mul3A_936 : vector<16xf32>
      %swap3A_938 = arith.index_cast %add3A_168 : i32 to index
      %swap3A_939 = arith.constant 752 : index
      %swap3A_940 = tpu.vector_load %arg12[%swap3A_938, %swap3A_939] {strides = array<i32>} : memref<64x768xf32, #tpu.memory_space<vmem>>, vector<1x16xf32>,
      %swap3A_941 = vector.shape_cast %swap3A_940 : vector<1x16xf32> to vector<16xf32>
      %swap3A_942 = vector.shape_cast %add3A_937 : vector<16xf32> to vector<1x16xf32>
      tpu.vector_store %arg12[%swap3A_938, %swap3A_939], %swap3A_942 {strides = array<i32>} : memref<64x768xf32, #tpu.memory_space<vmem>>, vector<1x16xf32>,
    }
    %scan3A_116 = arith.constant 32 : i32
    %dma_start3A_117 = arith.constant 0 : i32
    %dma_start3A_118 = arith.constant 0 : i32
    %dma_start3A_119 = tpu.memref_slice %arg12[%dma_start3A_117, %dma_start3A_118] : memref<64x768xf32, #tpu.memory_space<vmem>> -> memref<32x768xf32, #tpu.memory_space<vmem>>
    %dma_start3A_120 = arith.constant 0 : i32
    %dma_start3A_121 = tpu.memref_slice %arg7[%mul3A_2, %dma_start3A_120] : memref<2048x768xf32, #tpu.memory_space<hbm>> -> memref<32x768xf32, #tpu.memory_space<hbm>>
    %dma_start3A_122 = arith.constant 0 : i32
    %dma_start3A_123 = tpu.memref_slice %arg7[%mul3A_2, %dma_start3A_122] : memref<2048x768xf32, #tpu.memory_space<hbm>> -> memref<32x768xf32, #tpu.memory_space<hbm>>
    %dma_start3A_124 = arith.constant 0 : i32
    %dma_start3A_125 = arith.constant 0 : i32
    %dma_start3A_126 = tpu.memref_slice %arg12[%dma_start3A_124, %dma_start3A_125] : memref<64x768xf32, #tpu.memory_space<vmem>> -> memref<32x768xf32, #tpu.memory_space<vmem>>
    tpu.enqueue_dma source(%dma_start3A_126 : memref<32x768xf32, #tpu.memory_space<vmem>>) target(%dma_start3A_123 : memref<32x768xf32, #tpu.memory_space<hbm>>) target_semaphore(%arg14 : memref<!tpu.dma_semaphore, #tpu.memory_space<semaphore_mem>>)
    %dma_wait3A_127 = arith.constant 0 : i32
    %dma_wait3A_128 = arith.constant 32 : i32
    %dma_wait3A_129 = arith.constant 0 : i32
    %dma_wait3A_130 = tpu.memref_slice %arg12[%dma_wait3A_128, %dma_wait3A_129] : memref<64x768xf32, #tpu.memory_space<vmem>> -> memref<32x768xf32, #tpu.memory_space<vmem>>
    %dma_wait3A_131 = arith.constant 32 : i32
    %dma_wait3A_132 = tpu.memref_slice %arg8[%dma_wait3A_127, %dma_wait3A_131] : memref<1x64xi32, #tpu.memory_space<vmem>> -> memref<1x32xi32, #tpu.memory_space<vmem>>
    %dma_wait3A_133 = tpu.memref_squeeze %dma_wait3A_132 : memref<1x32xi32, #tpu.memory_space<vmem>> -> memref<32xi32, #tpu.memory_space<vmem>>
    %dma_wait3A_134 = arith.constant 0 : i32
    %dma_wait3A_135 = arith.constant 0 : i32
    %dma_wait3A_136 = tpu.memref_slice %arg2[%dma_wait3A_134, %dma_wait3A_135] : memref<5888x768xf32, #tpu.memory_space<hbm>> -> memref<5888x768xf32, #tpu.memory_space<hbm>>
    tpu.wait_indirect_dma semaphore(%arg16 : memref<!tpu.dma_semaphore, #tpu.memory_space<semaphore_mem>>) src(%dma_wait3A_136 : memref<5888x768xf32, #tpu.memory_space<hbm>>) dst(%dma_wait3A_130 : memref<32x768xf32, #tpu.memory_space<vmem>>)
    %dma_wait3A_137 = arith.constant 0 : i32
    %dma_wait3A_138 = arith.constant 32 : i32
    %dma_wait3A_139 = arith.constant 0 : i32
    %dma_wait3A_140 = tpu.memref_slice %arg13[%dma_wait3A_138, %dma_wait3A_139] : memref<64x768xf32, #tpu.memory_space<vmem>> -> memref<32x768xf32, #tpu.memory_space<vmem>>
    %dma_wait3A_141 = arith.constant 32 : i32
    %dma_wait3A_142 = tpu.memref_slice %arg9[%dma_wait3A_137, %dma_wait3A_141] : memref<1x64xi32, #tpu.memory_space<vmem>> -> memref<1x32xi32, #tpu.memory_space<vmem>>
    %dma_wait3A_143 = tpu.memref_squeeze %dma_wait3A_142 : memref<1x32xi32, #tpu.memory_space<vmem>> -> memref<32xi32, #tpu.memory_space<vmem>>
    %dma_wait3A_144 = arith.constant 0 : i32
    %dma_wait3A_145 = arith.constant 0 : i32
    %dma_wait3A_146 = tpu.memref_slice %arg2[%dma_wait3A_144, %dma_wait3A_145] : memref<5888x768xf32, #tpu.memory_space<hbm>> -> memref<5888x768xf32, #tpu.memory_space<hbm>>
    tpu.wait_indirect_dma semaphore(%arg17 : memref<!tpu.dma_semaphore, #tpu.memory_space<semaphore_mem>>) src(%dma_wait3A_146 : memref<5888x768xf32, #tpu.memory_space<hbm>>) dst(%dma_wait3A_140 : memref<32x768xf32, #tpu.memory_space<vmem>>)
    %scan3A_147 = arith.constant 0 : i32
    %scan3A_148 = arith.constant 32 : i32
    %scan3A_149 = arith.addi %scan3A_147, %scan3A_148 : i32
    %scan3A_150 = arith.constant 1 : i32
    scf.for %scan3A_164 = %scan3A_147 to %scan3A_149 step %scan3A_150  : i32 {
      %mul3A_165 = arith.constant 1 : i32
      %mul3A_166 = arith.muli %scan3A_164, %mul3A_165 : i32
      %add3A_167 = arith.constant 32 : i32
      %add3A_168 = arith.addi %add3A_167, %mul3A_166 : i32
      %get3A = arith.index_cast %add3A_168 : i32 to index
      %get3A_169 = arith.constant 0 : index
      %get3A_170 = tpu.vector_load %arg10[%get3A, %get3A_169] {strides = array<i32>} : memref<64x16xf32, #tpu.memory_space<vmem>>, vector<1x16xf32>,
      %get3A_171 = vector.shape_cast %get3A_170 : vector<1x16xf32> to vector<16xf32>
      %get3A_172 = arith.index_cast %add3A_168 : i32 to index
      %get3A_173 = arith.constant 0 : index
      %get3A_174 = tpu.vector_load %arg11[%get3A_172, %get3A_173] {strides = array<i32>} : memref<64x16xf32, #tpu.memory_space<vmem>>, vector<1x16xf32>,
      %get3A_175 = vector.shape_cast %get3A_174 : vector<1x16xf32> to vector<16xf32>
      %get3A_176 = arith.index_cast %add3A_168 : i32 to index
      %get3A_177 = arith.constant 0 : index
      %get3A_178 = tpu.vector_load %arg12[%get3A_176, %get3A_177] {strides = array<i32>} : memref<64x768xf32, #tpu.memory_space<vmem>>, vector<1x16xf32>,
      %get3A_179 = vector.shape_cast %get3A_178 : vector<1x16xf32> to vector<16xf32>
      %mul3A_180 = arith.mulf %get3A_179, %get3A_171 : vector<16xf32>
      %get3A_181 = arith.index_cast %add3A_168 : i32 to index
      %get3A_182 = arith.constant 0 : index
      %get3A_183 = tpu.vector_load %arg13[%get3A_181, %get3A_182] {strides = array<i32>} : memref<64x768xf32, #tpu.memory_space<vmem>>, vector<1x16xf32>,
      %get3A_184 = vector.shape_cast %get3A_183 : vector<1x16xf32> to vector<16xf32>
      %mul3A_185 = arith.mulf %get3A_184, %get3A_175 : vector<16xf32>
      %add3A_186 = arith.addf %mul3A_180, %mul3A_185 : vector<16xf32>
      %swap3A = arith.index_cast %add3A_168 : i32 to index
      %swap3A_187 = arith.constant 0 : index
      %swap3A_188 = tpu.vector_load %arg12[%swap3A, %swap3A_187] {strides = array<i32>} : memref<64x768xf32, #tpu.memory_space<vmem>>, vector<1x16xf32>,
      %swap3A_189 = vector.shape_cast %swap3A_188 : vector<1x16xf32> to vector<16xf32>
      %swap3A_190 = vector.shape_cast %add3A_186 : vector<16xf32> to vector<1x16xf32>
      tpu.vector_store %arg12[%swap3A, %swap3A_187], %swap3A_190 {strides = array<i32>} : memref<64x768xf32, #tpu.memory_space<vmem>>, vector<1x16xf32>,
      %get3A_191 = arith.index_cast %add3A_168 : i32 to index
      %get3A_192 = arith.constant 16 : index
      %get3A_193 = tpu.vector_load %arg12[%get3A_191, %get3A_192] {strides = array<i32>} : memref<64x768xf32, #tpu.memory_space<vmem>>, vector<1x16xf32>,
      %get3A_194 = vector.shape_cast %get3A_193 : vector<1x16xf32> to vector<16xf32>
      %mul3A_195 = arith.mulf %get3A_194, %get3A_171 : vector<16xf32>
      %get3A_196 = arith.index_cast %add3A_168 : i32 to index
      %get3A_197 = arith.constant 16 : index
      %get3A_198 = tpu.vector_load %arg13[%get3A_196, %get3A_197] {strides = array<i32>} : memref<64x768xf32, #tpu.memory_space<vmem>>, vector<1x16xf32>,
      %get3A_199 = vector.shape_cast %get3A_198 : vector<1x16xf32> to vector<16xf32>
      %mul3A_200 = arith.mulf %get3A_199, %get3A_175 : vector<16xf32>
      %add3A_201 = arith.addf %mul3A_195, %mul3A_200 : vector<16xf32>
      %swap3A_202 = arith.index_cast %add3A_168 : i32 to index
      %swap3A_203 = arith.constant 16 : index
      %swap3A_204 = tpu.vector_load %arg12[%swap3A_202, %swap3A_203] {strides = array<i32>} : memref<64x768xf32, #tpu.memory_space<vmem>>, vector<1x16xf32>,
      %swap3A_205 = vector.shape_cast %swap3A_204 : vector<1x16xf32> to vector<16xf32>
      %swap3A_206 = vector.shape_cast %add3A_201 : vector<16xf32> to vector<1x16xf32>
      tpu.vector_store %arg12[%swap3A_202, %swap3A_203], %swap3A_206 {strides = array<i32>} : memref<64x768xf32, #tpu.memory_space<vmem>>, vector<1x16xf32>,
      %get3A_207 = arith.index_cast %add3A_168 : i32 to index
      %get3A_208 = arith.constant 32 : index
      %get3A_209 = tpu.vector_load %arg12[%get3A_207, %get3A_208] {strides = array<i32>} : memref<64x768xf32, #tpu.memory_space<vmem>>, vector<1x16xf32>,
      %get3A_210 = vector.shape_cast %get3A_209 : vector<1x16xf32> to vector<16xf32>
      %mul3A_211 = arith.mulf %get3A_210, %get3A_171 : vector<16xf32>
      %get3A_212 = arith.index_cast %add3A_168 : i32 to index
      %get3A_213 = arith.constant 32 : index
      %get3A_214 = tpu.vector_load %arg13[%get3A_212, %get3A_213] {strides = array<i32>} : memref<64x768xf32, #tpu.memory_space<vmem>>, vector<1x16xf32>,
      %get3A_215 = vector.shape_cast %get3A_214 : vector<1x16xf32> to vector<16xf32>
      %mul3A_216 = arith.mulf %get3A_215, %get3A_175 : vector<16xf32>
      %add3A_217 = arith.addf %mul3A_211, %mul3A_216 : vector<16xf32>
      %swap3A_218 = arith.index_cast %add3A_168 : i32 to index
      %swap3A_219 = arith.constant 32 : index
      %swap3A_220 = tpu.vector_load %arg12[%swap3A_218, %swap3A_219] {strides = array<i32>} : memref<64x768xf32, #tpu.memory_space<vmem>>, vector<1x16xf32>,
      %swap3A_221 = vector.shape_cast %swap3A_220 : vector<1x16xf32> to vector<16xf32>
      %swap3A_222 = vector.shape_cast %add3A_217 : vector<16xf32> to vector<1x16xf32>
      tpu.vector_store %arg12[%swap3A_218, %swap3A_219], %swap3A_222 {strides = array<i32>} : memref<64x768xf32, #tpu.memory_space<vmem>>, vector<1x16xf32>,
      %get3A_223 = arith.index_cast %add3A_168 : i32 to index
      %get3A_224 = arith.constant 48 : index
      %get3A_225 = tpu.vector_load %arg12[%get3A_223, %get3A_224] {strides = array<i32>} : memref<64x768xf32, #tpu.memory_space<vmem>>, vector<1x16xf32>,
      %get3A_226 = vector.shape_cast %get3A_225 : vector<1x16xf32> to vector<16xf32>
      %mul3A_227 = arith.mulf %get3A_226, %get3A_171 : vector<16xf32>
      %get3A_228 = arith.index_cast %add3A_168 : i32 to index
      %get3A_229 = arith.constant 48 : index
      %get3A_230 = tpu.vector_load %arg13[%get3A_228, %get3A_229] {strides = array<i32>} : memref<64x768xf32, #tpu.memory_space<vmem>>, vector<1x16xf32>,
      %get3A_231 = vector.shape_cast %get3A_230 : vector<1x16xf32> to vector<16xf32>
      %mul3A_232 = arith.mulf %get3A_231, %get3A_175 : vector<16xf32>
      %add3A_233 = arith.addf %mul3A_227, %mul3A_232 : vector<16xf32>
      %swap3A_234 = arith.index_cast %add3A_168 : i32 to index
      %swap3A_235 = arith.constant 48 : index
      %swap3A_236 = tpu.vector_load %arg12[%swap3A_234, %swap3A_235] {strides = array<i32>} : memref<64x768xf32, #tpu.memory_space<vmem>>, vector<1x16xf32>,
      %swap3A_237 = vector.shape_cast %swap3A_236 : vector<1x16xf32> to vector<16xf32>
      %swap3A_238 = vector.shape_cast %add3A_233 : vector<16xf32> to vector<1x16xf32>
      tpu.vector_store %arg12[%swap3A_234, %swap3A_235], %swap3A_238 {strides = array<i32>} : memref<64x768xf32, #tpu.memory_space<vmem>>, vector<1x16xf32>,
      %get3A_239 = arith.index_cast %add3A_168 : i32 to index
      %get3A_240 = arith.constant 64 : index
      %get3A_241 = tpu.vector_load %arg12[%get3A_239, %get3A_240] {strides = array<i32>} : memref<64x768xf32, #tpu.memory_space<vmem>>, vector<1x16xf32>,
      %get3A_242 = vector.shape_cast %get3A_241 : vector<1x16xf32> to vector<16xf32>
      %mul3A_243 = arith.mulf %get3A_242, %get3A_171 : vector<16xf32>
      %get3A_244 = arith.index_cast %add3A_168 : i32 to index
      %get3A_245 = arith.constant 64 : index
      %get3A_246 = tpu.vector_load %arg13[%get3A_244, %get3A_245] {strides = array<i32>} : memref<64x768xf32, #tpu.memory_space<vmem>>, vector<1x16xf32>,
      %get3A_247 = vector.shape_cast %get3A_246 : vector<1x16xf32> to vector<16xf32>
      %mul3A_248 = arith.mulf %get3A_247, %get3A_175 : vector<16xf32>
      %add3A_249 = arith.addf %mul3A_243, %mul3A_248 : vector<16xf32>
      %swap3A_250 = arith.index_cast %add3A_168 : i32 to index
      %swap3A_251 = arith.constant 64 : index
      %swap3A_252 = tpu.vector_load %arg12[%swap3A_250, %swap3A_251] {strides = array<i32>} : memref<64x768xf32, #tpu.memory_space<vmem>>, vector<1x16xf32>,
      %swap3A_253 = vector.shape_cast %swap3A_252 : vector<1x16xf32> to vector<16xf32>
      %swap3A_254 = vector.shape_cast %add3A_249 : vector<16xf32> to vector<1x16xf32>
      tpu.vector_store %arg12[%swap3A_250, %swap3A_251], %swap3A_254 {strides = array<i32>} : memref<64x768xf32, #tpu.memory_space<vmem>>, vector<1x16xf32>,
      %get3A_255 = arith.index_cast %add3A_168 : i32 to index
      %get3A_256 = arith.constant 80 : index
      %get3A_257 = tpu.vector_load %arg12[%get3A_255, %get3A_256] {strides = array<i32>} : memref<64x768xf32, #tpu.memory_space<vmem>>, vector<1x16xf32>,
      %get3A_258 = vector.shape_cast %get3A_257 : vector<1x16xf32> to vector<16xf32>
      %mul3A_259 = arith.mulf %get3A_258, %get3A_171 : vector<16xf32>
      %get3A_260 = arith.index_cast %add3A_168 : i32 to index
      %get3A_261 = arith.constant 80 : index
      %get3A_262 = tpu.vector_load %arg13[%get3A_260, %get3A_261] {strides = array<i32>} : memref<64x768xf32, #tpu.memory_space<vmem>>, vector<1x16xf32>,
      %get3A_263 = vector.shape_cast %get3A_262 : vector<1x16xf32> to vector<16xf32>
      %mul3A_264 = arith.mulf %get3A_263, %get3A_175 : vector<16xf32>
      %add3A_265 = arith.addf %mul3A_259, %mul3A_264 : vector<16xf32>
      %swap3A_266 = arith.index_cast %add3A_168 : i32 to index
      %swap3A_267 = arith.constant 80 : index
      %swap3A_268 = tpu.vector_load %arg12[%swap3A_266, %swap3A_267] {strides = array<i32>} : memref<64x768xf32, #tpu.memory_space<vmem>>, vector<1x16xf32>,
      %swap3A_269 = vector.shape_cast %swap3A_268 : vector<1x16xf32> to vector<16xf32>
      %swap3A_270 = vector.shape_cast %add3A_265 : vector<16xf32> to vector<1x16xf32>
      tpu.vector_store %arg12[%swap3A_266, %swap3A_267], %swap3A_270 {strides = array<i32>} : memref<64x768xf32, #tpu.memory_space<vmem>>, vector<1x16xf32>,
      %get3A_271 = arith.index_cast %add3A_168 : i32 to index
      %get3A_272 = arith.constant 96 : index
      %get3A_273 = tpu.vector_load %arg12[%get3A_271, %get3A_272] {strides = array<i32>} : memref<64x768xf32, #tpu.memory_space<vmem>>, vector<1x16xf32>,
      %get3A_274 = vector.shape_cast %get3A_273 : vector<1x16xf32> to vector<16xf32>
      %mul3A_275 = arith.mulf %get3A_274, %get3A_171 : vector<16xf32>
      %get3A_276 = arith.index_cast %add3A_168 : i32 to index
      %get3A_277 = arith.constant 96 : index
      %get3A_278 = tpu.vector_load %arg13[%get3A_276, %get3A_277] {strides = array<i32>} : memref<64x768xf32, #tpu.memory_space<vmem>>, vector<1x16xf32>,
      %get3A_279 = vector.shape_cast %get3A_278 : vector<1x16xf32> to vector<16xf32>
      %mul3A_280 = arith.mulf %get3A_279, %get3A_175 : vector<16xf32>
      %add3A_281 = arith.addf %mul3A_275, %mul3A_280 : vector<16xf32>
      %swap3A_282 = arith.index_cast %add3A_168 : i32 to index
      %swap3A_283 = arith.constant 96 : index
      %swap3A_284 = tpu.vector_load %arg12[%swap3A_282, %swap3A_283] {strides = array<i32>} : memref<64x768xf32, #tpu.memory_space<vmem>>, vector<1x16xf32>,
      %swap3A_285 = vector.shape_cast %swap3A_284 : vector<1x16xf32> to vector<16xf32>
      %swap3A_286 = vector.shape_cast %add3A_281 : vector<16xf32> to vector<1x16xf32>
      tpu.vector_store %arg12[%swap3A_282, %swap3A_283], %swap3A_286 {strides = array<i32>} : memref<64x768xf32, #tpu.memory_space<vmem>>, vector<1x16xf32>,
      %get3A_287 = arith.index_cast %add3A_168 : i32 to index
      %get3A_288 = arith.constant 112 : index
      %get3A_289 = tpu.vector_load %arg12[%get3A_287, %get3A_288] {strides = array<i32>} : memref<64x768xf32, #tpu.memory_space<vmem>>, vector<1x16xf32>,
      %get3A_290 = vector.shape_cast %get3A_289 : vector<1x16xf32> to vector<16xf32>
      %mul3A_291 = arith.mulf %get3A_290, %get3A_171 : vector<16xf32>
      %get3A_292 = arith.index_cast %add3A_168 : i32 to index
      %get3A_293 = arith.constant 112 : index
      %get3A_294 = tpu.vector_load %arg13[%get3A_292, %get3A_293] {strides = array<i32>} : memref<64x768xf32, #tpu.memory_space<vmem>>, vector<1x16xf32>,
      %get3A_295 = vector.shape_cast %get3A_294 : vector<1x16xf32> to vector<16xf32>
      %mul3A_296 = arith.mulf %get3A_295, %get3A_175 : vector<16xf32>
      %add3A_297 = arith.addf %mul3A_291, %mul3A_296 : vector<16xf32>
      %swap3A_298 = arith.index_cast %add3A_168 : i32 to index
      %swap3A_299 = arith.constant 112 : index
      %swap3A_300 = tpu.vector_load %arg12[%swap3A_298, %swap3A_299] {strides = array<i32>} : memref<64x768xf32, #tpu.memory_space<vmem>>, vector<1x16xf32>,
      %swap3A_301 = vector.shape_cast %swap3A_300 : vector<1x16xf32> to vector<16xf32>
      %swap3A_302 = vector.shape_cast %add3A_297 : vector<16xf32> to vector<1x16xf32>
      tpu.vector_store %arg12[%swap3A_298, %swap3A_299], %swap3A_302 {strides = array<i32>} : memref<64x768xf32, #tpu.memory_space<vmem>>, vector<1x16xf32>,
      %get3A_303 = arith.index_cast %add3A_168 : i32 to index
      %get3A_304 = arith.constant 128 : index
      %get3A_305 = tpu.vector_load %arg12[%get3A_303, %get3A_304] {strides = array<i32>} : memref<64x768xf32, #tpu.memory_space<vmem>>, vector<1x16xf32>,
      %get3A_306 = vector.shape_cast %get3A_305 : vector<1x16xf32> to vector<16xf32>
      %mul3A_307 = arith.mulf %get3A_306, %get3A_171 : vector<16xf32>
      %get3A_308 = arith.index_cast %add3A_168 : i32 to index
      %get3A_309 = arith.constant 128 : index
      %get3A_310 = tpu.vector_load %arg13[%get3A_308, %get3A_309] {strides = array<i32>} : memref<64x768xf32, #tpu.memory_space<vmem>>, vector<1x16xf32>,
      %get3A_311 = vector.shape_cast %get3A_310 : vector<1x16xf32> to vector<16xf32>
      %mul3A_312 = arith.mulf %get3A_311, %get3A_175 : vector<16xf32>
      %add3A_313 = arith.addf %mul3A_307, %mul3A_312 : vector<16xf32>
      %swap3A_314 = arith.index_cast %add3A_168 : i32 to index
      %swap3A_315 = arith.constant 128 : index
      %swap3A_316 = tpu.vector_load %arg12[%swap3A_314, %swap3A_315] {strides = array<i32>} : memref<64x768xf32, #tpu.memory_space<vmem>>, vector<1x16xf32>,
      %swap3A_317 = vector.shape_cast %swap3A_316 : vector<1x16xf32> to vector<16xf32>
      %swap3A_318 = vector.shape_cast %add3A_313 : vector<16xf32> to vector<1x16xf32>
      tpu.vector_store %arg12[%swap3A_314, %swap3A_315], %swap3A_318 {strides = array<i32>} : memref<64x768xf32, #tpu.memory_space<vmem>>, vector<1x16xf32>,
      %get3A_319 = arith.index_cast %add3A_168 : i32 to index
      %get3A_320 = arith.constant 144 : index
      %get3A_321 = tpu.vector_load %arg12[%get3A_319, %get3A_320] {strides = array<i32>} : memref<64x768xf32, #tpu.memory_space<vmem>>, vector<1x16xf32>,
      %get3A_322 = vector.shape_cast %get3A_321 : vector<1x16xf32> to vector<16xf32>
      %mul3A_323 = arith.mulf %get3A_322, %get3A_171 : vector<16xf32>
      %get3A_324 = arith.index_cast %add3A_168 : i32 to index
      %get3A_325 = arith.constant 144 : index
      %get3A_326 = tpu.vector_load %arg13[%get3A_324, %get3A_325] {strides = array<i32>} : memref<64x768xf32, #tpu.memory_space<vmem>>, vector<1x16xf32>,
      %get3A_327 = vector.shape_cast %get3A_326 : vector<1x16xf32> to vector<16xf32>
      %mul3A_328 = arith.mulf %get3A_327, %get3A_175 : vector<16xf32>
      %add3A_329 = arith.addf %mul3A_323, %mul3A_328 : vector<16xf32>
      %swap3A_330 = arith.index_cast %add3A_168 : i32 to index
      %swap3A_331 = arith.constant 144 : index
      %swap3A_332 = tpu.vector_load %arg12[%swap3A_330, %swap3A_331] {strides = array<i32>} : memref<64x768xf32, #tpu.memory_space<vmem>>, vector<1x16xf32>,
      %swap3A_333 = vector.shape_cast %swap3A_332 : vector<1x16xf32> to vector<16xf32>
      %swap3A_334 = vector.shape_cast %add3A_329 : vector<16xf32> to vector<1x16xf32>
      tpu.vector_store %arg12[%swap3A_330, %swap3A_331], %swap3A_334 {strides = array<i32>} : memref<64x768xf32, #tpu.memory_space<vmem>>, vector<1x16xf32>,
      %get3A_335 = arith.index_cast %add3A_168 : i32 to index
      %get3A_336 = arith.constant 160 : index
      %get3A_337 = tpu.vector_load %arg12[%get3A_335, %get3A_336] {strides = array<i32>} : memref<64x768xf32, #tpu.memory_space<vmem>>, vector<1x16xf32>,
      %get3A_338 = vector.shape_cast %get3A_337 : vector<1x16xf32> to vector<16xf32>
      %mul3A_339 = arith.mulf %get3A_338, %get3A_171 : vector<16xf32>
      %get3A_340 = arith.index_cast %add3A_168 : i32 to index
      %get3A_341 = arith.constant 160 : index
      %get3A_342 = tpu.vector_load %arg13[%get3A_340, %get3A_341] {strides = array<i32>} : memref<64x768xf32, #tpu.memory_space<vmem>>, vector<1x16xf32>,
      %get3A_343 = vector.shape_cast %get3A_342 : vector<1x16xf32> to vector<16xf32>
      %mul3A_344 = arith.mulf %get3A_343, %get3A_175 : vector<16xf32>
      %add3A_345 = arith.addf %mul3A_339, %mul3A_344 : vector<16xf32>
      %swap3A_346 = arith.index_cast %add3A_168 : i32 to index
      %swap3A_347 = arith.constant 160 : index
      %swap3A_348 = tpu.vector_load %arg12[%swap3A_346, %swap3A_347] {strides = array<i32>} : memref<64x768xf32, #tpu.memory_space<vmem>>, vector<1x16xf32>,
      %swap3A_349 = vector.shape_cast %swap3A_348 : vector<1x16xf32> to vector<16xf32>
      %swap3A_350 = vector.shape_cast %add3A_345 : vector<16xf32> to vector<1x16xf32>
      tpu.vector_store %arg12[%swap3A_346, %swap3A_347], %swap3A_350 {strides = array<i32>} : memref<64x768xf32, #tpu.memory_space<vmem>>, vector<1x16xf32>,
      %get3A_351 = arith.index_cast %add3A_168 : i32 to index
      %get3A_352 = arith.constant 176 : index
      %get3A_353 = tpu.vector_load %arg12[%get3A_351, %get3A_352] {strides = array<i32>} : memref<64x768xf32, #tpu.memory_space<vmem>>, vector<1x16xf32>,
      %get3A_354 = vector.shape_cast %get3A_353 : vector<1x16xf32> to vector<16xf32>
      %mul3A_355 = arith.mulf %get3A_354, %get3A_171 : vector<16xf32>
      %get3A_356 = arith.index_cast %add3A_168 : i32 to index
      %get3A_357 = arith.constant 176 : index
      %get3A_358 = tpu.vector_load %arg13[%get3A_356, %get3A_357] {strides = array<i32>} : memref<64x768xf32, #tpu.memory_space<vmem>>, vector<1x16xf32>,
      %get3A_359 = vector.shape_cast %get3A_358 : vector<1x16xf32> to vector<16xf32>
      %mul3A_360 = arith.mulf %get3A_359, %get3A_175 : vector<16xf32>
      %add3A_361 = arith.addf %mul3A_355, %mul3A_360 : vector<16xf32>
      %swap3A_362 = arith.index_cast %add3A_168 : i32 to index
      %swap3A_363 = arith.constant 176 : index
      %swap3A_364 = tpu.vector_load %arg12[%swap3A_362, %swap3A_363] {strides = array<i32>} : memref<64x768xf32, #tpu.memory_space<vmem>>, vector<1x16xf32>,
      %swap3A_365 = vector.shape_cast %swap3A_364 : vector<1x16xf32> to vector<16xf32>
      %swap3A_366 = vector.shape_cast %add3A_361 : vector<16xf32> to vector<1x16xf32>
      tpu.vector_store %arg12[%swap3A_362, %swap3A_363], %swap3A_366 {strides = array<i32>} : memref<64x768xf32, #tpu.memory_space<vmem>>, vector<1x16xf32>,
      %get3A_367 = arith.index_cast %add3A_168 : i32 to index
      %get3A_368 = arith.constant 192 : index
      %get3A_369 = tpu.vector_load %arg12[%get3A_367, %get3A_368] {strides = array<i32>} : memref<64x768xf32, #tpu.memory_space<vmem>>, vector<1x16xf32>,
      %get3A_370 = vector.shape_cast %get3A_369 : vector<1x16xf32> to vector<16xf32>
      %mul3A_371 = arith.mulf %get3A_370, %get3A_171 : vector<16xf32>
      %get3A_372 = arith.index_cast %add3A_168 : i32 to index
      %get3A_373 = arith.constant 192 : index
      %get3A_374 = tpu.vector_load %arg13[%get3A_372, %get3A_373] {strides = array<i32>} : memref<64x768xf32, #tpu.memory_space<vmem>>, vector<1x16xf32>,
      %get3A_375 = vector.shape_cast %get3A_374 : vector<1x16xf32> to vector<16xf32>
      %mul3A_376 = arith.mulf %get3A_375, %get3A_175 : vector<16xf32>
      %add3A_377 = arith.addf %mul3A_371, %mul3A_376 : vector<16xf32>
      %swap3A_378 = arith.index_cast %add3A_168 : i32 to index
      %swap3A_379 = arith.constant 192 : index
      %swap3A_380 = tpu.vector_load %arg12[%swap3A_378, %swap3A_379] {strides = array<i32>} : memref<64x768xf32, #tpu.memory_space<vmem>>, vector<1x16xf32>,
      %swap3A_381 = vector.shape_cast %swap3A_380 : vector<1x16xf32> to vector<16xf32>
      %swap3A_382 = vector.shape_cast %add3A_377 : vector<16xf32> to vector<1x16xf32>
      tpu.vector_store %arg12[%swap3A_378, %swap3A_379], %swap3A_382 {strides = array<i32>} : memref<64x768xf32, #tpu.memory_space<vmem>>, vector<1x16xf32>,
      %get3A_383 = arith.index_cast %add3A_168 : i32 to index
      %get3A_384 = arith.constant 208 : index
      %get3A_385 = tpu.vector_load %arg12[%get3A_383, %get3A_384] {strides = array<i32>} : memref<64x768xf32, #tpu.memory_space<vmem>>, vector<1x16xf32>,
      %get3A_386 = vector.shape_cast %get3A_385 : vector<1x16xf32> to vector<16xf32>
      %mul3A_387 = arith.mulf %get3A_386, %get3A_171 : vector<16xf32>
      %get3A_388 = arith.index_cast %add3A_168 : i32 to index
      %get3A_389 = arith.constant 208 : index
      %get3A_390 = tpu.vector_load %arg13[%get3A_388, %get3A_389] {strides = array<i32>} : memref<64x768xf32, #tpu.memory_space<vmem>>, vector<1x16xf32>,
      %get3A_391 = vector.shape_cast %get3A_390 : vector<1x16xf32> to vector<16xf32>
      %mul3A_392 = arith.mulf %get3A_391, %get3A_175 : vector<16xf32>
      %add3A_393 = arith.addf %mul3A_387, %mul3A_392 : vector<16xf32>
      %swap3A_394 = arith.index_cast %add3A_168 : i32 to index
      %swap3A_395 = arith.constant 208 : index
      %swap3A_396 = tpu.vector_load %arg12[%swap3A_394, %swap3A_395] {strides = array<i32>} : memref<64x768xf32, #tpu.memory_space<vmem>>, vector<1x16xf32>,
      %swap3A_397 = vector.shape_cast %swap3A_396 : vector<1x16xf32> to vector<16xf32>
      %swap3A_398 = vector.shape_cast %add3A_393 : vector<16xf32> to vector<1x16xf32>
      tpu.vector_store %arg12[%swap3A_394, %swap3A_395], %swap3A_398 {strides = array<i32>} : memref<64x768xf32, #tpu.memory_space<vmem>>, vector<1x16xf32>,
      %get3A_399 = arith.index_cast %add3A_168 : i32 to index
      %get3A_400 = arith.constant 224 : index
      %get3A_401 = tpu.vector_load %arg12[%get3A_399, %get3A_400] {strides = array<i32>} : memref<64x768xf32, #tpu.memory_space<vmem>>, vector<1x16xf32>,
      %get3A_402 = vector.shape_cast %get3A_401 : vector<1x16xf32> to vector<16xf32>
      %mul3A_403 = arith.mulf %get3A_402, %get3A_171 : vector<16xf32>
      %get3A_404 = arith.index_cast %add3A_168 : i32 to index
      %get3A_405 = arith.constant 224 : index
      %get3A_406 = tpu.vector_load %arg13[%get3A_404, %get3A_405] {strides = array<i32>} : memref<64x768xf32, #tpu.memory_space<vmem>>, vector<1x16xf32>,
      %get3A_407 = vector.shape_cast %get3A_406 : vector<1x16xf32> to vector<16xf32>
      %mul3A_408 = arith.mulf %get3A_407, %get3A_175 : vector<16xf32>
      %add3A_409 = arith.addf %mul3A_403, %mul3A_408 : vector<16xf32>
      %swap3A_410 = arith.index_cast %add3A_168 : i32 to index
      %swap3A_411 = arith.constant 224 : index
      %swap3A_412 = tpu.vector_load %arg12[%swap3A_410, %swap3A_411] {strides = array<i32>} : memref<64x768xf32, #tpu.memory_space<vmem>>, vector<1x16xf32>,
      %swap3A_413 = vector.shape_cast %swap3A_412 : vector<1x16xf32> to vector<16xf32>
      %swap3A_414 = vector.shape_cast %add3A_409 : vector<16xf32> to vector<1x16xf32>
      tpu.vector_store %arg12[%swap3A_410, %swap3A_411], %swap3A_414 {strides = array<i32>} : memref<64x768xf32, #tpu.memory_space<vmem>>, vector<1x16xf32>,
      %get3A_415 = arith.index_cast %add3A_168 : i32 to index
      %get3A_416 = arith.constant 240 : index
      %get3A_417 = tpu.vector_load %arg12[%get3A_415, %get3A_416] {strides = array<i32>} : memref<64x768xf32, #tpu.memory_space<vmem>>, vector<1x16xf32>,
      %get3A_418 = vector.shape_cast %get3A_417 : vector<1x16xf32> to vector<16xf32>
      %mul3A_419 = arith.mulf %get3A_418, %get3A_171 : vector<16xf32>
      %get3A_420 = arith.index_cast %add3A_168 : i32 to index
      %get3A_421 = arith.constant 240 : index
      %get3A_422 = tpu.vector_load %arg13[%get3A_420, %get3A_421] {strides = array<i32>} : memref<64x768xf32, #tpu.memory_space<vmem>>, vector<1x16xf32>,
      %get3A_423 = vector.shape_cast %get3A_422 : vector<1x16xf32> to vector<16xf32>
      %mul3A_424 = arith.mulf %get3A_423, %get3A_175 : vector<16xf32>
      %add3A_425 = arith.addf %mul3A_419, %mul3A_424 : vector<16xf32>
      %swap3A_426 = arith.index_cast %add3A_168 : i32 to index
      %swap3A_427 = arith.constant 240 : index
      %swap3A_428 = tpu.vector_load %arg12[%swap3A_426, %swap3A_427] {strides = array<i32>} : memref<64x768xf32, #tpu.memory_space<vmem>>, vector<1x16xf32>,
      %swap3A_429 = vector.shape_cast %swap3A_428 : vector<1x16xf32> to vector<16xf32>
      %swap3A_430 = vector.shape_cast %add3A_425 : vector<16xf32> to vector<1x16xf32>
      tpu.vector_store %arg12[%swap3A_426, %swap3A_427], %swap3A_430 {strides = array<i32>} : memref<64x768xf32, #tpu.memory_space<vmem>>, vector<1x16xf32>,
      %get3A_431 = arith.index_cast %add3A_168 : i32 to index
      %get3A_432 = arith.constant 256 : index
      %get3A_433 = tpu.vector_load %arg12[%get3A_431, %get3A_432] {strides = array<i32>} : memref<64x768xf32, #tpu.memory_space<vmem>>, vector<1x16xf32>,
      %get3A_434 = vector.shape_cast %get3A_433 : vector<1x16xf32> to vector<16xf32>
      %mul3A_435 = arith.mulf %get3A_434, %get3A_171 : vector<16xf32>
      %get3A_436 = arith.index_cast %add3A_168 : i32 to index
      %get3A_437 = arith.constant 256 : index
      %get3A_438 = tpu.vector_load %arg13[%get3A_436, %get3A_437] {strides = array<i32>} : memref<64x768xf32, #tpu.memory_space<vmem>>, vector<1x16xf32>,
      %get3A_439 = vector.shape_cast %get3A_438 : vector<1x16xf32> to vector<16xf32>
      %mul3A_440 = arith.mulf %get3A_439, %get3A_175 : vector<16xf32>
      %add3A_441 = arith.addf %mul3A_435, %mul3A_440 : vector<16xf32>
      %swap3A_442 = arith.index_cast %add3A_168 : i32 to index
      %swap3A_443 = arith.constant 256 : index
      %swap3A_444 = tpu.vector_load %arg12[%swap3A_442, %swap3A_443] {strides = array<i32>} : memref<64x768xf32, #tpu.memory_space<vmem>>, vector<1x16xf32>,
      %swap3A_445 = vector.shape_cast %swap3A_444 : vector<1x16xf32> to vector<16xf32>
      %swap3A_446 = vector.shape_cast %add3A_441 : vector<16xf32> to vector<1x16xf32>
      tpu.vector_store %arg12[%swap3A_442, %swap3A_443], %swap3A_446 {strides = array<i32>} : memref<64x768xf32, #tpu.memory_space<vmem>>, vector<1x16xf32>,
      %get3A_447 = arith.index_cast %add3A_168 : i32 to index
      %get3A_448 = arith.constant 272 : index
      %get3A_449 = tpu.vector_load %arg12[%get3A_447, %get3A_448] {strides = array<i32>} : memref<64x768xf32, #tpu.memory_space<vmem>>, vector<1x16xf32>,
      %get3A_450 = vector.shape_cast %get3A_449 : vector<1x16xf32> to vector<16xf32>
      %mul3A_451 = arith.mulf %get3A_450, %get3A_171 : vector<16xf32>
      %get3A_452 = arith.index_cast %add3A_168 : i32 to index
      %get3A_453 = arith.constant 272 : index
      %get3A_454 = tpu.vector_load %arg13[%get3A_452, %get3A_453] {strides = array<i32>} : memref<64x768xf32, #tpu.memory_space<vmem>>, vector<1x16xf32>,
      %get3A_455 = vector.shape_cast %get3A_454 : vector<1x16xf32> to vector<16xf32>
      %mul3A_456 = arith.mulf %get3A_455, %get3A_175 : vector<16xf32>
      %add3A_457 = arith.addf %mul3A_451, %mul3A_456 : vector<16xf32>
      %swap3A_458 = arith.index_cast %add3A_168 : i32 to index
      %swap3A_459 = arith.constant 272 : index
      %swap3A_460 = tpu.vector_load %arg12[%swap3A_458, %swap3A_459] {strides = array<i32>} : memref<64x768xf32, #tpu.memory_space<vmem>>, vector<1x16xf32>,
      %swap3A_461 = vector.shape_cast %swap3A_460 : vector<1x16xf32> to vector<16xf32>
      %swap3A_462 = vector.shape_cast %add3A_457 : vector<16xf32> to vector<1x16xf32>
      tpu.vector_store %arg12[%swap3A_458, %swap3A_459], %swap3A_462 {strides = array<i32>} : memref<64x768xf32, #tpu.memory_space<vmem>>, vector<1x16xf32>,
      %get3A_463 = arith.index_cast %add3A_168 : i32 to index
      %get3A_464 = arith.constant 288 : index
      %get3A_465 = tpu.vector_load %arg12[%get3A_463, %get3A_464] {strides = array<i32>} : memref<64x768xf32, #tpu.memory_space<vmem>>, vector<1x16xf32>,
      %get3A_466 = vector.shape_cast %get3A_465 : vector<1x16xf32> to vector<16xf32>
      %mul3A_467 = arith.mulf %get3A_466, %get3A_171 : vector<16xf32>
      %get3A_468 = arith.index_cast %add3A_168 : i32 to index
      %get3A_469 = arith.constant 288 : index
      %get3A_470 = tpu.vector_load %arg13[%get3A_468, %get3A_469] {strides = array<i32>} : memref<64x768xf32, #tpu.memory_space<vmem>>, vector<1x16xf32>,
      %get3A_471 = vector.shape_cast %get3A_470 : vector<1x16xf32> to vector<16xf32>
      %mul3A_472 = arith.mulf %get3A_471, %get3A_175 : vector<16xf32>
      %add3A_473 = arith.addf %mul3A_467, %mul3A_472 : vector<16xf32>
      %swap3A_474 = arith.index_cast %add3A_168 : i32 to index
      %swap3A_475 = arith.constant 288 : index
      %swap3A_476 = tpu.vector_load %arg12[%swap3A_474, %swap3A_475] {strides = array<i32>} : memref<64x768xf32, #tpu.memory_space<vmem>>, vector<1x16xf32>,
      %swap3A_477 = vector.shape_cast %swap3A_476 : vector<1x16xf32> to vector<16xf32>
      %swap3A_478 = vector.shape_cast %add3A_473 : vector<16xf32> to vector<1x16xf32>
      tpu.vector_store %arg12[%swap3A_474, %swap3A_475], %swap3A_478 {strides = array<i32>} : memref<64x768xf32, #tpu.memory_space<vmem>>, vector<1x16xf32>,
      %get3A_479 = arith.index_cast %add3A_168 : i32 to index
      %get3A_480 = arith.constant 304 : index
      %get3A_481 = tpu.vector_load %arg12[%get3A_479, %get3A_480] {strides = array<i32>} : memref<64x768xf32, #tpu.memory_space<vmem>>, vector<1x16xf32>,
      %get3A_482 = vector.shape_cast %get3A_481 : vector<1x16xf32> to vector<16xf32>
      %mul3A_483 = arith.mulf %get3A_482, %get3A_171 : vector<16xf32>
      %get3A_484 = arith.index_cast %add3A_168 : i32 to index
      %get3A_485 = arith.constant 304 : index
      %get3A_486 = tpu.vector_load %arg13[%get3A_484, %get3A_485] {strides = array<i32>} : memref<64x768xf32, #tpu.memory_space<vmem>>, vector<1x16xf32>,
      %get3A_487 = vector.shape_cast %get3A_486 : vector<1x16xf32> to vector<16xf32>
      %mul3A_488 = arith.mulf %get3A_487, %get3A_175 : vector<16xf32>
      %add3A_489 = arith.addf %mul3A_483, %mul3A_488 : vector<16xf32>
      %swap3A_490 = arith.index_cast %add3A_168 : i32 to index
      %swap3A_491 = arith.constant 304 : index
      %swap3A_492 = tpu.vector_load %arg12[%swap3A_490, %swap3A_491] {strides = array<i32>} : memref<64x768xf32, #tpu.memory_space<vmem>>, vector<1x16xf32>,
      %swap3A_493 = vector.shape_cast %swap3A_492 : vector<1x16xf32> to vector<16xf32>
      %swap3A_494 = vector.shape_cast %add3A_489 : vector<16xf32> to vector<1x16xf32>
      tpu.vector_store %arg12[%swap3A_490, %swap3A_491], %swap3A_494 {strides = array<i32>} : memref<64x768xf32, #tpu.memory_space<vmem>>, vector<1x16xf32>,
      %get3A_495 = arith.index_cast %add3A_168 : i32 to index
      %get3A_496 = arith.constant 320 : index
      %get3A_497 = tpu.vector_load %arg12[%get3A_495, %get3A_496] {strides = array<i32>} : memref<64x768xf32, #tpu.memory_space<vmem>>, vector<1x16xf32>,
      %get3A_498 = vector.shape_cast %get3A_497 : vector<1x16xf32> to vector<16xf32>
      %mul3A_499 = arith.mulf %get3A_498, %get3A_171 : vector<16xf32>
      %get3A_500 = arith.index_cast %add3A_168 : i32 to index
      %get3A_501 = arith.constant 320 : index
      %get3A_502 = tpu.vector_load %arg13[%get3A_500, %get3A_501] {strides = array<i32>} : memref<64x768xf32, #tpu.memory_space<vmem>>, vector<1x16xf32>,
      %get3A_503 = vector.shape_cast %get3A_502 : vector<1x16xf32> to vector<16xf32>
      %mul3A_504 = arith.mulf %get3A_503, %get3A_175 : vector<16xf32>
      %add3A_505 = arith.addf %mul3A_499, %mul3A_504 : vector<16xf32>
      %swap3A_506 = arith.index_cast %add3A_168 : i32 to index
      %swap3A_507 = arith.constant 320 : index
      %swap3A_508 = tpu.vector_load %arg12[%swap3A_506, %swap3A_507] {strides = array<i32>} : memref<64x768xf32, #tpu.memory_space<vmem>>, vector<1x16xf32>,
      %swap3A_509 = vector.shape_cast %swap3A_508 : vector<1x16xf32> to vector<16xf32>
      %swap3A_510 = vector.shape_cast %add3A_505 : vector<16xf32> to vector<1x16xf32>
      tpu.vector_store %arg12[%swap3A_506, %swap3A_507], %swap3A_510 {strides = array<i32>} : memref<64x768xf32, #tpu.memory_space<vmem>>, vector<1x16xf32>,
      %get3A_511 = arith.index_cast %add3A_168 : i32 to index
      %get3A_512 = arith.constant 336 : index
      %get3A_513 = tpu.vector_load %arg12[%get3A_511, %get3A_512] {strides = array<i32>} : memref<64x768xf32, #tpu.memory_space<vmem>>, vector<1x16xf32>,
      %get3A_514 = vector.shape_cast %get3A_513 : vector<1x16xf32> to vector<16xf32>
      %mul3A_515 = arith.mulf %get3A_514, %get3A_171 : vector<16xf32>
      %get3A_516 = arith.index_cast %add3A_168 : i32 to index
      %get3A_517 = arith.constant 336 : index
      %get3A_518 = tpu.vector_load %arg13[%get3A_516, %get3A_517] {strides = array<i32>} : memref<64x768xf32, #tpu.memory_space<vmem>>, vector<1x16xf32>,
      %get3A_519 = vector.shape_cast %get3A_518 : vector<1x16xf32> to vector<16xf32>
      %mul3A_520 = arith.mulf %get3A_519, %get3A_175 : vector<16xf32>
      %add3A_521 = arith.addf %mul3A_515, %mul3A_520 : vector<16xf32>
      %swap3A_522 = arith.index_cast %add3A_168 : i32 to index
      %swap3A_523 = arith.constant 336 : index
      %swap3A_524 = tpu.vector_load %arg12[%swap3A_522, %swap3A_523] {strides = array<i32>} : memref<64x768xf32, #tpu.memory_space<vmem>>, vector<1x16xf32>,
      %swap3A_525 = vector.shape_cast %swap3A_524 : vector<1x16xf32> to vector<16xf32>
      %swap3A_526 = vector.shape_cast %add3A_521 : vector<16xf32> to vector<1x16xf32>
      tpu.vector_store %arg12[%swap3A_522, %swap3A_523], %swap3A_526 {strides = array<i32>} : memref<64x768xf32, #tpu.memory_space<vmem>>, vector<1x16xf32>,
      %get3A_527 = arith.index_cast %add3A_168 : i32 to index
      %get3A_528 = arith.constant 352 : index
      %get3A_529 = tpu.vector_load %arg12[%get3A_527, %get3A_528] {strides = array<i32>} : memref<64x768xf32, #tpu.memory_space<vmem>>, vector<1x16xf32>,
      %get3A_530 = vector.shape_cast %get3A_529 : vector<1x16xf32> to vector<16xf32>
      %mul3A_531 = arith.mulf %get3A_530, %get3A_171 : vector<16xf32>
      %get3A_532 = arith.index_cast %add3A_168 : i32 to index
      %get3A_533 = arith.constant 352 : index
      %get3A_534 = tpu.vector_load %arg13[%get3A_532, %get3A_533] {strides = array<i32>} : memref<64x768xf32, #tpu.memory_space<vmem>>, vector<1x16xf32>,
      %get3A_535 = vector.shape_cast %get3A_534 : vector<1x16xf32> to vector<16xf32>
      %mul3A_536 = arith.mulf %get3A_535, %get3A_175 : vector<16xf32>
      %add3A_537 = arith.addf %mul3A_531, %mul3A_536 : vector<16xf32>
      %swap3A_538 = arith.index_cast %add3A_168 : i32 to index
      %swap3A_539 = arith.constant 352 : index
      %swap3A_540 = tpu.vector_load %arg12[%swap3A_538, %swap3A_539] {strides = array<i32>} : memref<64x768xf32, #tpu.memory_space<vmem>>, vector<1x16xf32>,
      %swap3A_541 = vector.shape_cast %swap3A_540 : vector<1x16xf32> to vector<16xf32>
      %swap3A_542 = vector.shape_cast %add3A_537 : vector<16xf32> to vector<1x16xf32>
      tpu.vector_store %arg12[%swap3A_538, %swap3A_539], %swap3A_542 {strides = array<i32>} : memref<64x768xf32, #tpu.memory_space<vmem>>, vector<1x16xf32>,
      %get3A_543 = arith.index_cast %add3A_168 : i32 to index
      %get3A_544 = arith.constant 368 : index
      %get3A_545 = tpu.vector_load %arg12[%get3A_543, %get3A_544] {strides = array<i32>} : memref<64x768xf32, #tpu.memory_space<vmem>>, vector<1x16xf32>,
      %get3A_546 = vector.shape_cast %get3A_545 : vector<1x16xf32> to vector<16xf32>
      %mul3A_547 = arith.mulf %get3A_546, %get3A_171 : vector<16xf32>
      %get3A_548 = arith.index_cast %add3A_168 : i32 to index
      %get3A_549 = arith.constant 368 : index
      %get3A_550 = tpu.vector_load %arg13[%get3A_548, %get3A_549] {strides = array<i32>} : memref<64x768xf32, #tpu.memory_space<vmem>>, vector<1x16xf32>,
      %get3A_551 = vector.shape_cast %get3A_550 : vector<1x16xf32> to vector<16xf32>
      %mul3A_552 = arith.mulf %get3A_551, %get3A_175 : vector<16xf32>
      %add3A_553 = arith.addf %mul3A_547, %mul3A_552 : vector<16xf32>
      %swap3A_554 = arith.index_cast %add3A_168 : i32 to index
      %swap3A_555 = arith.constant 368 : index
      %swap3A_556 = tpu.vector_load %arg12[%swap3A_554, %swap3A_555] {strides = array<i32>} : memref<64x768xf32, #tpu.memory_space<vmem>>, vector<1x16xf32>,
      %swap3A_557 = vector.shape_cast %swap3A_556 : vector<1x16xf32> to vector<16xf32>
      %swap3A_558 = vector.shape_cast %add3A_553 : vector<16xf32> to vector<1x16xf32>
      tpu.vector_store %arg12[%swap3A_554, %swap3A_555], %swap3A_558 {strides = array<i32>} : memref<64x768xf32, #tpu.memory_space<vmem>>, vector<1x16xf32>,
      %get3A_559 = arith.index_cast %add3A_168 : i32 to index
      %get3A_560 = arith.constant 384 : index
      %get3A_561 = tpu.vector_load %arg12[%get3A_559, %get3A_560] {strides = array<i32>} : memref<64x768xf32, #tpu.memory_space<vmem>>, vector<1x16xf32>,
      %get3A_562 = vector.shape_cast %get3A_561 : vector<1x16xf32> to vector<16xf32>
      %mul3A_563 = arith.mulf %get3A_562, %get3A_171 : vector<16xf32>
      %get3A_564 = arith.index_cast %add3A_168 : i32 to index
      %get3A_565 = arith.constant 384 : index
      %get3A_566 = tpu.vector_load %arg13[%get3A_564, %get3A_565] {strides = array<i32>} : memref<64x768xf32, #tpu.memory_space<vmem>>, vector<1x16xf32>,
      %get3A_567 = vector.shape_cast %get3A_566 : vector<1x16xf32> to vector<16xf32>
      %mul3A_568 = arith.mulf %get3A_567, %get3A_175 : vector<16xf32>
      %add3A_569 = arith.addf %mul3A_563, %mul3A_568 : vector<16xf32>
      %swap3A_570 = arith.index_cast %add3A_168 : i32 to index
      %swap3A_571 = arith.constant 384 : index
      %swap3A_572 = tpu.vector_load %arg12[%swap3A_570, %swap3A_571] {strides = array<i32>} : memref<64x768xf32, #tpu.memory_space<vmem>>, vector<1x16xf32>,
      %swap3A_573 = vector.shape_cast %swap3A_572 : vector<1x16xf32> to vector<16xf32>
      %swap3A_574 = vector.shape_cast %add3A_569 : vector<16xf32> to vector<1x16xf32>
      tpu.vector_store %arg12[%swap3A_570, %swap3A_571], %swap3A_574 {strides = array<i32>} : memref<64x768xf32, #tpu.memory_space<vmem>>, vector<1x16xf32>,
      %get3A_575 = arith.index_cast %add3A_168 : i32 to index
      %get3A_576 = arith.constant 400 : index
      %get3A_577 = tpu.vector_load %arg12[%get3A_575, %get3A_576] {strides = array<i32>} : memref<64x768xf32, #tpu.memory_space<vmem>>, vector<1x16xf32>,
      %get3A_578 = vector.shape_cast %get3A_577 : vector<1x16xf32> to vector<16xf32>
      %mul3A_579 = arith.mulf %get3A_578, %get3A_171 : vector<16xf32>
      %get3A_580 = arith.index_cast %add3A_168 : i32 to index
      %get3A_581 = arith.constant 400 : index
      %get3A_582 = tpu.vector_load %arg13[%get3A_580, %get3A_581] {strides = array<i32>} : memref<64x768xf32, #tpu.memory_space<vmem>>, vector<1x16xf32>,
      %get3A_583 = vector.shape_cast %get3A_582 : vector<1x16xf32> to vector<16xf32>
      %mul3A_584 = arith.mulf %get3A_583, %get3A_175 : vector<16xf32>
      %add3A_585 = arith.addf %mul3A_579, %mul3A_584 : vector<16xf32>
      %swap3A_586 = arith.index_cast %add3A_168 : i32 to index
      %swap3A_587 = arith.constant 400 : index
      %swap3A_588 = tpu.vector_load %arg12[%swap3A_586, %swap3A_587] {strides = array<i32>} : memref<64x768xf32, #tpu.memory_space<vmem>>, vector<1x16xf32>,
      %swap3A_589 = vector.shape_cast %swap3A_588 : vector<1x16xf32> to vector<16xf32>
      %swap3A_590 = vector.shape_cast %add3A_585 : vector<16xf32> to vector<1x16xf32>
      tpu.vector_store %arg12[%swap3A_586, %swap3A_587], %swap3A_590 {strides = array<i32>} : memref<64x768xf32, #tpu.memory_space<vmem>>, vector<1x16xf32>,
      %get3A_591 = arith.index_cast %add3A_168 : i32 to index
      %get3A_592 = arith.constant 416 : index
      %get3A_593 = tpu.vector_load %arg12[%get3A_591, %get3A_592] {strides = array<i32>} : memref<64x768xf32, #tpu.memory_space<vmem>>, vector<1x16xf32>,
      %get3A_594 = vector.shape_cast %get3A_593 : vector<1x16xf32> to vector<16xf32>
      %mul3A_595 = arith.mulf %get3A_594, %get3A_171 : vector<16xf32>
      %get3A_596 = arith.index_cast %add3A_168 : i32 to index
      %get3A_597 = arith.constant 416 : index
      %get3A_598 = tpu.vector_load %arg13[%get3A_596, %get3A_597] {strides = array<i32>} : memref<64x768xf32, #tpu.memory_space<vmem>>, vector<1x16xf32>,
      %get3A_599 = vector.shape_cast %get3A_598 : vector<1x16xf32> to vector<16xf32>
      %mul3A_600 = arith.mulf %get3A_599, %get3A_175 : vector<16xf32>
      %add3A_601 = arith.addf %mul3A_595, %mul3A_600 : vector<16xf32>
      %swap3A_602 = arith.index_cast %add3A_168 : i32 to index
      %swap3A_603 = arith.constant 416 : index
      %swap3A_604 = tpu.vector_load %arg12[%swap3A_602, %swap3A_603] {strides = array<i32>} : memref<64x768xf32, #tpu.memory_space<vmem>>, vector<1x16xf32>,
      %swap3A_605 = vector.shape_cast %swap3A_604 : vector<1x16xf32> to vector<16xf32>
      %swap3A_606 = vector.shape_cast %add3A_601 : vector<16xf32> to vector<1x16xf32>
      tpu.vector_store %arg12[%swap3A_602, %swap3A_603], %swap3A_606 {strides = array<i32>} : memref<64x768xf32, #tpu.memory_space<vmem>>, vector<1x16xf32>,
      %get3A_607 = arith.index_cast %add3A_168 : i32 to index
      %get3A_608 = arith.constant 432 : index
      %get3A_609 = tpu.vector_load %arg12[%get3A_607, %get3A_608] {strides = array<i32>} : memref<64x768xf32, #tpu.memory_space<vmem>>, vector<1x16xf32>,
      %get3A_610 = vector.shape_cast %get3A_609 : vector<1x16xf32> to vector<16xf32>
      %mul3A_611 = arith.mulf %get3A_610, %get3A_171 : vector<16xf32>
      %get3A_612 = arith.index_cast %add3A_168 : i32 to index
      %get3A_613 = arith.constant 432 : index
      %get3A_614 = tpu.vector_load %arg13[%get3A_612, %get3A_613] {strides = array<i32>} : memref<64x768xf32, #tpu.memory_space<vmem>>, vector<1x16xf32>,
      %get3A_615 = vector.shape_cast %get3A_614 : vector<1x16xf32> to vector<16xf32>
      %mul3A_616 = arith.mulf %get3A_615, %get3A_175 : vector<16xf32>
      %add3A_617 = arith.addf %mul3A_611, %mul3A_616 : vector<16xf32>
      %swap3A_618 = arith.index_cast %add3A_168 : i32 to index
      %swap3A_619 = arith.constant 432 : index
      %swap3A_620 = tpu.vector_load %arg12[%swap3A_618, %swap3A_619] {strides = array<i32>} : memref<64x768xf32, #tpu.memory_space<vmem>>, vector<1x16xf32>,
      %swap3A_621 = vector.shape_cast %swap3A_620 : vector<1x16xf32> to vector<16xf32>
      %swap3A_622 = vector.shape_cast %add3A_617 : vector<16xf32> to vector<1x16xf32>
      tpu.vector_store %arg12[%swap3A_618, %swap3A_619], %swap3A_622 {strides = array<i32>} : memref<64x768xf32, #tpu.memory_space<vmem>>, vector<1x16xf32>,
      %get3A_623 = arith.index_cast %add3A_168 : i32 to index
      %get3A_624 = arith.constant 448 : index
      %get3A_625 = tpu.vector_load %arg12[%get3A_623, %get3A_624] {strides = array<i32>} : memref<64x768xf32, #tpu.memory_space<vmem>>, vector<1x16xf32>,
      %get3A_626 = vector.shape_cast %get3A_625 : vector<1x16xf32> to vector<16xf32>
      %mul3A_627 = arith.mulf %get3A_626, %get3A_171 : vector<16xf32>
      %get3A_628 = arith.index_cast %add3A_168 : i32 to index
      %get3A_629 = arith.constant 448 : index
      %get3A_630 = tpu.vector_load %arg13[%get3A_628, %get3A_629] {strides = array<i32>} : memref<64x768xf32, #tpu.memory_space<vmem>>, vector<1x16xf32>,
      %get3A_631 = vector.shape_cast %get3A_630 : vector<1x16xf32> to vector<16xf32>
      %mul3A_632 = arith.mulf %get3A_631, %get3A_175 : vector<16xf32>
      %add3A_633 = arith.addf %mul3A_627, %mul3A_632 : vector<16xf32>
      %swap3A_634 = arith.index_cast %add3A_168 : i32 to index
      %swap3A_635 = arith.constant 448 : index
      %swap3A_636 = tpu.vector_load %arg12[%swap3A_634, %swap3A_635] {strides = array<i32>} : memref<64x768xf32, #tpu.memory_space<vmem>>, vector<1x16xf32>,
      %swap3A_637 = vector.shape_cast %swap3A_636 : vector<1x16xf32> to vector<16xf32>
      %swap3A_638 = vector.shape_cast %add3A_633 : vector<16xf32> to vector<1x16xf32>
      tpu.vector_store %arg12[%swap3A_634, %swap3A_635], %swap3A_638 {strides = array<i32>} : memref<64x768xf32, #tpu.memory_space<vmem>>, vector<1x16xf32>,
      %get3A_639 = arith.index_cast %add3A_168 : i32 to index
      %get3A_640 = arith.constant 464 : index
      %get3A_641 = tpu.vector_load %arg12[%get3A_639, %get3A_640] {strides = array<i32>} : memref<64x768xf32, #tpu.memory_space<vmem>>, vector<1x16xf32>,
      %get3A_642 = vector.shape_cast %get3A_641 : vector<1x16xf32> to vector<16xf32>
      %mul3A_643 = arith.mulf %get3A_642, %get3A_171 : vector<16xf32>
      %get3A_644 = arith.index_cast %add3A_168 : i32 to index
      %get3A_645 = arith.constant 464 : index
      %get3A_646 = tpu.vector_load %arg13[%get3A_644, %get3A_645] {strides = array<i32>} : memref<64x768xf32, #tpu.memory_space<vmem>>, vector<1x16xf32>,
      %get3A_647 = vector.shape_cast %get3A_646 : vector<1x16xf32> to vector<16xf32>
      %mul3A_648 = arith.mulf %get3A_647, %get3A_175 : vector<16xf32>
      %add3A_649 = arith.addf %mul3A_643, %mul3A_648 : vector<16xf32>
      %swap3A_650 = arith.index_cast %add3A_168 : i32 to index
      %swap3A_651 = arith.constant 464 : index
      %swap3A_652 = tpu.vector_load %arg12[%swap3A_650, %swap3A_651] {strides = array<i32>} : memref<64x768xf32, #tpu.memory_space<vmem>>, vector<1x16xf32>,
      %swap3A_653 = vector.shape_cast %swap3A_652 : vector<1x16xf32> to vector<16xf32>
      %swap3A_654 = vector.shape_cast %add3A_649 : vector<16xf32> to vector<1x16xf32>
      tpu.vector_store %arg12[%swap3A_650, %swap3A_651], %swap3A_654 {strides = array<i32>} : memref<64x768xf32, #tpu.memory_space<vmem>>, vector<1x16xf32>,
      %get3A_655 = arith.index_cast %add3A_168 : i32 to index
      %get3A_656 = arith.constant 480 : index
      %get3A_657 = tpu.vector_load %arg12[%get3A_655, %get3A_656] {strides = array<i32>} : memref<64x768xf32, #tpu.memory_space<vmem>>, vector<1x16xf32>,
      %get3A_658 = vector.shape_cast %get3A_657 : vector<1x16xf32> to vector<16xf32>
      %mul3A_659 = arith.mulf %get3A_658, %get3A_171 : vector<16xf32>
      %get3A_660 = arith.index_cast %add3A_168 : i32 to index
      %get3A_661 = arith.constant 480 : index
      %get3A_662 = tpu.vector_load %arg13[%get3A_660, %get3A_661] {strides = array<i32>} : memref<64x768xf32, #tpu.memory_space<vmem>>, vector<1x16xf32>,
      %get3A_663 = vector.shape_cast %get3A_662 : vector<1x16xf32> to vector<16xf32>
      %mul3A_664 = arith.mulf %get3A_663, %get3A_175 : vector<16xf32>
      %add3A_665 = arith.addf %mul3A_659, %mul3A_664 : vector<16xf32>
      %swap3A_666 = arith.index_cast %add3A_168 : i32 to index
      %swap3A_667 = arith.constant 480 : index
      %swap3A_668 = tpu.vector_load %arg12[%swap3A_666, %swap3A_667] {strides = array<i32>} : memref<64x768xf32, #tpu.memory_space<vmem>>, vector<1x16xf32>,
      %swap3A_669 = vector.shape_cast %swap3A_668 : vector<1x16xf32> to vector<16xf32>
      %swap3A_670 = vector.shape_cast %add3A_665 : vector<16xf32> to vector<1x16xf32>
      tpu.vector_store %arg12[%swap3A_666, %swap3A_667], %swap3A_670 {strides = array<i32>} : memref<64x768xf32, #tpu.memory_space<vmem>>, vector<1x16xf32>,
      %get3A_671 = arith.index_cast %add3A_168 : i32 to index
      %get3A_672 = arith.constant 496 : index
      %get3A_673 = tpu.vector_load %arg12[%get3A_671, %get3A_672] {strides = array<i32>} : memref<64x768xf32, #tpu.memory_space<vmem>>, vector<1x16xf32>,
      %get3A_674 = vector.shape_cast %get3A_673 : vector<1x16xf32> to vector<16xf32>
      %mul3A_675 = arith.mulf %get3A_674, %get3A_171 : vector<16xf32>
      %get3A_676 = arith.index_cast %add3A_168 : i32 to index
      %get3A_677 = arith.constant 496 : index
      %get3A_678 = tpu.vector_load %arg13[%get3A_676, %get3A_677] {strides = array<i32>} : memref<64x768xf32, #tpu.memory_space<vmem>>, vector<1x16xf32>,
      %get3A_679 = vector.shape_cast %get3A_678 : vector<1x16xf32> to vector<16xf32>
      %mul3A_680 = arith.mulf %get3A_679, %get3A_175 : vector<16xf32>
      %add3A_681 = arith.addf %mul3A_675, %mul3A_680 : vector<16xf32>
      %swap3A_682 = arith.index_cast %add3A_168 : i32 to index
      %swap3A_683 = arith.constant 496 : index
      %swap3A_684 = tpu.vector_load %arg12[%swap3A_682, %swap3A_683] {strides = array<i32>} : memref<64x768xf32, #tpu.memory_space<vmem>>, vector<1x16xf32>,
      %swap3A_685 = vector.shape_cast %swap3A_684 : vector<1x16xf32> to vector<16xf32>
      %swap3A_686 = vector.shape_cast %add3A_681 : vector<16xf32> to vector<1x16xf32>
      tpu.vector_store %arg12[%swap3A_682, %swap3A_683], %swap3A_686 {strides = array<i32>} : memref<64x768xf32, #tpu.memory_space<vmem>>, vector<1x16xf32>,
      %get3A_687 = arith.index_cast %add3A_168 : i32 to index
      %get3A_688 = arith.constant 512 : index
      %get3A_689 = tpu.vector_load %arg12[%get3A_687, %get3A_688] {strides = array<i32>} : memref<64x768xf32, #tpu.memory_space<vmem>>, vector<1x16xf32>,
      %get3A_690 = vector.shape_cast %get3A_689 : vector<1x16xf32> to vector<16xf32>
      %mul3A_691 = arith.mulf %get3A_690, %get3A_171 : vector<16xf32>
      %get3A_692 = arith.index_cast %add3A_168 : i32 to index
      %get3A_693 = arith.constant 512 : index
      %get3A_694 = tpu.vector_load %arg13[%get3A_692, %get3A_693] {strides = array<i32>} : memref<64x768xf32, #tpu.memory_space<vmem>>, vector<1x16xf32>,
      %get3A_695 = vector.shape_cast %get3A_694 : vector<1x16xf32> to vector<16xf32>
      %mul3A_696 = arith.mulf %get3A_695, %get3A_175 : vector<16xf32>
      %add3A_697 = arith.addf %mul3A_691, %mul3A_696 : vector<16xf32>
      %swap3A_698 = arith.index_cast %add3A_168 : i32 to index
      %swap3A_699 = arith.constant 512 : index
      %swap3A_700 = tpu.vector_load %arg12[%swap3A_698, %swap3A_699] {strides = array<i32>} : memref<64x768xf32, #tpu.memory_space<vmem>>, vector<1x16xf32>,
      %swap3A_701 = vector.shape_cast %swap3A_700 : vector<1x16xf32> to vector<16xf32>
      %swap3A_702 = vector.shape_cast %add3A_697 : vector<16xf32> to vector<1x16xf32>
      tpu.vector_store %arg12[%swap3A_698, %swap3A_699], %swap3A_702 {strides = array<i32>} : memref<64x768xf32, #tpu.memory_space<vmem>>, vector<1x16xf32>,
      %get3A_703 = arith.index_cast %add3A_168 : i32 to index
      %get3A_704 = arith.constant 528 : index
      %get3A_705 = tpu.vector_load %arg12[%get3A_703, %get3A_704] {strides = array<i32>} : memref<64x768xf32, #tpu.memory_space<vmem>>, vector<1x16xf32>,
      %get3A_706 = vector.shape_cast %get3A_705 : vector<1x16xf32> to vector<16xf32>
      %mul3A_707 = arith.mulf %get3A_706, %get3A_171 : vector<16xf32>
      %get3A_708 = arith.index_cast %add3A_168 : i32 to index
      %get3A_709 = arith.constant 528 : index
      %get3A_710 = tpu.vector_load %arg13[%get3A_708, %get3A_709] {strides = array<i32>} : memref<64x768xf32, #tpu.memory_space<vmem>>, vector<1x16xf32>,
      %get3A_711 = vector.shape_cast %get3A_710 : vector<1x16xf32> to vector<16xf32>
      %mul3A_712 = arith.mulf %get3A_711, %get3A_175 : vector<16xf32>
      %add3A_713 = arith.addf %mul3A_707, %mul3A_712 : vector<16xf32>
      %swap3A_714 = arith.index_cast %add3A_168 : i32 to index
      %swap3A_715 = arith.constant 528 : index
      %swap3A_716 = tpu.vector_load %arg12[%swap3A_714, %swap3A_715] {strides = array<i32>} : memref<64x768xf32, #tpu.memory_space<vmem>>, vector<1x16xf32>,
      %swap3A_717 = vector.shape_cast %swap3A_716 : vector<1x16xf32> to vector<16xf32>
      %swap3A_718 = vector.shape_cast %add3A_713 : vector<16xf32> to vector<1x16xf32>
      tpu.vector_store %arg12[%swap3A_714, %swap3A_715], %swap3A_718 {strides = array<i32>} : memref<64x768xf32, #tpu.memory_space<vmem>>, vector<1x16xf32>,
      %get3A_719 = arith.index_cast %add3A_168 : i32 to index
      %get3A_720 = arith.constant 544 : index
      %get3A_721 = tpu.vector_load %arg12[%get3A_719, %get3A_720] {strides = array<i32>} : memref<64x768xf32, #tpu.memory_space<vmem>>, vector<1x16xf32>,
      %get3A_722 = vector.shape_cast %get3A_721 : vector<1x16xf32> to vector<16xf32>
      %mul3A_723 = arith.mulf %get3A_722, %get3A_171 : vector<16xf32>
      %get3A_724 = arith.index_cast %add3A_168 : i32 to index
      %get3A_725 = arith.constant 544 : index
      %get3A_726 = tpu.vector_load %arg13[%get3A_724, %get3A_725] {strides = array<i32>} : memref<64x768xf32, #tpu.memory_space<vmem>>, vector<1x16xf32>,
      %get3A_727 = vector.shape_cast %get3A_726 : vector<1x16xf32> to vector<16xf32>
      %mul3A_728 = arith.mulf %get3A_727, %get3A_175 : vector<16xf32>
      %add3A_729 = arith.addf %mul3A_723, %mul3A_728 : vector<16xf32>
      %swap3A_730 = arith.index_cast %add3A_168 : i32 to index
      %swap3A_731 = arith.constant 544 : index
      %swap3A_732 = tpu.vector_load %arg12[%swap3A_730, %swap3A_731] {strides = array<i32>} : memref<64x768xf32, #tpu.memory_space<vmem>>, vector<1x16xf32>,
      %swap3A_733 = vector.shape_cast %swap3A_732 : vector<1x16xf32> to vector<16xf32>
      %swap3A_734 = vector.shape_cast %add3A_729 : vector<16xf32> to vector<1x16xf32>
      tpu.vector_store %arg12[%swap3A_730, %swap3A_731], %swap3A_734 {strides = array<i32>} : memref<64x768xf32, #tpu.memory_space<vmem>>, vector<1x16xf32>,
      %get3A_735 = arith.index_cast %add3A_168 : i32 to index
      %get3A_736 = arith.constant 560 : index
      %get3A_737 = tpu.vector_load %arg12[%get3A_735, %get3A_736] {strides = array<i32>} : memref<64x768xf32, #tpu.memory_space<vmem>>, vector<1x16xf32>,
      %get3A_738 = vector.shape_cast %get3A_737 : vector<1x16xf32> to vector<16xf32>
      %mul3A_739 = arith.mulf %get3A_738, %get3A_171 : vector<16xf32>
      %get3A_740 = arith.index_cast %add3A_168 : i32 to index
      %get3A_741 = arith.constant 560 : index
      %get3A_742 = tpu.vector_load %arg13[%get3A_740, %get3A_741] {strides = array<i32>} : memref<64x768xf32, #tpu.memory_space<vmem>>, vector<1x16xf32>,
      %get3A_743 = vector.shape_cast %get3A_742 : vector<1x16xf32> to vector<16xf32>
      %mul3A_744 = arith.mulf %get3A_743, %get3A_175 : vector<16xf32>
      %add3A_745 = arith.addf %mul3A_739, %mul3A_744 : vector<16xf32>
      %swap3A_746 = arith.index_cast %add3A_168 : i32 to index
      %swap3A_747 = arith.constant 560 : index
      %swap3A_748 = tpu.vector_load %arg12[%swap3A_746, %swap3A_747] {strides = array<i32>} : memref<64x768xf32, #tpu.memory_space<vmem>>, vector<1x16xf32>,
      %swap3A_749 = vector.shape_cast %swap3A_748 : vector<1x16xf32> to vector<16xf32>
      %swap3A_750 = vector.shape_cast %add3A_745 : vector<16xf32> to vector<1x16xf32>
      tpu.vector_store %arg12[%swap3A_746, %swap3A_747], %swap3A_750 {strides = array<i32>} : memref<64x768xf32, #tpu.memory_space<vmem>>, vector<1x16xf32>,
      %get3A_751 = arith.index_cast %add3A_168 : i32 to index
      %get3A_752 = arith.constant 576 : index
      %get3A_753 = tpu.vector_load %arg12[%get3A_751, %get3A_752] {strides = array<i32>} : memref<64x768xf32, #tpu.memory_space<vmem>>, vector<1x16xf32>,
      %get3A_754 = vector.shape_cast %get3A_753 : vector<1x16xf32> to vector<16xf32>
      %mul3A_755 = arith.mulf %get3A_754, %get3A_171 : vector<16xf32>
      %get3A_756 = arith.index_cast %add3A_168 : i32 to index
      %get3A_757 = arith.constant 576 : index
      %get3A_758 = tpu.vector_load %arg13[%get3A_756, %get3A_757] {strides = array<i32>} : memref<64x768xf32, #tpu.memory_space<vmem>>, vector<1x16xf32>,
      %get3A_759 = vector.shape_cast %get3A_758 : vector<1x16xf32> to vector<16xf32>
      %mul3A_760 = arith.mulf %get3A_759, %get3A_175 : vector<16xf32>
      %add3A_761 = arith.addf %mul3A_755, %mul3A_760 : vector<16xf32>
      %swap3A_762 = arith.index_cast %add3A_168 : i32 to index
      %swap3A_763 = arith.constant 576 : index
      %swap3A_764 = tpu.vector_load %arg12[%swap3A_762, %swap3A_763] {strides = array<i32>} : memref<64x768xf32, #tpu.memory_space<vmem>>, vector<1x16xf32>,
      %swap3A_765 = vector.shape_cast %swap3A_764 : vector<1x16xf32> to vector<16xf32>
      %swap3A_766 = vector.shape_cast %add3A_761 : vector<16xf32> to vector<1x16xf32>
      tpu.vector_store %arg12[%swap3A_762, %swap3A_763], %swap3A_766 {strides = array<i32>} : memref<64x768xf32, #tpu.memory_space<vmem>>, vector<1x16xf32>,
      %get3A_767 = arith.index_cast %add3A_168 : i32 to index
      %get3A_768 = arith.constant 592 : index
      %get3A_769 = tpu.vector_load %arg12[%get3A_767, %get3A_768] {strides = array<i32>} : memref<64x768xf32, #tpu.memory_space<vmem>>, vector<1x16xf32>,
      %get3A_770 = vector.shape_cast %get3A_769 : vector<1x16xf32> to vector<16xf32>
      %mul3A_771 = arith.mulf %get3A_770, %get3A_171 : vector<16xf32>
      %get3A_772 = arith.index_cast %add3A_168 : i32 to index
      %get3A_773 = arith.constant 592 : index
      %get3A_774 = tpu.vector_load %arg13[%get3A_772, %get3A_773] {strides = array<i32>} : memref<64x768xf32, #tpu.memory_space<vmem>>, vector<1x16xf32>,
      %get3A_775 = vector.shape_cast %get3A_774 : vector<1x16xf32> to vector<16xf32>
      %mul3A_776 = arith.mulf %get3A_775, %get3A_175 : vector<16xf32>
      %add3A_777 = arith.addf %mul3A_771, %mul3A_776 : vector<16xf32>
      %swap3A_778 = arith.index_cast %add3A_168 : i32 to index
      %swap3A_779 = arith.constant 592 : index
      %swap3A_780 = tpu.vector_load %arg12[%swap3A_778, %swap3A_779] {strides = array<i32>} : memref<64x768xf32, #tpu.memory_space<vmem>>, vector<1x16xf32>,
      %swap3A_781 = vector.shape_cast %swap3A_780 : vector<1x16xf32> to vector<16xf32>
      %swap3A_782 = vector.shape_cast %add3A_777 : vector<16xf32> to vector<1x16xf32>
      tpu.vector_store %arg12[%swap3A_778, %swap3A_779], %swap3A_782 {strides = array<i32>} : memref<64x768xf32, #tpu.memory_space<vmem>>, vector<1x16xf32>,
      %get3A_783 = arith.index_cast %add3A_168 : i32 to index
      %get3A_784 = arith.constant 608 : index
      %get3A_785 = tpu.vector_load %arg12[%get3A_783, %get3A_784] {strides = array<i32>} : memref<64x768xf32, #tpu.memory_space<vmem>>, vector<1x16xf32>,
      %get3A_786 = vector.shape_cast %get3A_785 : vector<1x16xf32> to vector<16xf32>
      %mul3A_787 = arith.mulf %get3A_786, %get3A_171 : vector<16xf32>
      %get3A_788 = arith.index_cast %add3A_168 : i32 to index
      %get3A_789 = arith.constant 608 : index
      %get3A_790 = tpu.vector_load %arg13[%get3A_788, %get3A_789] {strides = array<i32>} : memref<64x768xf32, #tpu.memory_space<vmem>>, vector<1x16xf32>,
      %get3A_791 = vector.shape_cast %get3A_790 : vector<1x16xf32> to vector<16xf32>
      %mul3A_792 = arith.mulf %get3A_791, %get3A_175 : vector<16xf32>
      %add3A_793 = arith.addf %mul3A_787, %mul3A_792 : vector<16xf32>
      %swap3A_794 = arith.index_cast %add3A_168 : i32 to index
      %swap3A_795 = arith.constant 608 : index
      %swap3A_796 = tpu.vector_load %arg12[%swap3A_794, %swap3A_795] {strides = array<i32>} : memref<64x768xf32, #tpu.memory_space<vmem>>, vector<1x16xf32>,
      %swap3A_797 = vector.shape_cast %swap3A_796 : vector<1x16xf32> to vector<16xf32>
      %swap3A_798 = vector.shape_cast %add3A_793 : vector<16xf32> to vector<1x16xf32>
      tpu.vector_store %arg12[%swap3A_794, %swap3A_795], %swap3A_798 {strides = array<i32>} : memref<64x768xf32, #tpu.memory_space<vmem>>, vector<1x16xf32>,
      %get3A_799 = arith.index_cast %add3A_168 : i32 to index
      %get3A_800 = arith.constant 624 : index
      %get3A_801 = tpu.vector_load %arg12[%get3A_799, %get3A_800] {strides = array<i32>} : memref<64x768xf32, #tpu.memory_space<vmem>>, vector<1x16xf32>,
      %get3A_802 = vector.shape_cast %get3A_801 : vector<1x16xf32> to vector<16xf32>
      %mul3A_803 = arith.mulf %get3A_802, %get3A_171 : vector<16xf32>
      %get3A_804 = arith.index_cast %add3A_168 : i32 to index
      %get3A_805 = arith.constant 624 : index
      %get3A_806 = tpu.vector_load %arg13[%get3A_804, %get3A_805] {strides = array<i32>} : memref<64x768xf32, #tpu.memory_space<vmem>>, vector<1x16xf32>,
      %get3A_807 = vector.shape_cast %get3A_806 : vector<1x16xf32> to vector<16xf32>
      %mul3A_808 = arith.mulf %get3A_807, %get3A_175 : vector<16xf32>
      %add3A_809 = arith.addf %mul3A_803, %mul3A_808 : vector<16xf32>
      %swap3A_810 = arith.index_cast %add3A_168 : i32 to index
      %swap3A_811 = arith.constant 624 : index
      %swap3A_812 = tpu.vector_load %arg12[%swap3A_810, %swap3A_811] {strides = array<i32>} : memref<64x768xf32, #tpu.memory_space<vmem>>, vector<1x16xf32>,
      %swap3A_813 = vector.shape_cast %swap3A_812 : vector<1x16xf32> to vector<16xf32>
      %swap3A_814 = vector.shape_cast %add3A_809 : vector<16xf32> to vector<1x16xf32>
      tpu.vector_store %arg12[%swap3A_810, %swap3A_811], %swap3A_814 {strides = array<i32>} : memref<64x768xf32, #tpu.memory_space<vmem>>, vector<1x16xf32>,
      %get3A_815 = arith.index_cast %add3A_168 : i32 to index
      %get3A_816 = arith.constant 640 : index
      %get3A_817 = tpu.vector_load %arg12[%get3A_815, %get3A_816] {strides = array<i32>} : memref<64x768xf32, #tpu.memory_space<vmem>>, vector<1x16xf32>,
      %get3A_818 = vector.shape_cast %get3A_817 : vector<1x16xf32> to vector<16xf32>
      %mul3A_819 = arith.mulf %get3A_818, %get3A_171 : vector<16xf32>
      %get3A_820 = arith.index_cast %add3A_168 : i32 to index
      %get3A_821 = arith.constant 640 : index
      %get3A_822 = tpu.vector_load %arg13[%get3A_820, %get3A_821] {strides = array<i32>} : memref<64x768xf32, #tpu.memory_space<vmem>>, vector<1x16xf32>,
      %get3A_823 = vector.shape_cast %get3A_822 : vector<1x16xf32> to vector<16xf32>
      %mul3A_824 = arith.mulf %get3A_823, %get3A_175 : vector<16xf32>
      %add3A_825 = arith.addf %mul3A_819, %mul3A_824 : vector<16xf32>
      %swap3A_826 = arith.index_cast %add3A_168 : i32 to index
      %swap3A_827 = arith.constant 640 : index
      %swap3A_828 = tpu.vector_load %arg12[%swap3A_826, %swap3A_827] {strides = array<i32>} : memref<64x768xf32, #tpu.memory_space<vmem>>, vector<1x16xf32>,
      %swap3A_829 = vector.shape_cast %swap3A_828 : vector<1x16xf32> to vector<16xf32>
      %swap3A_830 = vector.shape_cast %add3A_825 : vector<16xf32> to vector<1x16xf32>
      tpu.vector_store %arg12[%swap3A_826, %swap3A_827], %swap3A_830 {strides = array<i32>} : memref<64x768xf32, #tpu.memory_space<vmem>>, vector<1x16xf32>,
      %get3A_831 = arith.index_cast %add3A_168 : i32 to index
      %get3A_832 = arith.constant 656 : index
      %get3A_833 = tpu.vector_load %arg12[%get3A_831, %get3A_832] {strides = array<i32>} : memref<64x768xf32, #tpu.memory_space<vmem>>, vector<1x16xf32>,
      %get3A_834 = vector.shape_cast %get3A_833 : vector<1x16xf32> to vector<16xf32>
      %mul3A_835 = arith.mulf %get3A_834, %get3A_171 : vector<16xf32>
      %get3A_836 = arith.index_cast %add3A_168 : i32 to index
      %get3A_837 = arith.constant 656 : index
      %get3A_838 = tpu.vector_load %arg13[%get3A_836, %get3A_837] {strides = array<i32>} : memref<64x768xf32, #tpu.memory_space<vmem>>, vector<1x16xf32>,
      %get3A_839 = vector.shape_cast %get3A_838 : vector<1x16xf32> to vector<16xf32>
      %mul3A_840 = arith.mulf %get3A_839, %get3A_175 : vector<16xf32>
      %add3A_841 = arith.addf %mul3A_835, %mul3A_840 : vector<16xf32>
      %swap3A_842 = arith.index_cast %add3A_168 : i32 to index
      %swap3A_843 = arith.constant 656 : index
      %swap3A_844 = tpu.vector_load %arg12[%swap3A_842, %swap3A_843] {strides = array<i32>} : memref<64x768xf32, #tpu.memory_space<vmem>>, vector<1x16xf32>,
      %swap3A_845 = vector.shape_cast %swap3A_844 : vector<1x16xf32> to vector<16xf32>
      %swap3A_846 = vector.shape_cast %add3A_841 : vector<16xf32> to vector<1x16xf32>
      tpu.vector_store %arg12[%swap3A_842, %swap3A_843], %swap3A_846 {strides = array<i32>} : memref<64x768xf32, #tpu.memory_space<vmem>>, vector<1x16xf32>,
      %get3A_847 = arith.index_cast %add3A_168 : i32 to index
      %get3A_848 = arith.constant 672 : index
      %get3A_849 = tpu.vector_load %arg12[%get3A_847, %get3A_848] {strides = array<i32>} : memref<64x768xf32, #tpu.memory_space<vmem>>, vector<1x16xf32>,
      %get3A_850 = vector.shape_cast %get3A_849 : vector<1x16xf32> to vector<16xf32>
      %mul3A_851 = arith.mulf %get3A_850, %get3A_171 : vector<16xf32>
      %get3A_852 = arith.index_cast %add3A_168 : i32 to index
      %get3A_853 = arith.constant 672 : index
      %get3A_854 = tpu.vector_load %arg13[%get3A_852, %get3A_853] {strides = array<i32>} : memref<64x768xf32, #tpu.memory_space<vmem>>, vector<1x16xf32>,
      %get3A_855 = vector.shape_cast %get3A_854 : vector<1x16xf32> to vector<16xf32>
      %mul3A_856 = arith.mulf %get3A_855, %get3A_175 : vector<16xf32>
      %add3A_857 = arith.addf %mul3A_851, %mul3A_856 : vector<16xf32>
      %swap3A_858 = arith.index_cast %add3A_168 : i32 to index
      %swap3A_859 = arith.constant 672 : index
      %swap3A_860 = tpu.vector_load %arg12[%swap3A_858, %swap3A_859] {strides = array<i32>} : memref<64x768xf32, #tpu.memory_space<vmem>>, vector<1x16xf32>,
      %swap3A_861 = vector.shape_cast %swap3A_860 : vector<1x16xf32> to vector<16xf32>
      %swap3A_862 = vector.shape_cast %add3A_857 : vector<16xf32> to vector<1x16xf32>
      tpu.vector_store %arg12[%swap3A_858, %swap3A_859], %swap3A_862 {strides = array<i32>} : memref<64x768xf32, #tpu.memory_space<vmem>>, vector<1x16xf32>,
      %get3A_863 = arith.index_cast %add3A_168 : i32 to index
      %get3A_864 = arith.constant 688 : index
      %get3A_865 = tpu.vector_load %arg12[%get3A_863, %get3A_864] {strides = array<i32>} : memref<64x768xf32, #tpu.memory_space<vmem>>, vector<1x16xf32>,
      %get3A_866 = vector.shape_cast %get3A_865 : vector<1x16xf32> to vector<16xf32>
      %mul3A_867 = arith.mulf %get3A_866, %get3A_171 : vector<16xf32>
      %get3A_868 = arith.index_cast %add3A_168 : i32 to index
      %get3A_869 = arith.constant 688 : index
      %get3A_870 = tpu.vector_load %arg13[%get3A_868, %get3A_869] {strides = array<i32>} : memref<64x768xf32, #tpu.memory_space<vmem>>, vector<1x16xf32>,
      %get3A_871 = vector.shape_cast %get3A_870 : vector<1x16xf32> to vector<16xf32>
      %mul3A_872 = arith.mulf %get3A_871, %get3A_175 : vector<16xf32>
      %add3A_873 = arith.addf %mul3A_867, %mul3A_872 : vector<16xf32>
      %swap3A_874 = arith.index_cast %add3A_168 : i32 to index
      %swap3A_875 = arith.constant 688 : index
      %swap3A_876 = tpu.vector_load %arg12[%swap3A_874, %swap3A_875] {strides = array<i32>} : memref<64x768xf32, #tpu.memory_space<vmem>>, vector<1x16xf32>,
      %swap3A_877 = vector.shape_cast %swap3A_876 : vector<1x16xf32> to vector<16xf32>
      %swap3A_878 = vector.shape_cast %add3A_873 : vector<16xf32> to vector<1x16xf32>
      tpu.vector_store %arg12[%swap3A_874, %swap3A_875], %swap3A_878 {strides = array<i32>} : memref<64x768xf32, #tpu.memory_space<vmem>>, vector<1x16xf32>,
      %get3A_879 = arith.index_cast %add3A_168 : i32 to index
      %get3A_880 = arith.constant 704 : index
      %get3A_881 = tpu.vector_load %arg12[%get3A_879, %get3A_880] {strides = array<i32>} : memref<64x768xf32, #tpu.memory_space<vmem>>, vector<1x16xf32>,
      %get3A_882 = vector.shape_cast %get3A_881 : vector<1x16xf32> to vector<16xf32>
      %mul3A_883 = arith.mulf %get3A_882, %get3A_171 : vector<16xf32>
      %get3A_884 = arith.index_cast %add3A_168 : i32 to index
      %get3A_885 = arith.constant 704 : index
      %get3A_886 = tpu.vector_load %arg13[%get3A_884, %get3A_885] {strides = array<i32>} : memref<64x768xf32, #tpu.memory_space<vmem>>, vector<1x16xf32>,
      %get3A_887 = vector.shape_cast %get3A_886 : vector<1x16xf32> to vector<16xf32>
      %mul3A_888 = arith.mulf %get3A_887, %get3A_175 : vector<16xf32>
      %add3A_889 = arith.addf %mul3A_883, %mul3A_888 : vector<16xf32>
      %swap3A_890 = arith.index_cast %add3A_168 : i32 to index
      %swap3A_891 = arith.constant 704 : index
      %swap3A_892 = tpu.vector_load %arg12[%swap3A_890, %swap3A_891] {strides = array<i32>} : memref<64x768xf32, #tpu.memory_space<vmem>>, vector<1x16xf32>,
      %swap3A_893 = vector.shape_cast %swap3A_892 : vector<1x16xf32> to vector<16xf32>
      %swap3A_894 = vector.shape_cast %add3A_889 : vector<16xf32> to vector<1x16xf32>
      tpu.vector_store %arg12[%swap3A_890, %swap3A_891], %swap3A_894 {strides = array<i32>} : memref<64x768xf32, #tpu.memory_space<vmem>>, vector<1x16xf32>,
      %get3A_895 = arith.index_cast %add3A_168 : i32 to index
      %get3A_896 = arith.constant 720 : index
      %get3A_897 = tpu.vector_load %arg12[%get3A_895, %get3A_896] {strides = array<i32>} : memref<64x768xf32, #tpu.memory_space<vmem>>, vector<1x16xf32>,
      %get3A_898 = vector.shape_cast %get3A_897 : vector<1x16xf32> to vector<16xf32>
      %mul3A_899 = arith.mulf %get3A_898, %get3A_171 : vector<16xf32>
      %get3A_900 = arith.index_cast %add3A_168 : i32 to index
      %get3A_901 = arith.constant 720 : index
      %get3A_902 = tpu.vector_load %arg13[%get3A_900, %get3A_901] {strides = array<i32>} : memref<64x768xf32, #tpu.memory_space<vmem>>, vector<1x16xf32>,
      %get3A_903 = vector.shape_cast %get3A_902 : vector<1x16xf32> to vector<16xf32>
      %mul3A_904 = arith.mulf %get3A_903, %get3A_175 : vector<16xf32>
      %add3A_905 = arith.addf %mul3A_899, %mul3A_904 : vector<16xf32>
      %swap3A_906 = arith.index_cast %add3A_168 : i32 to index
      %swap3A_907 = arith.constant 720 : index
      %swap3A_908 = tpu.vector_load %arg12[%swap3A_906, %swap3A_907] {strides = array<i32>} : memref<64x768xf32, #tpu.memory_space<vmem>>, vector<1x16xf32>,
      %swap3A_909 = vector.shape_cast %swap3A_908 : vector<1x16xf32> to vector<16xf32>
      %swap3A_910 = vector.shape_cast %add3A_905 : vector<16xf32> to vector<1x16xf32>
      tpu.vector_store %arg12[%swap3A_906, %swap3A_907], %swap3A_910 {strides = array<i32>} : memref<64x768xf32, #tpu.memory_space<vmem>>, vector<1x16xf32>,
      %get3A_911 = arith.index_cast %add3A_168 : i32 to index
      %get3A_912 = arith.constant 736 : index
      %get3A_913 = tpu.vector_load %arg12[%get3A_911, %get3A_912] {strides = array<i32>} : memref<64x768xf32, #tpu.memory_space<vmem>>, vector<1x16xf32>,
      %get3A_914 = vector.shape_cast %get3A_913 : vector<1x16xf32> to vector<16xf32>
      %mul3A_915 = arith.mulf %get3A_914, %get3A_171 : vector<16xf32>
      %get3A_916 = arith.index_cast %add3A_168 : i32 to index
      %get3A_917 = arith.constant 736 : index
      %get3A_918 = tpu.vector_load %arg13[%get3A_916, %get3A_917] {strides = array<i32>} : memref<64x768xf32, #tpu.memory_space<vmem>>, vector<1x16xf32>,
      %get3A_919 = vector.shape_cast %get3A_918 : vector<1x16xf32> to vector<16xf32>
      %mul3A_920 = arith.mulf %get3A_919, %get3A_175 : vector<16xf32>
      %add3A_921 = arith.addf %mul3A_915, %mul3A_920 : vector<16xf32>
      %swap3A_922 = arith.index_cast %add3A_168 : i32 to index
      %swap3A_923 = arith.constant 736 : index
      %swap3A_924 = tpu.vector_load %arg12[%swap3A_922, %swap3A_923] {strides = array<i32>} : memref<64x768xf32, #tpu.memory_space<vmem>>, vector<1x16xf32>,
      %swap3A_925 = vector.shape_cast %swap3A_924 : vector<1x16xf32> to vector<16xf32>
      %swap3A_926 = vector.shape_cast %add3A_921 : vector<16xf32> to vector<1x16xf32>
      tpu.vector_store %arg12[%swap3A_922, %swap3A_923], %swap3A_926 {strides = array<i32>} : memref<64x768xf32, #tpu.memory_space<vmem>>, vector<1x16xf32>,
      %get3A_927 = arith.index_cast %add3A_168 : i32 to index
      %get3A_928 = arith.constant 752 : index
      %get3A_929 = tpu.vector_load %arg12[%get3A_927, %get3A_928] {strides = array<i32>} : memref<64x768xf32, #tpu.memory_space<vmem>>, vector<1x16xf32>,
      %get3A_930 = vector.shape_cast %get3A_929 : vector<1x16xf32> to vector<16xf32>
      %mul3A_931 = arith.mulf %get3A_930, %get3A_171 : vector<16xf32>
      %get3A_932 = arith.index_cast %add3A_168 : i32 to index
      %get3A_933 = arith.constant 752 : index
      %get3A_934 = tpu.vector_load %arg13[%get3A_932, %get3A_933] {strides = array<i32>} : memref<64x768xf32, #tpu.memory_space<vmem>>, vector<1x16xf32>,
      %get3A_935 = vector.shape_cast %get3A_934 : vector<1x16xf32> to vector<16xf32>
      %mul3A_936 = arith.mulf %get3A_935, %get3A_175 : vector<16xf32>
      %add3A_937 = arith.addf %mul3A_931, %mul3A_936 : vector<16xf32>
      %swap3A_938 = arith.index_cast %add3A_168 : i32 to index
      %swap3A_939 = arith.constant 752 : index
      %swap3A_940 = tpu.vector_load %arg12[%swap3A_938, %swap3A_939] {strides = array<i32>} : memref<64x768xf32, #tpu.memory_space<vmem>>, vector<1x16xf32>,
      %swap3A_941 = vector.shape_cast %swap3A_940 : vector<1x16xf32> to vector<16xf32>
      %swap3A_942 = vector.shape_cast %add3A_937 : vector<16xf32> to vector<1x16xf32>
      tpu.vector_store %arg12[%swap3A_938, %swap3A_939], %swap3A_942 {strides = array<i32>} : memref<64x768xf32, #tpu.memory_space<vmem>>, vector<1x16xf32>,
    }
    %scan3A_151 = arith.constant 32 : i32
    %dma_wait3A_152 = arith.constant 0 : i32
    %dma_wait3A_153 = arith.constant 0 : i32
    %dma_wait3A_154 = tpu.memref_slice %arg12[%dma_wait3A_152, %dma_wait3A_153] : memref<64x768xf32, #tpu.memory_space<vmem>> -> memref<32x768xf32, #tpu.memory_space<vmem>>
    %dma_wait3A_155 = arith.constant 0 : i32
    %dma_wait3A_156 = tpu.memref_slice %arg7[%mul3A_2, %dma_wait3A_155] : memref<2048x768xf32, #tpu.memory_space<hbm>> -> memref<32x768xf32, #tpu.memory_space<hbm>>
    %dma_wait3A_157 = arith.constant 0 : i32
    %dma_wait3A_158 = tpu.memref_slice %arg7[%mul3A_2, %dma_wait3A_157] : memref<2048x768xf32, #tpu.memory_space<hbm>> -> memref<32x768xf32, #tpu.memory_space<hbm>>
    %dma_wait3A_159 = arith.constant 0 : i32
    %dma_wait3A_160 = arith.constant 0 : i32
    %dma_wait3A_161 = tpu.memref_slice %arg12[%dma_wait3A_159, %dma_wait3A_160] : memref<64x768xf32, #tpu.memory_space<vmem>> -> memref<32x768xf32, #tpu.memory_space<vmem>>
    tpu.wait_dma2 semaphore(%arg14 : memref<!tpu.dma_semaphore, #tpu.memory_space<semaphore_mem>>) src(%dma_wait3A_161 : memref<32x768xf32, #tpu.memory_space<vmem>>) dst(%dma_wait3A_158 : memref<32x768xf32, #tpu.memory_space<hbm>>)
    %add3A_162 = arith.constant 32 : i32
    %add3A_163 = arith.addi %mul3A_2, %add3A_162 : i32
    "tpu.region"() ({
      %run_scoped3A = tpu.sem_alloc : memref<!tpu.dma_semaphore, #tpu.memory_space<semaphore_mem>>
      %dma_start3A_164 = arith.constant 32 : i32
      %dma_start3A_165 = arith.constant 0 : i32
      %dma_start3A_166 = tpu.memref_slice %arg12[%dma_start3A_164, %dma_start3A_165] : memref<64x768xf32, #tpu.memory_space<vmem>> -> memref<32x768xf32, #tpu.memory_space<vmem>>
      %dma_start3A_167 = arith.constant 0 : i32
      %dma_start3A_168 = tpu.memref_slice %arg7[%add3A_163, %dma_start3A_167] : memref<2048x768xf32, #tpu.memory_space<hbm>> -> memref<32x768xf32, #tpu.memory_space<hbm>>
      %dma_start3A_169 = arith.constant 0 : i32
      %dma_start3A_170 = tpu.memref_slice %arg7[%add3A_163, %dma_start3A_169] : memref<2048x768xf32, #tpu.memory_space<hbm>> -> memref<32x768xf32, #tpu.memory_space<hbm>>
      %dma_start3A_171 = arith.constant 32 : i32
      %dma_start3A_172 = arith.constant 0 : i32
      %dma_start3A_173 = tpu.memref_slice %arg12[%dma_start3A_171, %dma_start3A_172] : memref<64x768xf32, #tpu.memory_space<vmem>> -> memref<32x768xf32, #tpu.memory_space<vmem>>
      tpu.enqueue_dma source(%dma_start3A_173 : memref<32x768xf32, #tpu.memory_space<vmem>>) target(%dma_start3A_170 : memref<32x768xf32, #tpu.memory_space<hbm>>) target_semaphore(%run_scoped3A : memref<!tpu.dma_semaphore, #tpu.memory_space<semaphore_mem>>)
      %dma_wait3A_174 = arith.constant 32 : i32
      %dma_wait3A_175 = arith.constant 0 : i32
      %dma_wait3A_176 = tpu.memref_slice %arg12[%dma_wait3A_174, %dma_wait3A_175] : memref<64x768xf32, #tpu.memory_space<vmem>> -> memref<32x768xf32, #tpu.memory_space<vmem>>
      %dma_wait3A_177 = arith.constant 0 : i32
      %dma_wait3A_178 = tpu.memref_slice %arg7[%add3A_163, %dma_wait3A_177] : memref<2048x768xf32, #tpu.memory_space<hbm>> -> memref<32x768xf32, #tpu.memory_space<hbm>>
      %dma_wait3A_179 = arith.constant 0 : i32
      %dma_wait3A_180 = tpu.memref_slice %arg7[%add3A_163, %dma_wait3A_179] : memref<2048x768xf32, #tpu.memory_space<hbm>> -> memref<32x768xf32, #tpu.memory_space<hbm>>
      %dma_wait3A_181 = arith.constant 32 : i32
      %dma_wait3A_182 = arith.constant 0 : i32
      %dma_wait3A_183 = tpu.memref_slice %arg12[%dma_wait3A_181, %dma_wait3A_182] : memref<64x768xf32, #tpu.memory_space<vmem>> -> memref<32x768xf32, #tpu.memory_space<vmem>>
      tpu.wait_dma2 semaphore(%run_scoped3A : memref<!tpu.dma_semaphore, #tpu.memory_space<semaphore_mem>>) src(%dma_wait3A_183 : memref<32x768xf32, #tpu.memory_space<vmem>>) dst(%dma_wait3A_180 : memref<32x768xf32, #tpu.memory_space<hbm>>)
      tpu.yield
    }) : () -> ()
    return
  }
}

#map = affine_map<(d0, d1) -> (0, 0)>
#map1 = affine_map<(d0, d1) -> (0)>
module attributes {stable_mosaic.version = 14 : i64} {
  func.func @body(%arg0: i32, %arg1: i32, %arg2: memref<2048x768xf32, #tpu.memory_space<hbm>>, %arg3: memref<2048xi32, #tpu.memory_space<hbm>>, %arg4: memref<2048xi32, #tpu.memory_space<hbm>>, %arg5: memref<5888x768xf32, #tpu.memory_space<hbm>>, %arg6: memref<1x64xi32, #tpu.memory_space<vmem>>, %arg7: memref<1x64xi32, #tpu.memory_space<vmem>>, %arg8: memref<64x768xf32, #tpu.memory_space<vmem>>, %arg9: memref<!tpu.dma_semaphore, #tpu.memory_space<semaphore_mem>>, %arg10: memref<!tpu.dma_semaphore, #tpu.memory_space<semaphore_mem>>, %arg11: memref<!tpu.dma_semaphore, #tpu.memory_space<semaphore_mem>>) attributes {dimension_semantics = [#tpu.dimension_semantics<core_parallel>, #tpu.dimension_semantics<subcore_parallel>], iteration_bounds = array<i64: 2, 16>, scalar_prefetch = 0 : i64, scratch_operands = 6 : i64, tpu.core_type = #tpu.core_type<sc_vector_subcore>, window_params = [{transform_indices = #map}, {transform_indices = #map1}, {transform_indices = #map1}, {transform_indices = #map}]} {
    %mul3A = arith.constant 2 : i32
    %mul3A_0 = arith.muli %arg1, %mul3A : i32
    %add3A = arith.addi %mul3A_0, %arg0 : i32
    %mul3A_1 = arith.constant 64 : i32
    %mul3A_2 = arith.muli %add3A, %mul3A_1 : i32
    %dma_start3A = arith.constant 0 : i32
    %dma_start3A_3 = arith.constant 0 : i32
    %dma_start3A_4 = tpu.memref_slice %arg6[%dma_start3A, %dma_start3A_3] : memref<1x64xi32, #tpu.memory_space<vmem>> -> memref<1x64xi32, #tpu.memory_space<vmem>>
    %dma_start3A_5 = tpu.memref_squeeze %dma_start3A_4 : memref<1x64xi32, #tpu.memory_space<vmem>> -> memref<64xi32, #tpu.memory_space<vmem>>
    %dma_start3A_6 = tpu.memref_slice %arg3[%mul3A_2] : memref<2048xi32, #tpu.memory_space<hbm>> -> memref<64xi32, #tpu.memory_space<hbm>>
    %dma_start3A_7 = arith.constant 0 : i32
    %dma_start3A_8 = tpu.memref_slice %arg6[%dma_start3A, %dma_start3A_7] : memref<1x64xi32, #tpu.memory_space<vmem>> -> memref<1x64xi32, #tpu.memory_space<vmem>>
    %dma_start3A_9 = tpu.memref_squeeze %dma_start3A_8 : memref<1x64xi32, #tpu.memory_space<vmem>> -> memref<64xi32, #tpu.memory_space<vmem>>
    %dma_start3A_10 = tpu.memref_slice %arg3[%mul3A_2] : memref<2048xi32, #tpu.memory_space<hbm>> -> memref<64xi32, #tpu.memory_space<hbm>>
    tpu.enqueue_dma source(%dma_start3A_10 : memref<64xi32, #tpu.memory_space<hbm>>) target(%dma_start3A_9 : memref<64xi32, #tpu.memory_space<vmem>>) target_semaphore(%arg9 : memref<!tpu.dma_semaphore, #tpu.memory_space<semaphore_mem>>)
    %dma_start3A_11 = arith.constant 0 : i32
    %dma_start3A_12 = arith.constant 0 : i32
    %dma_start3A_13 = tpu.memref_slice %arg7[%dma_start3A_11, %dma_start3A_12] : memref<1x64xi32, #tpu.memory_space<vmem>> -> memref<1x64xi32, #tpu.memory_space<vmem>>
    %dma_start3A_14 = tpu.memref_squeeze %dma_start3A_13 : memref<1x64xi32, #tpu.memory_space<vmem>> -> memref<64xi32, #tpu.memory_space<vmem>>
    %dma_start3A_15 = tpu.memref_slice %arg4[%mul3A_2] : memref<2048xi32, #tpu.memory_space<hbm>> -> memref<64xi32, #tpu.memory_space<hbm>>
    %dma_start3A_16 = arith.constant 0 : i32
    %dma_start3A_17 = tpu.memref_slice %arg7[%dma_start3A_11, %dma_start3A_16] : memref<1x64xi32, #tpu.memory_space<vmem>> -> memref<1x64xi32, #tpu.memory_space<vmem>>
    %dma_start3A_18 = tpu.memref_squeeze %dma_start3A_17 : memref<1x64xi32, #tpu.memory_space<vmem>> -> memref<64xi32, #tpu.memory_space<vmem>>
    %dma_start3A_19 = tpu.memref_slice %arg4[%mul3A_2] : memref<2048xi32, #tpu.memory_space<hbm>> -> memref<64xi32, #tpu.memory_space<hbm>>
    tpu.enqueue_dma source(%dma_start3A_19 : memref<64xi32, #tpu.memory_space<hbm>>) target(%dma_start3A_18 : memref<64xi32, #tpu.memory_space<vmem>>) target_semaphore(%arg10 : memref<!tpu.dma_semaphore, #tpu.memory_space<semaphore_mem>>)
    %dma_start3A_20 = arith.constant 0 : i32
    %dma_start3A_21 = tpu.memref_slice %arg2[%mul3A_2, %dma_start3A_20] : memref<2048x768xf32, #tpu.memory_space<hbm>> -> memref<64x768xf32, #tpu.memory_space<hbm>>
    %dma_start3A_22 = arith.constant 0 : i32
    %dma_start3A_23 = tpu.memref_slice %arg2[%mul3A_2, %dma_start3A_22] : memref<2048x768xf32, #tpu.memory_space<hbm>> -> memref<64x768xf32, #tpu.memory_space<hbm>>
    tpu.enqueue_dma source(%dma_start3A_23 : memref<64x768xf32, #tpu.memory_space<hbm>>) target(%arg8 : memref<64x768xf32, #tpu.memory_space<vmem>>) target_semaphore(%arg11 : memref<!tpu.dma_semaphore, #tpu.memory_space<semaphore_mem>>)
    %dma_wait3A = arith.constant 0 : i32
    %dma_wait3A_24 = arith.constant 0 : i32
    %dma_wait3A_25 = tpu.memref_slice %arg6[%dma_wait3A, %dma_wait3A_24] : memref<1x64xi32, #tpu.memory_space<vmem>> -> memref<1x64xi32, #tpu.memory_space<vmem>>
    %dma_wait3A_26 = tpu.memref_squeeze %dma_wait3A_25 : memref<1x64xi32, #tpu.memory_space<vmem>> -> memref<64xi32, #tpu.memory_space<vmem>>
    %dma_wait3A_27 = tpu.memref_slice %arg3[%mul3A_2] : memref<2048xi32, #tpu.memory_space<hbm>> -> memref<64xi32, #tpu.memory_space<hbm>>
    %dma_wait3A_28 = arith.constant 0 : i32
    %dma_wait3A_29 = tpu.memref_slice %arg6[%dma_wait3A, %dma_wait3A_28] : memref<1x64xi32, #tpu.memory_space<vmem>> -> memref<1x64xi32, #tpu.memory_space<vmem>>
    %dma_wait3A_30 = tpu.memref_squeeze %dma_wait3A_29 : memref<1x64xi32, #tpu.memory_space<vmem>> -> memref<64xi32, #tpu.memory_space<vmem>>
    %dma_wait3A_31 = tpu.memref_slice %arg3[%mul3A_2] : memref<2048xi32, #tpu.memory_space<hbm>> -> memref<64xi32, #tpu.memory_space<hbm>>
    tpu.wait_dma2 semaphore(%arg9 : memref<!tpu.dma_semaphore, #tpu.memory_space<semaphore_mem>>) src(%dma_wait3A_31 : memref<64xi32, #tpu.memory_space<hbm>>) dst(%dma_wait3A_30 : memref<64xi32, #tpu.memory_space<vmem>>)
    %dma_wait3A_32 = arith.constant 0 : i32
    %dma_wait3A_33 = arith.constant 0 : i32
    %dma_wait3A_34 = tpu.memref_slice %arg7[%dma_wait3A_32, %dma_wait3A_33] : memref<1x64xi32, #tpu.memory_space<vmem>> -> memref<1x64xi32, #tpu.memory_space<vmem>>
    %dma_wait3A_35 = tpu.memref_squeeze %dma_wait3A_34 : memref<1x64xi32, #tpu.memory_space<vmem>> -> memref<64xi32, #tpu.memory_space<vmem>>
    %dma_wait3A_36 = tpu.memref_slice %arg4[%mul3A_2] : memref<2048xi32, #tpu.memory_space<hbm>> -> memref<64xi32, #tpu.memory_space<hbm>>
    %dma_wait3A_37 = arith.constant 0 : i32
    %dma_wait3A_38 = tpu.memref_slice %arg7[%dma_wait3A_32, %dma_wait3A_37] : memref<1x64xi32, #tpu.memory_space<vmem>> -> memref<1x64xi32, #tpu.memory_space<vmem>>
    %dma_wait3A_39 = tpu.memref_squeeze %dma_wait3A_38 : memref<1x64xi32, #tpu.memory_space<vmem>> -> memref<64xi32, #tpu.memory_space<vmem>>
    %dma_wait3A_40 = tpu.memref_slice %arg4[%mul3A_2] : memref<2048xi32, #tpu.memory_space<hbm>> -> memref<64xi32, #tpu.memory_space<hbm>>
    tpu.wait_dma2 semaphore(%arg10 : memref<!tpu.dma_semaphore, #tpu.memory_space<semaphore_mem>>) src(%dma_wait3A_40 : memref<64xi32, #tpu.memory_space<hbm>>) dst(%dma_wait3A_39 : memref<64xi32, #tpu.memory_space<vmem>>)
    %dma_wait3A_41 = arith.constant 0 : i32
    %dma_wait3A_42 = tpu.memref_slice %arg2[%mul3A_2, %dma_wait3A_41] : memref<2048x768xf32, #tpu.memory_space<hbm>> -> memref<64x768xf32, #tpu.memory_space<hbm>>
    %dma_wait3A_43 = arith.constant 0 : i32
    %dma_wait3A_44 = tpu.memref_slice %arg2[%mul3A_2, %dma_wait3A_43] : memref<2048x768xf32, #tpu.memory_space<hbm>> -> memref<64x768xf32, #tpu.memory_space<hbm>>
    tpu.wait_dma2 semaphore(%arg11 : memref<!tpu.dma_semaphore, #tpu.memory_space<semaphore_mem>>) src(%dma_wait3A_44 : memref<64x768xf32, #tpu.memory_space<hbm>>) dst(%arg8 : memref<64x768xf32, #tpu.memory_space<vmem>>)
    %dma_start3A_45 = arith.constant 0 : i32
    %dma_start3A_46 = arith.constant 0 : i32
    %dma_start3A_47 = tpu.memref_slice %arg6[%dma_start3A_45, %dma_start3A_46] : memref<1x64xi32, #tpu.memory_space<vmem>> -> memref<1x64xi32, #tpu.memory_space<vmem>>
    %dma_start3A_48 = tpu.memref_squeeze %dma_start3A_47 : memref<1x64xi32, #tpu.memory_space<vmem>> -> memref<64xi32, #tpu.memory_space<vmem>>
    %dma_start3A_49 = arith.constant 0 : i32
    %dma_start3A_50 = arith.constant 0 : i32
    %dma_start3A_51 = tpu.memref_slice %arg5[%dma_start3A_49, %dma_start3A_50] : memref<5888x768xf32, #tpu.memory_space<hbm>> -> memref<5888x768xf32, #tpu.memory_space<hbm>>
    tpu.enqueue_indirect_dma source(%arg8 : memref<64x768xf32, #tpu.memory_space<vmem>>) target(%dma_start3A_51 : memref<5888x768xf32, #tpu.memory_space<hbm>>) offsets(%dma_start3A_48 : memref<64xi32, #tpu.memory_space<vmem>>) semaphore(%arg9 : memref<!tpu.dma_semaphore, #tpu.memory_space<semaphore_mem>>)
    %dma_start3A_52 = arith.constant 0 : i32
    %dma_start3A_53 = arith.constant 0 : i32
    %dma_start3A_54 = tpu.memref_slice %arg7[%dma_start3A_52, %dma_start3A_53] : memref<1x64xi32, #tpu.memory_space<vmem>> -> memref<1x64xi32, #tpu.memory_space<vmem>>
    %dma_start3A_55 = tpu.memref_squeeze %dma_start3A_54 : memref<1x64xi32, #tpu.memory_space<vmem>> -> memref<64xi32, #tpu.memory_space<vmem>>
    %dma_start3A_56 = arith.constant 0 : i32
    %dma_start3A_57 = arith.constant 0 : i32
    %dma_start3A_58 = tpu.memref_slice %arg5[%dma_start3A_56, %dma_start3A_57] : memref<5888x768xf32, #tpu.memory_space<hbm>> -> memref<5888x768xf32, #tpu.memory_space<hbm>>
    tpu.enqueue_indirect_dma source(%arg8 : memref<64x768xf32, #tpu.memory_space<vmem>>) target(%dma_start3A_58 : memref<5888x768xf32, #tpu.memory_space<hbm>>) offsets(%dma_start3A_55 : memref<64xi32, #tpu.memory_space<vmem>>) semaphore(%arg10 : memref<!tpu.dma_semaphore, #tpu.memory_space<semaphore_mem>>)
    %dma_wait3A_59 = arith.constant 0 : i32
    %dma_wait3A_60 = arith.constant 0 : i32
    %dma_wait3A_61 = tpu.memref_slice %arg6[%dma_wait3A_59, %dma_wait3A_60] : memref<1x64xi32, #tpu.memory_space<vmem>> -> memref<1x64xi32, #tpu.memory_space<vmem>>
    %dma_wait3A_62 = tpu.memref_squeeze %dma_wait3A_61 : memref<1x64xi32, #tpu.memory_space<vmem>> -> memref<64xi32, #tpu.memory_space<vmem>>
    %dma_wait3A_63 = arith.constant 0 : i32
    %dma_wait3A_64 = arith.constant 0 : i32
    %dma_wait3A_65 = tpu.memref_slice %arg5[%dma_wait3A_63, %dma_wait3A_64] : memref<5888x768xf32, #tpu.memory_space<hbm>> -> memref<5888x768xf32, #tpu.memory_space<hbm>>
    tpu.wait_indirect_dma semaphore(%arg9 : memref<!tpu.dma_semaphore, #tpu.memory_space<semaphore_mem>>) src(%arg8 : memref<64x768xf32, #tpu.memory_space<vmem>>) dst(%dma_wait3A_65 : memref<5888x768xf32, #tpu.memory_space<hbm>>)
    %dma_wait3A_66 = arith.constant 0 : i32
    %dma_wait3A_67 = arith.constant 0 : i32
    %dma_wait3A_68 = tpu.memref_slice %arg7[%dma_wait3A_66, %dma_wait3A_67] : memref<1x64xi32, #tpu.memory_space<vmem>> -> memref<1x64xi32, #tpu.memory_space<vmem>>
    %dma_wait3A_69 = tpu.memref_squeeze %dma_wait3A_68 : memref<1x64xi32, #tpu.memory_space<vmem>> -> memref<64xi32, #tpu.memory_space<vmem>>
    %dma_wait3A_70 = arith.constant 0 : i32
    %dma_wait3A_71 = arith.constant 0 : i32
    %dma_wait3A_72 = tpu.memref_slice %arg5[%dma_wait3A_70, %dma_wait3A_71] : memref<5888x768xf32, #tpu.memory_space<hbm>> -> memref<5888x768xf32, #tpu.memory_space<hbm>>
    tpu.wait_indirect_dma semaphore(%arg10 : memref<!tpu.dma_semaphore, #tpu.memory_space<semaphore_mem>>) src(%arg8 : memref<64x768xf32, #tpu.memory_space<vmem>>) dst(%dma_wait3A_72 : memref<5888x768xf32, #tpu.memory_space<hbm>>)
    return
  }
}

module attributes {stable_mosaic.version = 14 : i64} {
  func.func @_gmm_body(%arg0: i32, %arg1: memref<128xi32, #tpu.memory_space<smem>>, %arg2: memref<256x768xf32, #tpu.memory_space<vmem>>, %arg3: memref<1x768x512xf32, #tpu.memory_space<vmem>>, %arg4: memref<1x768x512xf32, #tpu.memory_space<vmem>>, %arg5: memref<1x512x768xf32, #tpu.memory_space<vmem>>, %arg6: memref<256x768xf32, #tpu.memory_space<vmem>>) attributes {dimension_semantics = [#tpu.dimension_semantics<arbitrary>], iteration_bounds = array<i64: 23>, scalar_prefetch = 1 : i64, scratch_operands = 0 : i64, tpu.core_type = #tpu.core_type<tc>, window_params = [{transform_indices = @transform_0, window_bounds = array<i64: 256, 768>}, {transform_indices = @transform_1, window_bounds = array<i64: 1, 768, 512>}, {transform_indices = @transform_2, window_bounds = array<i64: 1, 768, 512>}, {transform_indices = @transform_3, window_bounds = array<i64: 1, 512, 768>}, {transform_indices = @transform_4, window_bounds = array<i64: 256, 768>}]} {
    %get3A = arith.index_cast %arg0 : i32 to index
    %get3A_0 = memref.load %arg1[%get3A] : memref<128xi32, #tpu.memory_space<smem>>
    %lt3A = arith.constant 8 : i32
    %lt3A_1 = arith.cmpi slt, %get3A_0, %lt3A : i32
    %convert_element_type3A = arith.extui %lt3A_1 : i1 to i32
    %cond3A = arith.constant 0 : i32
    %cond3A_2 = arith.cmpi ne, %convert_element_type3A, %cond3A : i32
    scf.if %cond3A_2 {
      %get3A_3 = arith.constant 0 : index
      %get3A_4 = arith.constant 0 : index
      %get3A_5 = vector.load %arg2[%get3A_3, %get3A_4] : memref<256x768xf32, #tpu.memory_space<vmem>>, vector<256x768xf32>
      %get3A_6 = arith.constant 0 : index
      %get3A_7 = arith.constant 0 : index
      %get3A_8 = arith.constant 0 : index
      %get3A_9 = vector.load %arg3[%get3A_6, %get3A_7, %get3A_8] : memref<1x768x512xf32, #tpu.memory_space<vmem>>, vector<1x768x512xf32>
      %get3A_10 = vector.shape_cast %get3A_9 : vector<1x768x512xf32> to vector<768x512xf32>
      %dot_general3A = arith.constant dense<0.000000e+00> : vector<256x512xf32>
      %dot_general3A_11 = tpu.matmul %get3A_5, %get3A_10, %dot_general3A {dimension_numbers = #tpu.dot_dimension_numbers<[1], [0], [0], [1], [0, 0, 1, 1], [], []>, transpose_lhs_hint = false} : vector<256x768xf32>, vector<768x512xf32>, vector<256x512xf32> -> vector<256x512xf32>
      %get3A_12 = arith.constant 0 : index
      %get3A_13 = arith.constant 0 : index
      %get3A_14 = arith.constant 0 : index
      %get3A_15 = vector.load %arg4[%get3A_12, %get3A_13, %get3A_14] : memref<1x768x512xf32, #tpu.memory_space<vmem>>, vector<1x768x512xf32>
      %get3A_16 = vector.shape_cast %get3A_15 : vector<1x768x512xf32> to vector<768x512xf32>
      %dot_general3A_17 = arith.constant dense<0.000000e+00> : vector<256x512xf32>
      %dot_general3A_18 = tpu.matmul %get3A_5, %get3A_16, %dot_general3A_17 {dimension_numbers = #tpu.dot_dimension_numbers<[1], [0], [0], [1], [0, 0, 1, 1], [], []>, transpose_lhs_hint = false} : vector<256x768xf32>, vector<768x512xf32>, vector<256x512xf32> -> vector<256x512xf32>
      %neg3A = arith.constant 0.000000e+00 : f32
      %neg3A_19 = vector.broadcast %neg3A : f32 to vector<256x512xf32>
      %neg3A_20 = arith.subf %neg3A_19, %dot_general3A_11 : vector<256x512xf32>
      %exp3A = math.exp %neg3A_20 : vector<256x512xf32>
      %add3A = arith.constant 1.000000e+00 : f32
      %add3A_21 = vector.broadcast %add3A : f32 to vector<256x512xf32>
      %add3A_22 = arith.addf %add3A_21, %exp3A : vector<256x512xf32>
      %div3A = arith.divf %dot_general3A_11, %add3A_22 : vector<256x512xf32>
      %mul3A = arith.mulf %div3A, %dot_general3A_18 : vector<256x512xf32>
      %get3A_23 = arith.constant 0 : index
      %get3A_24 = arith.constant 0 : index
      %get3A_25 = arith.constant 0 : index
      %get3A_26 = vector.load %arg5[%get3A_23, %get3A_24, %get3A_25] : memref<1x512x768xf32, #tpu.memory_space<vmem>>, vector<1x512x768xf32>
      %get3A_27 = vector.shape_cast %get3A_26 : vector<1x512x768xf32> to vector<512x768xf32>
      %dot_general3A_28 = arith.constant dense<0.000000e+00> : vector<256x768xf32>
      %dot_general3A_29 = tpu.matmul %mul3A, %get3A_27, %dot_general3A_28 {dimension_numbers = #tpu.dot_dimension_numbers<[1], [0], [0], [1], [0, 0, 1, 1], [], []>, transpose_lhs_hint = false} : vector<256x512xf32>, vector<512x768xf32>, vector<256x768xf32> -> vector<256x768xf32>
      %swap3A = arith.constant 0 : index
      %swap3A_30 = arith.constant 0 : index
      %swap3A_31 = vector.load %arg6[%swap3A, %swap3A_30] : memref<256x768xf32, #tpu.memory_space<vmem>>, vector<256x768xf32>
      tpu.vector_store %arg6[%swap3A, %swap3A_30], %dot_general3A_29 {strides = array<i32>} : memref<256x768xf32, #tpu.memory_space<vmem>>, vector<256x768xf32>,
    } else {
    }
    return
  }
  func.func @transform_0(%arg0: i32, %arg1: memref<128xi32, #tpu.memory_space<smem>>) -> (i32, i32) {
    %c0_i32 = arith.constant 0 : i32
    %c0_i32_0 = arith.constant 0 : i32
    return %arg0, %c0_i32 : i32, i32
  }
  func.func @transform_1(%arg0: i32, %arg1: memref<128xi32, #tpu.memory_space<smem>>) -> (i32, i32, i32) {
    %get3A = arith.index_cast %arg0 : i32 to index
    %get3A_0 = memref.load %arg1[%get3A] : memref<128xi32, #tpu.memory_space<smem>>
    %min3A = arith.constant 7 : i32
    %min3A_1 = arith.minsi %get3A_0, %min3A : i32
    %c0_i32 = arith.constant 0 : i32
    %c0_i32_2 = arith.constant 0 : i32
    %c0_i32_3 = arith.constant 0 : i32
    return %min3A_1, %c0_i32, %c0_i32_2 : i32, i32, i32
  }
  func.func @transform_2(%arg0: i32, %arg1: memref<128xi32, #tpu.memory_space<smem>>) -> (i32, i32, i32) {
    %get3A = arith.index_cast %arg0 : i32 to index
    %get3A_0 = memref.load %arg1[%get3A] : memref<128xi32, #tpu.memory_space<smem>>
    %min3A = arith.constant 7 : i32
    %min3A_1 = arith.minsi %get3A_0, %min3A : i32
    %c0_i32 = arith.constant 0 : i32
    %c0_i32_2 = arith.constant 0 : i32
    %c0_i32_3 = arith.constant 0 : i32
    return %min3A_1, %c0_i32, %c0_i32_2 : i32, i32, i32
  }
  func.func @transform_3(%arg0: i32, %arg1: memref<128xi32, #tpu.memory_space<smem>>) -> (i32, i32, i32) {
    %get3A = arith.index_cast %arg0 : i32 to index
    %get3A_0 = memref.load %arg1[%get3A] : memref<128xi32, #tpu.memory_space<smem>>
    %min3A = arith.constant 7 : i32
    %min3A_1 = arith.minsi %get3A_0, %min3A : i32
    %c0_i32 = arith.constant 0 : i32
    %c0_i32_2 = arith.constant 0 : i32
    %c0_i32_3 = arith.constant 0 : i32
    return %min3A_1, %c0_i32, %c0_i32_2 : i32, i32, i32
  }
  func.func @transform_4(%arg0: i32, %arg1: memref<128xi32, #tpu.memory_space<smem>>) -> (i32, i32) {
    %c0_i32 = arith.constant 0 : i32
    %c0_i32_0 = arith.constant 0 : i32
    return %arg0, %c0_i32 : i32, i32
  }
}

module attributes {stable_mosaic.version = 14 : i64} {
  func.func @_routing_body(%arg0: memref<8x2048xf32, #tpu.memory_space<vmem>>, %arg1: memref<1x2048xi32, #tpu.memory_space<vmem>>, %arg2: memref<1x2048xi32, #tpu.memory_space<vmem>>, %arg3: memref<2048x16xf32, #tpu.memory_space<vmem>>, %arg4: memref<2048x16xf32, #tpu.memory_space<vmem>>, %arg5: memref<1x128xi32, #tpu.memory_space<vmem>>) attributes {dimension_semantics = [], scalar_prefetch = 0 : i64, scratch_operands = 0 : i64, tpu.core_type = #tpu.core_type<tc>} {
    %get3A = arith.constant 0 : index
    %get3A_0 = arith.constant 0 : index
    %get3A_1 = vector.load %arg0[%get3A, %get3A_0] : memref<8x2048xf32, #tpu.memory_space<vmem>>, vector<8x2048xf32>
    %iota3A = tpu.iota {dimensions = array<i32: 0>} : vector<8x2048xi32>
    %reduce_max3A = arith.constant dense<0xFF800000> : vector<2048xf32>
    %reduce_max3A_2 = vector.multi_reduction <maximumf>, %get3A_1, %reduce_max3A [0] : vector<8x2048xf32> to vector<2048xf32>
    %broadcast_in_dim3A = vector.shape_cast %reduce_max3A_2 : vector<2048xf32> to vector<1x2048xf32>
    %ge3A = vector.broadcast %broadcast_in_dim3A : vector<1x2048xf32> to vector<8x2048xf32>
    %ge3A_3 = arith.cmpf oge, %get3A_1, %ge3A : vector<8x2048xf32>
    %jit3A = arith.constant 8 : i32
    %broadcast_in_dim3A_4 = vector.broadcast %jit3A : i32 to vector<8x2048xi32>
    %select_n3A = arith.select %ge3A_3, %iota3A, %broadcast_in_dim3A_4 : vector<8x2048xi1>, vector<8x2048xi32>
    %reduce_min3A = arith.constant dense<2147483647> : vector<2048xi32>
    %reduce_min3A_5 = vector.multi_reduction <minsi>, %select_n3A, %reduce_min3A [0] : vector<8x2048xi32> to vector<2048xi32>
    %broadcast_in_dim3A_6 = vector.shape_cast %reduce_min3A_5 : vector<2048xi32> to vector<1x2048xi32>
    %eq3A = vector.broadcast %broadcast_in_dim3A_6 : vector<1x2048xi32> to vector<8x2048xi32>
    %eq3A_7 = arith.cmpi eq, %iota3A, %eq3A : vector<8x2048xi32>
    %jit3A_8 = arith.constant 0xFF800000 : f32
    %broadcast_in_dim3A_9 = vector.broadcast %jit3A_8 : f32 to vector<8x2048xf32>
    %select_n3A_10 = arith.select %eq3A_7, %broadcast_in_dim3A_9, %get3A_1 : vector<8x2048xi1>, vector<8x2048xf32>
    %reduce_max3A_11 = arith.constant dense<0xFF800000> : vector<2048xf32>
    %reduce_max3A_12 = vector.multi_reduction <maximumf>, %select_n3A_10, %reduce_max3A_11 [0] : vector<8x2048xf32> to vector<2048xf32>
    %broadcast_in_dim3A_13 = vector.shape_cast %reduce_max3A_12 : vector<2048xf32> to vector<1x2048xf32>
    %ge3A_14 = vector.broadcast %broadcast_in_dim3A_13 : vector<1x2048xf32> to vector<8x2048xf32>
    %ge3A_15 = arith.cmpf oge, %select_n3A_10, %ge3A_14 : vector<8x2048xf32>
    %jit3A_16 = arith.constant 8 : i32
    %broadcast_in_dim3A_17 = vector.broadcast %jit3A_16 : i32 to vector<8x2048xi32>
    %select_n3A_18 = arith.select %ge3A_15, %iota3A, %broadcast_in_dim3A_17 : vector<8x2048xi1>, vector<8x2048xi32>
    %reduce_min3A_19 = arith.constant dense<2147483647> : vector<2048xi32>
    %reduce_min3A_20 = vector.multi_reduction <minsi>, %select_n3A_18, %reduce_min3A_19 [0] : vector<8x2048xi32> to vector<2048xi32>
    %broadcast_in_dim3A_21 = vector.shape_cast %reduce_min3A_20 : vector<2048xi32> to vector<1x2048xi32>
    %eq3A_22 = vector.broadcast %broadcast_in_dim3A_21 : vector<1x2048xi32> to vector<8x2048xi32>
    %eq3A_23 = arith.cmpi eq, %iota3A, %eq3A_22 : vector<8x2048xi32>
    %sub3A = arith.subf %broadcast_in_dim3A_13, %broadcast_in_dim3A : vector<1x2048xf32>
    %exp3A = math.exp %sub3A : vector<1x2048xf32>
    %add3A = arith.constant 1.000000e+00 : f32
    %add3A_24 = vector.broadcast %add3A : f32 to vector<1x2048xf32>
    %add3A_25 = arith.addf %add3A_24, %exp3A : vector<1x2048xf32>
    %div3A = arith.constant 1.000000e+00 : f32
    %div3A_26 = vector.broadcast %div3A : f32 to vector<1x2048xf32>
    %div3A_27 = arith.divf %div3A_26, %add3A_25 : vector<1x2048xf32>
    %sub3A_28 = arith.constant 1.000000e+00 : f32
    %sub3A_29 = vector.broadcast %sub3A_28 : f32 to vector<1x2048xf32>
    %sub3A_30 = arith.subf %sub3A_29, %div3A_27 : vector<1x2048xf32>
    %convert_element_type3A = arith.extui %eq3A_7 : vector<8x2048xi1> to vector<8x2048xi32>
    %convert_element_type3A_31 = arith.extui %eq3A_23 : vector<8x2048xi1> to vector<8x2048xi32>
    %add3A_32 = arith.addi %convert_element_type3A, %convert_element_type3A_31 : vector<8x2048xi32>
    %broadcast_in_dim3A_33 = arith.constant 0 : i32
    %broadcast_in_dim3A_34 = vector.broadcast %broadcast_in_dim3A_33 : i32 to vector<8x1xi32>
    %slice3A = vector.extract_strided_slice %add3A_32 {offsets = [0, 0], sizes = [8, 2047], strides = [1, 1]} : vector<8x2048xi32> to vector<8x2047xi32>
    %concatenate3A = tpu.concatenate %broadcast_in_dim3A_34, %slice3A in 1 : vector<8x1xi32>, vector<8x2047xi32> -> vector<8x2048xi32>
    %add3A_35 = arith.addi %add3A_32, %concatenate3A : vector<8x2048xi32>
    %broadcast_in_dim3A_36 = arith.constant 0 : i32
    %broadcast_in_dim3A_37 = vector.broadcast %broadcast_in_dim3A_36 : i32 to vector<8x2xi32>
    %slice3A_38 = vector.extract_strided_slice %add3A_35 {offsets = [0, 0], sizes = [8, 2046], strides = [1, 1]} : vector<8x2048xi32> to vector<8x2046xi32>
    %concatenate3A_39 = tpu.concatenate %broadcast_in_dim3A_37, %slice3A_38 in 1 : vector<8x2xi32>, vector<8x2046xi32> -> vector<8x2048xi32>
    %add3A_40 = arith.addi %add3A_35, %concatenate3A_39 : vector<8x2048xi32>
    %broadcast_in_dim3A_41 = arith.constant 0 : i32
    %broadcast_in_dim3A_42 = vector.broadcast %broadcast_in_dim3A_41 : i32 to vector<8x4xi32>
    %slice3A_43 = vector.extract_strided_slice %add3A_40 {offsets = [0, 0], sizes = [8, 2044], strides = [1, 1]} : vector<8x2048xi32> to vector<8x2044xi32>
    %concatenate3A_44 = tpu.concatenate %broadcast_in_dim3A_42, %slice3A_43 in 1 : vector<8x4xi32>, vector<8x2044xi32> -> vector<8x2048xi32>
    %add3A_45 = arith.addi %add3A_40, %concatenate3A_44 : vector<8x2048xi32>
    %broadcast_in_dim3A_46 = arith.constant 0 : i32
    %broadcast_in_dim3A_47 = vector.broadcast %broadcast_in_dim3A_46 : i32 to vector<8x8xi32>
    %slice3A_48 = vector.extract_strided_slice %add3A_45 {offsets = [0, 0], sizes = [8, 2040], strides = [1, 1]} : vector<8x2048xi32> to vector<8x2040xi32>
    %concatenate3A_49 = tpu.concatenate %broadcast_in_dim3A_47, %slice3A_48 in 1 : vector<8x8xi32>, vector<8x2040xi32> -> vector<8x2048xi32>
    %add3A_50 = arith.addi %add3A_45, %concatenate3A_49 : vector<8x2048xi32>
    %broadcast_in_dim3A_51 = arith.constant 0 : i32
    %broadcast_in_dim3A_52 = vector.broadcast %broadcast_in_dim3A_51 : i32 to vector<8x16xi32>
    %slice3A_53 = vector.extract_strided_slice %add3A_50 {offsets = [0, 0], sizes = [8, 2032], strides = [1, 1]} : vector<8x2048xi32> to vector<8x2032xi32>
    %concatenate3A_54 = tpu.concatenate %broadcast_in_dim3A_52, %slice3A_53 in 1 : vector<8x16xi32>, vector<8x2032xi32> -> vector<8x2048xi32>
    %add3A_55 = arith.addi %add3A_50, %concatenate3A_54 : vector<8x2048xi32>
    %broadcast_in_dim3A_56 = arith.constant 0 : i32
    %broadcast_in_dim3A_57 = vector.broadcast %broadcast_in_dim3A_56 : i32 to vector<8x32xi32>
    %slice3A_58 = vector.extract_strided_slice %add3A_55 {offsets = [0, 0], sizes = [8, 2016], strides = [1, 1]} : vector<8x2048xi32> to vector<8x2016xi32>
    %concatenate3A_59 = tpu.concatenate %broadcast_in_dim3A_57, %slice3A_58 in 1 : vector<8x32xi32>, vector<8x2016xi32> -> vector<8x2048xi32>
    %add3A_60 = arith.addi %add3A_55, %concatenate3A_59 : vector<8x2048xi32>
    %broadcast_in_dim3A_61 = arith.constant 0 : i32
    %broadcast_in_dim3A_62 = vector.broadcast %broadcast_in_dim3A_61 : i32 to vector<8x64xi32>
    %slice3A_63 = vector.extract_strided_slice %add3A_60 {offsets = [0, 0], sizes = [8, 1984], strides = [1, 1]} : vector<8x2048xi32> to vector<8x1984xi32>
    %concatenate3A_64 = tpu.concatenate %broadcast_in_dim3A_62, %slice3A_63 in 1 : vector<8x64xi32>, vector<8x1984xi32> -> vector<8x2048xi32>
    %add3A_65 = arith.addi %add3A_60, %concatenate3A_64 : vector<8x2048xi32>
    %broadcast_in_dim3A_66 = arith.constant 0 : i32
    %broadcast_in_dim3A_67 = vector.broadcast %broadcast_in_dim3A_66 : i32 to vector<8x128xi32>
    %slice3A_68 = vector.extract_strided_slice %add3A_65 {offsets = [0, 0], sizes = [8, 1920], strides = [1, 1]} : vector<8x2048xi32> to vector<8x1920xi32>
    %concatenate3A_69 = tpu.concatenate %broadcast_in_dim3A_67, %slice3A_68 in 1 : vector<8x128xi32>, vector<8x1920xi32> -> vector<8x2048xi32>
    %add3A_70 = arith.addi %add3A_65, %concatenate3A_69 : vector<8x2048xi32>
    %broadcast_in_dim3A_71 = arith.constant 0 : i32
    %broadcast_in_dim3A_72 = vector.broadcast %broadcast_in_dim3A_71 : i32 to vector<8x256xi32>
    %slice3A_73 = vector.extract_strided_slice %add3A_70 {offsets = [0, 0], sizes = [8, 1792], strides = [1, 1]} : vector<8x2048xi32> to vector<8x1792xi32>
    %concatenate3A_74 = tpu.concatenate %broadcast_in_dim3A_72, %slice3A_73 in 1 : vector<8x256xi32>, vector<8x1792xi32> -> vector<8x2048xi32>
    %add3A_75 = arith.addi %add3A_70, %concatenate3A_74 : vector<8x2048xi32>
    %broadcast_in_dim3A_76 = arith.constant 0 : i32
    %broadcast_in_dim3A_77 = vector.broadcast %broadcast_in_dim3A_76 : i32 to vector<8x512xi32>
    %slice3A_78 = vector.extract_strided_slice %add3A_75 {offsets = [0, 0], sizes = [8, 1536], strides = [1, 1]} : vector<8x2048xi32> to vector<8x1536xi32>
    %concatenate3A_79 = tpu.concatenate %broadcast_in_dim3A_77, %slice3A_78 in 1 : vector<8x512xi32>, vector<8x1536xi32> -> vector<8x2048xi32>
    %add3A_80 = arith.addi %add3A_75, %concatenate3A_79 : vector<8x2048xi32>
    %broadcast_in_dim3A_81 = arith.constant 0 : i32
    %broadcast_in_dim3A_82 = vector.broadcast %broadcast_in_dim3A_81 : i32 to vector<8x1024xi32>
    %slice3A_83 = vector.extract_strided_slice %add3A_80 {offsets = [0, 0], sizes = [8, 1024], strides = [1, 1]} : vector<8x2048xi32> to vector<8x1024xi32>
    %concatenate3A_84 = tpu.concatenate %broadcast_in_dim3A_82, %slice3A_83 in 1 : vector<8x1024xi32>, vector<8x1024xi32> -> vector<8x2048xi32>
    %add3A_85 = arith.addi %add3A_80, %concatenate3A_84 : vector<8x2048xi32>
    %slice3A_86 = vector.extract_strided_slice %add3A_85 {offsets = [0, 2047], sizes = [8, 1], strides = [1, 1]} : vector<8x2048xi32> to vector<8x1xi32>
    %sub3A_87 = arith.subi %add3A_85, %add3A_32 : vector<8x2048xi32>
    %add3A_88 = arith.constant 255 : i32
    %add3A_89 = vector.broadcast %add3A_88 : i32 to vector<8x1xi32>
    %add3A_90 = arith.addi %slice3A_86, %add3A_89 : vector<8x1xi32>
    %jit3A_91 = arith.constant 256 : i32
    %div3A_92 = vector.broadcast %jit3A_91 : i32 to vector<8x1xi32>
    %div3A_93 = arith.divsi %add3A_90, %div3A_92 : vector<8x1xi32>
    %sign3A = arith.constant 0 : i32
    %sign3A_94 = vector.broadcast %sign3A : i32 to vector<8x1xi32>
    %sign3A_95 = arith.cmpi sgt, %add3A_90, %sign3A_94 : vector<8x1xi32>
    %sign3A_96 = arith.extui %sign3A_95 : vector<8x1xi1> to vector<8x1xi32>
    %sign3A_97 = arith.constant 0 : i32
    %sign3A_98 = vector.broadcast %sign3A_97 : i32 to vector<8x1xi32>
    %sign3A_99 = arith.cmpi slt, %add3A_90, %sign3A_98 : vector<8x1xi32>
    %sign3A_100 = arith.extui %sign3A_99 : vector<8x1xi1> to vector<8x1xi32>
    %sign3A_101 = arith.subi %sign3A_96, %sign3A_100 : vector<8x1xi32>
    %sign3A_102 = arith.constant 0 : i32
    %sign3A_103 = arith.cmpi sgt, %jit3A_91, %sign3A_102 : i32
    %sign3A_104 = arith.extui %sign3A_103 : i1 to i32
    %sign3A_105 = arith.constant 0 : i32
    %sign3A_106 = arith.cmpi slt, %jit3A_91, %sign3A_105 : i32
    %sign3A_107 = arith.extui %sign3A_106 : i1 to i32
    %sign3A_108 = arith.subi %sign3A_104, %sign3A_107 : i32
    %ne3A = vector.broadcast %sign3A_108 : i32 to vector<8x1xi32>
    %ne3A_109 = arith.cmpi ne, %sign3A_101, %ne3A : vector<8x1xi32>
    %rem3A = vector.broadcast %jit3A_91 : i32 to vector<8x1xi32>
    %rem3A_110 = arith.remsi %add3A_90, %rem3A : vector<8x1xi32>
    %ne3A_111 = arith.constant 0 : i32
    %ne3A_112 = vector.broadcast %ne3A_111 : i32 to vector<8x1xi32>
    %ne3A_113 = arith.cmpi ne, %rem3A_110, %ne3A_112 : vector<8x1xi32>
    %and3A = arith.andi %ne3A_109, %ne3A_113 : vector<8x1xi1>
    %sub3A_114 = arith.constant 1 : i32
    %sub3A_115 = vector.broadcast %sub3A_114 : i32 to vector<8x1xi32>
    %sub3A_116 = arith.subi %div3A_93, %sub3A_115 : vector<8x1xi32>
    %select_n3A_117 = arith.select %and3A, %sub3A_116, %div3A_93 : vector<8x1xi1>, vector<8x1xi32>
    %mul3A = arith.constant 256 : i32
    %mul3A_118 = vector.broadcast %mul3A : i32 to vector<8x1xi32>
    %mul3A_119 = arith.muli %select_n3A_117, %mul3A_118 : vector<8x1xi32>
    %broadcast_in_dim3A_120 = arith.constant 0 : i32
    %broadcast_in_dim3A_121 = vector.broadcast %broadcast_in_dim3A_120 : i32 to vector<1x1xi32>
    %slice3A_122 = vector.extract_strided_slice %mul3A_119 {offsets = [0, 0], sizes = [7, 1], strides = [1, 1]} : vector<8x1xi32> to vector<7x1xi32>
    %concatenate3A_123 = tpu.concatenate %broadcast_in_dim3A_121, %slice3A_122 in 0 : vector<1x1xi32>, vector<7x1xi32> -> vector<8x1xi32>
    %add3A_124 = arith.addi %mul3A_119, %concatenate3A_123 : vector<8x1xi32>
    %broadcast_in_dim3A_125 = arith.constant 0 : i32
    %broadcast_in_dim3A_126 = vector.broadcast %broadcast_in_dim3A_125 : i32 to vector<2x1xi32>
    %slice3A_127 = vector.extract_strided_slice %add3A_124 {offsets = [0, 0], sizes = [6, 1], strides = [1, 1]} : vector<8x1xi32> to vector<6x1xi32>
    %concatenate3A_128 = tpu.concatenate %broadcast_in_dim3A_126, %slice3A_127 in 0 : vector<2x1xi32>, vector<6x1xi32> -> vector<8x1xi32>
    %add3A_129 = arith.addi %add3A_124, %concatenate3A_128 : vector<8x1xi32>
    %broadcast_in_dim3A_130 = arith.constant 0 : i32
    %broadcast_in_dim3A_131 = vector.broadcast %broadcast_in_dim3A_130 : i32 to vector<4x1xi32>
    %slice3A_132 = vector.extract_strided_slice %add3A_129 {offsets = [0, 0], sizes = [4, 1], strides = [1, 1]} : vector<8x1xi32> to vector<4x1xi32>
    %concatenate3A_133 = tpu.concatenate %broadcast_in_dim3A_131, %slice3A_132 in 0 : vector<4x1xi32>, vector<4x1xi32> -> vector<8x1xi32>
    %add3A_134 = arith.addi %add3A_129, %concatenate3A_133 : vector<8x1xi32>
    %sub3A_135 = arith.subi %add3A_134, %mul3A_119 : vector<8x1xi32>
    %broadcast_in_dim3A_136 = vector.shape_cast %sub3A_135 : vector<8x1xi32> to vector<8x1xi32>
    %broadcast_in_dim3A_137 = vector.broadcast %broadcast_in_dim3A_136 : vector<8x1xi32> to vector<8x2048xi32>
    %add3A_138 = arith.addi %broadcast_in_dim3A_137, %sub3A_87 : vector<8x2048xi32>
    %jit3A_139 = arith.constant 0 : i32
    %broadcast_in_dim3A_140 = vector.broadcast %jit3A_139 : i32 to vector<8x2048xi32>
    %select_n3A_141 = arith.select %eq3A_7, %add3A_138, %broadcast_in_dim3A_140 : vector<8x2048xi1>, vector<8x2048xi32>
    %reduce_sum3A = arith.constant dense<0> : vector<2048xi32>
    %reduce_sum3A_142 = vector.multi_reduction <add>, %select_n3A_141, %reduce_sum3A [0] : vector<8x2048xi32> to vector<2048xi32>
    %broadcast_in_dim3A_143 = vector.shape_cast %reduce_sum3A_142 : vector<2048xi32> to vector<1x2048xi32>
    %jit3A_144 = arith.constant 0 : i32
    %broadcast_in_dim3A_145 = vector.broadcast %jit3A_144 : i32 to vector<8x2048xi32>
    %select_n3A_146 = arith.select %eq3A_23, %add3A_138, %broadcast_in_dim3A_145 : vector<8x2048xi1>, vector<8x2048xi32>
    %reduce_sum3A_147 = arith.constant dense<0> : vector<2048xi32>
    %reduce_sum3A_148 = vector.multi_reduction <add>, %select_n3A_146, %reduce_sum3A_147 [0] : vector<8x2048xi32> to vector<2048xi32>
    %broadcast_in_dim3A_149 = vector.shape_cast %reduce_sum3A_148 : vector<2048xi32> to vector<1x2048xi32>
    %add3A_150 = arith.addi %sub3A_135, %mul3A_119 : vector<8x1xi32>
    %jit3A_151 = arith.constant 256 : i32
    %div3A_152 = vector.broadcast %jit3A_151 : i32 to vector<8x1xi32>
    %div3A_153 = arith.divsi %add3A_150, %div3A_152 : vector<8x1xi32>
    %sign3A_154 = arith.constant 0 : i32
    %sign3A_155 = vector.broadcast %sign3A_154 : i32 to vector<8x1xi32>
    %sign3A_156 = arith.cmpi sgt, %add3A_150, %sign3A_155 : vector<8x1xi32>
    %sign3A_157 = arith.extui %sign3A_156 : vector<8x1xi1> to vector<8x1xi32>
    %sign3A_158 = arith.constant 0 : i32
    %sign3A_159 = vector.broadcast %sign3A_158 : i32 to vector<8x1xi32>
    %sign3A_160 = arith.cmpi slt, %add3A_150, %sign3A_159 : vector<8x1xi32>
    %sign3A_161 = arith.extui %sign3A_160 : vector<8x1xi1> to vector<8x1xi32>
    %sign3A_162 = arith.subi %sign3A_157, %sign3A_161 : vector<8x1xi32>
    %sign3A_163 = arith.constant 0 : i32
    %sign3A_164 = arith.cmpi sgt, %jit3A_151, %sign3A_163 : i32
    %sign3A_165 = arith.extui %sign3A_164 : i1 to i32
    %sign3A_166 = arith.constant 0 : i32
    %sign3A_167 = arith.cmpi slt, %jit3A_151, %sign3A_166 : i32
    %sign3A_168 = arith.extui %sign3A_167 : i1 to i32
    %sign3A_169 = arith.subi %sign3A_165, %sign3A_168 : i32
    %ne3A_170 = vector.broadcast %sign3A_169 : i32 to vector<8x1xi32>
    %ne3A_171 = arith.cmpi ne, %sign3A_162, %ne3A_170 : vector<8x1xi32>
    %rem3A_172 = vector.broadcast %jit3A_151 : i32 to vector<8x1xi32>
    %rem3A_173 = arith.remsi %add3A_150, %rem3A_172 : vector<8x1xi32>
    %ne3A_174 = arith.constant 0 : i32
    %ne3A_175 = vector.broadcast %ne3A_174 : i32 to vector<8x1xi32>
    %ne3A_176 = arith.cmpi ne, %rem3A_173, %ne3A_175 : vector<8x1xi32>
    %and3A_177 = arith.andi %ne3A_171, %ne3A_176 : vector<8x1xi1>
    %sub3A_178 = arith.constant 1 : i32
    %sub3A_179 = vector.broadcast %sub3A_178 : i32 to vector<8x1xi32>
    %sub3A_180 = arith.subi %div3A_153, %sub3A_179 : vector<8x1xi32>
    %select_n3A_181 = arith.select %and3A_177, %sub3A_180, %div3A_153 : vector<8x1xi1>, vector<8x1xi32>
    %iota3A_182 = tpu.iota {dimensions = array<i32: 1>} : vector<1x128xi32>
    %broadcast_in_dim3A_183 = arith.constant 0 : i32
    %broadcast_in_dim3A_184 = vector.broadcast %broadcast_in_dim3A_183 : i32 to vector<1x128xi32>
    %slice3A_185 = vector.extract_strided_slice %select_n3A_181 {offsets = [0, 0], sizes = [1, 1], strides = [1, 1]} : vector<8x1xi32> to vector<1x1xi32>
    %ge3A_186 = vector.broadcast %slice3A_185 : vector<1x1xi32> to vector<1x128xi32>
    %ge3A_187 = arith.cmpi sge, %iota3A_182, %ge3A_186 : vector<1x128xi32>
    %convert_element_type3A_188 = arith.extui %ge3A_187 : vector<1x128xi1> to vector<1x128xi32>
    %add3A_189 = arith.addi %broadcast_in_dim3A_184, %convert_element_type3A_188 : vector<1x128xi32>
    %slice3A_190 = vector.extract_strided_slice %select_n3A_181 {offsets = [1, 0], sizes = [1, 1], strides = [1, 1]} : vector<8x1xi32> to vector<1x1xi32>
    %ge3A_191 = vector.broadcast %slice3A_190 : vector<1x1xi32> to vector<1x128xi32>
    %ge3A_192 = arith.cmpi sge, %iota3A_182, %ge3A_191 : vector<1x128xi32>
    %convert_element_type3A_193 = arith.extui %ge3A_192 : vector<1x128xi1> to vector<1x128xi32>
    %add3A_194 = arith.addi %add3A_189, %convert_element_type3A_193 : vector<1x128xi32>
    %slice3A_195 = vector.extract_strided_slice %select_n3A_181 {offsets = [2, 0], sizes = [1, 1], strides = [1, 1]} : vector<8x1xi32> to vector<1x1xi32>
    %ge3A_196 = vector.broadcast %slice3A_195 : vector<1x1xi32> to vector<1x128xi32>
    %ge3A_197 = arith.cmpi sge, %iota3A_182, %ge3A_196 : vector<1x128xi32>
    %convert_element_type3A_198 = arith.extui %ge3A_197 : vector<1x128xi1> to vector<1x128xi32>
    %add3A_199 = arith.addi %add3A_194, %convert_element_type3A_198 : vector<1x128xi32>
    %slice3A_200 = vector.extract_strided_slice %select_n3A_181 {offsets = [3, 0], sizes = [1, 1], strides = [1, 1]} : vector<8x1xi32> to vector<1x1xi32>
    %ge3A_201 = vector.broadcast %slice3A_200 : vector<1x1xi32> to vector<1x128xi32>
    %ge3A_202 = arith.cmpi sge, %iota3A_182, %ge3A_201 : vector<1x128xi32>
    %convert_element_type3A_203 = arith.extui %ge3A_202 : vector<1x128xi1> to vector<1x128xi32>
    %add3A_204 = arith.addi %add3A_199, %convert_element_type3A_203 : vector<1x128xi32>
    %slice3A_205 = vector.extract_strided_slice %select_n3A_181 {offsets = [4, 0], sizes = [1, 1], strides = [1, 1]} : vector<8x1xi32> to vector<1x1xi32>
    %ge3A_206 = vector.broadcast %slice3A_205 : vector<1x1xi32> to vector<1x128xi32>
    %ge3A_207 = arith.cmpi sge, %iota3A_182, %ge3A_206 : vector<1x128xi32>
    %convert_element_type3A_208 = arith.extui %ge3A_207 : vector<1x128xi1> to vector<1x128xi32>
    %add3A_209 = arith.addi %add3A_204, %convert_element_type3A_208 : vector<1x128xi32>
    %slice3A_210 = vector.extract_strided_slice %select_n3A_181 {offsets = [5, 0], sizes = [1, 1], strides = [1, 1]} : vector<8x1xi32> to vector<1x1xi32>
    %ge3A_211 = vector.broadcast %slice3A_210 : vector<1x1xi32> to vector<1x128xi32>
    %ge3A_212 = arith.cmpi sge, %iota3A_182, %ge3A_211 : vector<1x128xi32>
    %convert_element_type3A_213 = arith.extui %ge3A_212 : vector<1x128xi1> to vector<1x128xi32>
    %add3A_214 = arith.addi %add3A_209, %convert_element_type3A_213 : vector<1x128xi32>
    %slice3A_215 = vector.extract_strided_slice %select_n3A_181 {offsets = [6, 0], sizes = [1, 1], strides = [1, 1]} : vector<8x1xi32> to vector<1x1xi32>
    %ge3A_216 = vector.broadcast %slice3A_215 : vector<1x1xi32> to vector<1x128xi32>
    %ge3A_217 = arith.cmpi sge, %iota3A_182, %ge3A_216 : vector<1x128xi32>
    %convert_element_type3A_218 = arith.extui %ge3A_217 : vector<1x128xi1> to vector<1x128xi32>
    %add3A_219 = arith.addi %add3A_214, %convert_element_type3A_218 : vector<1x128xi32>
    %slice3A_220 = vector.extract_strided_slice %select_n3A_181 {offsets = [7, 0], sizes = [1, 1], strides = [1, 1]} : vector<8x1xi32> to vector<1x1xi32>
    %ge3A_221 = vector.broadcast %slice3A_220 : vector<1x1xi32> to vector<1x128xi32>
    %ge3A_222 = arith.cmpi sge, %iota3A_182, %ge3A_221 : vector<1x128xi32>
    %convert_element_type3A_223 = arith.extui %ge3A_222 : vector<1x128xi1> to vector<1x128xi32>
    %add3A_224 = arith.addi %add3A_219, %convert_element_type3A_223 : vector<1x128xi32>
    %swap3A = arith.constant 0 : index
    %swap3A_225 = arith.constant 0 : index
    %swap3A_226 = vector.load %arg1[%swap3A, %swap3A_225] : memref<1x2048xi32, #tpu.memory_space<vmem>>, vector<1x2048xi32>
    tpu.vector_store %arg1[%swap3A, %swap3A_225], %broadcast_in_dim3A_143 {strides = array<i32>} : memref<1x2048xi32, #tpu.memory_space<vmem>>, vector<1x2048xi32>,
    %swap3A_227 = arith.constant 0 : index
    %swap3A_228 = arith.constant 0 : index
    %swap3A_229 = vector.load %arg2[%swap3A_227, %swap3A_228] : memref<1x2048xi32, #tpu.memory_space<vmem>>, vector<1x2048xi32>
    tpu.vector_store %arg2[%swap3A_227, %swap3A_228], %broadcast_in_dim3A_149 {strides = array<i32>} : memref<1x2048xi32, #tpu.memory_space<vmem>>, vector<1x2048xi32>,
    %transpose3A = tpu.transpose %div3A_27, [1, 0] : vector<1x2048xf32> -> vector<2048x1xf32>
    %broadcast_in_dim3A_230 = vector.shape_cast %transpose3A : vector<2048x1xf32> to vector<2048x1xf32>
    %broadcast_in_dim3A_231 = vector.broadcast %broadcast_in_dim3A_230 : vector<2048x1xf32> to vector<2048x16xf32>
    %swap3A_232 = arith.constant 0 : index
    %swap3A_233 = arith.constant 0 : index
    %swap3A_234 = vector.load %arg3[%swap3A_232, %swap3A_233] : memref<2048x16xf32, #tpu.memory_space<vmem>>, vector<2048x16xf32>
    tpu.vector_store %arg3[%swap3A_232, %swap3A_233], %broadcast_in_dim3A_231 {strides = array<i32>} : memref<2048x16xf32, #tpu.memory_space<vmem>>, vector<2048x16xf32>,
    %transpose3A_235 = tpu.transpose %sub3A_30, [1, 0] : vector<1x2048xf32> -> vector<2048x1xf32>
    %broadcast_in_dim3A_236 = vector.shape_cast %transpose3A_235 : vector<2048x1xf32> to vector<2048x1xf32>
    %broadcast_in_dim3A_237 = vector.broadcast %broadcast_in_dim3A_236 : vector<2048x1xf32> to vector<2048x16xf32>
    %swap3A_238 = arith.constant 0 : index
    %swap3A_239 = arith.constant 0 : index
    %swap3A_240 = vector.load %arg4[%swap3A_238, %swap3A_239] : memref<2048x16xf32, #tpu.memory_space<vmem>>, vector<2048x16xf32>
    tpu.vector_store %arg4[%swap3A_238, %swap3A_239], %broadcast_in_dim3A_237 {strides = array<i32>} : memref<2048x16xf32, #tpu.memory_space<vmem>>, vector<2048x16xf32>,
    %swap3A_241 = arith.constant 0 : index
    %swap3A_242 = arith.constant 0 : index
    %swap3A_243 = vector.load %arg5[%swap3A_241, %swap3A_242] : memref<1x128xi32, #tpu.memory_space<vmem>>, vector<1x128xi32>
    tpu.vector_store %arg5[%swap3A_241, %swap3A_242], %add3A_224 {strides = array<i32>} : memref<1x128xi32, #tpu.memory_space<vmem>>, vector<1x128xi32>,
    return
  }
}

</mosaic_0001>

<sc_bundles>
// kernel: kernel.6.cloned.1.call-start
scs
__scs_entry_jumppad:
0x0: {  	(pc) =	sbr.rel $0x88, $3  }
0x1: {  	(tag) =	ssettag $0x0;
	lr =	simm.s32 $0x1  }
0x2: {  	[smem:$0x3F9C] =	sst lr;
	_ =	strace $0xD0000000  }
0x3: {  	_ = 	snop  }
0x4: {  	_ = 	snop  }
0x5: {  	_ = 	snop  }
0x6: {  	_ = 	snop  }
0x7: {  	_ = 	snop  }
__scs_overlays_trampoline_lowered:
0x8: {  	[smem:$0x3FAB] =	sst s0  }
0x9: {  	[smem:$0x3FAC] =	sst s1  }
0xa: {  	[smem:$0x3FAD] =	sst s2  }
0xb: {  	[smem:$0x3FAE] =	sst s3  }
0xc: {  	[smem:$0x3FAF] =	sst s4  }
0xd: {  	[smem:$0x3FB0] =	sst s5  }
0xe: {  	[smem:$0x3FB1] =	sst s6  }
0xf: {  	[smem:$0x3FB2] =	sst s7  }
0x10: {  	[smem:$0x3FB3] =	sst s8  }
0x11: {  	[smem:$0x3FB4] =	sst s9;
	s0 =	simm.s32 @!p0 $0x0  }
0x12: {  	s1 =	sld [smem:$0x3F9A];
	s0 =	simm.s32 @p0 $0x1  }
0x13: {  	[smem:$0x3FB5] =	sst s0;
	s0 =	simm.s32 @!p1 $0x0  }
0x14: {  	s2 =	sld [smem:$0x3F99];
	s0 =	simm.s32 @p1 $0x1  }
0x15: {  	[smem:$0x3FB6] =	sst s0;
	s0 =	simm.s32 @!p2 $0x0  }
0x16: {  	s3 =	sld [smem:$0x3FDB];
	s0 =	simm.s32 @p2 $0x1  }
0x17: {  	s4 =	simm.s32 $0x1BF5;
	[smem:$0x3FB8] =	sst s0  }
0x18: {  	s0 =	sld [smem:$0x3F9B];
	_ =	swait.ge [sflag:s4], $0x0  }
0x19: {  	s7 =	sld [smem:$0x3F9C]  }
0x1a: {  	s8 =	sadd.s32 $0xFFFFE003, lr  }
0x1b: {  	s9 =	sadd.s32 $0xFFFFFEF7, lr;
	s5 =	simm.s32 $0xFFFFFFFF;
	p2 =	slt.u32 s8, $0xFFFFF086  }
0x1c: {  	p1 =	slt.u32 s9, $0xF7A;
	s5 =	simm.s32 @!p2 $0x0  }
0x1d: {  	s5 =	simm.s32 @p1 $0x1;
	p0 =	seq.s32 s7, s2  }
0x1e: {  	s7 =	smul.u32 @!p0 $0xF7A, s2;
	p2 =	seq.s32 @!p0 s5, $0x0  }
0x1f: {  	s9 =	smul.u32 $0xF7A, s1;
	s8 =	simm.s32 @!p0 $0x1BF5;
	p2 =	por !p2, p0  }
0x20: {  	[sflag:s8] =	ssyncset.s32 @!p0 $0xFFFFF086;
	s6 =	sadd.s32 @!p0 s3, s7;
	s7 =	simm.s32 @!p0 $0x108  }
0x21: {  	s3 =	sadd.s32 s3, s9;
	s6 =	sadd.s32 @!p0 $0x88, s6;
	s7 =	simm.s32 @p2 $0x1082  }
0x22: {  	[simem:s7], [sflag:s8] =	dma.local @!p0 [hbm:s6], $0xF7A  }
0x23: {  	s9 =	sor.u32 $0xD0000000, s2;
	s6 =	simm.s32 $0x108;
	_ =	swait.ge @!p0 [sflag:s8], $0x0  }
0x24: {  	s3 =	sadd.s32 $0x88, s3;
	s6 =	simm.s32 @!p1 $0x1082;
	[sflag:s4] =	ssyncset.s32 $0xFFFFF086  }
0x25: {  	[simem:s6], [sflag:s4] =	dma.local [hbm:s3], $0xF7A  }
0x26: {  	[smem:$0x3F9C] =	sst s1;
	(tag) =	ssettag s2;
	_ =	strace s9  }
0x27: {  	s1 =	sld [smem:$0x3FAC]  }
0x28: {  	s2 =	sld [smem:$0x3FAD]  }
0x29: {  	s4 =	sld [smem:$0x3FAF]  }
0x2a: {  	p0 =	seq.s32 s5, $0x0;
	s5 =	sld [smem:$0x3FB0]  }
0x2b: {  	s6 =	sld [smem:$0x3FB1]  }
0x2c: {  	s7 =	sld [smem:$0x3FB2]  }
0x2d: {  	s3 =	simm.s32 $0x108;
	s8 =	sld [smem:$0x3FB3]  }
0x2e: {  	s3 =	simm.s32 @!p0 $0x1082;
	s9 =	sld [smem:$0x3FB4]  }
0x2f: {  	lr =	sadd.s32 s0, s3;
	s0 =	sld [smem:$0x3FAB]  }
0x30: {  	s3 =	sld [smem:$0x3FAE]  }
0x31: {  	[smem:$0x3FB7] =	sst s10  }
0x32: {  	s10 =	sld [smem:$0x3FB5];
	_ =	sdelay $0x3  }
0x33: {  	p0 =	seq.s32 s10, $0x1;
	s10 =	sld [smem:$0x3FB7];
	_ =	sdelay $0x3  }
0x34: {  	[smem:$0x3FB7] =	sst s10  }
0x35: {  	s10 =	sld [smem:$0x3FB6];
	_ =	sdelay $0x3  }
0x36: {  	p1 =	seq.s32 s10, $0x1;
	s10 =	sld [smem:$0x3FB7];
	_ =	sdelay $0x3  }
0x37: {  	[smem:$0x3FB7] =	sst s10  }
0x38: {  	s10 =	sld [smem:$0x3FB8]  }
0x39: {  	_ = 	snop;
	(pc) =	sbr.ind lr, $3  }
0x3a: {  	_ = 	snop  }
0x3b: {  	_ = 	snop  }
0x3c: {  	p2 =	seq.s32 s10, $0x1;
	s10 =	sld [smem:$0x3FB7]  }
0x3d: {  	_ =	shalt  }
0x3e: {  	_ =	shalt  }
0x3f: {  	_ =	shalt  }
0x40: {  	_ =	shalt  }
0x41: {  	_ =	shalt  }
0x42: {  	_ =	shalt  }
0x43: {  	_ =	shalt  }
0x44: {  	_ =	shalt  }
0x45: {  	_ =	shalt  }
0x46: {  	_ =	shalt  }
0x47: {  	_ =	shalt  }
0x48: {  	_ =	shalt  }
0x49: {  	_ =	shalt  }
0x4a: {  	_ =	shalt  }
0x4b: {  	_ =	shalt  }
0x4c: {  	_ =	shalt  }
0x4d: {  	_ =	shalt  }
0x4e: {  	_ =	shalt  }
0x4f: {  	_ =	shalt  }
0x50: {  	_ =	shalt  }
0x51: {  	_ =	shalt  }
0x52: {  	_ =	shalt  }
0x53: {  	_ =	shalt  }
0x54: {  	_ =	shalt  }
0x55: {  	_ =	shalt  }
0x56: {  	_ =	shalt  }
0x57: {  	_ =	shalt  }
0x58: {  	_ =	shalt  }
0x59: {  	_ =	shalt  }
0x5a: {  	_ =	shalt  }
0x5b: {  	_ =	shalt  }
0x5c: {  	_ =	shalt  }
0x5d: {  	_ =	shalt  }
0x5e: {  	_ =	shalt  }
0x5f: {  	_ =	shalt  }
0x60: {  	_ =	shalt  }
0x61: {  	_ =	shalt  }
0x62: {  	_ =	shalt  }
0x63: {  	_ =	shalt  }
0x64: {  	_ =	shalt  }
0x65: {  	_ =	shalt  }
0x66: {  	_ =	shalt  }
0x67: {  	_ =	shalt  }
0x68: {  	_ =	shalt  }
0x69: {  	_ =	shalt  }
0x6a: {  	_ =	shalt  }
0x6b: {  	_ =	shalt  }
0x6c: {  	_ =	shalt  }
0x6d: {  	_ =	shalt  }
0x6e: {  	_ =	shalt  }
0x6f: {  	_ =	shalt  }
0x70: {  	_ =	shalt  }
0x71: {  	_ =	shalt  }
0x72: {  	_ =	shalt  }
0x73: {  	_ =	shalt  }
0x74: {  	_ =	shalt  }
0x75: {  	_ =	shalt  }
0x76: {  	_ =	shalt  }
0x77: {  	_ =	shalt  }
0x78: {  	_ =	shalt  }
0x79: {  	_ =	shalt  }
0x7a: {  	_ =	shalt  }
0x7b: {  	_ =	shalt  }
0x7c: {  	_ =	shalt  }
0x7d: {  	_ =	shalt  }
0x7e: {  	_ =	shalt  }
0x7f: {  	_ =	shalt  }
0x80: {  	_ =	shalt  }
0x81: {  	_ =	shalt  }
0x82: {  	_ =	shalt  }
0x83: {  	_ =	shalt  }
0x84: {  	_ =	shalt  }
0x85: {  	_ =	shalt  }
0x86: {  	_ =	shalt  }
0x87: {  	_ =	shalt  }
.Lfunc_end0:
.L_simem_size_0:
called_computation_lowered:
.L_overlay_start_0:
0x88: {  	s2 =	sld [smem:$0x3FD9]  }
0x89: {  	s3 =	sld [smem:$0x3FFE];
	_ =	sdelay $0x1  }
0x8a: {  	s1 =	srdreg.scid  }
0x8b: {  	s0 =	sand.u32 $0x1, s1  }
0x8c: {  	s17 =	sshll.u32 s0, $0xA;
	s2 =	sadd.s32 s3, s2  }
0x8d: {  	s2 =	sadd.s32 s2, s17  }
0x8e: {  	[smem:$0x3FC3] =	sst s2  }
0x8f: {  	_ = 	snop  }
0x90: {  	s2 =	sld [smem:$0x3FC9];
	(tm) =	ssettm $0x1  }
0x91: {  	s18 =	sld [smem:$0x3FFB];
	_ =	sdelay $0x3  }
0x92: {  	_ =	strace s18  }
0x93: {  	s3 =	sld [smem:$0x3FFC];
	_ =	sdelay $0x3  }
0x94: {  	_ =	strace s3  }
0x95: {  	s3 =	sld [smem:$0x3FFD];
	_ =	sdelay $0x3  }
0x96: {  	_ =	strace s3  }
0x97: {  	_ =	strace $0x8FFFFFFF  }
0x98: {  	s19 =	sld [smem:$0x3FDB];
	_ =	sdelay $0x1  }
0x99: {  	s4 =	simm.s32 $_scs_section_size  }
0x9a: {  	s5 =	simm.s32 $_size__tile_overlayer_lowered;
	s6 =	simm.s32 $_tile_overlayer_lowered  }
0x9b: {  	s22 =	simm.s32 $0x1BFF;
	s21 =	sshll.u32 s6, $0x1;
	s3 =	sadd.s32 s4, s19  }
0x9c: {  	s7 =	simm.s32 $0x0;
	s20 =	sshll.u32 s5, $0x1;
	s5 =	sadd.s32 s21, s3  }
0x9d: {  	[timem:s7], [sflag:s22] =	dma.local [hbm:s5], s20  }
0x9e: {  	_ =	swait.ge [sflag:s22], s20  }
0x9f: {  	s4 =	ssub.s32 $0x0, s20;
	[sflag:s22] =	ssyncset.done $0x0  }
0xa0: {  	[sflag:s22] =	ssyncadd.s32 s4;
	_ =	sdelay $0x1  }
0xa1: {  	s23 =	simm.s32 $0x1B8B  }
0xa2: {  	_ =	swait.ge [sflag:s23], $0x1  }
0xa3: {  	[sflag:s23] =	ssyncset.done $0x0  }
0xa4: {  	s25 =	simm.s32 $0x1B8E;
	s24 =	sld [smem:$0x3FFE];
	[sflag:s23] =	ssyncadd.s32 $0xFFFFFFFF  }
0xa5: {  	s26 =	simm.s32 $execute0_lowered;
	[smem:$0x3FD2] =	sst s25  }
0xa6: {  	s5 =	sshll.u32 s26, $0x1;
	_ =	strace $0x80000046;
	[dreg:$0x1] =	wrdreg $0xFFFFFFFF  }
0xa7: {  	s28 =	simm.s32 $_size_execute0_lowered;
	s3 =	sadd.s32 s3, s5;
	[dreg:$0x0] =	wrdreg $0x0  }
0xa8: {  	s5 =	sshll.u32 s28, $0x1;
	[dreg:$0x2] =	wrdreg s3  }
0xa9: {  	[dreg:$0x3] =	wrdreg s5  }
0xaa: {  	[dreg:$0x4] =	wrdreg $0xC0  }
0xab: {  	_ =	task [dreg:s7], $0x5FFFF  }
0xac: {  	[dreg:$0x1] =	wrdreg $0xFFFFFFFF  }
0xad: {  	[dreg:$0x0] =	wrdreg $0x60  }
0xae: {  	[dreg:$0x2] =	wrdreg s2  }
0xaf: {  	[dreg:$0x3] =	wrdreg s24  }
0xb0: {  	[dreg:$0x4] =	wrdreg $0x9  }
0xb1: {  	_ =	task.clear_ibuf [dreg:s7], $0x5FFFF;
	_ =	strace $0x90000046  }
0xb2: {  	s29 =	simm.s32 $0x9;
	_ =	strace $0x80000048  }
0xb3: {  	_ =	swait.ge [sflag:s29], $0x1  }
0xb4: {  	[sflag:s29] =	ssyncadd.s32 $0xFFFFFFFF  }
0xb5: {  	_ =	strace $0x90000048  }
0xb6: {  	_ =	sfence  }
0xb7: {  	s30 =	sld [smem:$0x0];
	_ =	sdelay $0x2  }
0xb8: {  	s31 =	sshll.u32 s1, $0xD;
	s1 =	sshrl.u32 s1, $0x2  }
0xb9: {  	s3 =	sand.u32 $0x4000, s31;
	s1 =	sadd.s32 s1, s30  }
0xba: {  	s0 =	sor.u32 s3, s0;
	s1 =	sshll.u32 s1, $0x11  }
0xbb: {  	s0 =	sor.u32 s1, s0  }
0xbc: {  	s0 =	sadd.s32 $0x8F2B, s0  }
0xbd: {  	[sflag:s0] =	ssyncadd.remote.s32 $0x1  }
0xbe: {  	_ =	sfence.sel $0xFFFF  }
0xbf: {  	[dreg:$0x0] =	wrdreg $0xFFFFFFFF;
	(pc) =	sbr.abs _section_cstart, $3  }
0xc0: {  	[dreg:$0x1] =	wrdreg $0xFFFFFFFF  }
0xc1: {  	_ =	task.clear_ibuf [dreg:s7], $0x2FFFF;
	_ =	strace $0x9FFFFFFF  }
0xc2: {  	(tm) =	ssettm $0x7FFFFFFF  }
0xc3: {  	_ =	shalt  }
tec
execute0_lowered:
.L_overlay_start_1:
0x0: {  	(tag) =	ssettag $0x1  }
0x1: {  	s0 =	rddreg [dreg:$0x0]  }
0x2: {  	s1 =	rddreg [dreg:$0x1]  }
0x3: {  	s2 =	srdreg.scid;
	s3 =	stileid.u32;
	s26 =	simm.s32 $0x80  }
0x4: {  	s9 =	simm.s32 $0x2;
	s10 =	simm.s32 $0x100;
	s15 =	simm.s32 $0x2100  }
0x5: {  	s16 =	simm.s32 $0x2900;
	s17 =	simm.s32 $0x3100;
	s18 =	simm.s32 $0x3900  }
0x6: {  	s19 =	simm.s32 $0x4100;
	s20 =	simm.s32 $0x4900;
	s21 =	simm.s32 $0x5100  }
0x7: {  	s22 =	simm.s32 $0x5900;
	s23 =	simm.s32 $0x6100;
	s24 =	simm.s32 $0x6900  }
0x8: {  	s28 =	simm.s32 $0x8100;
	s29 =	simm.s32 $0x8900;
	s30 =	simm.s32 $0x9100  }
0x9: {  	s31 =	simm.s32 $0x9900;
	s11 =	simm.s32 $0xB100;
	s4 =	sand.u32 $0x1, s2  }
0xa: {  	s2 =	simm.s32 $0x0;
	s3 =	sshll.u32 s3, $0x4;
	s5 =	sshll.u32 s4, $0x3  }
0xb: {  	[smem:$0x7FF] =	sst s2;
	s4 =	ssub.s32 $0x2, s4;
	s5 =	sor.u32 s5, s3  }
0xc: {  	_ =	strace $0x80000047;
	s3 =	sadd.s32 $0x11A00, s1;
	s8 =	sshrl.u32 s4, $0x1  }
0xd: {  	[dreg:$0x6] =	wrdreg s26;
	s26 =	simm.s32 $0x7900;
	s6 =	sadd.s32 s5, s1  }
0xe: {  	s5 =	smul.u32 $0x300, s5;
	s25 =	ssub.s32 s4, s8;
	s7 =	sadd.s32 $0x11600, s6  }
0xf: {  	s4 =	sadd.s32 $0x11B00, s1;
	s6 =	sadd.s32 $0x11800, s6;
	[dreg:$0x3] =	wrdreg s7  }
0x10: {  	v2 =	vlaneseq.u32;
	s8 =	simm.s32 $0x1;
	[dreg:$0x4] =	wrdreg s6;
	s0 =	sadd.s32 s0, s5  }
0x11: {  	vm0 =	vmmov $0xffff;
	v1 =	vshrl.u32 v2, $0x3;
	s5 =	sadd.s32 $0x11C00, s1;
	s6 =	smax.u32 s25, $0x1;
	s25 =	simm.s32 $0x7100  }
0x12: {  	v0 =	vand.u32 $0x7, v2;
	v2 =	vor.u32 $0x8, v2;
	v1 =	vmul.u32 $0x8, v1;
	s1 =	simm.s32 $0xA900;
	s7 =	simm.s32 $0xB900;
	[dreg:$0x5] =	wrdreg s0  }
.LBB2_1:
0x13: {  	s12 =	rddreg [dreg:$0x3]  }
0x14: {  	s13 =	rddreg [dreg:$0x4]  }
0x15: {  	[tilespmem:s2], [sflag:$0x1] =	stream.linear.gather [hbm4b:s12+s2], $0x40, $0x38;
	[tilespmem:$0xC100] =	vst v63  }
0x16: {  	s14 =	rddreg [dreg:$0x6]  }
0x17: {  	[tilespmem:s14], [sflag:$0x2] =	stream.linear.gather [hbm4b:s13+s2], $0x40, $0x38;
	[tilespmem:$0xC100] =	vst v63  }
0x18: {  	s0 =	rddreg [dreg:$0x5]  }
0x19: {  	[tilespmem:s10], [sflag:$0x3] =	stream.linear.gather [hbm4b:s0+s2], $0xC000, $0x38;
	[tilespmem:$0xC100] =	vst v63  }
0x1a: {  	_ =	swait.ge [sflag:s8], $0x40  }
0x1b: {  	[sflag:s8] =	ssyncset.done $0x0  }
0x1c: {  	[sflag:s8] =	ssyncadd.s32 $0xFFFFFFC0  }
0x1d: {  	_ =	swait.ge [sflag:s9], $0x40  }
0x1e: {  	[sflag:s9] =	ssyncset.done $0x0  }
0x1f: {  	s0 =	simm.s32 $0x3;
	[sflag:s9] =	ssyncadd.s32 $0xFFFFFFC0  }
0x20: {  	_ =	swait.ge [sflag:s0], $0xC000  }
0x21: {  	[sflag:s0] =	ssyncset.done $0x0  }
0x22: {  	[sflag:s0] =	ssyncadd.s32 $0xFFFF4000  }
0x23: {  	v3 =	vld [tilespmem:$0x0];
	_ =	sdelay $0x4  }
0x24: {  	v4 =	vshrl.u32 v3, $0x3  }
0x25: {  	v4 =	vmul.u32 $0x30, v4  }
0x26: {  	v3 =	vand.u32 $0x7, v3  }
0x27: {  	v3 =	vor.u32 v3, v4  }
0x28: {  	v4 =	vperm.xlane v3, v0;
	_ =	sdelay $0x1  }
0x29: {  	v4 =	vadd.s32 v1, v4;
	_ =	sdelay $0x3  }
0x2a: {  	v3 =	vperm.xlane v3, v2  }
0x2b: {  	[hbm4b:s3+s2] =	stream.indirect_vreg.scatter [tilespmem:s10], [sflag:$0x1], $0x80, v4, vm0, $0xb8;
	[tilespmem:$0xC100] =	vst v63  }
0x2c: {  	s12 =	simm.s32 $0x900;
	v3 =	vadd.s32 v1, v3  }
0x2d: {  	[hbm4b:s4+s2] =	stream.indirect_vreg.scatter [tilespmem:s12], [sflag:$0x1], $0x80, v4, vm0, $0xb8;
	[tilespmem:$0xC100] =	vst v63  }
0x2e: {  	s13 =	simm.s32 $0x1100  }
0x2f: {  	[hbm4b:s5+s2] =	stream.indirect_vreg.scatter [tilespmem:s13], [sflag:$0x1], $0x80, v4, vm0, $0xb8;
	[tilespmem:$0xC100] =	vst v63  }
0x30: {  	s14 =	simm.s32 $0x1900  }
0x31: {  	[hbm4b:s3+s2] =	stream.indirect_vreg.scatter [tilespmem:s14], [sflag:$0x1], $0x80, v3, vm0, $0xb8;
	[tilespmem:$0xC100] =	vst v63  }
0x32: {  	_ = 	snop  }
0x33: {  	[hbm4b:s4+s2] =	stream.indirect_vreg.scatter [tilespmem:s15], [sflag:$0x1], $0x80, v3, vm0, $0xb8;
	[tilespmem:$0xC100] =	vst v63  }
0x34: {  	_ = 	snop  }
0x35: {  	[hbm4b:s5+s2] =	stream.indirect_vreg.scatter [tilespmem:s16], [sflag:$0x1], $0x80, v3, vm0, $0xb8;
	[tilespmem:$0xC100] =	vst v63  }
0x36: {  	v3 =	vld [tilespmem:$0x10];
	_ =	sdelay $0x4  }
0x37: {  	v57 =	vshrl.u32 v3, $0x3  }
0x38: {  	v4 =	vmul.u32 $0x30, v57  }
0x39: {  	v3 =	vand.u32 $0x7, v3  }
0x3a: {  	v3 =	vor.u32 v3, v4  }
0x3b: {  	v4 =	vperm.xlane v3, v0;
	_ =	sdelay $0x1  }
0x3c: {  	v4 =	vadd.s32 v1, v4;
	_ =	sdelay $0x3  }
0x3d: {  	v3 =	vperm.xlane v3, v2  }
0x3e: {  	[hbm4b:s3+s2] =	stream.indirect_vreg.scatter [tilespmem:s17], [sflag:$0x1], $0x80, v4, vm0, $0xb8;
	[tilespmem:$0xC100] =	vst v63  }
0x3f: {  	v3 =	vadd.s32 v1, v3  }
0x40: {  	[hbm4b:s4+s2] =	stream.indirect_vreg.scatter [tilespmem:s18], [sflag:$0x1], $0x80, v4, vm0, $0xb8;
	[tilespmem:$0xC100] =	vst v63  }
0x41: {  	_ = 	snop  }
0x42: {  	[hbm4b:s5+s2] =	stream.indirect_vreg.scatter [tilespmem:s19], [sflag:$0x1], $0x80, v4, vm0, $0xb8;
	[tilespmem:$0xC100] =	vst v63  }
0x43: {  	_ = 	snop  }
0x44: {  	[hbm4b:s3+s2] =	stream.indirect_vreg.scatter [tilespmem:s20], [sflag:$0x1], $0x80, v3, vm0, $0xb8;
	[tilespmem:$0xC100] =	vst v63  }
0x45: {  	_ = 	snop  }
0x46: {  	[hbm4b:s4+s2] =	stream.indirect_vreg.scatter [tilespmem:s21], [sflag:$0x1], $0x80, v3, vm0, $0xb8;
	[tilespmem:$0xC100] =	vst v63  }
0x47: {  	_ = 	snop  }
0x48: {  	[hbm4b:s5+s2] =	stream.indirect_vreg.scatter [tilespmem:s22], [sflag:$0x1], $0x80, v3, vm0, $0xb8;
	[tilespmem:$0xC100] =	vst v63  }
0x49: {  	v3 =	vld [tilespmem:$0x20];
	_ =	sdelay $0x4  }
0x4a: {  	v58 =	vshrl.u32 v3, $0x3  }
0x4b: {  	v4 =	vmul.u32 $0x30, v58  }
0x4c: {  	v3 =	vand.u32 $0x7, v3  }
0x4d: {  	v3 =	vor.u32 v3, v4  }
0x4e: {  	v4 =	vperm.xlane v3, v0;
	_ =	sdelay $0x1  }
0x4f: {  	v4 =	vadd.s32 v1, v4;
	_ =	sdelay $0x3  }
0x50: {  	v3 =	vperm.xlane v3, v2  }
0x51: {  	[hbm4b:s3+s2] =	stream.indirect_vreg.scatter [tilespmem:s23], [sflag:$0x1], $0x80, v4, vm0, $0xb8;
	[tilespmem:$0xC100] =	vst v63  }
0x52: {  	v3 =	vadd.s32 v1, v3  }
0x53: {  	[hbm4b:s4+s2] =	stream.indirect_vreg.scatter [tilespmem:s24], [sflag:$0x1], $0x80, v4, vm0, $0xb8;
	[tilespmem:$0xC100] =	vst v63  }
0x54: {  	_ = 	snop  }
0x55: {  	[hbm4b:s5+s2] =	stream.indirect_vreg.scatter [tilespmem:s25], [sflag:$0x1], $0x80, v4, vm0, $0xb8;
	[tilespmem:$0xC100] =	vst v63  }
0x56: {  	_ = 	snop  }
0x57: {  	[hbm4b:s3+s2] =	stream.indirect_vreg.scatter [tilespmem:s26], [sflag:$0x1], $0x80, v3, vm0, $0xb8;
	[tilespmem:$0xC100] =	vst v63  }
0x58: {  	_ = 	snop  }
0x59: {  	[hbm4b:s4+s2] =	stream.indirect_vreg.scatter [tilespmem:s28], [sflag:$0x1], $0x80, v3, vm0, $0xb8;
	[tilespmem:$0xC100] =	vst v63  }
0x5a: {  	_ = 	snop  }
0x5b: {  	[hbm4b:s5+s2] =	stream.indirect_vreg.scatter [tilespmem:s29], [sflag:$0x1], $0x80, v3, vm0, $0xb8;
	[tilespmem:$0xC100] =	vst v63  }
0x5c: {  	v3 =	vld [tilespmem:$0x30];
	_ =	sdelay $0x4  }
0x5d: {  	v59 =	vshrl.u32 v3, $0x3  }
0x5e: {  	v4 =	vmul.u32 $0x30, v59  }
0x5f: {  	v3 =	vand.u32 $0x7, v3  }
0x60: {  	v3 =	vor.u32 v3, v4  }
0x61: {  	v4 =	vperm.xlane v3, v0;
	_ =	sdelay $0x1  }
0x62: {  	v4 =	vadd.s32 v1, v4;
	_ =	sdelay $0x3  }
0x63: {  	v3 =	vperm.xlane v3, v2  }
0x64: {  	[hbm4b:s3+s2] =	stream.indirect_vreg.scatter [tilespmem:s30], [sflag:$0x1], $0x80, v4, vm0, $0xb8;
	[tilespmem:$0xC100] =	vst v63  }
0x65: {  	v3 =	vadd.s32 v1, v3  }
0x66: {  	[hbm4b:s4+s2] =	stream.indirect_vreg.scatter [tilespmem:s31], [sflag:$0x1], $0x80, v4, vm0, $0xb8;
	[tilespmem:$0xC100] =	vst v63  }
0x67: {  	s0 =	simm.s32 $0xA100  }
0x68: {  	[hbm4b:s5+s2] =	stream.indirect_vreg.scatter [tilespmem:s0], [sflag:$0x1], $0x80, v4, vm0, $0xb8;
	[tilespmem:$0xC100] =	vst v63  }
0x69: {  	_ = 	snop  }
0x6a: {  	[hbm4b:s3+s2] =	stream.indirect_vreg.scatter [tilespmem:s1], [sflag:$0x1], $0x80, v3, vm0, $0xb8;
	[tilespmem:$0xC100] =	vst v63  }
0x6b: {  	_ = 	snop  }
0x6c: {  	[hbm4b:s4+s2] =	stream.indirect_vreg.scatter [tilespmem:s11], [sflag:$0x1], $0x80, v3, vm0, $0xb8;
	[tilespmem:$0xC100] =	vst v63  }
0x6d: {  	_ = 	snop  }
0x6e: {  	[hbm4b:s5+s2] =	stream.indirect_vreg.scatter [tilespmem:s7], [sflag:$0x1], $0x80, v3, vm0, $0xb8;
	[tilespmem:$0xC100] =	vst v63  }
0x6f: {  	v3 =	vld [tilespmem:$0x80];
	_ =	sdelay $0x4  }
0x70: {  	v60 =	vshrl.u32 v3, $0x3  }
0x71: {  	v4 =	vmul.u32 $0x30, v60  }
0x72: {  	v3 =	vand.u32 $0x7, v3  }
0x73: {  	v3 =	vor.u32 v3, v4  }
0x74: {  	v4 =	vperm.xlane v3, v0;
	_ =	sdelay $0x1  }
0x75: {  	v4 =	vadd.s32 v1, v4;
	_ =	sdelay $0x3  }
0x76: {  	v3 =	vperm.xlane v3, v2  }
0x77: {  	[hbm4b:s3+s2] =	stream.indirect_vreg.scatter [tilespmem:s10], [sflag:$0x2], $0x80, v4, vm0, $0xb8;
	[tilespmem:$0xC100] =	vst v63  }
0x78: {  	v3 =	vadd.s32 v1, v3  }
0x79: {  	[hbm4b:s4+s2] =	stream.indirect_vreg.scatter [tilespmem:s12], [sflag:$0x2], $0x80, v4, vm0, $0xb8;
	[tilespmem:$0xC100] =	vst v63  }
0x7a: {  	_ = 	snop  }
0x7b: {  	[hbm4b:s5+s2] =	stream.indirect_vreg.scatter [tilespmem:s13], [sflag:$0x2], $0x80, v4, vm0, $0xb8;
	[tilespmem:$0xC100] =	vst v63  }
0x7c: {  	_ = 	snop  }
0x7d: {  	[hbm4b:s3+s2] =	stream.indirect_vreg.scatter [tilespmem:s14], [sflag:$0x2], $0x80, v3, vm0, $0xb8;
	[tilespmem:$0xC100] =	vst v63  }
0x7e: {  	_ = 	snop  }
0x7f: {  	[hbm4b:s4+s2] =	stream.indirect_vreg.scatter [tilespmem:s15], [sflag:$0x2], $0x80, v3, vm0, $0xb8;
	[tilespmem:$0xC100] =	vst v63  }
0x80: {  	_ = 	snop  }
0x81: {  	[hbm4b:s5+s2] =	stream.indirect_vreg.scatter [tilespmem:s16], [sflag:$0x2], $0x80, v3, vm0, $0xb8;
	[tilespmem:$0xC100] =	vst v63  }
0x82: {  	v3 =	vld [tilespmem:$0x90];
	_ =	sdelay $0x4  }
0x83: {  	v61 =	vshrl.u32 v3, $0x3  }
0x84: {  	v4 =	vmul.u32 $0x30, v61  }
0x85: {  	v3 =	vand.u32 $0x7, v3  }
0x86: {  	v3 =	vor.u32 v3, v4  }
0x87: {  	v4 =	vperm.xlane v3, v0;
	_ =	sdelay $0x1  }
0x88: {  	v4 =	vadd.s32 v1, v4;
	_ =	sdelay $0x3  }
0x89: {  	v3 =	vperm.xlane v3, v2  }
0x8a: {  	[hbm4b:s3+s2] =	stream.indirect_vreg.scatter [tilespmem:s17], [sflag:$0x2], $0x80, v4, vm0, $0xb8;
	[tilespmem:$0xC100] =	vst v63  }
0x8b: {  	v3 =	vadd.s32 v1, v3  }
0x8c: {  	[hbm4b:s4+s2] =	stream.indirect_vreg.scatter [tilespmem:s18], [sflag:$0x2], $0x80, v4, vm0, $0xb8;
	[tilespmem:$0xC100] =	vst v63  }
0x8d: {  	_ = 	snop  }
0x8e: {  	[hbm4b:s5+s2] =	stream.indirect_vreg.scatter [tilespmem:s19], [sflag:$0x2], $0x80, v4, vm0, $0xb8;
	[tilespmem:$0xC100] =	vst v63  }
0x8f: {  	_ = 	snop  }
0x90: {  	[hbm4b:s3+s2] =	stream.indirect_vreg.scatter [tilespmem:s20], [sflag:$0x2], $0x80, v3, vm0, $0xb8;
	[tilespmem:$0xC100] =	vst v63  }
0x91: {  	_ = 	snop  }
0x92: {  	[hbm4b:s4+s2] =	stream.indirect_vreg.scatter [tilespmem:s21], [sflag:$0x2], $0x80, v3, vm0, $0xb8;
	[tilespmem:$0xC100] =	vst v63  }
0x93: {  	_ = 	snop  }
0x94: {  	[hbm4b:s5+s2] =	stream.indirect_vreg.scatter [tilespmem:s22], [sflag:$0x2], $0x80, v3, vm0, $0xb8;
	[tilespmem:$0xC100] =	vst v63  }
0x95: {  	v3 =	vld [tilespmem:$0xA0];
	_ =	sdelay $0x4  }
0x96: {  	v62 =	vshrl.u32 v3, $0x3  }
0x97: {  	v4 =	vmul.u32 $0x30, v62  }
0x98: {  	v3 =	vand.u32 $0x7, v3  }
0x99: {  	v3 =	vor.u32 v3, v4  }
0x9a: {  	v4 =	vperm.xlane v3, v0;
	_ =	sdelay $0x1  }
0x9b: {  	v4 =	vadd.s32 v1, v4;
	_ =	sdelay $0x3  }
0x9c: {  	v3 =	vperm.xlane v3, v2  }
0x9d: {  	[hbm4b:s3+s2] =	stream.indirect_vreg.scatter [tilespmem:s23], [sflag:$0x2], $0x80, v4, vm0, $0xb8;
	[tilespmem:$0xC100] =	vst v63  }
0x9e: {  	v3 =	vadd.s32 v1, v3  }
0x9f: {  	[hbm4b:s4+s2] =	stream.indirect_vreg.scatter [tilespmem:s24], [sflag:$0x2], $0x80, v4, vm0, $0xb8;
	[tilespmem:$0xC100] =	vst v63  }
0xa0: {  	_ = 	snop  }
0xa1: {  	[hbm4b:s5+s2] =	stream.indirect_vreg.scatter [tilespmem:s25], [sflag:$0x2], $0x80, v4, vm0, $0xb8;
	[tilespmem:$0xC100] =	vst v63  }
0xa2: {  	_ = 	snop  }
0xa3: {  	[hbm4b:s3+s2] =	stream.indirect_vreg.scatter [tilespmem:s26], [sflag:$0x2], $0x80, v3, vm0, $0xb8;
	[tilespmem:$0xC100] =	vst v63  }
0xa4: {  	_ = 	snop  }
0xa5: {  	[hbm4b:s4+s2] =	stream.indirect_vreg.scatter [tilespmem:s28], [sflag:$0x2], $0x80, v3, vm0, $0xb8;
	[tilespmem:$0xC100] =	vst v63  }
0xa6: {  	_ = 	snop  }
0xa7: {  	[hbm4b:s5+s2] =	stream.indirect_vreg.scatter [tilespmem:s29], [sflag:$0x2], $0x80, v3, vm0, $0xb8;
	[tilespmem:$0xC100] =	vst v63  }
0xa8: {  	v3 =	vld [tilespmem:$0xB0];
	_ =	sdelay $0x4  }
0xa9: {  	v63 =	vshrl.u32 v3, $0x3  }
0xaa: {  	v4 =	vmul.u32 $0x30, v63  }
0xab: {  	v3 =	vand.u32 $0x7, v3  }
0xac: {  	v3 =	vor.u32 v3, v4  }
0xad: {  	v4 =	vperm.xlane v3, v0;
	_ =	sdelay $0x1  }
0xae: {  	v4 =	vadd.s32 v1, v4;
	_ =	sdelay $0x3  }
0xaf: {  	v3 =	vperm.xlane v3, v2  }
0xb0: {  	[hbm4b:s3+s2] =	stream.indirect_vreg.scatter [tilespmem:s30], [sflag:$0x2], $0x80, v4, vm0, $0xb8;
	[tilespmem:$0xC100] =	vst v63  }
0xb1: {  	v3 =	vadd.s32 v1, v3  }
0xb2: {  	[hbm4b:s4+s2] =	stream.indirect_vreg.scatter [tilespmem:s31], [sflag:$0x2], $0x80, v4, vm0, $0xb8;
	[tilespmem:$0xC100] =	vst v63  }
0xb3: {  	_ = 	snop  }
0xb4: {  	[hbm4b:s5+s2] =	stream.indirect_vreg.scatter [tilespmem:s0], [sflag:$0x2], $0x80, v4, vm0, $0xb8;
	[tilespmem:$0xC100] =	vst v63  }
0xb5: {  	_ = 	snop  }
0xb6: {  	[hbm4b:s3+s2] =	stream.indirect_vreg.scatter [tilespmem:s1], [sflag:$0x2], $0x80, v3, vm0, $0xb8;
	[tilespmem:$0xC100] =	vst v63  }
0xb7: {  	_ = 	snop  }
0xb8: {  	[hbm4b:s4+s2] =	stream.indirect_vreg.scatter [tilespmem:s11], [sflag:$0x2], $0x80, v3, vm0, $0xb8;
	[tilespmem:$0xC100] =	vst v63  }
0xb9: {  	_ = 	snop  }
0xba: {  	[hbm4b:s5+s2] =	stream.indirect_vreg.scatter [tilespmem:s7], [sflag:$0x2], $0x80, v3, vm0, $0xb8;
	[tilespmem:$0xC100] =	vst v63  }
0xbb: {  	p0 =	sne.s32 s6, $0x1;
	_ =	swait.ge [sflag:s8], $0xC000  }
.Ltmp0:
0xbc: {  	[sflag:s8] =	ssyncset.done $0x0;
	(pc) =	sbr.rel @p0 .LBB2_1-.Ltmp0, $4  }
0xbd: {  	[sflag:s8] =	ssyncadd.s32 $0xFFFF4000  }
0xbe: {  	_ =	swait.ge [sflag:s9], $0xC000  }
0xbf: {  	[sflag:s9] =	ssyncset.done $0x0  }
0xc0: {  	s6 =	sadd.s32 $0xFFFFFFFF, s6;
	[sflag:s9] =	ssyncadd.s32 $0xFFFF4000  }
0xc1: {  	_ =	sfence.sel $0x180000  }
0xc2: {  	[bflag:$0x0] =	sbarrier.arrive $0xFFFF  }
0xc3: {  	_ =	strace $0x90000047  }
0xc4: {  	s0 =	stileid.u32;
	[bflag:$0x2] =	sbarrier.arrive $0xFFFF  }
0xc5: {  	p0 =	sne.s32 s0, $0x0;
	s0 =	rddreg [dreg:$0x2]  }
0xc6: {  	s0 =	sadd.s32 @!p0 $0x100000, s0  }
0xc7: {  	[sflag:s0] =	ssyncadd.tile.s32 @!p0 $0x1;
	_ =	shalt  }
.Lfunc_end2:
_tile_overlayer_lowered:
.L_overlay_start_2:
0xc8: {  	(tag) =	ssettag $0x2  }
0xc9: {  	s0 =	rddreg [dreg:$0x0];
	s2 =	stileid.u32  }
0xca: {  	s1 =	rddreg [dreg:$0x1];
	p0 =	sne.s32 s2, $0x0  }
0xcb: {  	s3 =	rddreg [dreg:$0x2];
	[bflag:$0x3] =	sbarrier.arrive $0xFFFF;
	s2 =	simm.s32 @!p0 $0x1C04  }
0xcc: {  	[timem:s3], [sflag:s2] =	dma.local @!p0 [hbm:s0], s1  }
0xcd: {  	s0 =	simm.s32 @!p0 $0x4  }
0xce: {  	_ =	swait.ge @!p0 [sflag:s0], s1  }
0xcf: {  	s1 =	ssub.s32 @!p0 $0x0, s1;
	[sflag:s0] =	ssyncset.done @!p0 $0x0  }
0xd0: {  	[sflag:s0] =	ssyncadd.s32 @!p0 s1  }
0xd1: {  	[bflag:$0x3] =	sbarrier.arrive $0xFFFF  }
0xd2: {  	_ =	shalt  }

// kernel: kernel.9.cloned.1.call-start
scs
__scs_entry_jumppad:
0x0: {  	(pc) =	sbr.rel $0x88, $3  }
0x1: {  	(tag) =	ssettag $0x0;
	lr =	simm.s32 $0x1  }
0x2: {  	[smem:$0x3F9C] =	sst lr;
	_ =	strace $0xD0000000  }
0x3: {  	_ = 	snop  }
0x4: {  	_ = 	snop  }
0x5: {  	_ = 	snop  }
0x6: {  	_ = 	snop  }
0x7: {  	_ = 	snop  }
__scs_overlays_trampoline_lowered:
0x8: {  	[smem:$0x3FAB] =	sst s0  }
0x9: {  	[smem:$0x3FAC] =	sst s1  }
0xa: {  	[smem:$0x3FAD] =	sst s2  }
0xb: {  	[smem:$0x3FAE] =	sst s3  }
0xc: {  	[smem:$0x3FAF] =	sst s4  }
0xd: {  	[smem:$0x3FB0] =	sst s5  }
0xe: {  	[smem:$0x3FB1] =	sst s6  }
0xf: {  	[smem:$0x3FB2] =	sst s7  }
0x10: {  	[smem:$0x3FB3] =	sst s8  }
0x11: {  	[smem:$0x3FB4] =	sst s9;
	s0 =	simm.s32 @!p0 $0x0  }
0x12: {  	s1 =	sld [smem:$0x3F9A];
	s0 =	simm.s32 @p0 $0x1  }
0x13: {  	[smem:$0x3FB5] =	sst s0;
	s0 =	simm.s32 @!p1 $0x0  }
0x14: {  	s2 =	sld [smem:$0x3F99];
	s0 =	simm.s32 @p1 $0x1  }
0x15: {  	[smem:$0x3FB6] =	sst s0;
	s0 =	simm.s32 @!p2 $0x0  }
0x16: {  	s3 =	sld [smem:$0x3FDB];
	s0 =	simm.s32 @p2 $0x1  }
0x17: {  	s4 =	simm.s32 $0x1BF5;
	[smem:$0x3FB8] =	sst s0  }
0x18: {  	s0 =	sld [smem:$0x3F9B];
	_ =	swait.ge [sflag:s4], $0x0  }
0x19: {  	s7 =	sld [smem:$0x3F9C]  }
0x1a: {  	s8 =	sadd.s32 $0xFFFFE003, lr  }
0x1b: {  	s9 =	sadd.s32 $0xFFFFFEF7, lr;
	s5 =	simm.s32 $0xFFFFFFFF;
	p2 =	slt.u32 s8, $0xFFFFF086  }
0x1c: {  	p1 =	slt.u32 s9, $0xF7A;
	s5 =	simm.s32 @!p2 $0x0  }
0x1d: {  	s5 =	simm.s32 @p1 $0x1;
	p0 =	seq.s32 s7, s2  }
0x1e: {  	s7 =	smul.u32 @!p0 $0xF7A, s2;
	p2 =	seq.s32 @!p0 s5, $0x0  }
0x1f: {  	s9 =	smul.u32 $0xF7A, s1;
	s8 =	simm.s32 @!p0 $0x1BF5;
	p2 =	por !p2, p0  }
0x20: {  	[sflag:s8] =	ssyncset.s32 @!p0 $0xFFFFF086;
	s6 =	sadd.s32 @!p0 s3, s7;
	s7 =	simm.s32 @!p0 $0x108  }
0x21: {  	s3 =	sadd.s32 s3, s9;
	s6 =	sadd.s32 @!p0 $0x88, s6;
	s7 =	simm.s32 @p2 $0x1082  }
0x22: {  	[simem:s7], [sflag:s8] =	dma.local @!p0 [hbm:s6], $0xF7A  }
0x23: {  	s9 =	sor.u32 $0xD0000000, s2;
	s6 =	simm.s32 $0x108;
	_ =	swait.ge @!p0 [sflag:s8], $0x0  }
0x24: {  	s3 =	sadd.s32 $0x88, s3;
	s6 =	simm.s32 @!p1 $0x1082;
	[sflag:s4] =	ssyncset.s32 $0xFFFFF086  }
0x25: {  	[simem:s6], [sflag:s4] =	dma.local [hbm:s3], $0xF7A  }
0x26: {  	[smem:$0x3F9C] =	sst s1;
	(tag) =	ssettag s2;
	_ =	strace s9  }
0x27: {  	s1 =	sld [smem:$0x3FAC]  }
0x28: {  	s2 =	sld [smem:$0x3FAD]  }
0x29: {  	s4 =	sld [smem:$0x3FAF]  }
0x2a: {  	p0 =	seq.s32 s5, $0x0;
	s5 =	sld [smem:$0x3FB0]  }
0x2b: {  	s6 =	sld [smem:$0x3FB1]  }
0x2c: {  	s7 =	sld [smem:$0x3FB2]  }
0x2d: {  	s3 =	simm.s32 $0x108;
	s8 =	sld [smem:$0x3FB3]  }
0x2e: {  	s3 =	simm.s32 @!p0 $0x1082;
	s9 =	sld [smem:$0x3FB4]  }
0x2f: {  	lr =	sadd.s32 s0, s3;
	s0 =	sld [smem:$0x3FAB]  }
0x30: {  	s3 =	sld [smem:$0x3FAE]  }
0x31: {  	[smem:$0x3FB7] =	sst s10  }
0x32: {  	s10 =	sld [smem:$0x3FB5];
	_ =	sdelay $0x3  }
0x33: {  	p0 =	seq.s32 s10, $0x1;
	s10 =	sld [smem:$0x3FB7];
	_ =	sdelay $0x3  }
0x34: {  	[smem:$0x3FB7] =	sst s10  }
0x35: {  	s10 =	sld [smem:$0x3FB6];
	_ =	sdelay $0x3  }
0x36: {  	p1 =	seq.s32 s10, $0x1;
	s10 =	sld [smem:$0x3FB7];
	_ =	sdelay $0x3  }
0x37: {  	[smem:$0x3FB7] =	sst s10  }
0x38: {  	s10 =	sld [smem:$0x3FB8]  }
0x39: {  	_ = 	snop;
	(pc) =	sbr.ind lr, $3  }
0x3a: {  	_ = 	snop  }
0x3b: {  	_ = 	snop  }
0x3c: {  	p2 =	seq.s32 s10, $0x1;
	s10 =	sld [smem:$0x3FB7]  }
0x3d: {  	_ =	shalt  }
0x3e: {  	_ =	shalt  }
0x3f: {  	_ =	shalt  }
0x40: {  	_ =	shalt  }
0x41: {  	_ =	shalt  }
0x42: {  	_ =	shalt  }
0x43: {  	_ =	shalt  }
0x44: {  	_ =	shalt  }
0x45: {  	_ =	shalt  }
0x46: {  	_ =	shalt  }
0x47: {  	_ =	shalt  }
0x48: {  	_ =	shalt  }
0x49: {  	_ =	shalt  }
0x4a: {  	_ =	shalt  }
0x4b: {  	_ =	shalt  }
0x4c: {  	_ =	shalt  }
0x4d: {  	_ =	shalt  }
0x4e: {  	_ =	shalt  }
0x4f: {  	_ =	shalt  }
0x50: {  	_ =	shalt  }
0x51: {  	_ =	shalt  }
0x52: {  	_ =	shalt  }
0x53: {  	_ =	shalt  }
0x54: {  	_ =	shalt  }
0x55: {  	_ =	shalt  }
0x56: {  	_ =	shalt  }
0x57: {  	_ =	shalt  }
0x58: {  	_ =	shalt  }
0x59: {  	_ =	shalt  }
0x5a: {  	_ =	shalt  }
0x5b: {  	_ =	shalt  }
0x5c: {  	_ =	shalt  }
0x5d: {  	_ =	shalt  }
0x5e: {  	_ =	shalt  }
0x5f: {  	_ =	shalt  }
0x60: {  	_ =	shalt  }
0x61: {  	_ =	shalt  }
0x62: {  	_ =	shalt  }
0x63: {  	_ =	shalt  }
0x64: {  	_ =	shalt  }
0x65: {  	_ =	shalt  }
0x66: {  	_ =	shalt  }
0x67: {  	_ =	shalt  }
0x68: {  	_ =	shalt  }
0x69: {  	_ =	shalt  }
0x6a: {  	_ =	shalt  }
0x6b: {  	_ =	shalt  }
0x6c: {  	_ =	shalt  }
0x6d: {  	_ =	shalt  }
0x6e: {  	_ =	shalt  }
0x6f: {  	_ =	shalt  }
0x70: {  	_ =	shalt  }
0x71: {  	_ =	shalt  }
0x72: {  	_ =	shalt  }
0x73: {  	_ =	shalt  }
0x74: {  	_ =	shalt  }
0x75: {  	_ =	shalt  }
0x76: {  	_ =	shalt  }
0x77: {  	_ =	shalt  }
0x78: {  	_ =	shalt  }
0x79: {  	_ =	shalt  }
0x7a: {  	_ =	shalt  }
0x7b: {  	_ =	shalt  }
0x7c: {  	_ =	shalt  }
0x7d: {  	_ =	shalt  }
0x7e: {  	_ =	shalt  }
0x7f: {  	_ =	shalt  }
0x80: {  	_ =	shalt  }
0x81: {  	_ =	shalt  }
0x82: {  	_ =	shalt  }
0x83: {  	_ =	shalt  }
0x84: {  	_ =	shalt  }
0x85: {  	_ =	shalt  }
0x86: {  	_ =	shalt  }
0x87: {  	_ =	shalt  }
.Lfunc_end0:
.L_simem_size_0:
called_computation.1_lowered:
.L_overlay_start_0:
0x88: {  	s2 =	sld [smem:$0x3FD9]  }
0x89: {  	s3 =	sld [smem:$0x3FFE];
	_ =	sdelay $0x1  }
0x8a: {  	s1 =	srdreg.scid  }
0x8b: {  	s0 =	sand.u32 $0x1, s1  }
0x8c: {  	s17 =	sshll.u32 s0, $0xA;
	s2 =	sadd.s32 s3, s2  }
0x8d: {  	s2 =	sadd.s32 s2, s17  }
0x8e: {  	[smem:$0x3FC3] =	sst s2  }
0x8f: {  	_ = 	snop  }
0x90: {  	s2 =	sld [smem:$0x3FD0];
	(tm) =	ssettm $0x1  }
0x91: {  	s18 =	sld [smem:$0x3FFB];
	_ =	sdelay $0x3  }
0x92: {  	_ =	strace s18  }
0x93: {  	s3 =	sld [smem:$0x3FFC];
	_ =	sdelay $0x3  }
0x94: {  	_ =	strace s3  }
0x95: {  	s3 =	sld [smem:$0x3FFD];
	_ =	sdelay $0x3  }
0x96: {  	_ =	strace s3  }
0x97: {  	_ =	strace $0x8FFFFFFF  }
0x98: {  	s19 =	sld [smem:$0x3FDB];
	_ =	sdelay $0x1  }
0x99: {  	s4 =	simm.s32 $_scs_section_size  }
0x9a: {  	s5 =	simm.s32 $_size__tile_overlayer_lowered;
	s6 =	simm.s32 $_tile_overlayer_lowered  }
0x9b: {  	s22 =	simm.s32 $0x1BFF;
	s21 =	sshll.u32 s6, $0x1;
	s3 =	sadd.s32 s4, s19  }
0x9c: {  	s7 =	simm.s32 $0x0;
	s20 =	sshll.u32 s5, $0x1;
	s5 =	sadd.s32 s21, s3  }
0x9d: {  	[timem:s7], [sflag:s22] =	dma.local [hbm:s5], s20  }
0x9e: {  	_ =	swait.ge [sflag:s22], s20  }
0x9f: {  	s4 =	ssub.s32 $0x0, s20;
	[sflag:s22] =	ssyncset.done $0x0  }
0xa0: {  	[sflag:s22] =	ssyncadd.s32 s4;
	_ =	sdelay $0x1  }
0xa1: {  	s23 =	simm.s32 $0x1B8B  }
0xa2: {  	_ =	swait.ge [sflag:s23], $0x1  }
0xa3: {  	[sflag:s23] =	ssyncset.done $0x0  }
0xa4: {  	s25 =	simm.s32 $0x1B8E;
	s24 =	sld [smem:$0x3FFE];
	[sflag:s23] =	ssyncadd.s32 $0xFFFFFFFF  }
0xa5: {  	s26 =	simm.s32 $execute0_lowered;
	[smem:$0x3FD2] =	sst s25  }
0xa6: {  	s5 =	sshll.u32 s26, $0x1;
	_ =	strace $0x80000049;
	[dreg:$0x1] =	wrdreg $0xFFFFFFFF  }
0xa7: {  	s28 =	simm.s32 $_size_execute0_lowered;
	s3 =	sadd.s32 s3, s5;
	[dreg:$0x0] =	wrdreg $0x0  }
0xa8: {  	s5 =	sshll.u32 s28, $0x1;
	[dreg:$0x2] =	wrdreg s3  }
0xa9: {  	[dreg:$0x3] =	wrdreg s5  }
0xaa: {  	[dreg:$0x4] =	wrdreg $0xC0  }
0xab: {  	_ =	task [dreg:s7], $0x5FFFF  }
0xac: {  	[dreg:$0x1] =	wrdreg $0xFFFFFFFF  }
0xad: {  	[dreg:$0x0] =	wrdreg $0x60  }
0xae: {  	[dreg:$0x2] =	wrdreg s24  }
0xaf: {  	[dreg:$0x3] =	wrdreg s2  }
0xb0: {  	[dreg:$0x4] =	wrdreg $0x9  }
0xb1: {  	_ =	task.clear_ibuf [dreg:s7], $0x5FFFF;
	_ =	strace $0x90000049  }
0xb2: {  	s29 =	simm.s32 $0x9;
	_ =	strace $0x8000004B  }
0xb3: {  	_ =	swait.ge [sflag:s29], $0x1  }
0xb4: {  	[sflag:s29] =	ssyncadd.s32 $0xFFFFFFFF  }
0xb5: {  	_ =	strace $0x9000004B  }
0xb6: {  	_ =	sfence  }
0xb7: {  	s30 =	sld [smem:$0x0];
	_ =	sdelay $0x2  }
0xb8: {  	s31 =	sshll.u32 s1, $0xD;
	s1 =	sshrl.u32 s1, $0x2  }
0xb9: {  	s3 =	sand.u32 $0x4000, s31;
	s1 =	sadd.s32 s1, s30  }
0xba: {  	s0 =	sor.u32 s3, s0;
	s1 =	sshll.u32 s1, $0x11  }
0xbb: {  	s0 =	sor.u32 s1, s0  }
0xbc: {  	s0 =	sadd.s32 $0x8F2B, s0  }
0xbd: {  	[sflag:s0] =	ssyncadd.remote.s32 $0x1  }
0xbe: {  	_ =	sfence.sel $0xFFFF  }
0xbf: {  	[dreg:$0x0] =	wrdreg $0xFFFFFFFF;
	(pc) =	sbr.abs _section_cstart, $3  }
0xc0: {  	[dreg:$0x1] =	wrdreg $0xFFFFFFFF  }
0xc1: {  	_ =	task.clear_ibuf [dreg:s7], $0x2FFFF;
	_ =	strace $0x9FFFFFFF  }
0xc2: {  	(tm) =	ssettm $0x7FFFFFFF  }
0xc3: {  	_ =	shalt  }
tec
execute0_lowered:
.L_overlay_start_1:
0x0: {  	(tag) =	ssettag $0x1  }
0x1: {  	s0 =	rddreg [dreg:$0x0]  }
0x2: {  	s1 =	rddreg [dreg:$0x1];
	s3 =	srdreg.scid  }
0x3: {  	s2 =	simm.s32 $0x0;
	s5 =	stileid.u32;
	s14 =	simm.s32 $0x1  }
0x4: {  	s15 =	simm.s32 $0x2;
	s16 =	simm.s32 $0x4100;
	s23 =	simm.s32 $0xA100  }
0x5: {  	s28 =	simm.s32 $0x1A100;
	s29 =	simm.s32 $0x1A900;
	s30 =	simm.s32 $0x1B100  }
0x6: {  	s31 =	simm.s32 $0x1B900;
	s13 =	simm.s32 $0x5;
	s17 =	simm.s32 $0x0  }
0x7: {  	s4 =	sand.u32 $0x1, s3;
	[smem:$0x7FF] =	sst s2;
	s5 =	sshll.u32 s5, $0x7  }
0x8: {  	s3 =	sadd.s32 $0x9BA00, s0;
	s6 =	sshll.u32 s4, $0x6;
	s4 =	ssub.s32 $0x2, s4  }
0x9: {  	_ =	strace $0x8000004A;
	s5 =	sor.u32 s6, s5;
	s25 =	sshrl.u32 s4, $0x1  }
0xa: {  	s7 =	sshrl.u32 s5, $0x3;
	s5 =	sshll.u32 s5, $0x4;
	s12 =	ssub.s32 s4, s25  }
0xb: {  	s24 =	sadd.s32 s7, s0;
	s8 =	sadd.s32 s5, s0;
	s9 =	smul.u32 $0x1800, s7  }
0xc: {  	s10 =	smul.u32 $0x300, s7;
	s12 =	smax.u32 s12, $0x1;
	s4 =	sadd.s32 $0x11600, s24  }
0xd: {  	s5 =	sadd.s32 $0x11800, s24;
	s6 =	sadd.s32 $0x1600, s8;
	s7 =	sadd.s32 $0x9600, s8  }
0xe: {  	v2 =	vlaneseq.u32;
	s8 =	sadd.s32 $0x9BB00, s0;
	s11 =	sshrl.u32 s9, $0x3;
	s9 =	sadd.s32 $0x9BC00, s0  }
0xf: {  	vm0 =	vmmov $0xffff;
	v1 =	vshrl.u32 v2, $0x3;
	s10 =	sadd.s32 s1, s10;
	s0 =	simm.s32 $0x3;
	s26 =	sadd.s32 s1, s11  }
0x10: {  	v0 =	vand.u32 $0x7, v2;
	v2 =	vor.u32 $0x8, v2;
	v1 =	vmul.u32 $0x8, v1;
	s1 =	simm.s32 $0x4;
	s11 =	sadd.s32 $0xC00, s26;
	s26 =	simm.s32 $0x19900  }
.LBB2_1:
0x11: {  	[tilespmem:s2], [sflag:$0x1] =	stream.linear.gather [hbm4b:s4+s2], $0x40, $0x38;
	[tilespmem:$0x1C100] =	vst v63  }
0x12: {  	s18 =	simm.s32 $0x80  }
0x13: {  	[tilespmem:s18], [sflag:$0x2] =	stream.linear.gather [hbm4b:s5+s2], $0x40, $0x38;
	[tilespmem:$0x1C100] =	vst v63  }
0x14: {  	s18 =	simm.s32 $0x100  }
0x15: {  	[tilespmem:s18], [sflag:$0x3] =	stream.linear.gather [hbm4b:s6+s2], $0x2000, $0x38;
	[tilespmem:$0x1C100] =	vst v63  }
0x16: {  	s19 =	simm.s32 $0x2100  }
0x17: {  	[tilespmem:s19], [sflag:$0x4] =	stream.linear.gather [hbm4b:s7+s2], $0x2000, $0x38;
	[tilespmem:$0x1C100] =	vst v63  }
0x18: {  	_ =	swait.ge [sflag:s14], $0x40  }
0x19: {  	[sflag:s14] =	ssyncset.done $0x0  }
0x1a: {  	[sflag:s14] =	ssyncadd.s32 $0xFFFFFFC0  }
0x1b: {  	_ =	swait.ge [sflag:s15], $0x40  }
0x1c: {  	[sflag:s15] =	ssyncset.done $0x0  }
0x1d: {  	[sflag:s15] =	ssyncadd.s32 $0xFFFFFFC0  }
0x1e: {  	v3 =	vld [tilespmem:$0x0];
	_ =	sdelay $0x4  }
0x1f: {  	v4 =	vshrl.u32 v3, $0x3  }
0x20: {  	v4 =	vmul.u32 $0x30, v4  }
0x21: {  	v3 =	vand.u32 $0x7, v3  }
0x22: {  	v3 =	vor.u32 v3, v4  }
0x23: {  	v4 =	vperm.xlane v3, v0;
	_ =	sdelay $0x1  }
0x24: {  	v4 =	vadd.s32 v1, v4;
	_ =	sdelay $0x3  }
0x25: {  	v3 =	vperm.xlane v3, v2  }
0x26: {  	[tilespmem:s16], [sflag:$0x1] =	stream.indirect_vreg.gather [hbm4b:s3+s2], $0x80, v4, vm0, $0xb8;
	[tilespmem:$0x1C100] =	vst v63  }
0x27: {  	s20 =	simm.s32 $0x4900;
	v3 =	vadd.s32 v1, v3  }
0x28: {  	[tilespmem:s20], [sflag:$0x1] =	stream.indirect_vreg.gather [hbm4b:s8+s2], $0x80, v4, vm0, $0xb8;
	[tilespmem:$0x1C100] =	vst v63  }
0x29: {  	s24 =	simm.s32 $0x5100  }
0x2a: {  	[tilespmem:s24], [sflag:$0x1] =	stream.indirect_vreg.gather [hbm4b:s9+s2], $0x80, v4, vm0, $0xb8;
	[tilespmem:$0x1C100] =	vst v63  }
0x2b: {  	s25 =	simm.s32 $0x5900  }
0x2c: {  	[tilespmem:s25], [sflag:$0x1] =	stream.indirect_vreg.gather [hbm4b:s3+s2], $0x80, v3, vm0, $0xb8;
	[tilespmem:$0x1C100] =	vst v63  }
0x2d: {  	s21 =	simm.s32 $0x6100  }
0x2e: {  	[tilespmem:s21], [sflag:$0x1] =	stream.indirect_vreg.gather [hbm4b:s8+s2], $0x80, v3, vm0, $0xb8;
	[tilespmem:$0x1C100] =	vst v63  }
0x2f: {  	s22 =	simm.s32 $0x6900  }
0x30: {  	[tilespmem:s22], [sflag:$0x1] =	stream.indirect_vreg.gather [hbm4b:s9+s2], $0x80, v3, vm0, $0xb8;
	[tilespmem:$0x1C100] =	vst v63  }
0x31: {  	v3 =	vld [tilespmem:$0x10];
	_ =	sdelay $0x4  }
0x32: {  	v4 =	vshrl.u32 v3, $0x3  }
0x33: {  	v4 =	vmul.u32 $0x30, v4  }
0x34: {  	v3 =	vand.u32 $0x7, v3  }
0x35: {  	v3 =	vor.u32 v3, v4  }
0x36: {  	v4 =	vperm.xlane v3, v0;
	_ =	sdelay $0x1  }
0x37: {  	v4 =	vadd.s32 v1, v4;
	_ =	sdelay $0x3  }
0x38: {  	s24 =	simm.s32 $0x7100;
	v3 =	vperm.xlane v3, v2  }
0x39: {  	[tilespmem:s24], [sflag:$0x1] =	stream.indirect_vreg.gather [hbm4b:s3+s2], $0x80, v4, vm0, $0xb8;
	[tilespmem:$0x1C100] =	vst v63  }
0x3a: {  	s25 =	simm.s32 $0x7900;
	v3 =	vadd.s32 v1, v3  }
0x3b: {  	[tilespmem:s25], [sflag:$0x1] =	stream.indirect_vreg.gather [hbm4b:s8+s2], $0x80, v4, vm0, $0xb8;
	[tilespmem:$0x1C100] =	vst v63  }
0x3c: {  	s21 =	simm.s32 $0x8100  }
0x3d: {  	[tilespmem:s21], [sflag:$0x1] =	stream.indirect_vreg.gather [hbm4b:s9+s2], $0x80, v4, vm0, $0xb8;
	[tilespmem:$0x1C100] =	vst v63  }
0x3e: {  	s22 =	simm.s32 $0x8900  }
0x3f: {  	[tilespmem:s22], [sflag:$0x1] =	stream.indirect_vreg.gather [hbm4b:s3+s2], $0x80, v3, vm0, $0xb8;
	[tilespmem:$0x1C100] =	vst v63  }
0x40: {  	s24 =	simm.s32 $0x9100  }
0x41: {  	[tilespmem:s24], [sflag:$0x1] =	stream.indirect_vreg.gather [hbm4b:s8+s2], $0x80, v3, vm0, $0xb8;
	[tilespmem:$0x1C100] =	vst v63  }
0x42: {  	s25 =	simm.s32 $0x9900  }
0x43: {  	[tilespmem:s25], [sflag:$0x1] =	stream.indirect_vreg.gather [hbm4b:s9+s2], $0x80, v3, vm0, $0xb8;
	[tilespmem:$0x1C100] =	vst v63  }
0x44: {  	v3 =	vld [tilespmem:$0x80];
	_ =	sdelay $0x4  }
0x45: {  	v4 =	vshrl.u32 v3, $0x3  }
0x46: {  	v4 =	vmul.u32 $0x30, v4  }
0x47: {  	v3 =	vand.u32 $0x7, v3  }
0x48: {  	v3 =	vor.u32 v3, v4  }
0x49: {  	v4 =	vperm.xlane v3, v0;
	_ =	sdelay $0x1  }
0x4a: {  	v4 =	vadd.s32 v1, v4;
	_ =	sdelay $0x3  }
0x4b: {  	s21 =	simm.s32 $0x10100;
	v3 =	vperm.xlane v3, v2  }
0x4c: {  	[tilespmem:s21], [sflag:$0x2] =	stream.indirect_vreg.gather [hbm4b:s3+s2], $0x80, v4, vm0, $0xb8;
	[tilespmem:$0x1C100] =	vst v63  }
0x4d: {  	s22 =	simm.s32 $0x10900;
	v3 =	vadd.s32 v1, v3  }
0x4e: {  	[tilespmem:s22], [sflag:$0x2] =	stream.indirect_vreg.gather [hbm4b:s8+s2], $0x80, v4, vm0, $0xb8;
	[tilespmem:$0x1C100] =	vst v63  }
0x4f: {  	s24 =	simm.s32 $0x11100  }
0x50: {  	[tilespmem:s24], [sflag:$0x2] =	stream.indirect_vreg.gather [hbm4b:s9+s2], $0x80, v4, vm0, $0xb8;
	[tilespmem:$0x1C100] =	vst v63  }
0x51: {  	s25 =	simm.s32 $0x11900  }
0x52: {  	[tilespmem:s25], [sflag:$0x2] =	stream.indirect_vreg.gather [hbm4b:s3+s2], $0x80, v3, vm0, $0xb8;
	[tilespmem:$0x1C100] =	vst v63  }
0x53: {  	s21 =	simm.s32 $0x12100  }
0x54: {  	[tilespmem:s21], [sflag:$0x2] =	stream.indirect_vreg.gather [hbm4b:s8+s2], $0x80, v3, vm0, $0xb8;
	[tilespmem:$0x1C100] =	vst v63  }
0x55: {  	s22 =	simm.s32 $0x12900  }
0x56: {  	[tilespmem:s22], [sflag:$0x2] =	stream.indirect_vreg.gather [hbm4b:s9+s2], $0x80, v3, vm0, $0xb8;
	[tilespmem:$0x1C100] =	vst v63  }
0x57: {  	v3 =	vld [tilespmem:$0x90];
	_ =	sdelay $0x4  }
0x58: {  	v4 =	vshrl.u32 v3, $0x3  }
0x59: {  	v4 =	vmul.u32 $0x30, v4  }
0x5a: {  	v3 =	vand.u32 $0x7, v3  }
0x5b: {  	v3 =	vor.u32 v3, v4  }
0x5c: {  	v4 =	vperm.xlane v3, v0;
	_ =	sdelay $0x1  }
0x5d: {  	v4 =	vadd.s32 v1, v4;
	_ =	sdelay $0x3  }
0x5e: {  	s24 =	simm.s32 $0x13100;
	v3 =	vperm.xlane v3, v2  }
0x5f: {  	[tilespmem:s24], [sflag:$0x2] =	stream.indirect_vreg.gather [hbm4b:s3+s2], $0x80, v4, vm0, $0xb8;
	[tilespmem:$0x1C100] =	vst v63  }
0x60: {  	s25 =	simm.s32 $0x13900;
	v3 =	vadd.s32 v1, v3  }
0x61: {  	[tilespmem:s25], [sflag:$0x2] =	stream.indirect_vreg.gather [hbm4b:s8+s2], $0x80, v4, vm0, $0xb8;
	[tilespmem:$0x1C100] =	vst v63  }
0x62: {  	s21 =	simm.s32 $0x14100  }
0x63: {  	[tilespmem:s21], [sflag:$0x2] =	stream.indirect_vreg.gather [hbm4b:s9+s2], $0x80, v4, vm0, $0xb8;
	[tilespmem:$0x1C100] =	vst v63  }
0x64: {  	s22 =	simm.s32 $0x14900  }
0x65: {  	[tilespmem:s22], [sflag:$0x2] =	stream.indirect_vreg.gather [hbm4b:s3+s2], $0x80, v3, vm0, $0xb8;
	[tilespmem:$0x1C100] =	vst v63  }
0x66: {  	s24 =	simm.s32 $0x15100  }
0x67: {  	[tilespmem:s24], [sflag:$0x2] =	stream.indirect_vreg.gather [hbm4b:s8+s2], $0x80, v3, vm0, $0xb8;
	[tilespmem:$0x1C100] =	vst v63  }
0x68: {  	s25 =	simm.s32 $0x15900  }
0x69: {  	[tilespmem:s25], [sflag:$0x2] =	stream.indirect_vreg.gather [hbm4b:s9+s2], $0x80, v3, vm0, $0xb8;
	[tilespmem:$0x1C100] =	vst v63  }
0x6a: {  	v3 =	vld [tilespmem:$0x20];
	_ =	sdelay $0x4  }
0x6b: {  	v4 =	vshrl.u32 v3, $0x3  }
0x6c: {  	v4 =	vmul.u32 $0x30, v4  }
0x6d: {  	v3 =	vand.u32 $0x7, v3  }
0x6e: {  	v3 =	vor.u32 v3, v4  }
0x6f: {  	v4 =	vperm.xlane v3, v0;
	_ =	sdelay $0x1  }
0x70: {  	v4 =	vadd.s32 v1, v4;
	_ =	sdelay $0x3  }
0x71: {  	v3 =	vperm.xlane v3, v2  }
0x72: {  	[tilespmem:s23], [sflag:$0x3] =	stream.indirect_vreg.gather [hbm4b:s3+s2], $0x80, v4, vm0, $0xb8;
	[tilespmem:$0x1C100] =	vst v63  }
0x73: {  	s21 =	simm.s32 $0xA900;
	v3 =	vadd.s32 v1, v3  }
0x74: {  	[tilespmem:s21], [sflag:$0x3] =	stream.indirect_vreg.gather [hbm4b:s8+s2], $0x80, v4, vm0, $0xb8;
	[tilespmem:$0x1C100] =	vst v63  }
0x75: {  	s22 =	simm.s32 $0xB100  }
0x76: {  	[tilespmem:s22], [sflag:$0x3] =	stream.indirect_vreg.gather [hbm4b:s9+s2], $0x80, v4, vm0, $0xb8;
	[tilespmem:$0x1C100] =	vst v63  }
0x77: {  	s24 =	simm.s32 $0xB900  }
0x78: {  	[tilespmem:s24], [sflag:$0x3] =	stream.indirect_vreg.gather [hbm4b:s3+s2], $0x80, v3, vm0, $0xb8;
	[tilespmem:$0x1C100] =	vst v63  }
0x79: {  	s25 =	simm.s32 $0xC100  }
0x7a: {  	[tilespmem:s25], [sflag:$0x3] =	stream.indirect_vreg.gather [hbm4b:s8+s2], $0x80, v3, vm0, $0xb8;
	[tilespmem:$0x1C100] =	vst v63  }
0x7b: {  	s21 =	simm.s32 $0xC900  }
0x7c: {  	[tilespmem:s21], [sflag:$0x3] =	stream.indirect_vreg.gather [hbm4b:s9+s2], $0x80, v3, vm0, $0xb8;
	[tilespmem:$0x1C100] =	vst v63  }
0x7d: {  	v3 =	vld [tilespmem:$0x30];
	_ =	sdelay $0x4  }
0x7e: {  	v4 =	vshrl.u32 v3, $0x3  }
0x7f: {  	v4 =	vmul.u32 $0x30, v4  }
0x80: {  	v3 =	vand.u32 $0x7, v3  }
0x81: {  	v3 =	vor.u32 v3, v4  }
0x82: {  	v4 =	vperm.xlane v3, v0;
	_ =	sdelay $0x1  }
0x83: {  	v4 =	vadd.s32 v1, v4;
	_ =	sdelay $0x3  }
0x84: {  	s22 =	simm.s32 $0xD100;
	v3 =	vperm.xlane v3, v2  }
0x85: {  	[tilespmem:s22], [sflag:$0x3] =	stream.indirect_vreg.gather [hbm4b:s3+s2], $0x80, v4, vm0, $0xb8;
	[tilespmem:$0x1C100] =	vst v63  }
0x86: {  	s24 =	simm.s32 $0xD900;
	v3 =	vadd.s32 v1, v3  }
0x87: {  	[tilespmem:s24], [sflag:$0x3] =	stream.indirect_vreg.gather [hbm4b:s8+s2], $0x80, v4, vm0, $0xb8;
	[tilespmem:$0x1C100] =	vst v63  }
0x88: {  	s25 =	simm.s32 $0xE100  }
0x89: {  	[tilespmem:s25], [sflag:$0x3] =	stream.indirect_vreg.gather [hbm4b:s9+s2], $0x80, v4, vm0, $0xb8;
	[tilespmem:$0x1C100] =	vst v63  }
0x8a: {  	s21 =	simm.s32 $0xE900  }
0x8b: {  	[tilespmem:s21], [sflag:$0x3] =	stream.indirect_vreg.gather [hbm4b:s3+s2], $0x80, v3, vm0, $0xb8;
	[tilespmem:$0x1C100] =	vst v63  }
0x8c: {  	s22 =	simm.s32 $0xF100  }
0x8d: {  	[tilespmem:s22], [sflag:$0x3] =	stream.indirect_vreg.gather [hbm4b:s8+s2], $0x80, v3, vm0, $0xb8;
	[tilespmem:$0x1C100] =	vst v63  }
0x8e: {  	s24 =	simm.s32 $0xF900  }
0x8f: {  	[tilespmem:s24], [sflag:$0x3] =	stream.indirect_vreg.gather [hbm4b:s9+s2], $0x80, v3, vm0, $0xb8;
	[tilespmem:$0x1C100] =	vst v63  }
0x90: {  	v3 =	vld [tilespmem:$0xA0];
	_ =	sdelay $0x4  }
0x91: {  	v4 =	vshrl.u32 v3, $0x3  }
0x92: {  	v4 =	vmul.u32 $0x30, v4  }
0x93: {  	v3 =	vand.u32 $0x7, v3  }
0x94: {  	v3 =	vor.u32 v3, v4  }
0x95: {  	v4 =	vperm.xlane v3, v0;
	_ =	sdelay $0x1  }
0x96: {  	v4 =	vadd.s32 v1, v4;
	_ =	sdelay $0x3  }
0x97: {  	s25 =	simm.s32 $0x16100;
	v3 =	vperm.xlane v3, v2  }
0x98: {  	[tilespmem:s25], [sflag:$0x4] =	stream.indirect_vreg.gather [hbm4b:s3+s2], $0x80, v4, vm0, $0xb8;
	[tilespmem:$0x1C100] =	vst v63  }
0x99: {  	s21 =	simm.s32 $0x16900;
	v3 =	vadd.s32 v1, v3  }
0x9a: {  	[tilespmem:s21], [sflag:$0x4] =	stream.indirect_vreg.gather [hbm4b:s8+s2], $0x80, v4, vm0, $0xb8;
	[tilespmem:$0x1C100] =	vst v63  }
0x9b: {  	s22 =	simm.s32 $0x17100  }
0x9c: {  	[tilespmem:s22], [sflag:$0x4] =	stream.indirect_vreg.gather [hbm4b:s9+s2], $0x80, v4, vm0, $0xb8;
	[tilespmem:$0x1C100] =	vst v63  }
0x9d: {  	s24 =	simm.s32 $0x17900  }
0x9e: {  	[tilespmem:s24], [sflag:$0x4] =	stream.indirect_vreg.gather [hbm4b:s3+s2], $0x80, v3, vm0, $0xb8;
	[tilespmem:$0x1C100] =	vst v63  }
0x9f: {  	s25 =	simm.s32 $0x18100  }
0xa0: {  	[tilespmem:s25], [sflag:$0x4] =	stream.indirect_vreg.gather [hbm4b:s8+s2], $0x80, v3, vm0, $0xb8;
	[tilespmem:$0x1C100] =	vst v63  }
0xa1: {  	s21 =	simm.s32 $0x18900  }
0xa2: {  	[tilespmem:s21], [sflag:$0x4] =	stream.indirect_vreg.gather [hbm4b:s9+s2], $0x80, v3, vm0, $0xb8;
	[tilespmem:$0x1C100] =	vst v63  }
0xa3: {  	v3 =	vld [tilespmem:$0xB0];
	_ =	sdelay $0x4  }
0xa4: {  	v4 =	vshrl.u32 v3, $0x3  }
0xa5: {  	v4 =	vmul.u32 $0x30, v4  }
0xa6: {  	v3 =	vand.u32 $0x7, v3  }
0xa7: {  	v3 =	vor.u32 v3, v4  }
0xa8: {  	v4 =	vperm.xlane v3, v0;
	_ =	sdelay $0x1  }
0xa9: {  	v4 =	vadd.s32 v1, v4;
	_ =	sdelay $0x3  }
0xaa: {  	s22 =	simm.s32 $0x19100;
	v3 =	vperm.xlane v3, v2  }
0xab: {  	[tilespmem:s22], [sflag:$0x4] =	stream.indirect_vreg.gather [hbm4b:s3+s2], $0x80, v4, vm0, $0xb8;
	[tilespmem:$0x1C100] =	vst v63  }
0xac: {  	v3 =	vadd.s32 v1, v3  }
0xad: {  	[tilespmem:s26], [sflag:$0x4] =	stream.indirect_vreg.gather [hbm4b:s8+s2], $0x80, v4, vm0, $0xb8;
	[tilespmem:$0x1C100] =	vst v63  }
0xae: {  	_ = 	snop  }
0xaf: {  	[tilespmem:s28], [sflag:$0x4] =	stream.indirect_vreg.gather [hbm4b:s9+s2], $0x80, v4, vm0, $0xb8;
	[tilespmem:$0x1C100] =	vst v63  }
0xb0: {  	_ = 	snop  }
0xb1: {  	[tilespmem:s29], [sflag:$0x4] =	stream.indirect_vreg.gather [hbm4b:s3+s2], $0x80, v3, vm0, $0xb8;
	[tilespmem:$0x1C100] =	vst v63  }
0xb2: {  	_ = 	snop  }
0xb3: {  	[tilespmem:s30], [sflag:$0x4] =	stream.indirect_vreg.gather [hbm4b:s8+s2], $0x80, v3, vm0, $0xb8;
	[tilespmem:$0x1C100] =	vst v63  }
0xb4: {  	_ = 	snop  }
0xb5: {  	[tilespmem:s31], [sflag:$0x4] =	stream.indirect_vreg.gather [hbm4b:s9+s2], $0x80, v3, vm0, $0xb8;
	[tilespmem:$0x1C100] =	vst v63  }
0xb6: {  	_ =	swait.ge [sflag:s0], $0x2000  }
0xb7: {  	[sflag:s0] =	ssyncset.done $0x0  }
0xb8: {  	[sflag:s0] =	ssyncadd.s32 $0xFFFFE000  }
0xb9: {  	_ =	swait.ge [sflag:s1], $0x2000  }
0xba: {  	[sflag:s1] =	ssyncset.done $0x0  }
0xbb: {  	[sflag:s1] =	ssyncadd.s32 $0xFFFFE000  }
0xbc: {  	_ =	swait.ge [sflag:s14], $0x6000  }
0xbd: {  	[sflag:s14] =	ssyncset.done $0x0  }
0xbe: {  	s24 =	simm.s32 $0x0;
	[sflag:s14] =	ssyncadd.s32 $0xFFFFA000  }
0xbf: {  	s20 =	smul.u32 $0x1800, s24;
	_ =	swait.ge [sflag:s15], $0x6000  }
0xc0: {  	s21 =	sand.u32 $0x380, s2;
	[sflag:s15] =	ssyncset.done $0x0  }
0xc1: {  	s22 =	sor.u32 s21, s20;
	[sflag:s15] =	ssyncadd.s32 $0xFFFFA000  }
0xc2: {  	v4 =	vld [tilespmem:s22+$0x4110]  }
0xc3: {  	v3 =	vld [tilespmem:s22+$0x10110]  }
0xc4: {  	v6 =	vld [tilespmem:s22+$0x4120]  }
0xc5: {  	v5 =	vld [tilespmem:s22+$0x10120]  }
0xc6: {  	v10 =	vld [tilespmem:s22+$0x4130]  }
0xc7: {  	v9 =	vld [tilespmem:s22+$0x10130]  }
0xc8: {  	v12 =	vld [tilespmem:s22+$0x4140]  }
0xc9: {  	v11 =	vld [tilespmem:s22+$0x10140]  }
0xca: {  	v13 =	vld [tilespmem:s22+$0x4160]  }
0xcb: {  	v14 =	vld [tilespmem:s22+$0x4170]  }
0xcc: {  	v15 =	vld [tilespmem:s22+$0x4500]  }
0xcd: {  	v16 =	vld [tilespmem:s22+$0x4510]  }
0xce: {  	v17 =	vld [tilespmem:s22+$0x4520]  }
0xcf: {  	v18 =	vld [tilespmem:s22+$0x4530]  }
0xd0: {  	v19 =	vld [tilespmem:s22+$0x4540]  }
0xd1: {  	v20 =	vld [tilespmem:s22+$0x4550]  }
0xd2: {  	v21 =	vld [tilespmem:s22+$0x4560]  }
0xd3: {  	v22 =	vld [tilespmem:s22+$0x4570]  }
0xd4: {  	v23 =	vld [tilespmem:s22+$0x4900]  }
0xd5: {  	v24 =	vld [tilespmem:s22+$0x4910]  }
0xd6: {  	v25 =	vld [tilespmem:s22+$0x4920]  }
0xd7: {  	v26 =	vld [tilespmem:s22+$0x4930]  }
0xd8: {  	v27 =	vld [tilespmem:s22+$0x4940]  }
0xd9: {  	v28 =	vld [tilespmem:s22+$0x4950]  }
0xda: {  	v29 =	vld [tilespmem:s22+$0x4960]  }
0xdb: {  	v30 =	vld [tilespmem:s22+$0x4970]  }
0xdc: {  	v31 =	vld [tilespmem:s22+$0x4D00]  }
0xdd: {  	v32 =	vld [tilespmem:s22+$0x4D10]  }
0xde: {  	v33 =	vld [tilespmem:s22+$0x4D20]  }
0xdf: {  	v34 =	vld [tilespmem:s22+$0x4D30]  }
0xe0: {  	v35 =	vld [tilespmem:s22+$0x4D40]  }
0xe1: {  	v36 =	vld [tilespmem:s22+$0x4D50]  }
0xe2: {  	v37 =	vld [tilespmem:s22+$0x4D60]  }
0xe3: {  	v38 =	vld [tilespmem:s22+$0x4D70]  }
0xe4: {  	v39 =	vld [tilespmem:s22+$0x5100]  }
0xe5: {  	v40 =	vld [tilespmem:s22+$0x5110]  }
0xe6: {  	v41 =	vld [tilespmem:s22+$0x5120]  }
0xe7: {  	v42 =	vld [tilespmem:s22+$0x5130]  }
0xe8: {  	v43 =	vld [tilespmem:s22+$0x5140]  }
0xe9: {  	v44 =	vld [tilespmem:s22+$0x5150]  }
0xea: {  	v45 =	vld [tilespmem:s22+$0x5160]  }
0xeb: {  	v46 =	vld [tilespmem:s22+$0x5500]  }
0xec: {  	v47 =	vld [tilespmem:s22+$0x5510]  }
0xed: {  	v48 =	vld [tilespmem:s22+$0x11510]  }
0xee: {  	v49 =	vld [tilespmem:s22+$0x11530]  }
0xef: {  	v50 =	vld [tilespmem:s22+$0x5530]  }
0xf0: {  	v51 =	vld [tilespmem:s22+$0x5520]  }
0xf1: {  	v7 =	vld [tilespmem:s18+$0x0]  }
0xf2: {  	v8 =	vld [tilespmem:s19+$0x0]  }
0xf3: {  	v52 =	vld [tilespmem:s22+$0x11520]  }
0xf4: {  	v53 =	vld [tilespmem:s22+$0x11500]  }
0xf5: {  	v54 =	vld [tilespmem:s22+$0x5170]  }
0xf6: {  	v55 =	vld [tilespmem:s22+$0x11170];
	v50 =	vmul.f32 v50, v7  }
0xf7: {  	v56 =	vld [tilespmem:s22+$0x11160];
	v49 =	vmul.f32 v49, v8;
	v51 =	vmul.f32 v51, v7  }
0xf8: {  	v57 =	vld [tilespmem:s22+$0x11150];
	v52 =	vmul.f32 v52, v8;
	v47 =	vmul.f32 v47, v7  }
0xf9: {  	v61 =	vld [tilespmem:s22+$0x11100];
	v48 =	vmul.f32 v48, v8;
	v46 =	vmul.f32 v46, v7  }
0xfa: {  	v58 =	vld [tilespmem:s22+$0x11140];
	v62 =	vmul.f32 v53, v8;
	v63 =	vmul.f32 v54, v7;
	v49 =	vadd.f32 v49, v50  }
0xfb: {  	v53 =	vld [tilespmem:s22+$0x11130];
	v59 =	vmul.f32 v55, v8;
	v45 =	vmul.f32 v45, v7;
	v51 =	vadd.f32 v52, v51  }
0xfc: {  	v60 =	vmul.f32 v56, v8;
	v44 =	vmul.f32 v44, v7;
	v56 =	vld [tilespmem:s22+$0x10D60];
	v47 =	vadd.f32 v48, v47;
	[tilespmem:s22+$0x5530] =	vst v49  }
0xfd: {  	v43 =	vmul.f32 v43, v7;
	v39 =	vmul.f32 v39, v7;
	v55 =	vld [tilespmem:s22+$0x10970];
	v46 =	vadd.f32 v62, v46;
	[tilespmem:s22+$0x5520] =	vst v51  }
0xfe: {  	v61 =	vmul.f32 v61, v8;
	v12 =	vmul.f32 v12, v7;
	v48 =	vld [tilespmem:s22+$0x11120];
	v52 =	vadd.f32 v59, v63;
	[tilespmem:s22+$0x5510] =	vst v47  }
0xff: {  	v11 =	vmul.f32 v11, v8;
	v63 =	vmul.f32 v58, v8;
	v45 =	vadd.f32 v60, v45;
	v58 =	vld [tilespmem:s22+$0x10D50];
	[tilespmem:s22+$0x5500] =	vst v46  }
0x100: {  	v42 =	vmul.f32 v42, v7;
	v62 =	vmul.f32 v57, v8;
	v59 =	vld [tilespmem:s22+$0x10D40];
	v39 =	vadd.f32 v61, v39;
	[tilespmem:s22+$0x5170] =	vst v52  }
0x101: {  	v41 =	vmul.f32 v41, v7;
	v40 =	vmul.f32 v40, v7;
	v60 =	vld [tilespmem:s22+$0x10D30];
	v11 =	vadd.f32 v11, v12;
	[tilespmem:s22+$0x5160] =	vst v45  }
0x102: {  	v38 =	vmul.f32 v38, v7;
	v61 =	vld [tilespmem:s22+$0x10910];
	v44 =	vadd.f32 v62, v44;
	[tilespmem:s22+$0x5100] =	vst v39;
	v57 =	vmul.f32 v53, v8  }
0x103: {  	v37 =	vmul.f32 v37, v7;
	v49 =	vld [tilespmem:s22+$0x11110];
	v43 =	vadd.f32 v63, v43;
	[tilespmem:s22+$0x4140] =	vst v11;
	v46 =	vmul.f32 v56, v8  }
0x104: {  	v36 =	vmul.f32 v36, v7;
	v47 =	vld [tilespmem:s22+$0x10D70];
	[tilespmem:s22+$0x5150] =	vst v44;
	v48 =	vmul.f32 v48, v8;
	v42 =	vadd.f32 v57, v42  }
0x105: {  	v35 =	vmul.f32 v35, v7;
	v62 =	vld [tilespmem:s22+$0x10D20];
	[tilespmem:s22+$0x5140] =	vst v43;
	v54 =	vmul.f32 v58, v8;
	v37 =	vadd.f32 v46, v37  }
0x106: {  	v34 =	vmul.f32 v34, v7;
	v63 =	vld [tilespmem:s22+$0x10D10];
	v45 =	vmul.f32 v59, v8;
	v41 =	vadd.f32 v48, v41;
	[tilespmem:s22+$0x5130] =	vst v42  }
0x107: {  	v33 =	vmul.f32 v33, v7;
	v56 =	vld [tilespmem:s22+$0x10960];
	v44 =	vmul.f32 v60, v8;
	v36 =	vadd.f32 v54, v36;
	[tilespmem:s22+$0x4D60] =	vst v37  }
0x108: {  	v32 =	vmul.f32 v32, v7;
	v53 =	vld [tilespmem:s22+$0x10D00];
	v49 =	vmul.f32 v49, v8;
	v35 =	vadd.f32 v45, v35;
	[tilespmem:s22+$0x5120] =	vst v41  }
0x109: {  	v6 =	vmul.f32 v6, v7;
	v12 =	vld [tilespmem:s22+$0x5560];
	v47 =	vmul.f32 v47, v8;
	v34 =	vadd.f32 v44, v34;
	[tilespmem:s22+$0x4D50] =	vst v36  }
0x10a: {  	v5 =	vmul.f32 v5, v8;
	v58 =	vld [tilespmem:s22+$0x10940];
	v43 =	vmul.f32 v62, v8;
	v40 =	vadd.f32 v49, v40;
	[tilespmem:s22+$0x4D40] =	vst v35  }
0x10b: {  	v29 =	vmul.f32 v29, v7;
	v59 =	vld [tilespmem:s22+$0x10930];
	v42 =	vmul.f32 v63, v8;
	v38 =	vadd.f32 v47, v38;
	[tilespmem:s22+$0x4D30] =	vst v34  }
0x10c: {  	v5 =	vadd.f32 v5, v6;
	v6 =	vld [tilespmem:s22+$0x4100];
	v39 =	vmul.f32 v56, v8;
	v33 =	vadd.f32 v43, v33;
	[tilespmem:s22+$0x5110] =	vst v40  }
0x10d: {  	v31 =	vmul.f32 v31, v7;
	v60 =	vld [tilespmem:s22+$0x10920];
	v41 =	vmul.f32 v53, v8;
	v32 =	vadd.f32 v42, v32;
	[tilespmem:s22+$0x4D70] =	vst v38  }
0x10e: {  	v24 =	vmul.f32 v24, v7;
	v57 =	vld [tilespmem:s22+$0x10950];
	v34 =	vmul.f32 v61, v8;
	v29 =	vadd.f32 v39, v29;
	[tilespmem:s22+$0x4D20] =	vst v33  }
0x10f: {  	v27 =	vmul.f32 v27, v7;
	v62 =	vld [tilespmem:s22+$0x10900];
	v37 =	vmul.f32 v58, v8;
	v31 =	vadd.f32 v41, v31;
	[tilespmem:s22+$0x4D10] =	vst v32  }
0x110: {  	v26 =	vmul.f32 v26, v7;
	v63 =	vld [tilespmem:s22+$0x10570];
	v36 =	vmul.f32 v59, v8;
	v24 =	vadd.f32 v34, v24;
	[tilespmem:s22+$0x4960] =	vst v29  }
0x111: {  	v30 =	vmul.f32 v30, v7;
	v40 =	vmul.f32 v55, v8;
	v27 =	vadd.f32 v37, v27;
	v29 =	vld [tilespmem:s22+$0x10540];
	[tilespmem:s22+$0x4D00] =	vst v31  }
0x112: {  	v25 =	vmul.f32 v25, v7;
	v35 =	vmul.f32 v60, v8;
	v26 =	vadd.f32 v36, v26;
	v31 =	vld [tilespmem:s22+$0x10560];
	[tilespmem:s22+$0x4910] =	vst v24  }
0x113: {  	v28 =	vmul.f32 v28, v7;
	v38 =	vmul.f32 v57, v8;
	v30 =	vadd.f32 v40, v30;
	v24 =	vld [tilespmem:s22+$0x10170];
	[tilespmem:s22+$0x4940] =	vst v27  }
0x114: {  	v23 =	vmul.f32 v23, v7;
	v33 =	vmul.f32 v62, v8;
	v25 =	vadd.f32 v35, v25;
	v27 =	vld [tilespmem:s22+$0x10520];
	[tilespmem:s22+$0x4930] =	vst v26  }
0x115: {  	v22 =	vmul.f32 v22, v7;
	v32 =	vmul.f32 v63, v8;
	v28 =	vadd.f32 v38, v28;
	[tilespmem:s22+$0x4970] =	vst v30;
	v30 =	vld [tilespmem:s22+$0x10550]  }
0x116: {  	v19 =	vmul.f32 v19, v7;
	v23 =	vadd.f32 v33, v23;
	[tilespmem:s22+$0x4920] =	vst v25;
	v25 =	vld [tilespmem:s22+$0x10500];
	v29 =	vmul.f32 v29, v8  }
0x117: {  	v21 =	vmul.f32 v21, v7;
	v22 =	vadd.f32 v32, v22;
	[tilespmem:s22+$0x4950] =	vst v28;
	v28 =	vld [tilespmem:s22+$0x10530];
	v31 =	vmul.f32 v31, v8  }
0x118: {  	v14 =	vmul.f32 v14, v7;
	[tilespmem:s22+$0x4900] =	vst v23;
	v23 =	vld [tilespmem:s22+$0x10160];
	v24 =	vmul.f32 v24, v8;
	v19 =	vadd.f32 v29, v19  }
0x119: {  	v17 =	vmul.f32 v17, v7;
	v26 =	vld [tilespmem:s22+$0x10510];
	[tilespmem:s22+$0x4570] =	vst v22;
	v27 =	vmul.f32 v27, v8;
	v21 =	vadd.f32 v31, v21  }
0x11a: {  	v20 =	vmul.f32 v20, v7;
	v22 =	vld [tilespmem:s22+$0x4150];
	v30 =	vmul.f32 v30, v8;
	v14 =	vadd.f32 v24, v14;
	[tilespmem:s22+$0x4540] =	vst v19  }
0x11b: {  	v15 =	vmul.f32 v15, v7;
	v25 =	vmul.f32 v25, v8;
	v17 =	vadd.f32 v27, v17;
	v19 =	vld [tilespmem:s22+$0x11550];
	[tilespmem:s22+$0x4560] =	vst v21  }
0x11c: {  	v18 =	vmul.f32 v18, v7;
	v28 =	vmul.f32 v28, v8;
	v20 =	vadd.f32 v30, v20;
	v21 =	vld [tilespmem:s22+$0x10150];
	[tilespmem:s22+$0x4170] =	vst v14  }
0x11d: {  	v13 =	vmul.f32 v13, v7;
	v23 =	vmul.f32 v23, v8;
	v15 =	vadd.f32 v25, v15;
	[tilespmem:s22+$0x4520] =	vst v17;
	v17 =	vld [tilespmem:s22+$0x5540]  }
0x11e: {  	v16 =	vmul.f32 v16, v7;
	v26 =	vmul.f32 v26, v8;
	v18 =	vadd.f32 v28, v18;
	[tilespmem:s22+$0x4550] =	vst v20;
	v20 =	vld [tilespmem:s22+$0x11540]  }
0x11f: {  	v10 =	vmul.f32 v10, v7;
	v9 =	vmul.f32 v9, v8;
	v13 =	vadd.f32 v23, v13;
	[tilespmem:s22+$0x4500] =	vst v15;
	v15 =	vld [tilespmem:s22+$0x5550]  }
0x120: {  	v4 =	vmul.f32 v4, v7;
	v3 =	vmul.f32 v3, v8;
	v16 =	vadd.f32 v26, v16;
	[tilespmem:s22+$0x4530] =	vst v18;
	v18 =	vld [tilespmem:s22+$0x11560]  }
0x121: {  	v9 =	vadd.f32 v9, v10;
	v10 =	vmul.f32 v22, v7;
	v14 =	vld [tilespmem:s22+$0x5570];
	[tilespmem:s22+$0x4160] =	vst v13;
	v13 =	vmul.f32 v21, v8  }
0x122: {  	v3 =	vadd.f32 v3, v4;
	[tilespmem:s22+$0x4510] =	vst v16;
	v16 =	vld [tilespmem:s22+$0x11570]  }
0x123: {  	s25 =	simm.s32 $0x0;
	[tilespmem:s22+$0x4130] =	vst v9;
	v9 =	vld [tilespmem:s22+$0x10100];
	v11 =	vmul.f32 v17, v7;
	v17 =	vmul.f32 v20, v8;
	v4 =	vadd.f32 v13, v10  }
0x124: {  	s20 =	smul.u32 $0x1800, s25;
	s21 =	simm.s32 $0x80;
	[tilespmem:s22+$0x4120] =	vst v5;
	v5 =	vmul.f32 v15, v7;
	v10 =	vmul.f32 v19, v8  }
0x125: {  	s24 =	sand.u32 $0x380, s21;
	v11 =	vadd.f32 v17, v11;
	[tilespmem:s22+$0x4150] =	vst v4;
	v4 =	vmul.f32 v12, v7;
	v12 =	vmul.f32 v18, v8  }
0x126: {  	s20 =	sor.u32 s24, s20;
	[tilespmem:s22+$0x4110] =	vst v3;
	v5 =	vadd.f32 v10, v5  }
0x127: {  	v3 =	vld [tilespmem:s20+$0x4110];
	v10 =	vmul.f32 v14, v7;
	[tilespmem:s22+$0x5540] =	vst v11;
	v11 =	vmul.f32 v16, v8;
	v12 =	vadd.f32 v12, v4  }
0x128: {  	v7 =	vmul.f32 v6, v7;
	v8 =	vmul.f32 v9, v8;
	v4 =	vld [tilespmem:s20+$0x10110];
	[tilespmem:s22+$0x5550] =	vst v5  }
0x129: {  	v9 =	vadd.f32 v11, v10;
	v6 =	vld [tilespmem:s20+$0x4120];
	[tilespmem:s22+$0x5560] =	vst v12  }
0x12a: {  	v7 =	vadd.f32 v8, v7;
	v5 =	vld [tilespmem:s20+$0x10120]  }
0x12b: {  	v8 =	vld [tilespmem:s20+$0x4130];
	[tilespmem:s22+$0x5570] =	vst v9  }
0x12c: {  	v18 =	vld [tilespmem:s20+$0x4530];
	[tilespmem:s22+$0x4100] =	vst v7  }
0x12d: {  	v7 =	vld [tilespmem:s20+$0x10130]  }
0x12e: {  	v10 =	vld [tilespmem:s20+$0x4140]  }
0x12f: {  	v9 =	vld [tilespmem:s20+$0x10140]  }
0x130: {  	v12 =	vld [tilespmem:s20+$0x4150]  }
0x131: {  	v11 =	vld [tilespmem:s20+$0x10150]  }
0x132: {  	v13 =	vld [tilespmem:s20+$0x4160]  }
0x133: {  	v14 =	vld [tilespmem:s20+$0x4170]  }
0x134: {  	v15 =	vld [tilespmem:s20+$0x4500]  }
0x135: {  	v16 =	vld [tilespmem:s20+$0x4510]  }
0x136: {  	v17 =	vld [tilespmem:s20+$0x4520]  }
0x137: {  	v19 =	vld [tilespmem:s20+$0x4540]  }
0x138: {  	v20 =	vld [tilespmem:s20+$0x4550]  }
0x139: {  	v21 =	vld [tilespmem:s20+$0x4560]  }
0x13a: {  	v22 =	vld [tilespmem:s20+$0x4570]  }
0x13b: {  	v23 =	vld [tilespmem:s20+$0x4900]  }
0x13c: {  	v24 =	vld [tilespmem:s20+$0x4910]  }
0x13d: {  	v25 =	vld [tilespmem:s20+$0x4920]  }
0x13e: {  	v26 =	vld [tilespmem:s20+$0x4930]  }
0x13f: {  	v27 =	vld [tilespmem:s20+$0x4940]  }
0x140: {  	v28 =	vld [tilespmem:s20+$0x4950]  }
0x141: {  	v29 =	vld [tilespmem:s20+$0x4960]  }
0x142: {  	v30 =	vld [tilespmem:s20+$0x4970]  }
0x143: {  	v31 =	vld [tilespmem:s20+$0x4D00]  }
0x144: {  	v34 =	vld [tilespmem:s20+$0x4D10]  }
0x145: {  	v35 =	vld [tilespmem:s20+$0x4D20]  }
0x146: {  	v36 =	vld [tilespmem:s20+$0x4D30]  }
0x147: {  	v37 =	vld [tilespmem:s20+$0x4D40]  }
0x148: {  	v38 =	vld [tilespmem:s20+$0x4D50]  }
0x149: {  	v39 =	vld [tilespmem:s20+$0x4D60]  }
0x14a: {  	v40 =	vld [tilespmem:s20+$0x4D70]  }
0x14b: {  	v41 =	vld [tilespmem:s20+$0x5100]  }
0x14c: {  	v42 =	vld [tilespmem:s20+$0x5110]  }
0x14d: {  	v43 =	vld [tilespmem:s20+$0x5120]  }
0x14e: {  	v44 =	vld [tilespmem:s20+$0x5130]  }
0x14f: {  	v45 =	vld [tilespmem:s20+$0x5140]  }
0x150: {  	v46 =	vld [tilespmem:s20+$0x5150]  }
0x151: {  	v47 =	vld [tilespmem:s20+$0x5160]  }
0x152: {  	v48 =	vld [tilespmem:s20+$0x5500]  }
0x153: {  	v50 =	vld [tilespmem:s20+$0x5510]  }
0x154: {  	v49 =	vld [tilespmem:s20+$0x11510]  }
0x155: {  	s22 =	simm.s32 $0x2;
	v51 =	vld [tilespmem:s20+$0x11530]  }
.LBB2_2:
0x156: {  	p0 =	sne.s32 s22, $0x1F;
	v52 =	vld [tilespmem:s20+$0x5530]  }
0x157: {  	s18 =	sadd.s32 $0x80, s18;
	v53 =	vld [tilespmem:s20+$0x5520]  }
0x158: {  	s19 =	sadd.s32 $0x80, s19;
	v33 =	vld [tilespmem:s18+$0x0]  }
0x159: {  	v32 =	vld [tilespmem:s19+$0x0]  }
0x15a: {  	v54 =	vld [tilespmem:s20+$0x11520]  }
0x15b: {  	v55 =	vld [tilespmem:s20+$0x11500]  }
0x15c: {  	v56 =	vld [tilespmem:s20+$0x5170]  }
0x15d: {  	v57 =	vld [tilespmem:s20+$0x11170];
	v50 =	vmul.f32 v50, v33;
	v53 =	vmul.f32 v53, v33  }
0x15e: {  	v52 =	vmul.f32 v52, v33;
	v58 =	vld [tilespmem:s20+$0x11160];
	v51 =	vmul.f32 v51, v32  }
0x15f: {  	v49 =	vmul.f32 v49, v32;
	v59 =	vld [tilespmem:s20+$0x11150];
	v54 =	vmul.f32 v54, v32  }
0x160: {  	v48 =	vmul.f32 v48, v33;
	v60 =	vld [tilespmem:s20+$0x11140];
	v55 =	vmul.f32 v55, v32;
	v51 =	vadd.f32 v51, v52  }
0x161: {  	v49 =	vadd.f32 v49, v50;
	v52 =	vld [tilespmem:s20+$0x11130];
	v56 =	vmul.f32 v56, v33;
	v50 =	vadd.f32 v54, v53  }
0x162: {  	v47 =	vmul.f32 v47, v33;
	v53 =	vld [tilespmem:s20+$0x11120];
	v54 =	vmul.f32 v57, v32;
	v48 =	vadd.f32 v55, v48;
	[tilespmem:s20+$0x5530] =	vst v51  }
0x163: {  	v46 =	vmul.f32 v46, v33;
	v51 =	vld [tilespmem:s20+$0x11110];
	v55 =	vmul.f32 v58, v32;
	[tilespmem:s20+$0x5520] =	vst v50  }
0x164: {  	v45 =	vmul.f32 v45, v33;
	v50 =	vld [tilespmem:s20+$0x11100];
	v57 =	vmul.f32 v59, v32;
	v54 =	vadd.f32 v54, v56;
	[tilespmem:s20+$0x5510] =	vst v49  }
0x165: {  	v44 =	vmul.f32 v44, v33;
	v49 =	vld [tilespmem:s20+$0x10D70];
	v56 =	vmul.f32 v60, v32;
	v47 =	vadd.f32 v55, v47;
	[tilespmem:s20+$0x5500] =	vst v48  }
0x166: {  	v43 =	vmul.f32 v43, v33;
	v48 =	vld [tilespmem:s20+$0x10D60];
	v52 =	vmul.f32 v52, v32;
	v46 =	vadd.f32 v57, v46;
	[tilespmem:s20+$0x5170] =	vst v54  }
0x167: {  	v42 =	vmul.f32 v42, v33;
	v54 =	vld [tilespmem:s20+$0x10D50];
	v53 =	vmul.f32 v53, v32;
	v45 =	vadd.f32 v56, v45;
	[tilespmem:s20+$0x5160] =	vst v47  }
0x168: {  	v41 =	vmul.f32 v41, v33;
	v47 =	vld [tilespmem:s20+$0x10D40];
	v51 =	vmul.f32 v51, v32;
	v44 =	vadd.f32 v52, v44;
	[tilespmem:s20+$0x5150] =	vst v46  }
0x169: {  	v40 =	vmul.f32 v40, v33;
	v46 =	vld [tilespmem:s20+$0x10D30];
	v50 =	vmul.f32 v50, v32;
	v43 =	vadd.f32 v53, v43;
	[tilespmem:s20+$0x5140] =	vst v45  }
0x16a: {  	v39 =	vmul.f32 v39, v33;
	v45 =	vld [tilespmem:s20+$0x10D20];
	v49 =	vmul.f32 v49, v32;
	v42 =	vadd.f32 v51, v42;
	[tilespmem:s20+$0x5130] =	vst v44  }
0x16b: {  	v38 =	vmul.f32 v38, v33;
	v44 =	vld [tilespmem:s20+$0x10D10];
	v48 =	vmul.f32 v48, v32;
	v41 =	vadd.f32 v50, v41;
	[tilespmem:s20+$0x5120] =	vst v43  }
0x16c: {  	v37 =	vmul.f32 v37, v33;
	v43 =	vld [tilespmem:s20+$0x10D00];
	v50 =	vmul.f32 v54, v32;
	v40 =	vadd.f32 v49, v40;
	[tilespmem:s20+$0x5110] =	vst v42  }
0x16d: {  	v36 =	vmul.f32 v36, v33;
	v42 =	vld [tilespmem:s20+$0x10970];
	v47 =	vmul.f32 v47, v32;
	v39 =	vadd.f32 v48, v39;
	[tilespmem:s20+$0x5100] =	vst v41  }
0x16e: {  	v35 =	vmul.f32 v35, v33;
	v41 =	vld [tilespmem:s20+$0x10960];
	v46 =	vmul.f32 v46, v32;
	v38 =	vadd.f32 v50, v38;
	[tilespmem:s20+$0x4D70] =	vst v40  }
0x16f: {  	v34 =	vmul.f32 v34, v33;
	v40 =	vld [tilespmem:s20+$0x10950];
	v45 =	vmul.f32 v45, v32;
	v37 =	vadd.f32 v47, v37;
	[tilespmem:s20+$0x4D60] =	vst v39  }
0x170: {  	v31 =	vmul.f32 v31, v33;
	v39 =	vld [tilespmem:s20+$0x10940];
	v44 =	vmul.f32 v44, v32;
	v36 =	vadd.f32 v46, v36;
	[tilespmem:s20+$0x4D50] =	vst v38  }
0x171: {  	v30 =	vmul.f32 v30, v33;
	v38 =	vld [tilespmem:s20+$0x10930];
	v43 =	vmul.f32 v43, v32;
	v35 =	vadd.f32 v45, v35;
	[tilespmem:s20+$0x4D40] =	vst v37  }
0x172: {  	v29 =	vmul.f32 v29, v33;
	v37 =	vld [tilespmem:s20+$0x10920];
	v42 =	vmul.f32 v42, v32;
	v34 =	vadd.f32 v44, v34;
	[tilespmem:s20+$0x4D30] =	vst v36  }
0x173: {  	v28 =	vmul.f32 v28, v33;
	v36 =	vld [tilespmem:s20+$0x10910];
	v41 =	vmul.f32 v41, v32;
	v31 =	vadd.f32 v43, v31;
	[tilespmem:s20+$0x4D20] =	vst v35  }
0x174: {  	v27 =	vmul.f32 v27, v33;
	v35 =	vld [tilespmem:s20+$0x10900];
	v40 =	vmul.f32 v40, v32;
	v30 =	vadd.f32 v42, v30;
	[tilespmem:s20+$0x4D10] =	vst v34  }
0x175: {  	v26 =	vmul.f32 v26, v33;
	v34 =	vld [tilespmem:s20+$0x10570];
	v39 =	vmul.f32 v39, v32;
	v29 =	vadd.f32 v41, v29;
	[tilespmem:s20+$0x4D00] =	vst v31  }
0x176: {  	v25 =	vmul.f32 v25, v33;
	v31 =	vld [tilespmem:s20+$0x10560];
	v38 =	vmul.f32 v38, v32;
	v28 =	vadd.f32 v40, v28;
	[tilespmem:s20+$0x4970] =	vst v30  }
0x177: {  	v24 =	vmul.f32 v24, v33;
	v30 =	vld [tilespmem:s20+$0x10550];
	v37 =	vmul.f32 v37, v32;
	v27 =	vadd.f32 v39, v27;
	[tilespmem:s20+$0x4960] =	vst v29  }
0x178: {  	v23 =	vmul.f32 v23, v33;
	v29 =	vld [tilespmem:s20+$0x10540];
	v36 =	vmul.f32 v36, v32;
	v26 =	vadd.f32 v38, v26;
	[tilespmem:s20+$0x4950] =	vst v28  }
0x179: {  	v22 =	vmul.f32 v22, v33;
	v28 =	vld [tilespmem:s20+$0x10530];
	v35 =	vmul.f32 v35, v32;
	v25 =	vadd.f32 v37, v25;
	[tilespmem:s20+$0x4940] =	vst v27  }
0x17a: {  	v21 =	vmul.f32 v21, v33;
	v27 =	vld [tilespmem:s20+$0x10520];
	v34 =	vmul.f32 v34, v32;
	v24 =	vadd.f32 v36, v24;
	[tilespmem:s20+$0x4930] =	vst v26  }
0x17b: {  	v20 =	vmul.f32 v20, v33;
	v26 =	vld [tilespmem:s20+$0x10510];
	v31 =	vmul.f32 v31, v32;
	v23 =	vadd.f32 v35, v23;
	[tilespmem:s20+$0x4920] =	vst v25  }
0x17c: {  	v19 =	vmul.f32 v19, v33;
	v25 =	vld [tilespmem:s20+$0x10500];
	v30 =	vmul.f32 v30, v32;
	v22 =	vadd.f32 v34, v22;
	[tilespmem:s20+$0x4910] =	vst v24  }
0x17d: {  	v18 =	vmul.f32 v18, v33;
	v24 =	vld [tilespmem:s20+$0x10170];
	v29 =	vmul.f32 v29, v32;
	v21 =	vadd.f32 v31, v21;
	[tilespmem:s20+$0x4900] =	vst v23  }
0x17e: {  	v17 =	vmul.f32 v17, v33;
	v23 =	vld [tilespmem:s20+$0x10160];
	v28 =	vmul.f32 v28, v32;
	v20 =	vadd.f32 v30, v20;
	[tilespmem:s20+$0x4570] =	vst v22  }
0x17f: {  	v16 =	vmul.f32 v16, v33;
	v22 =	vmul.f32 v27, v32;
	v19 =	vadd.f32 v29, v19;
	[tilespmem:s20+$0x4560] =	vst v21;
	v21 =	vld [tilespmem:s20+$0x11540]  }
0x180: {  	v15 =	vmul.f32 v15, v33;
	v26 =	vmul.f32 v26, v32;
	v18 =	vadd.f32 v28, v18;
	[tilespmem:s20+$0x4550] =	vst v20;
	v20 =	vld [tilespmem:s20+$0x11550]  }
0x181: {  	v14 =	vmul.f32 v14, v33;
	v25 =	vmul.f32 v25, v32;
	v17 =	vadd.f32 v22, v17;
	[tilespmem:s20+$0x4540] =	vst v19;
	v19 =	vld [tilespmem:s20+$0x11560]  }
0x182: {  	v13 =	vmul.f32 v13, v33;
	v22 =	vmul.f32 v24, v32;
	v16 =	vadd.f32 v26, v16;
	[tilespmem:s20+$0x4530] =	vst v18;
	v18 =	vld [tilespmem:s20+$0x11570]  }
0x183: {  	v12 =	vmul.f32 v12, v33;
	v23 =	vmul.f32 v23, v32;
	v15 =	vadd.f32 v25, v15;
	[tilespmem:s20+$0x4520] =	vst v17;
	v17 =	vld [tilespmem:s20+$0x5540]  }
0x184: {  	v10 =	vmul.f32 v10, v33;
	v11 =	vmul.f32 v11, v32;
	v14 =	vadd.f32 v22, v14;
	[tilespmem:s20+$0x4510] =	vst v16;
	v16 =	vld [tilespmem:s20+$0x5550]  }
0x185: {  	v8 =	vmul.f32 v8, v33;
	v9 =	vmul.f32 v9, v32;
	v13 =	vadd.f32 v23, v13;
	[tilespmem:s20+$0x4500] =	vst v15;
	v15 =	vld [tilespmem:s20+$0x5560]  }
0x186: {  	v6 =	vmul.f32 v6, v33;
	v7 =	vmul.f32 v7, v32;
	v11 =	vadd.f32 v11, v12;
	[tilespmem:s20+$0x4170] =	vst v14;
	v12 =	vld [tilespmem:s20+$0x5570]  }
0x187: {  	v3 =	vmul.f32 v3, v33;
	v5 =	vmul.f32 v5, v32;
	v9 =	vadd.f32 v9, v10;
	v14 =	vld [tilespmem:s20+$0x4100];
	[tilespmem:s20+$0x4160] =	vst v13  }
0x188: {  	v4 =	vmul.f32 v4, v32;
	v7 =	vadd.f32 v7, v8;
	v10 =	vld [tilespmem:s20+$0x10100];
	[tilespmem:s20+$0x4150] =	vst v11;
	v8 =	vmul.f32 v17, v33  }
0x189: {  	s24 =	sshrl.u32 s22, $0x3;
	v5 =	vadd.f32 v5, v6;
	v6 =	vmul.f32 v21, v32;
	[tilespmem:s20+$0x4140] =	vst v9;
	v9 =	vmul.f32 v16, v33  }
0x18a: {  	s21 =	sadd.s32 $0x80, s21;
	s24 =	smul.u32 $0x1800, s24;
	v3 =	vadd.f32 v4, v3;
	v4 =	vmul.f32 v20, v32;
	[tilespmem:s20+$0x4130] =	vst v7;
	v7 =	vmul.f32 v15, v33  }
0x18b: {  	s25 =	sand.u32 $0x380, s21;
	[tilespmem:s20+$0x4120] =	vst v5;
	v5 =	vadd.f32 v6, v8;
	v6 =	vmul.f32 v19, v32;
	v8 =	vmul.f32 v12, v33  }
0x18c: {  	s24 =	sor.u32 s25, s24;
	v9 =	vadd.f32 v4, v9;
	v12 =	vmul.f32 v18, v32;
	v11 =	vmul.f32 v14, v33;
	[tilespmem:s20+$0x4110] =	vst v3  }
0x18d: {  	v3 =	vld [tilespmem:s24+$0x4110];
	v10 =	vmul.f32 v10, v32;
	[tilespmem:s20+$0x5540] =	vst v5;
	v5 =	vadd.f32 v6, v7  }
0x18e: {  	v7 =	vadd.f32 v12, v8;
	v4 =	vld [tilespmem:s24+$0x10110];
	[tilespmem:s20+$0x5550] =	vst v9  }
0x18f: {  	v6 =	vld [tilespmem:s24+$0x4120];
	v9 =	vadd.f32 v10, v11;
	[tilespmem:s20+$0x5560] =	vst v5  }
0x190: {  	v5 =	vld [tilespmem:s24+$0x10120];
	[tilespmem:s20+$0x5570] =	vst v7  }
0x191: {  	v8 =	vld [tilespmem:s24+$0x4130];
	[tilespmem:s20+$0x4100] =	vst v9;
	s20 =	smov.u32 s24  }
0x192: {  	v7 =	vld [tilespmem:s20+$0x10130]  }
0x193: {  	v10 =	vld [tilespmem:s20+$0x4140]  }
0x194: {  	v9 =	vld [tilespmem:s20+$0x10140]  }
0x195: {  	v12 =	vld [tilespmem:s20+$0x4150]  }
0x196: {  	v11 =	vld [tilespmem:s20+$0x10150]  }
0x197: {  	v13 =	vld [tilespmem:s20+$0x4160]  }
0x198: {  	v14 =	vld [tilespmem:s20+$0x4170]  }
0x199: {  	v15 =	vld [tilespmem:s20+$0x4500]  }
0x19a: {  	v16 =	vld [tilespmem:s20+$0x4510]  }
0x19b: {  	v17 =	vld [tilespmem:s20+$0x4520]  }
0x19c: {  	v18 =	vld [tilespmem:s20+$0x4530]  }
0x19d: {  	v19 =	vld [tilespmem:s20+$0x4540]  }
0x19e: {  	v20 =	vld [tilespmem:s20+$0x4550]  }
0x19f: {  	v21 =	vld [tilespmem:s20+$0x4560]  }
0x1a0: {  	v22 =	vld [tilespmem:s20+$0x4570]  }
0x1a1: {  	v23 =	vld [tilespmem:s20+$0x4900]  }
0x1a2: {  	v24 =	vld [tilespmem:s20+$0x4910]  }
0x1a3: {  	v25 =	vld [tilespmem:s20+$0x4920]  }
0x1a4: {  	v26 =	vld [tilespmem:s20+$0x4930]  }
0x1a5: {  	v27 =	vld [tilespmem:s20+$0x4940]  }
0x1a6: {  	v28 =	vld [tilespmem:s20+$0x4950]  }
0x1a7: {  	v29 =	vld [tilespmem:s20+$0x4960]  }
0x1a8: {  	v30 =	vld [tilespmem:s20+$0x4970]  }
0x1a9: {  	v31 =	vld [tilespmem:s20+$0x4D00]  }
0x1aa: {  	v34 =	vld [tilespmem:s20+$0x4D10]  }
0x1ab: {  	v35 =	vld [tilespmem:s20+$0x4D20]  }
0x1ac: {  	v36 =	vld [tilespmem:s20+$0x4D30]  }
0x1ad: {  	v37 =	vld [tilespmem:s20+$0x4D40]  }
0x1ae: {  	v38 =	vld [tilespmem:s20+$0x4D50]  }
0x1af: {  	v39 =	vld [tilespmem:s20+$0x4D60]  }
0x1b0: {  	v40 =	vld [tilespmem:s20+$0x4D70]  }
0x1b1: {  	v41 =	vld [tilespmem:s20+$0x5100]  }
0x1b2: {  	v42 =	vld [tilespmem:s20+$0x5110]  }
0x1b3: {  	v43 =	vld [tilespmem:s20+$0x5120]  }
0x1b4: {  	v44 =	vld [tilespmem:s20+$0x5130]  }
0x1b5: {  	v45 =	vld [tilespmem:s20+$0x5140]  }
0x1b6: {  	v46 =	vld [tilespmem:s20+$0x5150]  }
.Ltmp0:
0x1b7: {  	v47 =	vld [tilespmem:s20+$0x5160];
	(pc) =	sbr.rel @p0 .LBB2_2-.Ltmp0, $4  }
0x1b8: {  	v48 =	vld [tilespmem:s20+$0x5500]  }
0x1b9: {  	v50 =	vld [tilespmem:s20+$0x5510]  }
0x1ba: {  	v49 =	vld [tilespmem:s20+$0x11510]  }
0x1bb: {  	s22 =	sadd.s32 $0x1, s22;
	v51 =	vld [tilespmem:s20+$0x11530]  }
0x1bc: {  	v52 =	vld [tilespmem:s20+$0x5530]  }
0x1bd: {  	v53 =	vld [tilespmem:s20+$0x5520];
	s18 =	sadd.s32 $0x80, s18  }
0x1be: {  	s21 =	sadd.s32 $0x80, s19;
	v32 =	vld [tilespmem:s18+$0x0]  }
0x1bf: {  	v33 =	vld [tilespmem:s21+$0x0]  }
0x1c0: {  	v54 =	vld [tilespmem:s20+$0x11520]  }
0x1c1: {  	v55 =	vld [tilespmem:s20+$0x11500]  }
0x1c2: {  	v56 =	vld [tilespmem:s20+$0x5170]  }
0x1c3: {  	v57 =	vld [tilespmem:s20+$0x11170]  }
0x1c4: {  	v58 =	vld [tilespmem:s20+$0x11160];
	v52 =	vmul.f32 v52, v32;
	v51 =	vmul.f32 v51, v33  }
0x1c5: {  	v53 =	vmul.f32 v53, v32;
	v54 =	vmul.f32 v54, v33  }
0x1c6: {  	v59 =	vld [tilespmem:s20+$0x11150];
	v50 =	vmul.f32 v50, v32;
	v49 =	vmul.f32 v49, v33  }
0x1c7: {  	v61 =	vld [tilespmem:s20+$0x11120];
	v48 =	vmul.f32 v48, v32;
	v62 =	vmul.f32 v55, v33;
	v51 =	vadd.f32 v51, v52  }
0x1c8: {  	v60 =	vld [tilespmem:s20+$0x11140];
	v63 =	vmul.f32 v56, v32;
	v57 =	vmul.f32 v57, v33;
	v53 =	vadd.f32 v54, v53  }
0x1c9: {  	v47 =	vmul.f32 v47, v32;
	v58 =	vmul.f32 v58, v33;
	v52 =	vld [tilespmem:s20+$0x11130];
	v49 =	vadd.f32 v49, v50;
	[tilespmem:s20+$0x5530] =	vst v51  }
0x1ca: {  	v46 =	vmul.f32 v46, v32;
	v45 =	vmul.f32 v45, v32;
	v50 =	vld [tilespmem:s20+$0x11100];
	v48 =	vadd.f32 v62, v48;
	[tilespmem:s20+$0x5520] =	vst v53  }
0x1cb: {  	v44 =	vmul.f32 v44, v32;
	v62 =	vmul.f32 v59, v33;
	v47 =	vadd.f32 v58, v47;
	v58 =	vld [tilespmem:s20+$0x10D30];
	[tilespmem:s20+$0x5510] =	vst v49  }
0x1cc: {  	v43 =	vmul.f32 v43, v32;
	v59 =	vmul.f32 v61, v33;
	v51 =	vld [tilespmem:s20+$0x11110];
	v53 =	vadd.f32 v57, v63;
	[tilespmem:s20+$0x5500] =	vst v48  }
0x1cd: {  	v42 =	vmul.f32 v42, v32;
	v49 =	vld [tilespmem:s20+$0x10D70];
	v63 =	vmul.f32 v60, v33;
	v46 =	vadd.f32 v62, v46;
	[tilespmem:s20+$0x5160] =	vst v47  }
0x1ce: {  	v41 =	vmul.f32 v41, v32;
	v48 =	vld [tilespmem:s20+$0x10D60];
	v43 =	vadd.f32 v59, v43;
	[tilespmem:s20+$0x5170] =	vst v53;
	v52 =	vmul.f32 v52, v33  }
0x1cf: {  	v40 =	vmul.f32 v40, v32;
	v57 =	vld [tilespmem:s20+$0x10D40];
	v45 =	vadd.f32 v63, v45;
	[tilespmem:s20+$0x5150] =	vst v46;
	v50 =	vmul.f32 v50, v33  }
0x1d0: {  	v36 =	vmul.f32 v36, v32;
	v60 =	vld [tilespmem:s20+$0x10D20];
	[tilespmem:s20+$0x5120] =	vst v43;
	v46 =	vmul.f32 v58, v33;
	v44 =	vadd.f32 v52, v44  }
0x1d1: {  	v39 =	vmul.f32 v39, v32;
	v62 =	vld [tilespmem:s20+$0x10D00];
	[tilespmem:s20+$0x5140] =	vst v45;
	v51 =	vmul.f32 v51, v33;
	v41 =	vadd.f32 v50, v41  }
0x1d2: {  	v38 =	vmul.f32 v38, v32;
	v53 =	vld [tilespmem:s20+$0x10D50];
	v49 =	vmul.f32 v49, v33;
	v36 =	vadd.f32 v46, v36;
	[tilespmem:s20+$0x5130] =	vst v44  }
0x1d3: {  	v37 =	vmul.f32 v37, v32;
	v61 =	vld [tilespmem:s20+$0x10D10];
	v48 =	vmul.f32 v48, v33;
	v42 =	vadd.f32 v51, v42;
	[tilespmem:s20+$0x5100] =	vst v41  }
0x1d4: {  	v35 =	vmul.f32 v35, v32;
	v59 =	vld [tilespmem:s20+$0x10910];
	v47 =	vmul.f32 v57, v33;
	v40 =	vadd.f32 v49, v40;
	[tilespmem:s20+$0x4D30] =	vst v36  }
0x1d5: {  	v34 =	vmul.f32 v34, v32;
	v63 =	vld [tilespmem:s20+$0x10970];
	v45 =	vmul.f32 v60, v33;
	v39 =	vadd.f32 v48, v39;
	[tilespmem:s20+$0x5110] =	vst v42  }
0x1d6: {  	v55 =	vld [tilespmem:s20+$0x10950];
	v31 =	vmul.f32 v31, v32;
	v43 =	vmul.f32 v62, v33;
	v37 =	vadd.f32 v47, v37;
	[tilespmem:s20+$0x4D70] =	vst v40  }
0x1d7: {  	v30 =	vmul.f32 v30, v32;
	v52 =	vld [tilespmem:s20+$0x10960];
	v54 =	vmul.f32 v53, v33;
	v35 =	vadd.f32 v45, v35;
	[tilespmem:s20+$0x4D60] =	vst v39  }
0x1d8: {  	v56 =	vld [tilespmem:s20+$0x10940];
	v29 =	vmul.f32 v29, v32;
	v44 =	vmul.f32 v61, v33;
	v31 =	vadd.f32 v43, v31;
	[tilespmem:s20+$0x4D40] =	vst v37  }
0x1d9: {  	v24 =	vmul.f32 v24, v32;
	v58 =	vld [tilespmem:s20+$0x10920];
	v36 =	vmul.f32 v59, v33;
	v38 =	vadd.f32 v54, v38;
	[tilespmem:s20+$0x4D20] =	vst v35  }
0x1da: {  	v28 =	vmul.f32 v28, v32;
	v60 =	vld [tilespmem:s20+$0x10900];
	v34 =	vadd.f32 v44, v34;
	v42 =	vmul.f32 v63, v33;
	[tilespmem:s20+$0x4D00] =	vst v31  }
0x1db: {  	v27 =	vmul.f32 v27, v32;
	v57 =	vld [tilespmem:s20+$0x10930];
	v40 =	vmul.f32 v55, v33;
	v24 =	vadd.f32 v36, v24;
	[tilespmem:s20+$0x4D50] =	vst v38  }
0x1dc: {  	v26 =	vmul.f32 v26, v32;
	v61 =	vld [tilespmem:s20+$0x10570];
	v41 =	vmul.f32 v52, v33;
	[tilespmem:s20+$0x4D10] =	vst v34;
	v30 =	vadd.f32 v42, v30  }
0x1dd: {  	v25 =	vmul.f32 v25, v32;
	v39 =	vmul.f32 v56, v33;
	v28 =	vadd.f32 v40, v28;
	[tilespmem:s20+$0x4910] =	vst v24  }
0x1de: {  	v23 =	vmul.f32 v23, v32;
	v31 =	vld [tilespmem:s20+$0x10560];
	v37 =	vmul.f32 v58, v33;
	v29 =	vadd.f32 v41, v29;
	[tilespmem:s20+$0x4970] =	vst v30  }
0x1df: {  	v22 =	vmul.f32 v22, v32;
	v35 =	vmul.f32 v60, v33;
	v27 =	vadd.f32 v39, v27;
	v30 =	vld [tilespmem:s20+$0x10550];
	[tilespmem:s20+$0x4950] =	vst v28  }
0x1e0: {  	v10 =	vmul.f32 v10, v32;
	v38 =	vmul.f32 v57, v33;
	v25 =	vadd.f32 v37, v25;
	[tilespmem:s20+$0x4960] =	vst v29;
	v29 =	vld [tilespmem:s20+$0x10540]  }
0x1e1: {  	v9 =	vmul.f32 v9, v33;
	v34 =	vmul.f32 v61, v33;
	v23 =	vadd.f32 v35, v23;
	v28 =	vld [tilespmem:s20+$0x10530];
	[tilespmem:s20+$0x4940] =	vst v27  }
0x1e2: {  	v21 =	vmul.f32 v21, v32;
	v26 =	vadd.f32 v38, v26;
	v27 =	vld [tilespmem:s20+$0x10520];
	[tilespmem:s20+$0x4920] =	vst v25  }
0x1e3: {  	v9 =	vadd.f32 v9, v10;
	v10 =	vld [tilespmem:s20+$0x10100];
	v24 =	vmul.f32 v31, v33;
	v22 =	vadd.f32 v34, v22;
	[tilespmem:s20+$0x4900] =	vst v23  }
0x1e4: {  	v20 =	vmul.f32 v20, v32;
	[tilespmem:s20+$0x4930] =	vst v26;
	v26 =	vld [tilespmem:s20+$0x10510];
	v23 =	vmul.f32 v30, v33  }
0x1e5: {  	v19 =	vmul.f32 v19, v32;
	v25 =	vld [tilespmem:s20+$0x10500];
	v21 =	vadd.f32 v24, v21;
	[tilespmem:s20+$0x4570] =	vst v22;
	v22 =	vmul.f32 v29, v33  }
0x1e6: {  	v18 =	vmul.f32 v18, v32;
	v31 =	vld [tilespmem:s20+$0x10170];
	v20 =	vadd.f32 v23, v20;
	v23 =	vmul.f32 v28, v33  }
0x1e7: {  	v17 =	vmul.f32 v17, v32;
	v24 =	vld [tilespmem:s20+$0x10160];
	[tilespmem:s20+$0x4560] =	vst v21;
	v19 =	vadd.f32 v22, v19;
	v22 =	vmul.f32 v27, v33  }
0x1e8: {  	v12 =	vmul.f32 v12, v32;
	v11 =	vmul.f32 v11, v33;
	v21 =	vld [tilespmem:s20+$0x11540];
	[tilespmem:s20+$0x4550] =	vst v20;
	v18 =	vadd.f32 v23, v18  }
0x1e9: {  	v16 =	vmul.f32 v16, v32;
	v20 =	vld [tilespmem:s20+$0x11550];
	v23 =	vmul.f32 v26, v33;
	[tilespmem:s20+$0x4540] =	vst v19;
	v17 =	vadd.f32 v22, v17  }
0x1ea: {  	v15 =	vmul.f32 v15, v32;
	v11 =	vadd.f32 v11, v12;
	v19 =	vld [tilespmem:s20+$0x11560];
	[tilespmem:s20+$0x4530] =	vst v18;
	v18 =	vmul.f32 v25, v33  }
0x1eb: {  	v14 =	vmul.f32 v14, v32;
	v22 =	vld [tilespmem:s20+$0x11570];
	v16 =	vadd.f32 v23, v16;
	[tilespmem:s20+$0x4520] =	vst v17;
	v17 =	vmul.f32 v31, v33  }
0x1ec: {  	[tilespmem:s20+$0x4150] =	vst v11;
	v15 =	vadd.f32 v18, v15;
	v18 =	vld [tilespmem:s20+$0x5540]  }
0x1ed: {  	v8 =	vmul.f32 v8, v32;
	v7 =	vmul.f32 v7, v33;
	[tilespmem:s20+$0x4510] =	vst v16;
	v16 =	vld [tilespmem:s20+$0x5550];
	v14 =	vadd.f32 v17, v14  }
0x1ee: {  	v6 =	vmul.f32 v6, v32;
	v5 =	vmul.f32 v5, v33;
	[tilespmem:s20+$0x4500] =	vst v15;
	v15 =	vld [tilespmem:s20+$0x5560]  }
0x1ef: {  	v3 =	vmul.f32 v3, v32;
	v4 =	vmul.f32 v4, v33;
	v7 =	vadd.f32 v7, v8;
	[tilespmem:s20+$0x4170] =	vst v14;
	v14 =	vld [tilespmem:s20+$0x5570]  }
0x1f0: {  	v13 =	vmul.f32 v13, v32;
	v12 =	vld [tilespmem:s20+$0x4100];
	v5 =	vadd.f32 v5, v6;
	[tilespmem:s20+$0x4140] =	vst v9;
	v23 =	vmul.f32 v24, v33  }
0x1f1: {  	v3 =	vadd.f32 v4, v3;
	[tilespmem:s20+$0x4130] =	vst v7;
	v6 =	vmul.f32 v21, v33;
	v8 =	vmul.f32 v18, v32  }
0x1f2: {  	[tilespmem:s20+$0x4120] =	vst v5;
	v13 =	vadd.f32 v23, v13;
	v4 =	vmul.f32 v20, v33;
	v9 =	vmul.f32 v16, v32  }
0x1f3: {  	[tilespmem:s20+$0x4110] =	vst v3;
	v7 =	vmul.f32 v15, v32;
	v5 =	vadd.f32 v6, v8;
	v6 =	vmul.f32 v19, v33  }
0x1f4: {  	[tilespmem:s20+$0x4160] =	vst v13;
	v3 =	vadd.f32 v4, v9;
	v4 =	vmul.f32 v22, v33;
	v8 =	vmul.f32 v14, v32  }
0x1f5: {  	v10 =	vmul.f32 v10, v33;
	v9 =	vmul.f32 v12, v32;
	[tilespmem:s20+$0x5540] =	vst v5;
	v5 =	vadd.f32 v6, v7  }
0x1f6: {  	[tilespmem:s20+$0x5550] =	vst v3;
	v3 =	vadd.f32 v4, v8  }
0x1f7: {  	v4 =	vadd.f32 v10, v9;
	[tilespmem:s20+$0x5560] =	vst v5  }
0x1f8: {  	[tilespmem:s20+$0x5570] =	vst v3  }
0x1f9: {  	s22 =	simm.s32 $0x0;
	[tilespmem:s20+$0x4100] =	vst v4  }
0x1fa: {  	[hbm4b:s10+s22] =	stream.linear.scatter [tilespmem:s16], [sflag:$0x1], $0x6000, $0x38;
	[tilespmem:$0x1C100] =	vst v63  }
0x1fb: {  	_ =	swait.ge [sflag:s0], $0x6000  }
0x1fc: {  	[sflag:s0] =	ssyncset.done $0x0  }
0x1fd: {  	s24 =	simm.s32 $0x4;
	[sflag:s0] =	ssyncadd.s32 $0xFFFFA000  }
0x1fe: {  	s19 =	smul.u32 $0x1800, s24;
	_ =	swait.ge [sflag:s1], $0x6000  }
0x1ff: {  	s18 =	sand.u32 $0x380, s22;
	[sflag:s1] =	ssyncset.done $0x0  }
0x200: {  	s22 =	sor.u32 s18, s19;
	[sflag:s1] =	ssyncadd.s32 $0xFFFFA000  }
0x201: {  	v4 =	vld [tilespmem:s22+$0x4110]  }
0x202: {  	v3 =	vld [tilespmem:s22+$0x10110]  }
0x203: {  	v6 =	vld [tilespmem:s22+$0x4120]  }
0x204: {  	v5 =	vld [tilespmem:s22+$0x10120]  }
0x205: {  	v10 =	vld [tilespmem:s22+$0x4130]  }
0x206: {  	v7 =	vld [tilespmem:s22+$0x10130]  }
0x207: {  	v12 =	vld [tilespmem:s22+$0x4140]  }
0x208: {  	v11 =	vld [tilespmem:s22+$0x10140]  }
0x209: {  	v13 =	vld [tilespmem:s22+$0x4160]  }
0x20a: {  	v14 =	vld [tilespmem:s22+$0x4170]  }
0x20b: {  	v15 =	vld [tilespmem:s22+$0x4500]  }
0x20c: {  	v16 =	vld [tilespmem:s22+$0x4510]  }
0x20d: {  	v17 =	vld [tilespmem:s22+$0x4520]  }
0x20e: {  	v18 =	vld [tilespmem:s22+$0x4530]  }
0x20f: {  	v19 =	vld [tilespmem:s22+$0x4540]  }
0x210: {  	v20 =	vld [tilespmem:s22+$0x4550]  }
0x211: {  	v21 =	vld [tilespmem:s22+$0x4560]  }
0x212: {  	v22 =	vld [tilespmem:s22+$0x4570]  }
0x213: {  	v23 =	vld [tilespmem:s22+$0x4900]  }
0x214: {  	v24 =	vld [tilespmem:s22+$0x4910]  }
0x215: {  	v25 =	vld [tilespmem:s22+$0x4920]  }
0x216: {  	v26 =	vld [tilespmem:s22+$0x4930]  }
0x217: {  	v27 =	vld [tilespmem:s22+$0x4940]  }
0x218: {  	v28 =	vld [tilespmem:s22+$0x4950]  }
0x219: {  	v29 =	vld [tilespmem:s22+$0x4960]  }
0x21a: {  	v30 =	vld [tilespmem:s22+$0x4970]  }
0x21b: {  	v31 =	vld [tilespmem:s22+$0x4D00]  }
0x21c: {  	v32 =	vld [tilespmem:s22+$0x4D10]  }
0x21d: {  	v33 =	vld [tilespmem:s22+$0x4D20]  }
0x21e: {  	v34 =	vld [tilespmem:s22+$0x4D30]  }
0x21f: {  	v35 =	vld [tilespmem:s22+$0x4D40]  }
0x220: {  	v36 =	vld [tilespmem:s22+$0x4D50]  }
0x221: {  	v37 =	vld [tilespmem:s22+$0x4D60]  }
0x222: {  	v38 =	vld [tilespmem:s22+$0x4D70]  }
0x223: {  	v39 =	vld [tilespmem:s22+$0x5100]  }
0x224: {  	v40 =	vld [tilespmem:s22+$0x5110]  }
0x225: {  	v41 =	vld [tilespmem:s22+$0x5120]  }
0x226: {  	v42 =	vld [tilespmem:s22+$0x5130]  }
0x227: {  	v43 =	vld [tilespmem:s22+$0x5140]  }
0x228: {  	v44 =	vld [tilespmem:s22+$0x5150]  }
0x229: {  	v45 =	vld [tilespmem:s22+$0x5160]  }
0x22a: {  	v46 =	vld [tilespmem:s22+$0x5500]  }
0x22b: {  	v47 =	vld [tilespmem:s22+$0x5510]  }
0x22c: {  	v48 =	vld [tilespmem:s22+$0x11510]  }
0x22d: {  	v49 =	vld [tilespmem:s22+$0x11530]  }
0x22e: {  	v50 =	vld [tilespmem:s22+$0x5530]  }
0x22f: {  	s19 =	simm.s32 $0x1100;
	v51 =	vld [tilespmem:s22+$0x5520]  }
0x230: {  	s20 =	simm.s32 $0x3100;
	v8 =	vld [tilespmem:s19+$0x0]  }
0x231: {  	v9 =	vld [tilespmem:s20+$0x0]  }
0x232: {  	v52 =	vld [tilespmem:s22+$0x11520]  }
0x233: {  	v62 =	vld [tilespmem:s22+$0x11500]  }
0x234: {  	v63 =	vld [tilespmem:s22+$0x5170]  }
0x235: {  	v60 =	vld [tilespmem:s22+$0x11170];
	v50 =	vmul.f32 v50, v8  }
0x236: {  	v61 =	vld [tilespmem:s22+$0x11160];
	v49 =	vmul.f32 v49, v9;
	v51 =	vmul.f32 v51, v8  }
0x237: {  	v57 =	vld [tilespmem:s22+$0x11150];
	v52 =	vmul.f32 v52, v9;
	v47 =	vmul.f32 v47, v8  }
0x238: {  	v58 =	vld [tilespmem:s22+$0x11140];
	v48 =	vmul.f32 v48, v9;
	v46 =	vmul.f32 v46, v8;
	v49 =	vadd.f32 v49, v50  }
0x239: {  	v53 =	vld [tilespmem:s22+$0x11130];
	v62 =	vmul.f32 v62, v9;
	v63 =	vmul.f32 v63, v8;
	v51 =	vadd.f32 v52, v51  }
0x23a: {  	v56 =	vld [tilespmem:s22+$0x10D60];
	v59 =	vmul.f32 v60, v9;
	v45 =	vmul.f32 v45, v8;
	v47 =	vadd.f32 v48, v47;
	[tilespmem:s22+$0x5530] =	vst v49  }
0x23b: {  	v55 =	vld [tilespmem:s22+$0x10970];
	v60 =	vmul.f32 v61, v9;
	v44 =	vmul.f32 v44, v8;
	v46 =	vadd.f32 v62, v46;
	[tilespmem:s22+$0x5520] =	vst v51  }
0x23c: {  	v61 =	vld [tilespmem:s22+$0x11100];
	v12 =	vmul.f32 v12, v8;
	v11 =	vmul.f32 v11, v9;
	v52 =	vadd.f32 v59, v63;
	[tilespmem:s22+$0x5510] =	vst v47  }
0x23d: {  	v10 =	vmul.f32 v10, v8;
	v7 =	vmul.f32 v7, v9;
	v48 =	vld [tilespmem:s22+$0x11120];
	v45 =	vadd.f32 v60, v45;
	[tilespmem:s22+$0x5500] =	vst v46  }
0x23e: {  	v62 =	vmul.f32 v57, v9;
	v63 =	vmul.f32 v58, v9;
	v58 =	vld [tilespmem:s22+$0x10D50];
	v11 =	vadd.f32 v11, v12;
	[tilespmem:s22+$0x5170] =	vst v52  }
0x23f: {  	v43 =	vmul.f32 v43, v8;
	v59 =	vld [tilespmem:s22+$0x10D40];
	v7 =	vadd.f32 v7, v10;
	[tilespmem:s22+$0x5160] =	vst v45  }
0x240: {  	v42 =	vmul.f32 v42, v8;
	v57 =	vmul.f32 v53, v9;
	v60 =	vld [tilespmem:s22+$0x10D30];
	v44 =	vadd.f32 v62, v44;
	[tilespmem:s22+$0x4140] =	vst v11  }
0x241: {  	v37 =	vmul.f32 v37, v8;
	v53 =	vld [tilespmem:s22+$0x10D00];
	v43 =	vadd.f32 v63, v43;
	v46 =	vmul.f32 v56, v9;
	[tilespmem:s22+$0x4130] =	vst v7  }
0x242: {  	v39 =	vmul.f32 v39, v8;
	v49 =	vld [tilespmem:s22+$0x11110];
	v42 =	vadd.f32 v57, v42;
	v61 =	vmul.f32 v61, v9;
	[tilespmem:s22+$0x5150] =	vst v44  }
0x243: {  	v41 =	vmul.f32 v41, v8;
	v47 =	vld [tilespmem:s22+$0x10D70];
	[tilespmem:s22+$0x5140] =	vst v43;
	v37 =	vadd.f32 v46, v37;
	v48 =	vmul.f32 v48, v9  }
0x244: {  	v36 =	vmul.f32 v36, v8;
	v62 =	vld [tilespmem:s22+$0x10D20];
	[tilespmem:s22+$0x5130] =	vst v42;
	v39 =	vadd.f32 v61, v39;
	v54 =	vmul.f32 v58, v9  }
0x245: {  	v35 =	vmul.f32 v35, v8;
	v63 =	vld [tilespmem:s22+$0x10D10];
	v45 =	vmul.f32 v59, v9;
	[tilespmem:s22+$0x4D60] =	vst v37;
	v41 =	vadd.f32 v48, v41  }
0x246: {  	v34 =	vmul.f32 v34, v8;
	v56 =	vld [tilespmem:s22+$0x10960];
	v44 =	vmul.f32 v60, v9;
	[tilespmem:s22+$0x5100] =	vst v39;
	v36 =	vadd.f32 v54, v36  }
0x247: {  	v40 =	vmul.f32 v40, v8;
	v12 =	vld [tilespmem:s22+$0x5560];
	v49 =	vmul.f32 v49, v9;
	v35 =	vadd.f32 v45, v35;
	[tilespmem:s22+$0x5120] =	vst v41  }
0x248: {  	v38 =	vmul.f32 v38, v8;
	v58 =	vld [tilespmem:s22+$0x10940];
	v47 =	vmul.f32 v47, v9;
	v34 =	vadd.f32 v44, v34;
	[tilespmem:s22+$0x4D50] =	vst v36  }
0x249: {  	v33 =	vmul.f32 v33, v8;
	v59 =	vld [tilespmem:s22+$0x10930];
	v43 =	vmul.f32 v62, v9;
	v40 =	vadd.f32 v49, v40;
	[tilespmem:s22+$0x4D40] =	vst v35  }
0x24a: {  	v32 =	vmul.f32 v32, v8;
	v57 =	vld [tilespmem:s22+$0x10950];
	v42 =	vmul.f32 v63, v9;
	v38 =	vadd.f32 v47, v38;
	[tilespmem:s22+$0x4D30] =	vst v34  }
0x24b: {  	v29 =	vmul.f32 v29, v8;
	v60 =	vld [tilespmem:s22+$0x10920];
	v39 =	vmul.f32 v56, v9;
	v33 =	vadd.f32 v43, v33;
	[tilespmem:s22+$0x5110] =	vst v40  }
0x24c: {  	v31 =	vmul.f32 v31, v8;
	v61 =	vld [tilespmem:s22+$0x10910];
	v41 =	vmul.f32 v53, v9;
	v32 =	vadd.f32 v42, v32;
	[tilespmem:s22+$0x4D70] =	vst v38  }
0x24d: {  	v27 =	vmul.f32 v27, v8;
	v62 =	vld [tilespmem:s22+$0x10900];
	v29 =	vadd.f32 v39, v29;
	v37 =	vmul.f32 v58, v9;
	[tilespmem:s22+$0x4D20] =	vst v33  }
0x24e: {  	v26 =	vmul.f32 v26, v8;
	v63 =	vld [tilespmem:s22+$0x10570];
	v36 =	vmul.f32 v59, v9;
	v31 =	vadd.f32 v41, v31;
	[tilespmem:s22+$0x4D10] =	vst v32  }
0x24f: {  	v30 =	vmul.f32 v30, v8;
	v40 =	vmul.f32 v55, v9;
	[tilespmem:s22+$0x4960] =	vst v29;
	v29 =	vld [tilespmem:s22+$0x10540];
	v27 =	vadd.f32 v37, v27  }
0x250: {  	v25 =	vmul.f32 v25, v8;
	v35 =	vmul.f32 v60, v9;
	v26 =	vadd.f32 v36, v26;
	[tilespmem:s22+$0x4D00] =	vst v31;
	v31 =	vld [tilespmem:s22+$0x10560]  }
0x251: {  	v28 =	vmul.f32 v28, v8;
	v38 =	vmul.f32 v57, v9;
	v30 =	vadd.f32 v40, v30;
	[tilespmem:s22+$0x4940] =	vst v27;
	v27 =	vld [tilespmem:s22+$0x10520]  }
0x252: {  	v23 =	vmul.f32 v23, v8;
	v33 =	vmul.f32 v62, v9;
	v25 =	vadd.f32 v35, v25;
	[tilespmem:s22+$0x4930] =	vst v26;
	v26 =	vld [tilespmem:s22+$0x10510]  }
0x253: {  	v24 =	vmul.f32 v24, v8;
	v34 =	vmul.f32 v61, v9;
	v28 =	vadd.f32 v38, v28;
	[tilespmem:s22+$0x4970] =	vst v30;
	v30 =	vld [tilespmem:s22+$0x10550]  }
0x254: {  	v22 =	vmul.f32 v22, v8;
	v32 =	vmul.f32 v63, v9;
	v23 =	vadd.f32 v33, v23;
	[tilespmem:s22+$0x4920] =	vst v25;
	v25 =	vld [tilespmem:s22+$0x10500]  }
0x255: {  	v19 =	vmul.f32 v19, v8;
	v24 =	vadd.f32 v34, v24;
	[tilespmem:s22+$0x4950] =	vst v28;
	v28 =	vld [tilespmem:s22+$0x10530];
	v29 =	vmul.f32 v29, v9  }
0x256: {  	v21 =	vmul.f32 v21, v8;
	v22 =	vadd.f32 v32, v22;
	[tilespmem:s22+$0x4900] =	vst v23;
	v23 =	vld [tilespmem:s22+$0x10160];
	v31 =	vmul.f32 v31, v9  }
0x257: {  	v17 =	vmul.f32 v17, v8;
	[tilespmem:s22+$0x4910] =	vst v24;
	v24 =	vld [tilespmem:s22+$0x10170];
	v19 =	vadd.f32 v29, v19;
	v27 =	vmul.f32 v27, v9  }
0x258: {  	v20 =	vmul.f32 v20, v8;
	[tilespmem:s22+$0x4570] =	vst v22;
	v22 =	vld [tilespmem:s22+$0x4150];
	v30 =	vmul.f32 v30, v9;
	v21 =	vadd.f32 v31, v21  }
0x259: {  	v15 =	vmul.f32 v15, v8;
	v25 =	vmul.f32 v25, v9;
	[tilespmem:s22+$0x4540] =	vst v19;
	v19 =	vld [tilespmem:s22+$0x11550];
	v17 =	vadd.f32 v27, v17  }
0x25a: {  	v18 =	vmul.f32 v18, v8;
	v28 =	vmul.f32 v28, v9;
	v20 =	vadd.f32 v30, v20;
	[tilespmem:s22+$0x4560] =	vst v21;
	v21 =	vld [tilespmem:s22+$0x10150]  }
0x25b: {  	v13 =	vmul.f32 v13, v8;
	v23 =	vmul.f32 v23, v9;
	v15 =	vadd.f32 v25, v15;
	[tilespmem:s22+$0x4520] =	vst v17;
	v17 =	vld [tilespmem:s22+$0x5540]  }
0x25c: {  	v6 =	vmul.f32 v6, v8;
	v5 =	vmul.f32 v5, v9;
	v18 =	vadd.f32 v28, v18;
	[tilespmem:s22+$0x4550] =	vst v20;
	v20 =	vld [tilespmem:s22+$0x11540]  }
0x25d: {  	v14 =	vmul.f32 v14, v8;
	v24 =	vmul.f32 v24, v9;
	v13 =	vadd.f32 v23, v13;
	[tilespmem:s22+$0x4500] =	vst v15;
	v15 =	vld [tilespmem:s22+$0x5550]  }
0x25e: {  	v4 =	vmul.f32 v4, v8;
	v3 =	vmul.f32 v3, v9;
	v5 =	vadd.f32 v5, v6;
	[tilespmem:s22+$0x4530] =	vst v18;
	v18 =	vld [tilespmem:s22+$0x11560]  }
0x25f: {  	v6 =	vld [tilespmem:s22+$0x4100];
	v14 =	vadd.f32 v24, v14;
	v10 =	vmul.f32 v22, v8;
	[tilespmem:s22+$0x4160] =	vst v13;
	v13 =	vmul.f32 v21, v9  }
0x260: {  	s25 =	simm.s32 $0x4;
	v16 =	vmul.f32 v16, v8;
	v3 =	vadd.f32 v3, v4;
	v7 =	vld [tilespmem:s22+$0x10100];
	[tilespmem:s22+$0x4120] =	vst v5;
	v26 =	vmul.f32 v26, v9  }
0x261: {  	s21 =	simm.s32 $0x80;
	s18 =	smul.u32 $0x1800, s25;
	[tilespmem:s22+$0x4170] =	vst v14;
	v14 =	vld [tilespmem:s22+$0x5570];
	v11 =	vmul.f32 v17, v8;
	v17 =	vmul.f32 v20, v9;
	v4 =	vadd.f32 v13, v10  }
0x262: {  	s24 =	sand.u32 $0x380, s21;
	[tilespmem:s22+$0x4110] =	vst v3;
	v16 =	vadd.f32 v26, v16;
	v5 =	vmul.f32 v15, v8;
	v10 =	vmul.f32 v19, v9  }
0x263: {  	s18 =	sor.u32 s24, s18;
	v11 =	vadd.f32 v17, v11;
	[tilespmem:s22+$0x4150] =	vst v4;
	v4 =	vmul.f32 v12, v8;
	v12 =	vmul.f32 v18, v9  }
0x264: {  	v3 =	vld [tilespmem:s18+$0x4110];
	[tilespmem:s22+$0x4510] =	vst v16;
	v5 =	vadd.f32 v10, v5  }
0x265: {  	v7 =	vmul.f32 v7, v9;
	v16 =	vld [tilespmem:s22+$0x11570];
	[tilespmem:s22+$0x5540] =	vst v11;
	v12 =	vadd.f32 v12, v4  }
0x266: {  	v10 =	vmul.f32 v14, v8;
	v8 =	vmul.f32 v6, v8;
	v4 =	vld [tilespmem:s18+$0x10110];
	[tilespmem:s22+$0x5550] =	vst v5  }
0x267: {  	v6 =	vld [tilespmem:s18+$0x4120];
	[tilespmem:s22+$0x5560] =	vst v12  }
0x268: {  	v7 =	vadd.f32 v7, v8;
	v5 =	vld [tilespmem:s18+$0x10120]  }
0x269: {  	v8 =	vld [tilespmem:s18+$0x4130]  }
0x26a: {  	[tilespmem:s22+$0x4100] =	vst v7;
	v18 =	vld [tilespmem:s18+$0x4530]  }
0x26b: {  	v11 =	vmul.f32 v16, v9;
	v26 =	vld [tilespmem:s18+$0x4930]  }
0x26c: {  	v36 =	vld [tilespmem:s18+$0x4D30]  }
0x26d: {  	v9 =	vadd.f32 v11, v10;
	v44 =	vld [tilespmem:s18+$0x5130]  }
0x26e: {  	v48 =	vld [tilespmem:s18+$0x5500]  }
0x26f: {  	[tilespmem:s22+$0x5570] =	vst v9;
	v50 =	vld [tilespmem:s18+$0x5510]  }
0x270: {  	v7 =	vld [tilespmem:s18+$0x10130]  }
0x271: {  	v10 =	vld [tilespmem:s18+$0x4140]  }
0x272: {  	v9 =	vld [tilespmem:s18+$0x10140]  }
0x273: {  	v12 =	vld [tilespmem:s18+$0x4150]  }
0x274: {  	v11 =	vld [tilespmem:s18+$0x10150]  }
0x275: {  	v13 =	vld [tilespmem:s18+$0x4160]  }
0x276: {  	v14 =	vld [tilespmem:s18+$0x4170]  }
0x277: {  	v15 =	vld [tilespmem:s18+$0x4500]  }
0x278: {  	v16 =	vld [tilespmem:s18+$0x4510]  }
0x279: {  	v17 =	vld [tilespmem:s18+$0x4520]  }
0x27a: {  	v19 =	vld [tilespmem:s18+$0x4540]  }
0x27b: {  	v20 =	vld [tilespmem:s18+$0x4550]  }
0x27c: {  	v21 =	vld [tilespmem:s18+$0x4560]  }
0x27d: {  	v22 =	vld [tilespmem:s18+$0x4570]  }
0x27e: {  	v23 =	vld [tilespmem:s18+$0x4900]  }
0x27f: {  	v24 =	vld [tilespmem:s18+$0x4910]  }
0x280: {  	v25 =	vld [tilespmem:s18+$0x4920]  }
0x281: {  	v27 =	vld [tilespmem:s18+$0x4940]  }
0x282: {  	v28 =	vld [tilespmem:s18+$0x4950]  }
0x283: {  	v29 =	vld [tilespmem:s18+$0x4960]  }
0x284: {  	v30 =	vld [tilespmem:s18+$0x4970]  }
0x285: {  	v31 =	vld [tilespmem:s18+$0x4D00]  }
0x286: {  	v34 =	vld [tilespmem:s18+$0x4D10]  }
0x287: {  	v35 =	vld [tilespmem:s18+$0x4D20]  }
0x288: {  	v37 =	vld [tilespmem:s18+$0x4D40]  }
0x289: {  	v38 =	vld [tilespmem:s18+$0x4D50]  }
0x28a: {  	v39 =	vld [tilespmem:s18+$0x4D60]  }
0x28b: {  	v40 =	vld [tilespmem:s18+$0x4D70]  }
0x28c: {  	v41 =	vld [tilespmem:s18+$0x5100]  }
0x28d: {  	v42 =	vld [tilespmem:s18+$0x5110]  }
0x28e: {  	v43 =	vld [tilespmem:s18+$0x5120]  }
0x28f: {  	v45 =	vld [tilespmem:s18+$0x5140]  }
0x290: {  	v46 =	vld [tilespmem:s18+$0x5150]  }
0x291: {  	v47 =	vld [tilespmem:s18+$0x5160]  }
0x292: {  	v49 =	vld [tilespmem:s18+$0x11510]  }
0x293: {  	s22 =	simm.s32 $0x22;
	v51 =	vld [tilespmem:s18+$0x11530]  }
.LBB2_4:
0x294: {  	p0 =	sne.s32 s22, $0x3F;
	v52 =	vld [tilespmem:s18+$0x5530]  }
0x295: {  	s19 =	sadd.s32 $0x80, s19;
	v53 =	vld [tilespmem:s18+$0x5520]  }
0x296: {  	s20 =	sadd.s32 $0x80, s20;
	v33 =	vld [tilespmem:s19+$0x0]  }
0x297: {  	v32 =	vld [tilespmem:s20+$0x0]  }
0x298: {  	v54 =	vld [tilespmem:s18+$0x11520]  }
0x299: {  	v55 =	vld [tilespmem:s18+$0x11500]  }
0x29a: {  	v56 =	vld [tilespmem:s18+$0x5170]  }
0x29b: {  	v57 =	vld [tilespmem:s18+$0x11170];
	v50 =	vmul.f32 v50, v33;
	v53 =	vmul.f32 v53, v33  }
0x29c: {  	v52 =	vmul.f32 v52, v33;
	v58 =	vld [tilespmem:s18+$0x11160];
	v51 =	vmul.f32 v51, v32  }
0x29d: {  	v49 =	vmul.f32 v49, v32;
	v59 =	vld [tilespmem:s18+$0x11150];
	v54 =	vmul.f32 v54, v32  }
0x29e: {  	v48 =	vmul.f32 v48, v33;
	v60 =	vld [tilespmem:s18+$0x11140];
	v55 =	vmul.f32 v55, v32;
	v51 =	vadd.f32 v51, v52  }
0x29f: {  	v49 =	vadd.f32 v49, v50;
	v52 =	vld [tilespmem:s18+$0x11130];
	v56 =	vmul.f32 v56, v33;
	v50 =	vadd.f32 v54, v53  }
0x2a0: {  	v47 =	vmul.f32 v47, v33;
	v53 =	vld [tilespmem:s18+$0x11120];
	v54 =	vmul.f32 v57, v32;
	v48 =	vadd.f32 v55, v48;
	[tilespmem:s18+$0x5530] =	vst v51  }
0x2a1: {  	v46 =	vmul.f32 v46, v33;
	v51 =	vld [tilespmem:s18+$0x11110];
	v55 =	vmul.f32 v58, v32;
	[tilespmem:s18+$0x5520] =	vst v50  }
0x2a2: {  	v45 =	vmul.f32 v45, v33;
	v50 =	vld [tilespmem:s18+$0x11100];
	v57 =	vmul.f32 v59, v32;
	v54 =	vadd.f32 v54, v56;
	[tilespmem:s18+$0x5510] =	vst v49  }
0x2a3: {  	v44 =	vmul.f32 v44, v33;
	v49 =	vld [tilespmem:s18+$0x10D70];
	v56 =	vmul.f32 v60, v32;
	v47 =	vadd.f32 v55, v47;
	[tilespmem:s18+$0x5500] =	vst v48  }
0x2a4: {  	v43 =	vmul.f32 v43, v33;
	v48 =	vld [tilespmem:s18+$0x10D60];
	v52 =	vmul.f32 v52, v32;
	v46 =	vadd.f32 v57, v46;
	[tilespmem:s18+$0x5170] =	vst v54  }
0x2a5: {  	v42 =	vmul.f32 v42, v33;
	v54 =	vld [tilespmem:s18+$0x10D50];
	v53 =	vmul.f32 v53, v32;
	v45 =	vadd.f32 v56, v45;
	[tilespmem:s18+$0x5160] =	vst v47  }
0x2a6: {  	v41 =	vmul.f32 v41, v33;
	v47 =	vld [tilespmem:s18+$0x10D40];
	v51 =	vmul.f32 v51, v32;
	v44 =	vadd.f32 v52, v44;
	[tilespmem:s18+$0x5150] =	vst v46  }
0x2a7: {  	v40 =	vmul.f32 v40, v33;
	v46 =	vld [tilespmem:s18+$0x10D30];
	v50 =	vmul.f32 v50, v32;
	v43 =	vadd.f32 v53, v43;
	[tilespmem:s18+$0x5140] =	vst v45  }
0x2a8: {  	v39 =	vmul.f32 v39, v33;
	v45 =	vld [tilespmem:s18+$0x10D20];
	v49 =	vmul.f32 v49, v32;
	v42 =	vadd.f32 v51, v42;
	[tilespmem:s18+$0x5130] =	vst v44  }
0x2a9: {  	v38 =	vmul.f32 v38, v33;
	v44 =	vld [tilespmem:s18+$0x10D10];
	v48 =	vmul.f32 v48, v32;
	v41 =	vadd.f32 v50, v41;
	[tilespmem:s18+$0x5120] =	vst v43  }
0x2aa: {  	v37 =	vmul.f32 v37, v33;
	v43 =	vld [tilespmem:s18+$0x10D00];
	v50 =	vmul.f32 v54, v32;
	v40 =	vadd.f32 v49, v40;
	[tilespmem:s18+$0x5110] =	vst v42  }
0x2ab: {  	v36 =	vmul.f32 v36, v33;
	v42 =	vld [tilespmem:s18+$0x10970];
	v47 =	vmul.f32 v47, v32;
	v39 =	vadd.f32 v48, v39;
	[tilespmem:s18+$0x5100] =	vst v41  }
0x2ac: {  	v35 =	vmul.f32 v35, v33;
	v41 =	vld [tilespmem:s18+$0x10960];
	v46 =	vmul.f32 v46, v32;
	v38 =	vadd.f32 v50, v38;
	[tilespmem:s18+$0x4D70] =	vst v40  }
0x2ad: {  	v34 =	vmul.f32 v34, v33;
	v40 =	vld [tilespmem:s18+$0x10950];
	v45 =	vmul.f32 v45, v32;
	v37 =	vadd.f32 v47, v37;
	[tilespmem:s18+$0x4D60] =	vst v39  }
0x2ae: {  	v31 =	vmul.f32 v31, v33;
	v39 =	vld [tilespmem:s18+$0x10940];
	v44 =	vmul.f32 v44, v32;
	v36 =	vadd.f32 v46, v36;
	[tilespmem:s18+$0x4D50] =	vst v38  }
0x2af: {  	v30 =	vmul.f32 v30, v33;
	v38 =	vld [tilespmem:s18+$0x10930];
	v43 =	vmul.f32 v43, v32;
	v35 =	vadd.f32 v45, v35;
	[tilespmem:s18+$0x4D40] =	vst v37  }
0x2b0: {  	v29 =	vmul.f32 v29, v33;
	v37 =	vld [tilespmem:s18+$0x10920];
	v42 =	vmul.f32 v42, v32;
	v34 =	vadd.f32 v44, v34;
	[tilespmem:s18+$0x4D30] =	vst v36  }
0x2b1: {  	v28 =	vmul.f32 v28, v33;
	v36 =	vld [tilespmem:s18+$0x10910];
	v41 =	vmul.f32 v41, v32;
	v31 =	vadd.f32 v43, v31;
	[tilespmem:s18+$0x4D20] =	vst v35  }
0x2b2: {  	v27 =	vmul.f32 v27, v33;
	v35 =	vld [tilespmem:s18+$0x10900];
	v40 =	vmul.f32 v40, v32;
	v30 =	vadd.f32 v42, v30;
	[tilespmem:s18+$0x4D10] =	vst v34  }
0x2b3: {  	v26 =	vmul.f32 v26, v33;
	v34 =	vld [tilespmem:s18+$0x10570];
	v39 =	vmul.f32 v39, v32;
	v29 =	vadd.f32 v41, v29;
	[tilespmem:s18+$0x4D00] =	vst v31  }
0x2b4: {  	v25 =	vmul.f32 v25, v33;
	v31 =	vld [tilespmem:s18+$0x10560];
	v38 =	vmul.f32 v38, v32;
	v28 =	vadd.f32 v40, v28;
	[tilespmem:s18+$0x4970] =	vst v30  }
0x2b5: {  	v24 =	vmul.f32 v24, v33;
	v30 =	vld [tilespmem:s18+$0x10550];
	v37 =	vmul.f32 v37, v32;
	v27 =	vadd.f32 v39, v27;
	[tilespmem:s18+$0x4960] =	vst v29  }
0x2b6: {  	v23 =	vmul.f32 v23, v33;
	v29 =	vld [tilespmem:s18+$0x10540];
	v36 =	vmul.f32 v36, v32;
	v26 =	vadd.f32 v38, v26;
	[tilespmem:s18+$0x4950] =	vst v28  }
0x2b7: {  	v22 =	vmul.f32 v22, v33;
	v28 =	vld [tilespmem:s18+$0x10530];
	v35 =	vmul.f32 v35, v32;
	v25 =	vadd.f32 v37, v25;
	[tilespmem:s18+$0x4940] =	vst v27  }
0x2b8: {  	v21 =	vmul.f32 v21, v33;
	v27 =	vld [tilespmem:s18+$0x10520];
	v34 =	vmul.f32 v34, v32;
	v24 =	vadd.f32 v36, v24;
	[tilespmem:s18+$0x4930] =	vst v26  }
0x2b9: {  	v20 =	vmul.f32 v20, v33;
	v26 =	vld [tilespmem:s18+$0x10510];
	v31 =	vmul.f32 v31, v32;
	v23 =	vadd.f32 v35, v23;
	[tilespmem:s18+$0x4920] =	vst v25  }
0x2ba: {  	v19 =	vmul.f32 v19, v33;
	v25 =	vld [tilespmem:s18+$0x10500];
	v30 =	vmul.f32 v30, v32;
	v22 =	vadd.f32 v34, v22;
	[tilespmem:s18+$0x4910] =	vst v24  }
0x2bb: {  	v18 =	vmul.f32 v18, v33;
	v24 =	vld [tilespmem:s18+$0x10170];
	v29 =	vmul.f32 v29, v32;
	v21 =	vadd.f32 v31, v21;
	[tilespmem:s18+$0x4900] =	vst v23  }
0x2bc: {  	v17 =	vmul.f32 v17, v33;
	v23 =	vld [tilespmem:s18+$0x10160];
	v28 =	vmul.f32 v28, v32;
	v20 =	vadd.f32 v30, v20;
	[tilespmem:s18+$0x4570] =	vst v22  }
0x2bd: {  	v16 =	vmul.f32 v16, v33;
	v22 =	vmul.f32 v27, v32;
	v19 =	vadd.f32 v29, v19;
	[tilespmem:s18+$0x4560] =	vst v21;
	v21 =	vld [tilespmem:s18+$0x11540]  }
0x2be: {  	v15 =	vmul.f32 v15, v33;
	v26 =	vmul.f32 v26, v32;
	v18 =	vadd.f32 v28, v18;
	[tilespmem:s18+$0x4550] =	vst v20;
	v20 =	vld [tilespmem:s18+$0x11550]  }
0x2bf: {  	v14 =	vmul.f32 v14, v33;
	v25 =	vmul.f32 v25, v32;
	v17 =	vadd.f32 v22, v17;
	[tilespmem:s18+$0x4540] =	vst v19;
	v19 =	vld [tilespmem:s18+$0x11560]  }
0x2c0: {  	v13 =	vmul.f32 v13, v33;
	v22 =	vmul.f32 v24, v32;
	v16 =	vadd.f32 v26, v16;
	[tilespmem:s18+$0x4530] =	vst v18;
	v18 =	vld [tilespmem:s18+$0x11570]  }
0x2c1: {  	v12 =	vmul.f32 v12, v33;
	v23 =	vmul.f32 v23, v32;
	v15 =	vadd.f32 v25, v15;
	[tilespmem:s18+$0x4520] =	vst v17;
	v17 =	vld [tilespmem:s18+$0x5540]  }
0x2c2: {  	v10 =	vmul.f32 v10, v33;
	v11 =	vmul.f32 v11, v32;
	v14 =	vadd.f32 v22, v14;
	[tilespmem:s18+$0x4510] =	vst v16;
	v16 =	vld [tilespmem:s18+$0x5550]  }
0x2c3: {  	v8 =	vmul.f32 v8, v33;
	v9 =	vmul.f32 v9, v32;
	v13 =	vadd.f32 v23, v13;
	[tilespmem:s18+$0x4500] =	vst v15;
	v15 =	vld [tilespmem:s18+$0x5560]  }
0x2c4: {  	v6 =	vmul.f32 v6, v33;
	v7 =	vmul.f32 v7, v32;
	v11 =	vadd.f32 v11, v12;
	[tilespmem:s18+$0x4170] =	vst v14;
	v12 =	vld [tilespmem:s18+$0x5570]  }
0x2c5: {  	v3 =	vmul.f32 v3, v33;
	v5 =	vmul.f32 v5, v32;
	v9 =	vadd.f32 v9, v10;
	v14 =	vld [tilespmem:s18+$0x4100];
	[tilespmem:s18+$0x4160] =	vst v13  }
0x2c6: {  	v4 =	vmul.f32 v4, v32;
	v7 =	vadd.f32 v7, v8;
	v10 =	vld [tilespmem:s18+$0x10100];
	[tilespmem:s18+$0x4150] =	vst v11;
	v8 =	vmul.f32 v17, v33  }
0x2c7: {  	s24 =	sshrl.u32 s22, $0x3;
	v5 =	vadd.f32 v5, v6;
	v6 =	vmul.f32 v21, v32;
	[tilespmem:s18+$0x4140] =	vst v9;
	v9 =	vmul.f32 v16, v33  }
0x2c8: {  	s21 =	sadd.s32 $0x80, s21;
	s24 =	smul.u32 $0x1800, s24;
	v3 =	vadd.f32 v4, v3;
	v4 =	vmul.f32 v20, v32;
	[tilespmem:s18+$0x4130] =	vst v7;
	v7 =	vmul.f32 v15, v33  }
0x2c9: {  	s25 =	sand.u32 $0x380, s21;
	[tilespmem:s18+$0x4120] =	vst v5;
	v5 =	vadd.f32 v6, v8;
	v6 =	vmul.f32 v19, v32;
	v8 =	vmul.f32 v12, v33  }
0x2ca: {  	s24 =	sor.u32 s25, s24;
	v9 =	vadd.f32 v4, v9;
	v12 =	vmul.f32 v18, v32;
	v11 =	vmul.f32 v14, v33;
	[tilespmem:s18+$0x4110] =	vst v3  }
0x2cb: {  	v3 =	vld [tilespmem:s24+$0x4110];
	v10 =	vmul.f32 v10, v32;
	[tilespmem:s18+$0x5540] =	vst v5;
	v5 =	vadd.f32 v6, v7  }
0x2cc: {  	v7 =	vadd.f32 v12, v8;
	v4 =	vld [tilespmem:s24+$0x10110];
	[tilespmem:s18+$0x5550] =	vst v9  }
0x2cd: {  	v6 =	vld [tilespmem:s24+$0x4120];
	v9 =	vadd.f32 v10, v11;
	[tilespmem:s18+$0x5560] =	vst v5  }
0x2ce: {  	v5 =	vld [tilespmem:s24+$0x10120];
	[tilespmem:s18+$0x5570] =	vst v7  }
0x2cf: {  	v8 =	vld [tilespmem:s24+$0x4130];
	[tilespmem:s18+$0x4100] =	vst v9;
	s18 =	smov.u32 s24  }
0x2d0: {  	v7 =	vld [tilespmem:s18+$0x10130]  }
0x2d1: {  	v10 =	vld [tilespmem:s18+$0x4140]  }
0x2d2: {  	v9 =	vld [tilespmem:s18+$0x10140]  }
0x2d3: {  	v12 =	vld [tilespmem:s18+$0x4150]  }
0x2d4: {  	v11 =	vld [tilespmem:s18+$0x10150]  }
0x2d5: {  	v13 =	vld [tilespmem:s18+$0x4160]  }
0x2d6: {  	v14 =	vld [tilespmem:s18+$0x4170]  }
0x2d7: {  	v15 =	vld [tilespmem:s18+$0x4500]  }
0x2d8: {  	v16 =	vld [tilespmem:s18+$0x4510]  }
0x2d9: {  	v17 =	vld [tilespmem:s18+$0x4520]  }
0x2da: {  	v18 =	vld [tilespmem:s18+$0x4530]  }
0x2db: {  	v19 =	vld [tilespmem:s18+$0x4540]  }
0x2dc: {  	v20 =	vld [tilespmem:s18+$0x4550]  }
0x2dd: {  	v21 =	vld [tilespmem:s18+$0x4560]  }
0x2de: {  	v22 =	vld [tilespmem:s18+$0x4570]  }
0x2df: {  	v23 =	vld [tilespmem:s18+$0x4900]  }
0x2e0: {  	v24 =	vld [tilespmem:s18+$0x4910]  }
0x2e1: {  	v25 =	vld [tilespmem:s18+$0x4920]  }
0x2e2: {  	v26 =	vld [tilespmem:s18+$0x4930]  }
0x2e3: {  	v27 =	vld [tilespmem:s18+$0x4940]  }
0x2e4: {  	v28 =	vld [tilespmem:s18+$0x4950]  }
0x2e5: {  	v29 =	vld [tilespmem:s18+$0x4960]  }
0x2e6: {  	v30 =	vld [tilespmem:s18+$0x4970]  }
0x2e7: {  	v31 =	vld [tilespmem:s18+$0x4D00]  }
0x2e8: {  	v34 =	vld [tilespmem:s18+$0x4D10]  }
0x2e9: {  	v35 =	vld [tilespmem:s18+$0x4D20]  }
0x2ea: {  	v36 =	vld [tilespmem:s18+$0x4D30]  }
0x2eb: {  	v37 =	vld [tilespmem:s18+$0x4D40]  }
0x2ec: {  	v38 =	vld [tilespmem:s18+$0x4D50]  }
0x2ed: {  	v39 =	vld [tilespmem:s18+$0x4D60]  }
0x2ee: {  	v40 =	vld [tilespmem:s18+$0x4D70]  }
0x2ef: {  	v41 =	vld [tilespmem:s18+$0x5100]  }
0x2f0: {  	v42 =	vld [tilespmem:s18+$0x5110]  }
0x2f1: {  	v43 =	vld [tilespmem:s18+$0x5120]  }
0x2f2: {  	v44 =	vld [tilespmem:s18+$0x5130]  }
0x2f3: {  	v45 =	vld [tilespmem:s18+$0x5140]  }
0x2f4: {  	v46 =	vld [tilespmem:s18+$0x5150]  }
.Ltmp1:
0x2f5: {  	v47 =	vld [tilespmem:s18+$0x5160];
	(pc) =	sbr.rel @p0 .LBB2_4-.Ltmp1, $4  }
0x2f6: {  	v48 =	vld [tilespmem:s18+$0x5500]  }
0x2f7: {  	v50 =	vld [tilespmem:s18+$0x5510]  }
0x2f8: {  	v49 =	vld [tilespmem:s18+$0x11510]  }
0x2f9: {  	s22 =	sadd.s32 $0x1, s22;
	v51 =	vld [tilespmem:s18+$0x11530]  }
0x2fa: {  	v52 =	vld [tilespmem:s18+$0x5530]  }
0x2fb: {  	v53 =	vld [tilespmem:s18+$0x5520];
	s19 =	sadd.s32 $0x80, s19  }
0x2fc: {  	s25 =	sadd.s32 $0x80, s20;
	v32 =	vld [tilespmem:s19+$0x0]  }
0x2fd: {  	v33 =	vld [tilespmem:s25+$0x0]  }
0x2fe: {  	v54 =	vld [tilespmem:s18+$0x11520];
	_ =	sdelay $0x1  }
0x2ff: {  	v55 =	vld [tilespmem:s18+$0x11500]  }
0x300: {  	v56 =	vld [tilespmem:s18+$0x5170]  }
0x301: {  	v58 =	vld [tilespmem:s18+$0x11160];
	v52 =	vmul.f32 v52, v32;
	v51 =	vmul.f32 v51, v33  }
0x302: {  	v57 =	vld [tilespmem:s18+$0x11170];
	v53 =	vmul.f32 v53, v32;
	v54 =	vmul.f32 v54, v33  }
0x303: {  	v59 =	vld [tilespmem:s18+$0x11150];
	v50 =	vmul.f32 v50, v32;
	v49 =	vmul.f32 v49, v33  }
0x304: {  	v60 =	vld [tilespmem:s18+$0x11140];
	v48 =	vmul.f32 v48, v32;
	v62 =	vmul.f32 v55, v33;
	v51 =	vadd.f32 v51, v52  }
0x305: {  	v61 =	vld [tilespmem:s18+$0x11120];
	v63 =	vmul.f32 v56, v32;
	v47 =	vmul.f32 v47, v32;
	v53 =	vadd.f32 v54, v53  }
0x306: {  	v58 =	vmul.f32 v58, v33;
	v55 =	vld [tilespmem:s18+$0x10560];
	v12 =	vmul.f32 v12, v32;
	v49 =	vadd.f32 v49, v50;
	[tilespmem:s18+$0x5530] =	vst v51  }
0x307: {  	v56 =	vld [tilespmem:s18+$0x10550];
	v11 =	vmul.f32 v11, v33;
	v10 =	vmul.f32 v10, v32;
	v48 =	vadd.f32 v62, v48;
	[tilespmem:s18+$0x5520] =	vst v53  }
0x308: {  	v9 =	vmul.f32 v9, v33;
	v8 =	vmul.f32 v8, v32;
	v52 =	vld [tilespmem:s18+$0x11130];
	v47 =	vadd.f32 v58, v47;
	[tilespmem:s18+$0x5510] =	vst v49  }
0x309: {  	v7 =	vmul.f32 v7, v33;
	v6 =	vmul.f32 v6, v32;
	v50 =	vld [tilespmem:s18+$0x11100];
	v11 =	vadd.f32 v11, v12;
	[tilespmem:s18+$0x5500] =	vst v48  }
0x30a: {  	v5 =	vmul.f32 v5, v33;
	v3 =	vmul.f32 v3, v32;
	v58 =	vld [tilespmem:s18+$0x10D20];
	v9 =	vadd.f32 v9, v10;
	[tilespmem:s18+$0x5160] =	vst v47  }
0x30b: {  	v4 =	vmul.f32 v4, v33;
	v62 =	vmul.f32 v59, v33;
	v59 =	vld [tilespmem:s18+$0x10D10];
	v7 =	vadd.f32 v7, v8;
	[tilespmem:s18+$0x4150] =	vst v11  }
0x30c: {  	v57 =	vmul.f32 v57, v33;
	v54 =	vld [tilespmem:s18+$0x10570];
	v5 =	vadd.f32 v5, v6;
	[tilespmem:s18+$0x4140] =	vst v9  }
0x30d: {  	v46 =	vmul.f32 v46, v32;
	v3 =	vadd.f32 v4, v3;
	v51 =	vld [tilespmem:s18+$0x11110];
	[tilespmem:s18+$0x4130] =	vst v7  }
0x30e: {  	v45 =	vmul.f32 v45, v32;
	v49 =	vld [tilespmem:s18+$0x10D70];
	v53 =	vadd.f32 v57, v63;
	v63 =	vmul.f32 v60, v33;
	[tilespmem:s18+$0x4120] =	vst v5  }
0x30f: {  	v43 =	vmul.f32 v43, v32;
	v48 =	vld [tilespmem:s18+$0x10D60];
	v46 =	vadd.f32 v62, v46;
	v57 =	vmul.f32 v61, v33;
	[tilespmem:s18+$0x4110] =	vst v3  }
0x310: {  	v44 =	vmul.f32 v44, v32;
	v47 =	vld [tilespmem:s18+$0x10D40];
	[tilespmem:s18+$0x5170] =	vst v53;
	v45 =	vadd.f32 v63, v45;
	v52 =	vmul.f32 v52, v33  }
0x311: {  	v41 =	vmul.f32 v41, v32;
	v60 =	vld [tilespmem:s18+$0x10D00];
	[tilespmem:s18+$0x5150] =	vst v46;
	v43 =	vadd.f32 v57, v43;
	v50 =	vmul.f32 v50, v33  }
0x312: {  	v35 =	vmul.f32 v35, v32;
	v61 =	vld [tilespmem:s18+$0x10970];
	[tilespmem:s18+$0x5140] =	vst v45;
	v45 =	vmul.f32 v58, v33;
	v44 =	vadd.f32 v52, v44  }
0x313: {  	v42 =	vmul.f32 v42, v32;
	v53 =	vld [tilespmem:s18+$0x10D50];
	[tilespmem:s18+$0x5120] =	vst v43;
	v51 =	vmul.f32 v51, v33;
	v41 =	vadd.f32 v50, v41  }
0x314: {  	v40 =	vmul.f32 v40, v32;
	v46 =	vld [tilespmem:s18+$0x10D30];
	v49 =	vmul.f32 v49, v33;
	v35 =	vadd.f32 v45, v35;
	[tilespmem:s18+$0x5130] =	vst v44  }
0x315: {  	v39 =	vmul.f32 v39, v32;
	v62 =	vld [tilespmem:s18+$0x10960];
	v48 =	vmul.f32 v48, v33;
	v42 =	vadd.f32 v51, v42;
	[tilespmem:s18+$0x5100] =	vst v41  }
0x316: {  	v37 =	vmul.f32 v37, v32;
	v57 =	vld [tilespmem:s18+$0x10540];
	v47 =	vmul.f32 v47, v33;
	v40 =	vadd.f32 v49, v40;
	[tilespmem:s18+$0x4D20] =	vst v35  }
0x317: {  	v31 =	vmul.f32 v31, v32;
	v58 =	vld [tilespmem:s18+$0x10530];
	v43 =	vmul.f32 v60, v33;
	v39 =	vadd.f32 v48, v39;
	[tilespmem:s18+$0x5110] =	vst v42  }
0x318: {  	v38 =	vmul.f32 v38, v32;
	v50 =	vld [tilespmem:s18+$0x10930];
	v63 =	vmul.f32 v53, v33;
	v37 =	vadd.f32 v47, v37;
	[tilespmem:s18+$0x4D70] =	vst v40  }
0x319: {  	v36 =	vmul.f32 v36, v32;
	v60 =	vld [tilespmem:s18+$0x10510];
	v46 =	vmul.f32 v46, v33;
	v31 =	vadd.f32 v43, v31;
	[tilespmem:s18+$0x4D60] =	vst v39  }
0x31a: {  	v34 =	vmul.f32 v34, v32;
	v52 =	vld [tilespmem:s18+$0x10910];
	v44 =	vmul.f32 v59, v33;
	v38 =	vadd.f32 v63, v38;
	[tilespmem:s18+$0x4D40] =	vst v37  }
0x31b: {  	v29 =	vmul.f32 v29, v32;
	v45 =	vld [tilespmem:s18+$0x5540];
	v41 =	vmul.f32 v62, v33;
	v36 =	vadd.f32 v46, v36;
	[tilespmem:s18+$0x4D00] =	vst v31  }
0x31c: {  	v21 =	vmul.f32 v21, v32;
	v48 =	vld [tilespmem:s18+$0x10950];
	v62 =	vmul.f32 v55, v33;
	v34 =	vadd.f32 v44, v34;
	[tilespmem:s18+$0x4D50] =	vst v38  }
0x31d: {  	v30 =	vmul.f32 v30, v32;
	v49 =	vld [tilespmem:s18+$0x10940];
	v42 =	vmul.f32 v61, v33;
	v29 =	vadd.f32 v41, v29;
	[tilespmem:s18+$0x4D30] =	vst v36  }
0x31e: {  	v16 =	vmul.f32 v16, v32;
	v51 =	vld [tilespmem:s18+$0x10920];
	v21 =	vadd.f32 v62, v21;
	v41 =	vmul.f32 v60, v33;
	[tilespmem:s18+$0x4D10] =	vst v34  }
0x31f: {  	v26 =	vmul.f32 v26, v32;
	v53 =	vld [tilespmem:s18+$0x10900];
	v30 =	vadd.f32 v42, v30;
	[tilespmem:s18+$0x4960] =	vst v29;
	v38 =	vmul.f32 v50, v33  }
0x320: {  	v24 =	vmul.f32 v24, v32;
	v59 =	vld [tilespmem:s18+$0x10520];
	v36 =	vmul.f32 v52, v33;
	[tilespmem:s18+$0x4560] =	vst v21;
	v16 =	vadd.f32 v41, v16  }
0x321: {  	v22 =	vmul.f32 v22, v32;
	v43 =	vld [tilespmem:s18+$0x11570];
	v34 =	vmul.f32 v54, v33;
	[tilespmem:s18+$0x4970] =	vst v30;
	v26 =	vadd.f32 v38, v26  }
0x322: {  	v28 =	vmul.f32 v28, v32;
	v61 =	vld [tilespmem:s18+$0x10500];
	v40 =	vmul.f32 v48, v33;
	v24 =	vadd.f32 v36, v24;
	[tilespmem:s18+$0x4510] =	vst v16  }
0x323: {  	v27 =	vmul.f32 v27, v32;
	v63 =	vld [tilespmem:s18+$0x10170];
	v39 =	vmul.f32 v49, v33;
	v22 =	vadd.f32 v34, v22;
	[tilespmem:s18+$0x4930] =	vst v26  }
0x324: {  	v25 =	vmul.f32 v25, v32;
	v46 =	vld [tilespmem:s18+$0x5550];
	v37 =	vmul.f32 v51, v33;
	v28 =	vadd.f32 v40, v28;
	[tilespmem:s18+$0x4910] =	vst v24  }
0x325: {  	v23 =	vmul.f32 v23, v32;
	v50 =	vld [tilespmem:s18+$0x10100];
	v35 =	vmul.f32 v53, v33;
	v27 =	vadd.f32 v39, v27;
	[tilespmem:s18+$0x4570] =	vst v22  }
0x326: {  	v20 =	vmul.f32 v20, v32;
	v48 =	vld [tilespmem:s18+$0x5560];
	v30 =	vmul.f32 v56, v33;
	v25 =	vadd.f32 v37, v25;
	[tilespmem:s18+$0x4950] =	vst v28  }
0x327: {  	v19 =	vmul.f32 v19, v32;
	v51 =	vld [tilespmem:s18+$0x4100];
	v23 =	vadd.f32 v35, v23;
	v35 =	vmul.f32 v57, v33;
	[tilespmem:s18+$0x4940] =	vst v27  }
0x328: {  	v18 =	vmul.f32 v18, v32;
	v34 =	vld [tilespmem:s18+$0x10160];
	v37 =	vmul.f32 v58, v33;
	v20 =	vadd.f32 v30, v20;
	[tilespmem:s18+$0x4920] =	vst v25  }
0x329: {  	v17 =	vmul.f32 v17, v32;
	v36 =	vld [tilespmem:s18+$0x11540];
	v39 =	vmul.f32 v59, v33;
	[tilespmem:s18+$0x4900] =	vst v23;
	v19 =	vadd.f32 v35, v19  }
0x32a: {  	v15 =	vmul.f32 v15, v32;
	v38 =	vld [tilespmem:s18+$0x11550];
	v42 =	vmul.f32 v61, v33;
	v18 =	vadd.f32 v37, v18;
	[tilespmem:s18+$0x4550] =	vst v20  }
0x32b: {  	v14 =	vmul.f32 v14, v32;
	v40 =	vld [tilespmem:s18+$0x11560];
	v44 =	vmul.f32 v63, v33;
	v17 =	vadd.f32 v39, v17;
	[tilespmem:s18+$0x4540] =	vst v19  }
0x32c: {  	v49 =	vld [tilespmem:s18+$0x5570];
	v15 =	vadd.f32 v42, v15;
	v10 =	vmul.f32 v50, v33;
	v61 =	vmul.f32 v51, v32;
	[tilespmem:s18+$0x4530] =	vst v18  }
0x32d: {  	v13 =	vmul.f32 v13, v32;
	v14 =	vadd.f32 v44, v14;
	[tilespmem:s18+$0x4520] =	vst v17;
	v47 =	vmul.f32 v34, v33  }
0x32e: {  	v52 =	vmul.f32 v45, v32;
	[tilespmem:s18+$0x4500] =	vst v15;
	v53 =	vmul.f32 v36, v33;
	v63 =	vadd.f32 v10, v61  }
0x32f: {  	v54 =	vmul.f32 v46, v32;
	[tilespmem:s18+$0x4170] =	vst v14;
	v55 =	vmul.f32 v38, v33;
	v13 =	vadd.f32 v47, v13  }
0x330: {  	v56 =	vmul.f32 v48, v32;
	v58 =	vmul.f32 v40, v33;
	v57 =	vadd.f32 v53, v52;
	[tilespmem:s18+$0x4100] =	vst v63  }
0x331: {  	v60 =	vmul.f32 v43, v33;
	v59 =	vmul.f32 v49, v32;
	v3 =	vadd.f32 v55, v54;
	[tilespmem:s18+$0x4160] =	vst v13  }
0x332: {  	v62 =	vadd.f32 v58, v56;
	[tilespmem:s18+$0x5540] =	vst v57  }
0x333: {  	[tilespmem:s18+$0x5550] =	vst v3;
	v3 =	vadd.f32 v60, v59  }
0x334: {  	[tilespmem:s18+$0x5560] =	vst v62  }
0x335: {  	[tilespmem:s18+$0x5570] =	vst v3  }
0x336: {  	s17 =	sadd.s32 $0x1, s17;
	_ =	swait.ge [sflag:s14], $0x6000  }
0x337: {  	p0 =	sne.s32 s17, s12;
	[sflag:s14] =	ssyncset.done $0x0  }
.Ltmp2:
0x338: {  	[sflag:s14] =	ssyncadd.s32 $0xFFFFA000;
	(pc) =	sbr.rel @p0 .LBB2_1-.Ltmp2, $4  }
0x339: {  	[hbm4b:s11+s2] =	stream.linear.scatter [tilespmem:s23], [sflag:$0x5], $0x6000, $0x38;
	[tilespmem:$0x1C100] =	vst v63  }
0x33a: {  	_ =	swait.ge [sflag:s13], $0x6000  }
0x33b: {  	[sflag:s13] =	ssyncset.done $0x0  }
0x33c: {  	[sflag:s13] =	ssyncadd.s32 $0xFFFFA000  }
0x33d: {  	_ =	sfence.sel $0x180000  }
0x33e: {  	[bflag:$0x0] =	sbarrier.arrive $0xFFFF  }
0x33f: {  	_ =	strace $0x9000004A  }
0x340: {  	s0 =	stileid.u32;
	[bflag:$0x2] =	sbarrier.arrive $0xFFFF  }
0x341: {  	p0 =	sne.s32 s0, $0x0;
	s0 =	rddreg [dreg:$0x2]  }
0x342: {  	s0 =	sadd.s32 @!p0 $0x100000, s0  }
0x343: {  	[sflag:s0] =	ssyncadd.tile.s32 @!p0 $0x1;
	_ =	shalt  }
.Lfunc_end2:
_tile_overlayer_lowered:
.L_overlay_start_2:
0x344: {  	(tag) =	ssettag $0x2  }
0x345: {  	s0 =	rddreg [dreg:$0x0];
	s2 =	stileid.u32  }
0x346: {  	s1 =	rddreg [dreg:$0x1];
	p0 =	sne.s32 s2, $0x0  }
0x347: {  	s3 =	rddreg [dreg:$0x2];
	[bflag:$0x3] =	sbarrier.arrive $0xFFFF;
	s2 =	simm.s32 @!p0 $0x1C05  }
0x348: {  	[timem:s3], [sflag:s2] =	dma.local @!p0 [hbm:s0], s1  }
0x349: {  	s0 =	simm.s32 @!p0 $0x5  }
0x34a: {  	_ =	swait.ge @!p0 [sflag:s0], s1  }
0x34b: {  	s1 =	ssub.s32 @!p0 $0x0, s1;
	[sflag:s0] =	ssyncset.done @!p0 $0x0  }
0x34c: {  	[sflag:s0] =	ssyncadd.s32 @!p0 s1  }
0x34d: {  	[bflag:$0x3] =	sbarrier.arrive $0xFFFF  }
0x34e: {  	_ =	shalt  }

</sc_bundles>
